<compile_context>
chip_gen: v7x
topology: tpu7x:2x2x1
jax: 0.10.2.dev20260603
libtpu: 0.0.44.dev20260713+nightly
codegen_flags: <defaults>
</compile_context>

<pallas_src>
import functools

import jax
import jax.numpy as jnp
from jax import lax
from jax.experimental import pallas as pl
from jax.experimental.pallas import tpu as pltpu
from jax.experimental.pallas import tpu_sc as plsc

N = 50000
H = 512
FD = 16
B = 512

NC = 2
NS = 16
NW = NC * NS

R = 80
NBLK = N // R
NG = 8
NCG = NW // NG
CW = H // NCG
MAX_I = -(-NBLK // NG)
PAD_I = 80
NSLOT = 4


def _sc_segment_sum(x, ids_pad):
    mesh = plsc.VectorSubcoreMesh(core_axis_name="c", subcore_axis_name="s")

    @functools.partial(
        pl.kernel,
        out_type=jax.ShapeDtypeStruct((NG, B, H), jnp.float32),
        mesh=mesh,
        scratch_types=[
            pltpu.VMEM((NSLOT, R, CW), jnp.float32),
            pltpu.VMEM((PAD_I, R), jnp.int32),
            pltpu.VMEM((B, CW), jnp.float32),
            pltpu.SemaphoreType.DMA((NSLOT,)),
        ],
    )
    def k(x_hbm, ids_hbm, out_hbm, buf, idx, acc, sems):
        c = lax.axis_index("c")
        s = lax.axis_index("s")
        wid = s * NC + c
        g = wid % NG
        cg = wid // NG
        col = cg * CW

        def start(i):
            sl = lax.rem(i, NSLOT)
            blk = g + NG * i

            @pl.when(blk < NBLK)
            def _():
                base = blk * R
                pltpu.async_copy(
                    x_hbm.at[pl.ds(base, R), pl.ds(col, CW)],
                    buf.at[sl], sems.at[sl])

        for i in range(NSLOT):
            start(i)

        pltpu.sync_copy(ids_hbm.at[g], idx)

        zv = jnp.zeros((16,), jnp.float32)

        def zbody(r, _):
            for q in range(CW // 16):
                acc[r, pl.ds(q * 16, 16)] = zv
            return 0

        lax.fori_loop(0, B, zbody, 0)

        def body(i, _):
            sl = lax.rem(i, NSLOT)

            @pl.when(g + NG * i < NBLK)
            def _():
                pltpu.make_async_copy(
                    x_hbm.at[pl.ds(0, R), pl.ds(col, CW)],
                    buf.at[sl], sems.at[sl]).wait()

                def rbody(gg, _):
                    r0 = gg * 16
                    ids_v = idx[i, pl.ds(r0, 16)]
                    i0 = ids_v[0]
                    i15 = ids_v[15]

                    @pl.when(i0 == i15)
                    def _():
                        for q in range(CW // 16):
                            t = buf[sl, r0, pl.ds(q * 16, 16)]
                            for j in range(1, 16):
                                t = t + buf[sl, r0 + j, pl.ds(q * 16, 16)]
                            plsc.addupdate(acc.at[i0, pl.ds(q * 16, 16)], t)

                    @pl.when(i0 != i15)
                    def _():
                        for j in range(16):
                            seg = ids_v[j]
                            for q in range(CW // 16):
                                v = buf[sl, r0 + j, pl.ds(q * 16, 16)]
                                plsc.addupdate(
                                    acc.at[seg, pl.ds(q * 16, 16)], v)

                    return 0

                lax.fori_loop(0, R // 16, rbody, 0)

            start(i + NSLOT)
            return 0

        lax.fori_loop(0, PAD_I, body, 0)

        pltpu.sync_copy(acc, out_hbm.at[g, :, pl.ds(col, CW)])

    return k(x, ids_pad)


def _tc_film_heads(partials, domain_emb, gamma_W, gamma_b, beta_W, beta_b,
                   h0_W1, h0_b1, h0_W2, h0_b2, h0_W3, h0_b3,
                   h1_W1, h1_b1, h1_W2, h1_b2, h1_W3, h1_b3):
    def body(p_ref, de_ref, gw_ref, gb_ref, bw_ref, bb_ref,
             w1a_ref, b1a_ref, w2a_ref, b2a_ref, w3a_ref, b3a_ref,
             w1b_ref, b1b_ref, w2b_ref, b2b_ref, w3b_ref, b3b_ref,
             out_ref):
        f32 = jnp.float32
        dn = (((1,), (1,)), ((), ()))
        hi = lax.Precision.HIGHEST

        gf = p_ref[0]
        for gi in range(1, NG):
            gf = gf + p_ref[gi]
        de = de_ref[...]
        gamma = lax.dot_general(de, gw_ref[...], dn, precision=hi,
                                preferred_element_type=f32) + gb_ref[...]
        beta = lax.dot_general(de, bw_ref[...], dn, precision=hi,
                               preferred_element_type=f32) + bb_ref[...]
        gf = gamma * gf + beta

        def head(w1, b1, w2, b2, w3, b3):
            h1 = lax.dot_general(gf, w1[...], dn, precision=hi,
                                 preferred_element_type=f32) + b1[...]
            h1 = h1 * jax.nn.sigmoid(h1)
            h2 = lax.dot_general(h1, w2[...], dn, precision=hi,
                                 preferred_element_type=f32) + b2[...]
            h2 = h2 * jax.nn.sigmoid(h2)
            return jnp.sum(h2 * w3[...], axis=1) + b3[0, 0]

        out_ref[0, :] = head(w1a_ref, b1a_ref, w2a_ref, b2a_ref,
                             w3a_ref, b3a_ref)
        out_ref[1, :] = head(w1b_ref, b1b_ref, w2b_ref, b2b_ref,
                             w3b_ref, b3b_ref)

    args = (partials, domain_emb,
            gamma_W, gamma_b.reshape(1, H), beta_W, beta_b.reshape(1, H),
            h0_W1, h0_b1.reshape(1, H), h0_W2, h0_b2.reshape(1, H // 2),
            h0_W3, h0_b3.reshape(1, 1),
            h1_W1, h1_b1.reshape(1, H), h1_W2, h1_b2.reshape(1, H // 2),
            h1_W3, h1_b3.reshape(1, 1))

    return pl.pallas_call(
        body,
        out_shape=jax.ShapeDtypeStruct((2, B), jnp.float32),
    )(*args)


def kernel(x, batch, domain_emb, gamma_W, gamma_b, beta_W, beta_b,
           h0_W1, h0_b1, h0_W2, h0_b2, h0_W3, h0_b3,
           h1_W1, h1_b1, h1_W2, h1_b2, h1_W3, h1_b3):
    ids = batch.astype(jnp.int32)
    blocks = ids.reshape(NBLK, R)
    order = jnp.arange(NG)[:, None] + NG * jnp.arange(PAD_I)[None, :]
    ids_pad = blocks[jnp.minimum(order, NBLK - 1)]
    partials = _sc_segment_sum(x, ids_pad)
    out = _tc_film_heads(partials, domain_emb, gamma_W, gamma_b, beta_W,
                         beta_b, h0_W1, h0_b1, h0_W2, h0_b2, h0_W3, h0_b3,
                         h1_W1, h1_b1, h1_W2, h1_b2, h1_W3, h1_b3)
    return out[0], out[1]

# --- scband reference (transcript-rebuilt; emitter-appended) ---
"""Pipeline reference for scband-gem-net-output-27041114095750 (READ-ONLY COPY).

The authoritative reference and input builder live on the scoring server;
editing this copy changes nothing except your own understanding.
"""

import jax, jax.numpy as jnp
import numpy as np

N = 50000
H = 512
FD = 16
B = 512
NPROPS = 2

def _linear_params(key, out_f, in_f):
    k1, k2 = jax.random.split(key)
    s = 1.0 / np.sqrt(in_f)
    W = jax.random.uniform(k1, (out_f, in_f), minval=-s, maxval=s, dtype=jnp.float32)
    b = jax.random.uniform(k2, (out_f,), minval=-s, maxval=s, dtype=jnp.float32)
    return W, b

def setup_inputs(seed: int = 0) -> dict:
    key = jax.random.key(seed)
    ks = jax.random.split(key, 16)
    inp = {}
    inp['x'] = jax.random.normal(ks[0], (N, H), dtype=jnp.float32)
    inp['batch'] = jnp.sort(jax.random.randint(ks[1], (N,), 0, B, dtype=jnp.int64))
    inp['domain_emb'] = jax.random.normal(ks[2], (B, FD), dtype=jnp.float32)
    inp['gamma_W'], inp['gamma_b'] = _linear_params(ks[3], H, FD)
    inp['beta_W'], inp['beta_b'] = _linear_params(ks[4], H, FD)
    for i in range(NPROPS):
        inp[f'h{i}_W1'], inp[f'h{i}_b1'] = _linear_params(ks[5 + 3 * i], H, H)
        inp[f'h{i}_W2'], inp[f'h{i}_b2'] = _linear_params(ks[6 + 3 * i], H // 2, H)
        inp[f'h{i}_W3'], inp[f'h{i}_b3'] = _linear_params(ks[7 + 3 * i], 1, H // 2)
    return inp

def _head(gf, W1, b1, W2, b2, W3, b3):
    h = jax.nn.silu(gf @ W1.T + b1)
    h = jax.nn.silu(h @ W2.T + b2)
    out = h @ W3.T + b3
    return out[:, 0]

def reference(x, batch, domain_emb, gamma_W, gamma_b, beta_W, beta_b,
              h0_W1, h0_b1, h0_W2, h0_b2, h0_W3, h0_b3,
              h1_W1, h1_b1, h1_W2, h1_b2, h1_W3, h1_b3):
    # readout == 'sum': segment sum of node features into graph features
    graph_features = jax.ops.segment_sum(x, batch, num_segments=B)
    # FiLM modulation
    gamma = domain_emb @ gamma_W.T + gamma_b
    beta = domain_emb @ beta_W.T + beta_b
    graph_features = gamma * graph_features + beta
    # Per-property output heads
    p0 = _head(graph_features, h0_W1, h0_b1, h0_W2, h0_b2, h0_W3, h0_b3)
    p1 = _head(graph_features, h1_W1, h1_b1, h1_W2, h1_b2, h1_W3, h1_b3)
    return (p0, p1)

if __name__ == "__main__":
    import jax
    _d = setup_inputs()
    print(jax.jit(kernel)(*tuple(_d.values())))

</pallas_src>

<mosaic_0001>
#map = affine_map<(d0, d1) -> (0, 0)>
#map1 = affine_map<(d0, d1) -> (0, 0, 0)>
module attributes {stable_mosaic.version = 14 : i64} {
  func.func @k(%arg0: i32, %arg1: i32, %arg2: memref<50000x512xf32, #tpu.memory_space<hbm>>, %arg3: memref<8x80x80xi32, #tpu.memory_space<hbm>>, %arg4: memref<8x512x512xf32, #tpu.memory_space<hbm>>, %arg5: memref<4x80x128xf32, #tpu.memory_space<vmem>>, %arg6: memref<80x80xi32, #tpu.memory_space<vmem>>, %arg7: memref<512x128xf32, #tpu.memory_space<vmem>>, %arg8: memref<4x!tpu.dma_semaphore, #tpu.memory_space<semaphore_mem>>) attributes {dimension_semantics = [#tpu.dimension_semantics<core_parallel>, #tpu.dimension_semantics<subcore_parallel>], iteration_bounds = array<i64: 2, 16>, scalar_prefetch = 0 : i64, scratch_operands = 4 : i64, tpu.core_type = #tpu.core_type<sc_vector_subcore>, window_params = [{transform_indices = #map}, {transform_indices = #map1}, {transform_indices = #map1}]} {
    %mul3A = arith.constant 2 : i32
    %mul3A_0 = arith.muli %arg1, %mul3A : i32
    %add3A = arith.addi %mul3A_0, %arg0 : i32
    %jit3A = arith.constant 8 : i32
    %eq3A = arith.constant 0 : i32
    %eq3A_1 = arith.cmpi eq, %jit3A, %eq3A : i32
    %jit3A_2 = arith.constant 1 : i32
    %select_n3A = arith.select %eq3A_1, %jit3A_2, %jit3A : i32
    %rem3A = arith.remsi %add3A, %select_n3A : i32
    %ne3A = arith.constant 0 : i32
    %ne3A_3 = arith.cmpi ne, %rem3A, %ne3A : i32
    %lt3A = arith.constant 0 : i32
    %lt3A_4 = arith.cmpi slt, %rem3A, %lt3A : i32
    %lt3A_5 = arith.constant 0 : i32
    %lt3A_6 = arith.cmpi slt, %select_n3A, %lt3A_5 : i32
    %ne3A_7 = arith.xori %lt3A_4, %lt3A_6 : i1
    %and3A = arith.andi %ne3A_7, %ne3A_3 : i1
    %add3A_8 = arith.addi %rem3A, %select_n3A : i32
    %select_n3A_9 = arith.select %and3A, %add3A_8, %rem3A : i32
    %jit3A_10 = arith.constant 8 : i32
    %div3A = arith.divsi %add3A, %jit3A_10 : i32
    %sign3A = arith.constant 0 : i32
    %sign3A_11 = arith.cmpi sgt, %add3A, %sign3A : i32
    %sign3A_12 = arith.extui %sign3A_11 : i1 to i32
    %sign3A_13 = arith.constant 0 : i32
    %sign3A_14 = arith.cmpi slt, %add3A, %sign3A_13 : i32
    %sign3A_15 = arith.extui %sign3A_14 : i1 to i32
    %sign3A_16 = arith.subi %sign3A_12, %sign3A_15 : i32
    %sign3A_17 = arith.constant 0 : i32
    %sign3A_18 = arith.cmpi sgt, %jit3A_10, %sign3A_17 : i32
    %sign3A_19 = arith.extui %sign3A_18 : i1 to i32
    %sign3A_20 = arith.constant 0 : i32
    %sign3A_21 = arith.cmpi slt, %jit3A_10, %sign3A_20 : i32
    %sign3A_22 = arith.extui %sign3A_21 : i1 to i32
    %sign3A_23 = arith.subi %sign3A_19, %sign3A_22 : i32
    %ne3A_24 = arith.cmpi ne, %sign3A_16, %sign3A_23 : i32
    %rem3A_25 = arith.remsi %add3A, %jit3A_10 : i32
    %ne3A_26 = arith.constant 0 : i32
    %ne3A_27 = arith.cmpi ne, %rem3A_25, %ne3A_26 : i32
    %and3A_28 = arith.andi %ne3A_24, %ne3A_27 : i1
    %sub3A = arith.constant 1 : i32
    %sub3A_29 = arith.subi %div3A, %sub3A : i32
    %select_n3A_30 = arith.select %and3A_28, %sub3A_29, %div3A : i32
    %mul3A_31 = arith.constant 128 : i32
    %mul3A_32 = arith.muli %select_n3A_30, %mul3A_31 : i32
    %rem3A_33 = arith.constant 0 : i32
    %rem3A_34 = arith.constant 4 : i32
    %rem3A_35 = arith.remsi %rem3A_33, %rem3A_34 : i32
    %add3A_36 = arith.constant 0 : i32
    %add3A_37 = arith.addi %select_n3A_9, %add3A_36 : i32
    %lt3A_38 = arith.constant 625 : i32
    %lt3A_39 = arith.cmpi slt, %add3A_37, %lt3A_38 : i32
    %convert_element_type3A = arith.extui %lt3A_39 : i1 to i32
    %cond3A = arith.constant 0 : i32
    %cond3A_40 = arith.cmpi ne, %convert_element_type3A, %cond3A : i32
    scf.if %cond3A_40 {
      %mul3A_85 = arith.constant 80 : i32
      %mul3A_86 = arith.muli %add3A_37, %mul3A_85 : i32
      %dma_start3A = arith.constant 0 : i32
      %dma_start3A_87 = arith.constant 0 : i32
      %dma_start3A_88 = tpu.memref_slice %arg5[%rem3A_35, %dma_start3A, %dma_start3A_87] : memref<4x80x128xf32, #tpu.memory_space<vmem>> -> memref<1x80x128xf32, #tpu.memory_space<vmem>>
      %dma_start3A_89 = tpu.memref_squeeze %dma_start3A_88 : memref<1x80x128xf32, #tpu.memory_space<vmem>> -> memref<80x128xf32, #tpu.memory_space<vmem>>
      %dma_start3A_90 = tpu.memref_slice %arg2[%mul3A_86, %mul3A_32] : memref<50000x512xf32, #tpu.memory_space<hbm>> -> memref<80x128xf32, #tpu.memory_space<hbm>>
      %dma_start3A_91 = tpu.memref_slice %arg8[%rem3A_35] : memref<4x!tpu.dma_semaphore, #tpu.memory_space<semaphore_mem>> -> memref<1x!tpu.dma_semaphore, #tpu.memory_space<semaphore_mem>>
      %dma_start3A_92 = tpu.memref_squeeze %dma_start3A_91 : memref<1x!tpu.dma_semaphore, #tpu.memory_space<semaphore_mem>> -> memref<!tpu.dma_semaphore, #tpu.memory_space<semaphore_mem>>
      %dma_start3A_93 = arith.constant 0 : i32
      %dma_start3A_94 = arith.constant 0 : i32
      %dma_start3A_95 = tpu.memref_slice %arg5[%rem3A_35, %dma_start3A_93, %dma_start3A_94] : memref<4x80x128xf32, #tpu.memory_space<vmem>> -> memref<1x80x128xf32, #tpu.memory_space<vmem>>
      %dma_start3A_96 = tpu.memref_squeeze %dma_start3A_95 : memref<1x80x128xf32, #tpu.memory_space<vmem>> -> memref<80x128xf32, #tpu.memory_space<vmem>>
      %dma_start3A_97 = tpu.memref_slice %arg2[%mul3A_86, %mul3A_32] : memref<50000x512xf32, #tpu.memory_space<hbm>> -> memref<80x128xf32, #tpu.memory_space<hbm>>
      tpu.enqueue_dma source(%dma_start3A_97 : memref<80x128xf32, #tpu.memory_space<hbm>>) target(%dma_start3A_96 : memref<80x128xf32, #tpu.memory_space<vmem>>) target_semaphore(%dma_start3A_92 : memref<!tpu.dma_semaphore, #tpu.memory_space<semaphore_mem>>)
    } else {
    }
    %rem3A_41 = arith.constant 1 : i32
    %rem3A_42 = arith.constant 4 : i32
    %rem3A_43 = arith.remsi %rem3A_41, %rem3A_42 : i32
    %add3A_44 = arith.constant 8 : i32
    %add3A_45 = arith.addi %select_n3A_9, %add3A_44 : i32
    %lt3A_46 = arith.constant 625 : i32
    %lt3A_47 = arith.cmpi slt, %add3A_45, %lt3A_46 : i32
    %convert_element_type3A_48 = arith.extui %lt3A_47 : i1 to i32
    %cond3A_49 = arith.constant 0 : i32
    %cond3A_50 = arith.cmpi ne, %convert_element_type3A_48, %cond3A_49 : i32
    scf.if %cond3A_50 {
      %mul3A_85 = arith.constant 80 : i32
      %mul3A_86 = arith.muli %add3A_45, %mul3A_85 : i32
      %dma_start3A = arith.constant 0 : i32
      %dma_start3A_87 = arith.constant 0 : i32
      %dma_start3A_88 = tpu.memref_slice %arg5[%rem3A_43, %dma_start3A, %dma_start3A_87] : memref<4x80x128xf32, #tpu.memory_space<vmem>> -> memref<1x80x128xf32, #tpu.memory_space<vmem>>
      %dma_start3A_89 = tpu.memref_squeeze %dma_start3A_88 : memref<1x80x128xf32, #tpu.memory_space<vmem>> -> memref<80x128xf32, #tpu.memory_space<vmem>>
      %dma_start3A_90 = tpu.memref_slice %arg2[%mul3A_86, %mul3A_32] : memref<50000x512xf32, #tpu.memory_space<hbm>> -> memref<80x128xf32, #tpu.memory_space<hbm>>
      %dma_start3A_91 = tpu.memref_slice %arg8[%rem3A_43] : memref<4x!tpu.dma_semaphore, #tpu.memory_space<semaphore_mem>> -> memref<1x!tpu.dma_semaphore, #tpu.memory_space<semaphore_mem>>
      %dma_start3A_92 = tpu.memref_squeeze %dma_start3A_91 : memref<1x!tpu.dma_semaphore, #tpu.memory_space<semaphore_mem>> -> memref<!tpu.dma_semaphore, #tpu.memory_space<semaphore_mem>>
      %dma_start3A_93 = arith.constant 0 : i32
      %dma_start3A_94 = arith.constant 0 : i32
      %dma_start3A_95 = tpu.memref_slice %arg5[%rem3A_43, %dma_start3A_93, %dma_start3A_94] : memref<4x80x128xf32, #tpu.memory_space<vmem>> -> memref<1x80x128xf32, #tpu.memory_space<vmem>>
      %dma_start3A_96 = tpu.memref_squeeze %dma_start3A_95 : memref<1x80x128xf32, #tpu.memory_space<vmem>> -> memref<80x128xf32, #tpu.memory_space<vmem>>
      %dma_start3A_97 = tpu.memref_slice %arg2[%mul3A_86, %mul3A_32] : memref<50000x512xf32, #tpu.memory_space<hbm>> -> memref<80x128xf32, #tpu.memory_space<hbm>>
      tpu.enqueue_dma source(%dma_start3A_97 : memref<80x128xf32, #tpu.memory_space<hbm>>) target(%dma_start3A_96 : memref<80x128xf32, #tpu.memory_space<vmem>>) target_semaphore(%dma_start3A_92 : memref<!tpu.dma_semaphore, #tpu.memory_space<semaphore_mem>>)
    } else {
    }
    %rem3A_51 = arith.constant 2 : i32
    %rem3A_52 = arith.constant 4 : i32
    %rem3A_53 = arith.remsi %rem3A_51, %rem3A_52 : i32
    %add3A_54 = arith.constant 16 : i32
    %add3A_55 = arith.addi %select_n3A_9, %add3A_54 : i32
    %lt3A_56 = arith.constant 625 : i32
    %lt3A_57 = arith.cmpi slt, %add3A_55, %lt3A_56 : i32
    %convert_element_type3A_58 = arith.extui %lt3A_57 : i1 to i32
    %cond3A_59 = arith.constant 0 : i32
    %cond3A_60 = arith.cmpi ne, %convert_element_type3A_58, %cond3A_59 : i32
    scf.if %cond3A_60 {
      %mul3A_85 = arith.constant 80 : i32
      %mul3A_86 = arith.muli %add3A_55, %mul3A_85 : i32
      %dma_start3A = arith.constant 0 : i32
      %dma_start3A_87 = arith.constant 0 : i32
      %dma_start3A_88 = tpu.memref_slice %arg5[%rem3A_53, %dma_start3A, %dma_start3A_87] : memref<4x80x128xf32, #tpu.memory_space<vmem>> -> memref<1x80x128xf32, #tpu.memory_space<vmem>>
      %dma_start3A_89 = tpu.memref_squeeze %dma_start3A_88 : memref<1x80x128xf32, #tpu.memory_space<vmem>> -> memref<80x128xf32, #tpu.memory_space<vmem>>
      %dma_start3A_90 = tpu.memref_slice %arg2[%mul3A_86, %mul3A_32] : memref<50000x512xf32, #tpu.memory_space<hbm>> -> memref<80x128xf32, #tpu.memory_space<hbm>>
      %dma_start3A_91 = tpu.memref_slice %arg8[%rem3A_53] : memref<4x!tpu.dma_semaphore, #tpu.memory_space<semaphore_mem>> -> memref<1x!tpu.dma_semaphore, #tpu.memory_space<semaphore_mem>>
      %dma_start3A_92 = tpu.memref_squeeze %dma_start3A_91 : memref<1x!tpu.dma_semaphore, #tpu.memory_space<semaphore_mem>> -> memref<!tpu.dma_semaphore, #tpu.memory_space<semaphore_mem>>
      %dma_start3A_93 = arith.constant 0 : i32
      %dma_start3A_94 = arith.constant 0 : i32
      %dma_start3A_95 = tpu.memref_slice %arg5[%rem3A_53, %dma_start3A_93, %dma_start3A_94] : memref<4x80x128xf32, #tpu.memory_space<vmem>> -> memref<1x80x128xf32, #tpu.memory_space<vmem>>
      %dma_start3A_96 = tpu.memref_squeeze %dma_start3A_95 : memref<1x80x128xf32, #tpu.memory_space<vmem>> -> memref<80x128xf32, #tpu.memory_space<vmem>>
      %dma_start3A_97 = tpu.memref_slice %arg2[%mul3A_86, %mul3A_32] : memref<50000x512xf32, #tpu.memory_space<hbm>> -> memref<80x128xf32, #tpu.memory_space<hbm>>
      tpu.enqueue_dma source(%dma_start3A_97 : memref<80x128xf32, #tpu.memory_space<hbm>>) target(%dma_start3A_96 : memref<80x128xf32, #tpu.memory_space<vmem>>) target_semaphore(%dma_start3A_92 : memref<!tpu.dma_semaphore, #tpu.memory_space<semaphore_mem>>)
    } else {
    }
    %rem3A_61 = arith.constant 3 : i32
    %rem3A_62 = arith.constant 4 : i32
    %rem3A_63 = arith.remsi %rem3A_61, %rem3A_62 : i32
    %add3A_64 = arith.constant 24 : i32
    %add3A_65 = arith.addi %select_n3A_9, %add3A_64 : i32
    %lt3A_66 = arith.constant 625 : i32
    %lt3A_67 = arith.cmpi slt, %add3A_65, %lt3A_66 : i32
    %convert_element_type3A_68 = arith.extui %lt3A_67 : i1 to i32
    %cond3A_69 = arith.constant 0 : i32
    %cond3A_70 = arith.cmpi ne, %convert_element_type3A_68, %cond3A_69 : i32
    scf.if %cond3A_70 {
      %mul3A_85 = arith.constant 80 : i32
      %mul3A_86 = arith.muli %add3A_65, %mul3A_85 : i32
      %dma_start3A = arith.constant 0 : i32
      %dma_start3A_87 = arith.constant 0 : i32
      %dma_start3A_88 = tpu.memref_slice %arg5[%rem3A_63, %dma_start3A, %dma_start3A_87] : memref<4x80x128xf32, #tpu.memory_space<vmem>> -> memref<1x80x128xf32, #tpu.memory_space<vmem>>
      %dma_start3A_89 = tpu.memref_squeeze %dma_start3A_88 : memref<1x80x128xf32, #tpu.memory_space<vmem>> -> memref<80x128xf32, #tpu.memory_space<vmem>>
      %dma_start3A_90 = tpu.memref_slice %arg2[%mul3A_86, %mul3A_32] : memref<50000x512xf32, #tpu.memory_space<hbm>> -> memref<80x128xf32, #tpu.memory_space<hbm>>
      %dma_start3A_91 = tpu.memref_slice %arg8[%rem3A_63] : memref<4x!tpu.dma_semaphore, #tpu.memory_space<semaphore_mem>> -> memref<1x!tpu.dma_semaphore, #tpu.memory_space<semaphore_mem>>
      %dma_start3A_92 = tpu.memref_squeeze %dma_start3A_91 : memref<1x!tpu.dma_semaphore, #tpu.memory_space<semaphore_mem>> -> memref<!tpu.dma_semaphore, #tpu.memory_space<semaphore_mem>>
      %dma_start3A_93 = arith.constant 0 : i32
      %dma_start3A_94 = arith.constant 0 : i32
      %dma_start3A_95 = tpu.memref_slice %arg5[%rem3A_63, %dma_start3A_93, %dma_start3A_94] : memref<4x80x128xf32, #tpu.memory_space<vmem>> -> memref<1x80x128xf32, #tpu.memory_space<vmem>>
      %dma_start3A_96 = tpu.memref_squeeze %dma_start3A_95 : memref<1x80x128xf32, #tpu.memory_space<vmem>> -> memref<80x128xf32, #tpu.memory_space<vmem>>
      %dma_start3A_97 = tpu.memref_slice %arg2[%mul3A_86, %mul3A_32] : memref<50000x512xf32, #tpu.memory_space<hbm>> -> memref<80x128xf32, #tpu.memory_space<hbm>>
      tpu.enqueue_dma source(%dma_start3A_97 : memref<80x128xf32, #tpu.memory_space<hbm>>) target(%dma_start3A_96 : memref<80x128xf32, #tpu.memory_space<vmem>>) target_semaphore(%dma_start3A_92 : memref<!tpu.dma_semaphore, #tpu.memory_space<semaphore_mem>>)
    } else {
    }
    "tpu.region"() ({
      %run_scoped3A = tpu.sem_alloc : memref<!tpu.dma_semaphore, #tpu.memory_space<semaphore_mem>>
      %dma_start3A = arith.constant 0 : i32
      %dma_start3A_85 = arith.constant 0 : i32
      %dma_start3A_86 = tpu.memref_slice %arg3[%select_n3A_9, %dma_start3A, %dma_start3A_85] : memref<8x80x80xi32, #tpu.memory_space<hbm>> -> memref<1x80x80xi32, #tpu.memory_space<hbm>>
      %dma_start3A_87 = tpu.memref_squeeze %dma_start3A_86 : memref<1x80x80xi32, #tpu.memory_space<hbm>> -> memref<80x80xi32, #tpu.memory_space<hbm>>
      %dma_start3A_88 = arith.constant 0 : i32
      %dma_start3A_89 = arith.constant 0 : i32
      %dma_start3A_90 = tpu.memref_slice %arg3[%select_n3A_9, %dma_start3A_88, %dma_start3A_89] : memref<8x80x80xi32, #tpu.memory_space<hbm>> -> memref<1x80x80xi32, #tpu.memory_space<hbm>>
      %dma_start3A_91 = tpu.memref_squeeze %dma_start3A_90 : memref<1x80x80xi32, #tpu.memory_space<hbm>> -> memref<80x80xi32, #tpu.memory_space<hbm>>
      tpu.enqueue_dma source(%dma_start3A_91 : memref<80x80xi32, #tpu.memory_space<hbm>>) target(%arg6 : memref<80x80xi32, #tpu.memory_space<vmem>>) target_semaphore(%run_scoped3A : memref<!tpu.dma_semaphore, #tpu.memory_space<semaphore_mem>>)
      %dma_wait3A = arith.constant 0 : i32
      %dma_wait3A_92 = arith.constant 0 : i32
      %dma_wait3A_93 = tpu.memref_slice %arg3[%select_n3A_9, %dma_wait3A, %dma_wait3A_92] : memref<8x80x80xi32, #tpu.memory_space<hbm>> -> memref<1x80x80xi32, #tpu.memory_space<hbm>>
      %dma_wait3A_94 = tpu.memref_squeeze %dma_wait3A_93 : memref<1x80x80xi32, #tpu.memory_space<hbm>> -> memref<80x80xi32, #tpu.memory_space<hbm>>
      %dma_wait3A_95 = arith.constant 0 : i32
      %dma_wait3A_96 = arith.constant 0 : i32
      %dma_wait3A_97 = tpu.memref_slice %arg3[%select_n3A_9, %dma_wait3A_95, %dma_wait3A_96] : memref<8x80x80xi32, #tpu.memory_space<hbm>> -> memref<1x80x80xi32, #tpu.memory_space<hbm>>
      %dma_wait3A_98 = tpu.memref_squeeze %dma_wait3A_97 : memref<1x80x80xi32, #tpu.memory_space<hbm>> -> memref<80x80xi32, #tpu.memory_space<hbm>>
      tpu.wait_dma2 semaphore(%run_scoped3A : memref<!tpu.dma_semaphore, #tpu.memory_space<semaphore_mem>>) src(%dma_wait3A_98 : memref<80x80xi32, #tpu.memory_space<hbm>>) dst(%arg6 : memref<80x80xi32, #tpu.memory_space<vmem>>)
      tpu.yield
    }) : () -> ()
    %broadcast_in_dim3A = arith.constant 0.000000e+00 : f32
    %broadcast_in_dim3A_71 = vector.broadcast %broadcast_in_dim3A : f32 to vector<16xf32>
    %scan3A = arith.constant 0 : i32
    %scan3A_72 = arith.constant 0 : i32
    %scan3A_73 = arith.constant 512 : i32
    %scan3A_74 = arith.addi %scan3A_72, %scan3A_73 : i32
    %scan3A_75 = arith.constant 1 : i32
    %scan3A_76 = scf.for %scan3A_85 = %scan3A_72 to %scan3A_74 step %scan3A_75 iter_args(%scan3A_86 = %scan3A) -> (i32)  : i32 {
      %swap3A = arith.index_cast %scan3A_85 : i32 to index
      %swap3A_87 = arith.constant 0 : index
      %swap3A_88 = tpu.vector_load %arg7[%swap3A, %swap3A_87] {strides = array<i32>} : memref<512x128xf32, #tpu.memory_space<vmem>>, vector<1x16xf32>,
      %swap3A_89 = vector.shape_cast %swap3A_88 : vector<1x16xf32> to vector<16xf32>
      %swap3A_90 = vector.shape_cast %broadcast_in_dim3A_71 : vector<16xf32> to vector<1x16xf32>
      tpu.vector_store %arg7[%swap3A, %swap3A_87], %swap3A_90 {strides = array<i32>} : memref<512x128xf32, #tpu.memory_space<vmem>>, vector<1x16xf32>,
      %swap3A_91 = arith.index_cast %scan3A_85 : i32 to index
      %swap3A_92 = arith.constant 16 : index
      %swap3A_93 = tpu.vector_load %arg7[%swap3A_91, %swap3A_92] {strides = array<i32>} : memref<512x128xf32, #tpu.memory_space<vmem>>, vector<1x16xf32>,
      %swap3A_94 = vector.shape_cast %swap3A_93 : vector<1x16xf32> to vector<16xf32>
      %swap3A_95 = vector.shape_cast %broadcast_in_dim3A_71 : vector<16xf32> to vector<1x16xf32>
      tpu.vector_store %arg7[%swap3A_91, %swap3A_92], %swap3A_95 {strides = array<i32>} : memref<512x128xf32, #tpu.memory_space<vmem>>, vector<1x16xf32>,
      %swap3A_96 = arith.index_cast %scan3A_85 : i32 to index
      %swap3A_97 = arith.constant 32 : index
      %swap3A_98 = tpu.vector_load %arg7[%swap3A_96, %swap3A_97] {strides = array<i32>} : memref<512x128xf32, #tpu.memory_space<vmem>>, vector<1x16xf32>,
      %swap3A_99 = vector.shape_cast %swap3A_98 : vector<1x16xf32> to vector<16xf32>
      %swap3A_100 = vector.shape_cast %broadcast_in_dim3A_71 : vector<16xf32> to vector<1x16xf32>
      tpu.vector_store %arg7[%swap3A_96, %swap3A_97], %swap3A_100 {strides = array<i32>} : memref<512x128xf32, #tpu.memory_space<vmem>>, vector<1x16xf32>,
      %swap3A_101 = arith.index_cast %scan3A_85 : i32 to index
      %swap3A_102 = arith.constant 48 : index
      %swap3A_103 = tpu.vector_load %arg7[%swap3A_101, %swap3A_102] {strides = array<i32>} : memref<512x128xf32, #tpu.memory_space<vmem>>, vector<1x16xf32>,
      %swap3A_104 = vector.shape_cast %swap3A_103 : vector<1x16xf32> to vector<16xf32>
      %swap3A_105 = vector.shape_cast %broadcast_in_dim3A_71 : vector<16xf32> to vector<1x16xf32>
      tpu.vector_store %arg7[%swap3A_101, %swap3A_102], %swap3A_105 {strides = array<i32>} : memref<512x128xf32, #tpu.memory_space<vmem>>, vector<1x16xf32>,
      %swap3A_106 = arith.index_cast %scan3A_85 : i32 to index
      %swap3A_107 = arith.constant 64 : index
      %swap3A_108 = tpu.vector_load %arg7[%swap3A_106, %swap3A_107] {strides = array<i32>} : memref<512x128xf32, #tpu.memory_space<vmem>>, vector<1x16xf32>,
      %swap3A_109 = vector.shape_cast %swap3A_108 : vector<1x16xf32> to vector<16xf32>
      %swap3A_110 = vector.shape_cast %broadcast_in_dim3A_71 : vector<16xf32> to vector<1x16xf32>
      tpu.vector_store %arg7[%swap3A_106, %swap3A_107], %swap3A_110 {strides = array<i32>} : memref<512x128xf32, #tpu.memory_space<vmem>>, vector<1x16xf32>,
      %swap3A_111 = arith.index_cast %scan3A_85 : i32 to index
      %swap3A_112 = arith.constant 80 : index
      %swap3A_113 = tpu.vector_load %arg7[%swap3A_111, %swap3A_112] {strides = array<i32>} : memref<512x128xf32, #tpu.memory_space<vmem>>, vector<1x16xf32>,
      %swap3A_114 = vector.shape_cast %swap3A_113 : vector<1x16xf32> to vector<16xf32>
      %swap3A_115 = vector.shape_cast %broadcast_in_dim3A_71 : vector<16xf32> to vector<1x16xf32>
      tpu.vector_store %arg7[%swap3A_111, %swap3A_112], %swap3A_115 {strides = array<i32>} : memref<512x128xf32, #tpu.memory_space<vmem>>, vector<1x16xf32>,
      %swap3A_116 = arith.index_cast %scan3A_85 : i32 to index
      %swap3A_117 = arith.constant 96 : index
      %swap3A_118 = tpu.vector_load %arg7[%swap3A_116, %swap3A_117] {strides = array<i32>} : memref<512x128xf32, #tpu.memory_space<vmem>>, vector<1x16xf32>,
      %swap3A_119 = vector.shape_cast %swap3A_118 : vector<1x16xf32> to vector<16xf32>
      %swap3A_120 = vector.shape_cast %broadcast_in_dim3A_71 : vector<16xf32> to vector<1x16xf32>
      tpu.vector_store %arg7[%swap3A_116, %swap3A_117], %swap3A_120 {strides = array<i32>} : memref<512x128xf32, #tpu.memory_space<vmem>>, vector<1x16xf32>,
      %swap3A_121 = arith.index_cast %scan3A_85 : i32 to index
      %swap3A_122 = arith.constant 112 : index
      %swap3A_123 = tpu.vector_load %arg7[%swap3A_121, %swap3A_122] {strides = array<i32>} : memref<512x128xf32, #tpu.memory_space<vmem>>, vector<1x16xf32>,
      %swap3A_124 = vector.shape_cast %swap3A_123 : vector<1x16xf32> to vector<16xf32>
      %swap3A_125 = vector.shape_cast %broadcast_in_dim3A_71 : vector<16xf32> to vector<1x16xf32>
      tpu.vector_store %arg7[%swap3A_121, %swap3A_122], %swap3A_125 {strides = array<i32>} : memref<512x128xf32, #tpu.memory_space<vmem>>, vector<1x16xf32>,
      %scan3A_126 = arith.constant 0 : i32
      scf.yield %scan3A_126 : i32
    }
    %scan3A_77 = arith.constant 512 : i32
    %scan3A_78 = arith.constant 0 : i32
    %scan3A_79 = arith.constant 0 : i32
    %scan3A_80 = arith.constant 80 : i32
    %scan3A_81 = arith.addi %scan3A_79, %scan3A_80 : i32
    %scan3A_82 = arith.constant 1 : i32
    %scan3A_83 = scf.for %scan3A_85 = %scan3A_79 to %scan3A_81 step %scan3A_82 iter_args(%scan3A_86 = %scan3A_78) -> (i32)  : i32 {
      %rem3A_87 = arith.constant 4 : i32
      %rem3A_88 = arith.remsi %scan3A_85, %rem3A_87 : i32
      %mul3A_89 = arith.constant 8 : i32
      %mul3A_90 = arith.muli %mul3A_89, %scan3A_85 : i32
      %add3A_91 = arith.addi %select_n3A_9, %mul3A_90 : i32
      %lt3A_92 = arith.constant 625 : i32
      %lt3A_93 = arith.cmpi slt, %add3A_91, %lt3A_92 : i32
      %convert_element_type3A_94 = arith.extui %lt3A_93 : i1 to i32
      %cond3A_95 = arith.constant 0 : i32
      %cond3A_96 = arith.cmpi ne, %convert_element_type3A_94, %cond3A_95 : i32
      scf.if %cond3A_96 {
        %dma_wait3A = arith.constant 0 : i32
        %dma_wait3A_110 = arith.constant 0 : i32
        %dma_wait3A_111 = tpu.memref_slice %arg5[%rem3A_88, %dma_wait3A, %dma_wait3A_110] : memref<4x80x128xf32, #tpu.memory_space<vmem>> -> memref<1x80x128xf32, #tpu.memory_space<vmem>>
        %dma_wait3A_112 = tpu.memref_squeeze %dma_wait3A_111 : memref<1x80x128xf32, #tpu.memory_space<vmem>> -> memref<80x128xf32, #tpu.memory_space<vmem>>
        %dma_wait3A_113 = arith.constant 0 : i32
        %dma_wait3A_114 = tpu.memref_slice %arg2[%dma_wait3A_113, %mul3A_32] : memref<50000x512xf32, #tpu.memory_space<hbm>> -> memref<80x128xf32, #tpu.memory_space<hbm>>
        %dma_wait3A_115 = tpu.memref_slice %arg8[%rem3A_88] : memref<4x!tpu.dma_semaphore, #tpu.memory_space<semaphore_mem>> -> memref<1x!tpu.dma_semaphore, #tpu.memory_space<semaphore_mem>>
        %dma_wait3A_116 = tpu.memref_squeeze %dma_wait3A_115 : memref<1x!tpu.dma_semaphore, #tpu.memory_space<semaphore_mem>> -> memref<!tpu.dma_semaphore, #tpu.memory_space<semaphore_mem>>
        %dma_wait3A_117 = arith.constant 0 : i32
        %dma_wait3A_118 = arith.constant 0 : i32
        %dma_wait3A_119 = tpu.memref_slice %arg5[%rem3A_88, %dma_wait3A_117, %dma_wait3A_118] : memref<4x80x128xf32, #tpu.memory_space<vmem>> -> memref<1x80x128xf32, #tpu.memory_space<vmem>>
        %dma_wait3A_120 = tpu.memref_squeeze %dma_wait3A_119 : memref<1x80x128xf32, #tpu.memory_space<vmem>> -> memref<80x128xf32, #tpu.memory_space<vmem>>
        %dma_wait3A_121 = arith.constant 0 : i32
        %dma_wait3A_122 = tpu.memref_slice %arg2[%dma_wait3A_121, %mul3A_32] : memref<50000x512xf32, #tpu.memory_space<hbm>> -> memref<80x128xf32, #tpu.memory_space<hbm>>
        tpu.wait_dma2 semaphore(%dma_wait3A_116 : memref<!tpu.dma_semaphore, #tpu.memory_space<semaphore_mem>>) src(%dma_wait3A_122 : memref<80x128xf32, #tpu.memory_space<hbm>>) dst(%dma_wait3A_120 : memref<80x128xf32, #tpu.memory_space<vmem>>)
        %scan3A_123 = arith.constant 0 : i32
        %scan3A_124 = arith.constant 0 : i32
        %scan3A_125 = arith.constant 5 : i32
        %scan3A_126 = arith.addi %scan3A_124, %scan3A_125 : i32
        %scan3A_127 = arith.constant 1 : i32
        %scan3A_128 = scf.for %scan3A_130 = %scan3A_124 to %scan3A_126 step %scan3A_127 iter_args(%scan3A_131 = %scan3A_123) -> (i32)  : i32 {
          %mul3A_132 = arith.constant 16 : i32
          %mul3A_133 = arith.muli %scan3A_130, %mul3A_132 : i32
          %get3A = arith.index_cast %scan3A_85 : i32 to index
          %get3A_134 = arith.index_cast %mul3A_133 : i32 to index
          %get3A_135 = tpu.vector_load %arg6[%get3A, %get3A_134] {strides = array<i32>} : memref<80x80xi32, #tpu.memory_space<vmem>>, vector<1x16xi32>,
          %get3A_136 = vector.shape_cast %get3A_135 : vector<1x16xi32> to vector<16xi32>
          %slice3A = vector.extract_strided_slice %get3A_136 {offsets = [0], sizes = [1], strides = [1]} : vector<16xi32> to vector<1xi32>
          %squeeze3A = vector.extract %slice3A[0] : i32 from vector<1xi32>
          %slice3A_137 = vector.extract_strided_slice %get3A_136 {offsets = [15], sizes = [1], strides = [1]} : vector<16xi32> to vector<1xi32>
          %squeeze3A_138 = vector.extract %slice3A_137[0] : i32 from vector<1xi32>
          %eq3A_139 = arith.cmpi eq, %squeeze3A, %squeeze3A_138 : i32
          %convert_element_type3A_140 = arith.extui %eq3A_139 : i1 to i32
          %cond3A_141 = arith.constant 0 : i32
          %cond3A_142 = arith.cmpi ne, %convert_element_type3A_140, %cond3A_141 : i32
          scf.if %cond3A_142 {
            %get3A_148 = arith.index_cast %rem3A_88 : i32 to index
            %get3A_149 = arith.index_cast %mul3A_133 : i32 to index
            %get3A_150 = arith.constant 0 : index
            %get3A_151 = tpu.vector_load %arg5[%get3A_148, %get3A_149, %get3A_150] {strides = array<i32>} : memref<4x80x128xf32, #tpu.memory_space<vmem>>, vector<1x1x16xf32>,
            %get3A_152 = vector.shape_cast %get3A_151 : vector<1x1x16xf32> to vector<16xf32>
            %add3A_153 = arith.constant 1 : i32
            %add3A_154 = arith.addi %mul3A_133, %add3A_153 : i32
            %get3A_155 = arith.index_cast %rem3A_88 : i32 to index
            %get3A_156 = arith.index_cast %add3A_154 : i32 to index
            %get3A_157 = arith.constant 0 : index
            %get3A_158 = tpu.vector_load %arg5[%get3A_155, %get3A_156, %get3A_157] {strides = array<i32>} : memref<4x80x128xf32, #tpu.memory_space<vmem>>, vector<1x1x16xf32>,
            %get3A_159 = vector.shape_cast %get3A_158 : vector<1x1x16xf32> to vector<16xf32>
            %add3A_160 = arith.addf %get3A_152, %get3A_159 : vector<16xf32>
            %add3A_161 = arith.constant 2 : i32
            %add3A_162 = arith.addi %mul3A_133, %add3A_161 : i32
            %get3A_163 = arith.index_cast %rem3A_88 : i32 to index
            %get3A_164 = arith.index_cast %add3A_162 : i32 to index
            %get3A_165 = arith.constant 0 : index
            %get3A_166 = tpu.vector_load %arg5[%get3A_163, %get3A_164, %get3A_165] {strides = array<i32>} : memref<4x80x128xf32, #tpu.memory_space<vmem>>, vector<1x1x16xf32>,
            %get3A_167 = vector.shape_cast %get3A_166 : vector<1x1x16xf32> to vector<16xf32>
            %add3A_168 = arith.addf %add3A_160, %get3A_167 : vector<16xf32>
            %add3A_169 = arith.constant 3 : i32
            %add3A_170 = arith.addi %mul3A_133, %add3A_169 : i32
            %get3A_171 = arith.index_cast %rem3A_88 : i32 to index
            %get3A_172 = arith.index_cast %add3A_170 : i32 to index
            %get3A_173 = arith.constant 0 : index
            %get3A_174 = tpu.vector_load %arg5[%get3A_171, %get3A_172, %get3A_173] {strides = array<i32>} : memref<4x80x128xf32, #tpu.memory_space<vmem>>, vector<1x1x16xf32>,
            %get3A_175 = vector.shape_cast %get3A_174 : vector<1x1x16xf32> to vector<16xf32>
            %add3A_176 = arith.addf %add3A_168, %get3A_175 : vector<16xf32>
            %add3A_177 = arith.constant 4 : i32
            %add3A_178 = arith.addi %mul3A_133, %add3A_177 : i32
            %get3A_179 = arith.index_cast %rem3A_88 : i32 to index
            %get3A_180 = arith.index_cast %add3A_178 : i32 to index
            %get3A_181 = arith.constant 0 : index
            %get3A_182 = tpu.vector_load %arg5[%get3A_179, %get3A_180, %get3A_181] {strides = array<i32>} : memref<4x80x128xf32, #tpu.memory_space<vmem>>, vector<1x1x16xf32>,
            %get3A_183 = vector.shape_cast %get3A_182 : vector<1x1x16xf32> to vector<16xf32>
            %add3A_184 = arith.addf %add3A_176, %get3A_183 : vector<16xf32>
            %add3A_185 = arith.constant 5 : i32
            %add3A_186 = arith.addi %mul3A_133, %add3A_185 : i32
            %get3A_187 = arith.index_cast %rem3A_88 : i32 to index
            %get3A_188 = arith.index_cast %add3A_186 : i32 to index
            %get3A_189 = arith.constant 0 : index
            %get3A_190 = tpu.vector_load %arg5[%get3A_187, %get3A_188, %get3A_189] {strides = array<i32>} : memref<4x80x128xf32, #tpu.memory_space<vmem>>, vector<1x1x16xf32>,
            %get3A_191 = vector.shape_cast %get3A_190 : vector<1x1x16xf32> to vector<16xf32>
            %add3A_192 = arith.addf %add3A_184, %get3A_191 : vector<16xf32>
            %add3A_193 = arith.constant 6 : i32
            %add3A_194 = arith.addi %mul3A_133, %add3A_193 : i32
            %get3A_195 = arith.index_cast %rem3A_88 : i32 to index
            %get3A_196 = arith.index_cast %add3A_194 : i32 to index
            %get3A_197 = arith.constant 0 : index
            %get3A_198 = tpu.vector_load %arg5[%get3A_195, %get3A_196, %get3A_197] {strides = array<i32>} : memref<4x80x128xf32, #tpu.memory_space<vmem>>, vector<1x1x16xf32>,
            %get3A_199 = vector.shape_cast %get3A_198 : vector<1x1x16xf32> to vector<16xf32>
            %add3A_200 = arith.addf %add3A_192, %get3A_199 : vector<16xf32>
            %add3A_201 = arith.constant 7 : i32
            %add3A_202 = arith.addi %mul3A_133, %add3A_201 : i32
            %get3A_203 = arith.index_cast %rem3A_88 : i32 to index
            %get3A_204 = arith.index_cast %add3A_202 : i32 to index
            %get3A_205 = arith.constant 0 : index
            %get3A_206 = tpu.vector_load %arg5[%get3A_203, %get3A_204, %get3A_205] {strides = array<i32>} : memref<4x80x128xf32, #tpu.memory_space<vmem>>, vector<1x1x16xf32>,
            %get3A_207 = vector.shape_cast %get3A_206 : vector<1x1x16xf32> to vector<16xf32>
            %add3A_208 = arith.addf %add3A_200, %get3A_207 : vector<16xf32>
            %add3A_209 = arith.constant 8 : i32
            %add3A_210 = arith.addi %mul3A_133, %add3A_209 : i32
            %get3A_211 = arith.index_cast %rem3A_88 : i32 to index
            %get3A_212 = arith.index_cast %add3A_210 : i32 to index
            %get3A_213 = arith.constant 0 : index
            %get3A_214 = tpu.vector_load %arg5[%get3A_211, %get3A_212, %get3A_213] {strides = array<i32>} : memref<4x80x128xf32, #tpu.memory_space<vmem>>, vector<1x1x16xf32>,
            %get3A_215 = vector.shape_cast %get3A_214 : vector<1x1x16xf32> to vector<16xf32>
            %add3A_216 = arith.addf %add3A_208, %get3A_215 : vector<16xf32>
            %add3A_217 = arith.constant 9 : i32
            %add3A_218 = arith.addi %mul3A_133, %add3A_217 : i32
            %get3A_219 = arith.index_cast %rem3A_88 : i32 to index
            %get3A_220 = arith.index_cast %add3A_218 : i32 to index
            %get3A_221 = arith.constant 0 : index
            %get3A_222 = tpu.vector_load %arg5[%get3A_219, %get3A_220, %get3A_221] {strides = array<i32>} : memref<4x80x128xf32, #tpu.memory_space<vmem>>, vector<1x1x16xf32>,
            %get3A_223 = vector.shape_cast %get3A_222 : vector<1x1x16xf32> to vector<16xf32>
            %add3A_224 = arith.addf %add3A_216, %get3A_223 : vector<16xf32>
            %add3A_225 = arith.constant 10 : i32
            %add3A_226 = arith.addi %mul3A_133, %add3A_225 : i32
            %get3A_227 = arith.index_cast %rem3A_88 : i32 to index
            %get3A_228 = arith.index_cast %add3A_226 : i32 to index
            %get3A_229 = arith.constant 0 : index
            %get3A_230 = tpu.vector_load %arg5[%get3A_227, %get3A_228, %get3A_229] {strides = array<i32>} : memref<4x80x128xf32, #tpu.memory_space<vmem>>, vector<1x1x16xf32>,
            %get3A_231 = vector.shape_cast %get3A_230 : vector<1x1x16xf32> to vector<16xf32>
            %add3A_232 = arith.addf %add3A_224, %get3A_231 : vector<16xf32>
            %add3A_233 = arith.constant 11 : i32
            %add3A_234 = arith.addi %mul3A_133, %add3A_233 : i32
            %get3A_235 = arith.index_cast %rem3A_88 : i32 to index
            %get3A_236 = arith.index_cast %add3A_234 : i32 to index
            %get3A_237 = arith.constant 0 : index
            %get3A_238 = tpu.vector_load %arg5[%get3A_235, %get3A_236, %get3A_237] {strides = array<i32>} : memref<4x80x128xf32, #tpu.memory_space<vmem>>, vector<1x1x16xf32>,
            %get3A_239 = vector.shape_cast %get3A_238 : vector<1x1x16xf32> to vector<16xf32>
            %add3A_240 = arith.addf %add3A_232, %get3A_239 : vector<16xf32>
            %add3A_241 = arith.constant 12 : i32
            %add3A_242 = arith.addi %mul3A_133, %add3A_241 : i32
            %get3A_243 = arith.index_cast %rem3A_88 : i32 to index
            %get3A_244 = arith.index_cast %add3A_242 : i32 to index
            %get3A_245 = arith.constant 0 : index
            %get3A_246 = tpu.vector_load %arg5[%get3A_243, %get3A_244, %get3A_245] {strides = array<i32>} : memref<4x80x128xf32, #tpu.memory_space<vmem>>, vector<1x1x16xf32>,
            %get3A_247 = vector.shape_cast %get3A_246 : vector<1x1x16xf32> to vector<16xf32>
            %add3A_248 = arith.addf %add3A_240, %get3A_247 : vector<16xf32>
            %add3A_249 = arith.constant 13 : i32
            %add3A_250 = arith.addi %mul3A_133, %add3A_249 : i32
            %get3A_251 = arith.index_cast %rem3A_88 : i32 to index
            %get3A_252 = arith.index_cast %add3A_250 : i32 to index
            %get3A_253 = arith.constant 0 : index
            %get3A_254 = tpu.vector_load %arg5[%get3A_251, %get3A_252, %get3A_253] {strides = array<i32>} : memref<4x80x128xf32, #tpu.memory_space<vmem>>, vector<1x1x16xf32>,
            %get3A_255 = vector.shape_cast %get3A_254 : vector<1x1x16xf32> to vector<16xf32>
            %add3A_256 = arith.addf %add3A_248, %get3A_255 : vector<16xf32>
            %add3A_257 = arith.constant 14 : i32
            %add3A_258 = arith.addi %mul3A_133, %add3A_257 : i32
            %get3A_259 = arith.index_cast %rem3A_88 : i32 to index
            %get3A_260 = arith.index_cast %add3A_258 : i32 to index
            %get3A_261 = arith.constant 0 : index
            %get3A_262 = tpu.vector_load %arg5[%get3A_259, %get3A_260, %get3A_261] {strides = array<i32>} : memref<4x80x128xf32, #tpu.memory_space<vmem>>, vector<1x1x16xf32>,
            %get3A_263 = vector.shape_cast %get3A_262 : vector<1x1x16xf32> to vector<16xf32>
            %add3A_264 = arith.addf %add3A_256, %get3A_263 : vector<16xf32>
            %add3A_265 = arith.constant 15 : i32
            %add3A_266 = arith.addi %mul3A_133, %add3A_265 : i32
            %get3A_267 = arith.index_cast %rem3A_88 : i32 to index
            %get3A_268 = arith.index_cast %add3A_266 : i32 to index
            %get3A_269 = arith.constant 0 : index
            %get3A_270 = tpu.vector_load %arg5[%get3A_267, %get3A_268, %get3A_269] {strides = array<i32>} : memref<4x80x128xf32, #tpu.memory_space<vmem>>, vector<1x1x16xf32>,
            %get3A_271 = vector.shape_cast %get3A_270 : vector<1x1x16xf32> to vector<16xf32>
            %add3A_272 = arith.addf %add3A_264, %get3A_271 : vector<16xf32>
            %swap3A = arith.index_cast %squeeze3A : i32 to index
            %swap3A_273 = arith.constant 0 : index
            %swap3A_274 = tpu.vector_load %arg7[%swap3A, %swap3A_273] {strides = array<i32>} : memref<512x128xf32, #tpu.memory_space<vmem>>, vector<1x16xf32>,
            %swap3A_275 = vector.shape_cast %swap3A_274 : vector<1x16xf32> to vector<16xf32>
            %swap3A_276 = vector.shape_cast %add3A_272 : vector<16xf32> to vector<1x16xf32>
            tpu.vector_store %arg7[%swap3A, %swap3A_273], %swap3A_276 {add = true, strides = array<i32>} : memref<512x128xf32, #tpu.memory_space<vmem>>, vector<1x16xf32>,
            %get3A_277 = arith.index_cast %rem3A_88 : i32 to index
            %get3A_278 = arith.index_cast %mul3A_133 : i32 to index
            %get3A_279 = arith.constant 16 : index
            %get3A_280 = tpu.vector_load %arg5[%get3A_277, %get3A_278, %get3A_279] {strides = array<i32>} : memref<4x80x128xf32, #tpu.memory_space<vmem>>, vector<1x1x16xf32>,
            %get3A_281 = vector.shape_cast %get3A_280 : vector<1x1x16xf32> to vector<16xf32>
            %add3A_282 = arith.constant 1 : i32
            %add3A_283 = arith.addi %mul3A_133, %add3A_282 : i32
            %get3A_284 = arith.index_cast %rem3A_88 : i32 to index
            %get3A_285 = arith.index_cast %add3A_283 : i32 to index
            %get3A_286 = arith.constant 16 : index
            %get3A_287 = tpu.vector_load %arg5[%get3A_284, %get3A_285, %get3A_286] {strides = array<i32>} : memref<4x80x128xf32, #tpu.memory_space<vmem>>, vector<1x1x16xf32>,
            %get3A_288 = vector.shape_cast %get3A_287 : vector<1x1x16xf32> to vector<16xf32>
            %add3A_289 = arith.addf %get3A_281, %get3A_288 : vector<16xf32>
            %add3A_290 = arith.constant 2 : i32
            %add3A_291 = arith.addi %mul3A_133, %add3A_290 : i32
            %get3A_292 = arith.index_cast %rem3A_88 : i32 to index
            %get3A_293 = arith.index_cast %add3A_291 : i32 to index
            %get3A_294 = arith.constant 16 : index
            %get3A_295 = tpu.vector_load %arg5[%get3A_292, %get3A_293, %get3A_294] {strides = array<i32>} : memref<4x80x128xf32, #tpu.memory_space<vmem>>, vector<1x1x16xf32>,
            %get3A_296 = vector.shape_cast %get3A_295 : vector<1x1x16xf32> to vector<16xf32>
            %add3A_297 = arith.addf %add3A_289, %get3A_296 : vector<16xf32>
            %add3A_298 = arith.constant 3 : i32
            %add3A_299 = arith.addi %mul3A_133, %add3A_298 : i32
            %get3A_300 = arith.index_cast %rem3A_88 : i32 to index
            %get3A_301 = arith.index_cast %add3A_299 : i32 to index
            %get3A_302 = arith.constant 16 : index
            %get3A_303 = tpu.vector_load %arg5[%get3A_300, %get3A_301, %get3A_302] {strides = array<i32>} : memref<4x80x128xf32, #tpu.memory_space<vmem>>, vector<1x1x16xf32>,
            %get3A_304 = vector.shape_cast %get3A_303 : vector<1x1x16xf32> to vector<16xf32>
            %add3A_305 = arith.addf %add3A_297, %get3A_304 : vector<16xf32>
            %add3A_306 = arith.constant 4 : i32
            %add3A_307 = arith.addi %mul3A_133, %add3A_306 : i32
            %get3A_308 = arith.index_cast %rem3A_88 : i32 to index
            %get3A_309 = arith.index_cast %add3A_307 : i32 to index
            %get3A_310 = arith.constant 16 : index
            %get3A_311 = tpu.vector_load %arg5[%get3A_308, %get3A_309, %get3A_310] {strides = array<i32>} : memref<4x80x128xf32, #tpu.memory_space<vmem>>, vector<1x1x16xf32>,
            %get3A_312 = vector.shape_cast %get3A_311 : vector<1x1x16xf32> to vector<16xf32>
            %add3A_313 = arith.addf %add3A_305, %get3A_312 : vector<16xf32>
            %add3A_314 = arith.constant 5 : i32
            %add3A_315 = arith.addi %mul3A_133, %add3A_314 : i32
            %get3A_316 = arith.index_cast %rem3A_88 : i32 to index
            %get3A_317 = arith.index_cast %add3A_315 : i32 to index
            %get3A_318 = arith.constant 16 : index
            %get3A_319 = tpu.vector_load %arg5[%get3A_316, %get3A_317, %get3A_318] {strides = array<i32>} : memref<4x80x128xf32, #tpu.memory_space<vmem>>, vector<1x1x16xf32>,
            %get3A_320 = vector.shape_cast %get3A_319 : vector<1x1x16xf32> to vector<16xf32>
            %add3A_321 = arith.addf %add3A_313, %get3A_320 : vector<16xf32>
            %add3A_322 = arith.constant 6 : i32
            %add3A_323 = arith.addi %mul3A_133, %add3A_322 : i32
            %get3A_324 = arith.index_cast %rem3A_88 : i32 to index
            %get3A_325 = arith.index_cast %add3A_323 : i32 to index
            %get3A_326 = arith.constant 16 : index
            %get3A_327 = tpu.vector_load %arg5[%get3A_324, %get3A_325, %get3A_326] {strides = array<i32>} : memref<4x80x128xf32, #tpu.memory_space<vmem>>, vector<1x1x16xf32>,
            %get3A_328 = vector.shape_cast %get3A_327 : vector<1x1x16xf32> to vector<16xf32>
            %add3A_329 = arith.addf %add3A_321, %get3A_328 : vector<16xf32>
            %add3A_330 = arith.constant 7 : i32
            %add3A_331 = arith.addi %mul3A_133, %add3A_330 : i32
            %get3A_332 = arith.index_cast %rem3A_88 : i32 to index
            %get3A_333 = arith.index_cast %add3A_331 : i32 to index
            %get3A_334 = arith.constant 16 : index
            %get3A_335 = tpu.vector_load %arg5[%get3A_332, %get3A_333, %get3A_334] {strides = array<i32>} : memref<4x80x128xf32, #tpu.memory_space<vmem>>, vector<1x1x16xf32>,
            %get3A_336 = vector.shape_cast %get3A_335 : vector<1x1x16xf32> to vector<16xf32>
            %add3A_337 = arith.addf %add3A_329, %get3A_336 : vector<16xf32>
            %add3A_338 = arith.constant 8 : i32
            %add3A_339 = arith.addi %mul3A_133, %add3A_338 : i32
            %get3A_340 = arith.index_cast %rem3A_88 : i32 to index
            %get3A_341 = arith.index_cast %add3A_339 : i32 to index
            %get3A_342 = arith.constant 16 : index
            %get3A_343 = tpu.vector_load %arg5[%get3A_340, %get3A_341, %get3A_342] {strides = array<i32>} : memref<4x80x128xf32, #tpu.memory_space<vmem>>, vector<1x1x16xf32>,
            %get3A_344 = vector.shape_cast %get3A_343 : vector<1x1x16xf32> to vector<16xf32>
            %add3A_345 = arith.addf %add3A_337, %get3A_344 : vector<16xf32>
            %add3A_346 = arith.constant 9 : i32
            %add3A_347 = arith.addi %mul3A_133, %add3A_346 : i32
            %get3A_348 = arith.index_cast %rem3A_88 : i32 to index
            %get3A_349 = arith.index_cast %add3A_347 : i32 to index
            %get3A_350 = arith.constant 16 : index
            %get3A_351 = tpu.vector_load %arg5[%get3A_348, %get3A_349, %get3A_350] {strides = array<i32>} : memref<4x80x128xf32, #tpu.memory_space<vmem>>, vector<1x1x16xf32>,
            %get3A_352 = vector.shape_cast %get3A_351 : vector<1x1x16xf32> to vector<16xf32>
            %add3A_353 = arith.addf %add3A_345, %get3A_352 : vector<16xf32>
            %add3A_354 = arith.constant 10 : i32
            %add3A_355 = arith.addi %mul3A_133, %add3A_354 : i32
            %get3A_356 = arith.index_cast %rem3A_88 : i32 to index
            %get3A_357 = arith.index_cast %add3A_355 : i32 to index
            %get3A_358 = arith.constant 16 : index
            %get3A_359 = tpu.vector_load %arg5[%get3A_356, %get3A_357, %get3A_358] {strides = array<i32>} : memref<4x80x128xf32, #tpu.memory_space<vmem>>, vector<1x1x16xf32>,
            %get3A_360 = vector.shape_cast %get3A_359 : vector<1x1x16xf32> to vector<16xf32>
            %add3A_361 = arith.addf %add3A_353, %get3A_360 : vector<16xf32>
            %add3A_362 = arith.constant 11 : i32
            %add3A_363 = arith.addi %mul3A_133, %add3A_362 : i32
            %get3A_364 = arith.index_cast %rem3A_88 : i32 to index
            %get3A_365 = arith.index_cast %add3A_363 : i32 to index
            %get3A_366 = arith.constant 16 : index
            %get3A_367 = tpu.vector_load %arg5[%get3A_364, %get3A_365, %get3A_366] {strides = array<i32>} : memref<4x80x128xf32, #tpu.memory_space<vmem>>, vector<1x1x16xf32>,
            %get3A_368 = vector.shape_cast %get3A_367 : vector<1x1x16xf32> to vector<16xf32>
            %add3A_369 = arith.addf %add3A_361, %get3A_368 : vector<16xf32>
            %add3A_370 = arith.constant 12 : i32
            %add3A_371 = arith.addi %mul3A_133, %add3A_370 : i32
            %get3A_372 = arith.index_cast %rem3A_88 : i32 to index
            %get3A_373 = arith.index_cast %add3A_371 : i32 to index
            %get3A_374 = arith.constant 16 : index
            %get3A_375 = tpu.vector_load %arg5[%get3A_372, %get3A_373, %get3A_374] {strides = array<i32>} : memref<4x80x128xf32, #tpu.memory_space<vmem>>, vector<1x1x16xf32>,
            %get3A_376 = vector.shape_cast %get3A_375 : vector<1x1x16xf32> to vector<16xf32>
            %add3A_377 = arith.addf %add3A_369, %get3A_376 : vector<16xf32>
            %add3A_378 = arith.constant 13 : i32
            %add3A_379 = arith.addi %mul3A_133, %add3A_378 : i32
            %get3A_380 = arith.index_cast %rem3A_88 : i32 to index
            %get3A_381 = arith.index_cast %add3A_379 : i32 to index
            %get3A_382 = arith.constant 16 : index
            %get3A_383 = tpu.vector_load %arg5[%get3A_380, %get3A_381, %get3A_382] {strides = array<i32>} : memref<4x80x128xf32, #tpu.memory_space<vmem>>, vector<1x1x16xf32>,
            %get3A_384 = vector.shape_cast %get3A_383 : vector<1x1x16xf32> to vector<16xf32>
            %add3A_385 = arith.addf %add3A_377, %get3A_384 : vector<16xf32>
            %add3A_386 = arith.constant 14 : i32
            %add3A_387 = arith.addi %mul3A_133, %add3A_386 : i32
            %get3A_388 = arith.index_cast %rem3A_88 : i32 to index
            %get3A_389 = arith.index_cast %add3A_387 : i32 to index
            %get3A_390 = arith.constant 16 : index
            %get3A_391 = tpu.vector_load %arg5[%get3A_388, %get3A_389, %get3A_390] {strides = array<i32>} : memref<4x80x128xf32, #tpu.memory_space<vmem>>, vector<1x1x16xf32>,
            %get3A_392 = vector.shape_cast %get3A_391 : vector<1x1x16xf32> to vector<16xf32>
            %add3A_393 = arith.addf %add3A_385, %get3A_392 : vector<16xf32>
            %add3A_394 = arith.constant 15 : i32
            %add3A_395 = arith.addi %mul3A_133, %add3A_394 : i32
            %get3A_396 = arith.index_cast %rem3A_88 : i32 to index
            %get3A_397 = arith.index_cast %add3A_395 : i32 to index
            %get3A_398 = arith.constant 16 : index
            %get3A_399 = tpu.vector_load %arg5[%get3A_396, %get3A_397, %get3A_398] {strides = array<i32>} : memref<4x80x128xf32, #tpu.memory_space<vmem>>, vector<1x1x16xf32>,
            %get3A_400 = vector.shape_cast %get3A_399 : vector<1x1x16xf32> to vector<16xf32>
            %add3A_401 = arith.addf %add3A_393, %get3A_400 : vector<16xf32>
            %swap3A_402 = arith.index_cast %squeeze3A : i32 to index
            %swap3A_403 = arith.constant 16 : index
            %swap3A_404 = tpu.vector_load %arg7[%swap3A_402, %swap3A_403] {strides = array<i32>} : memref<512x128xf32, #tpu.memory_space<vmem>>, vector<1x16xf32>,
            %swap3A_405 = vector.shape_cast %swap3A_404 : vector<1x16xf32> to vector<16xf32>
            %swap3A_406 = vector.shape_cast %add3A_401 : vector<16xf32> to vector<1x16xf32>
            tpu.vector_store %arg7[%swap3A_402, %swap3A_403], %swap3A_406 {add = true, strides = array<i32>} : memref<512x128xf32, #tpu.memory_space<vmem>>, vector<1x16xf32>,
            %get3A_407 = arith.index_cast %rem3A_88 : i32 to index
            %get3A_408 = arith.index_cast %mul3A_133 : i32 to index
            %get3A_409 = arith.constant 32 : index
            %get3A_410 = tpu.vector_load %arg5[%get3A_407, %get3A_408, %get3A_409] {strides = array<i32>} : memref<4x80x128xf32, #tpu.memory_space<vmem>>, vector<1x1x16xf32>,
            %get3A_411 = vector.shape_cast %get3A_410 : vector<1x1x16xf32> to vector<16xf32>
            %add3A_412 = arith.constant 1 : i32
            %add3A_413 = arith.addi %mul3A_133, %add3A_412 : i32
            %get3A_414 = arith.index_cast %rem3A_88 : i32 to index
            %get3A_415 = arith.index_cast %add3A_413 : i32 to index
            %get3A_416 = arith.constant 32 : index
            %get3A_417 = tpu.vector_load %arg5[%get3A_414, %get3A_415, %get3A_416] {strides = array<i32>} : memref<4x80x128xf32, #tpu.memory_space<vmem>>, vector<1x1x16xf32>,
            %get3A_418 = vector.shape_cast %get3A_417 : vector<1x1x16xf32> to vector<16xf32>
            %add3A_419 = arith.addf %get3A_411, %get3A_418 : vector<16xf32>
            %add3A_420 = arith.constant 2 : i32
            %add3A_421 = arith.addi %mul3A_133, %add3A_420 : i32
            %get3A_422 = arith.index_cast %rem3A_88 : i32 to index
            %get3A_423 = arith.index_cast %add3A_421 : i32 to index
            %get3A_424 = arith.constant 32 : index
            %get3A_425 = tpu.vector_load %arg5[%get3A_422, %get3A_423, %get3A_424] {strides = array<i32>} : memref<4x80x128xf32, #tpu.memory_space<vmem>>, vector<1x1x16xf32>,
            %get3A_426 = vector.shape_cast %get3A_425 : vector<1x1x16xf32> to vector<16xf32>
            %add3A_427 = arith.addf %add3A_419, %get3A_426 : vector<16xf32>
            %add3A_428 = arith.constant 3 : i32
            %add3A_429 = arith.addi %mul3A_133, %add3A_428 : i32
            %get3A_430 = arith.index_cast %rem3A_88 : i32 to index
            %get3A_431 = arith.index_cast %add3A_429 : i32 to index
            %get3A_432 = arith.constant 32 : index
            %get3A_433 = tpu.vector_load %arg5[%get3A_430, %get3A_431, %get3A_432] {strides = array<i32>} : memref<4x80x128xf32, #tpu.memory_space<vmem>>, vector<1x1x16xf32>,
            %get3A_434 = vector.shape_cast %get3A_433 : vector<1x1x16xf32> to vector<16xf32>
            %add3A_435 = arith.addf %add3A_427, %get3A_434 : vector<16xf32>
            %add3A_436 = arith.constant 4 : i32
            %add3A_437 = arith.addi %mul3A_133, %add3A_436 : i32
            %get3A_438 = arith.index_cast %rem3A_88 : i32 to index
            %get3A_439 = arith.index_cast %add3A_437 : i32 to index
            %get3A_440 = arith.constant 32 : index
            %get3A_441 = tpu.vector_load %arg5[%get3A_438, %get3A_439, %get3A_440] {strides = array<i32>} : memref<4x80x128xf32, #tpu.memory_space<vmem>>, vector<1x1x16xf32>,
            %get3A_442 = vector.shape_cast %get3A_441 : vector<1x1x16xf32> to vector<16xf32>
            %add3A_443 = arith.addf %add3A_435, %get3A_442 : vector<16xf32>
            %add3A_444 = arith.constant 5 : i32
            %add3A_445 = arith.addi %mul3A_133, %add3A_444 : i32
            %get3A_446 = arith.index_cast %rem3A_88 : i32 to index
            %get3A_447 = arith.index_cast %add3A_445 : i32 to index
            %get3A_448 = arith.constant 32 : index
            %get3A_449 = tpu.vector_load %arg5[%get3A_446, %get3A_447, %get3A_448] {strides = array<i32>} : memref<4x80x128xf32, #tpu.memory_space<vmem>>, vector<1x1x16xf32>,
            %get3A_450 = vector.shape_cast %get3A_449 : vector<1x1x16xf32> to vector<16xf32>
            %add3A_451 = arith.addf %add3A_443, %get3A_450 : vector<16xf32>
            %add3A_452 = arith.constant 6 : i32
            %add3A_453 = arith.addi %mul3A_133, %add3A_452 : i32
            %get3A_454 = arith.index_cast %rem3A_88 : i32 to index
            %get3A_455 = arith.index_cast %add3A_453 : i32 to index
            %get3A_456 = arith.constant 32 : index
            %get3A_457 = tpu.vector_load %arg5[%get3A_454, %get3A_455, %get3A_456] {strides = array<i32>} : memref<4x80x128xf32, #tpu.memory_space<vmem>>, vector<1x1x16xf32>,
            %get3A_458 = vector.shape_cast %get3A_457 : vector<1x1x16xf32> to vector<16xf32>
            %add3A_459 = arith.addf %add3A_451, %get3A_458 : vector<16xf32>
            %add3A_460 = arith.constant 7 : i32
            %add3A_461 = arith.addi %mul3A_133, %add3A_460 : i32
            %get3A_462 = arith.index_cast %rem3A_88 : i32 to index
            %get3A_463 = arith.index_cast %add3A_461 : i32 to index
            %get3A_464 = arith.constant 32 : index
            %get3A_465 = tpu.vector_load %arg5[%get3A_462, %get3A_463, %get3A_464] {strides = array<i32>} : memref<4x80x128xf32, #tpu.memory_space<vmem>>, vector<1x1x16xf32>,
            %get3A_466 = vector.shape_cast %get3A_465 : vector<1x1x16xf32> to vector<16xf32>
            %add3A_467 = arith.addf %add3A_459, %get3A_466 : vector<16xf32>
            %add3A_468 = arith.constant 8 : i32
            %add3A_469 = arith.addi %mul3A_133, %add3A_468 : i32
            %get3A_470 = arith.index_cast %rem3A_88 : i32 to index
            %get3A_471 = arith.index_cast %add3A_469 : i32 to index
            %get3A_472 = arith.constant 32 : index
            %get3A_473 = tpu.vector_load %arg5[%get3A_470, %get3A_471, %get3A_472] {strides = array<i32>} : memref<4x80x128xf32, #tpu.memory_space<vmem>>, vector<1x1x16xf32>,
            %get3A_474 = vector.shape_cast %get3A_473 : vector<1x1x16xf32> to vector<16xf32>
            %add3A_475 = arith.addf %add3A_467, %get3A_474 : vector<16xf32>
            %add3A_476 = arith.constant 9 : i32
            %add3A_477 = arith.addi %mul3A_133, %add3A_476 : i32
            %get3A_478 = arith.index_cast %rem3A_88 : i32 to index
            %get3A_479 = arith.index_cast %add3A_477 : i32 to index
            %get3A_480 = arith.constant 32 : index
            %get3A_481 = tpu.vector_load %arg5[%get3A_478, %get3A_479, %get3A_480] {strides = array<i32>} : memref<4x80x128xf32, #tpu.memory_space<vmem>>, vector<1x1x16xf32>,
            %get3A_482 = vector.shape_cast %get3A_481 : vector<1x1x16xf32> to vector<16xf32>
            %add3A_483 = arith.addf %add3A_475, %get3A_482 : vector<16xf32>
            %add3A_484 = arith.constant 10 : i32
            %add3A_485 = arith.addi %mul3A_133, %add3A_484 : i32
            %get3A_486 = arith.index_cast %rem3A_88 : i32 to index
            %get3A_487 = arith.index_cast %add3A_485 : i32 to index
            %get3A_488 = arith.constant 32 : index
            %get3A_489 = tpu.vector_load %arg5[%get3A_486, %get3A_487, %get3A_488] {strides = array<i32>} : memref<4x80x128xf32, #tpu.memory_space<vmem>>, vector<1x1x16xf32>,
            %get3A_490 = vector.shape_cast %get3A_489 : vector<1x1x16xf32> to vector<16xf32>
            %add3A_491 = arith.addf %add3A_483, %get3A_490 : vector<16xf32>
            %add3A_492 = arith.constant 11 : i32
            %add3A_493 = arith.addi %mul3A_133, %add3A_492 : i32
            %get3A_494 = arith.index_cast %rem3A_88 : i32 to index
            %get3A_495 = arith.index_cast %add3A_493 : i32 to index
            %get3A_496 = arith.constant 32 : index
            %get3A_497 = tpu.vector_load %arg5[%get3A_494, %get3A_495, %get3A_496] {strides = array<i32>} : memref<4x80x128xf32, #tpu.memory_space<vmem>>, vector<1x1x16xf32>,
            %get3A_498 = vector.shape_cast %get3A_497 : vector<1x1x16xf32> to vector<16xf32>
            %add3A_499 = arith.addf %add3A_491, %get3A_498 : vector<16xf32>
            %add3A_500 = arith.constant 12 : i32
            %add3A_501 = arith.addi %mul3A_133, %add3A_500 : i32
            %get3A_502 = arith.index_cast %rem3A_88 : i32 to index
            %get3A_503 = arith.index_cast %add3A_501 : i32 to index
            %get3A_504 = arith.constant 32 : index
            %get3A_505 = tpu.vector_load %arg5[%get3A_502, %get3A_503, %get3A_504] {strides = array<i32>} : memref<4x80x128xf32, #tpu.memory_space<vmem>>, vector<1x1x16xf32>,
            %get3A_506 = vector.shape_cast %get3A_505 : vector<1x1x16xf32> to vector<16xf32>
            %add3A_507 = arith.addf %add3A_499, %get3A_506 : vector<16xf32>
            %add3A_508 = arith.constant 13 : i32
            %add3A_509 = arith.addi %mul3A_133, %add3A_508 : i32
            %get3A_510 = arith.index_cast %rem3A_88 : i32 to index
            %get3A_511 = arith.index_cast %add3A_509 : i32 to index
            %get3A_512 = arith.constant 32 : index
            %get3A_513 = tpu.vector_load %arg5[%get3A_510, %get3A_511, %get3A_512] {strides = array<i32>} : memref<4x80x128xf32, #tpu.memory_space<vmem>>, vector<1x1x16xf32>,
            %get3A_514 = vector.shape_cast %get3A_513 : vector<1x1x16xf32> to vector<16xf32>
            %add3A_515 = arith.addf %add3A_507, %get3A_514 : vector<16xf32>
            %add3A_516 = arith.constant 14 : i32
            %add3A_517 = arith.addi %mul3A_133, %add3A_516 : i32
            %get3A_518 = arith.index_cast %rem3A_88 : i32 to index
            %get3A_519 = arith.index_cast %add3A_517 : i32 to index
            %get3A_520 = arith.constant 32 : index
            %get3A_521 = tpu.vector_load %arg5[%get3A_518, %get3A_519, %get3A_520] {strides = array<i32>} : memref<4x80x128xf32, #tpu.memory_space<vmem>>, vector<1x1x16xf32>,
            %get3A_522 = vector.shape_cast %get3A_521 : vector<1x1x16xf32> to vector<16xf32>
            %add3A_523 = arith.addf %add3A_515, %get3A_522 : vector<16xf32>
            %add3A_524 = arith.constant 15 : i32
            %add3A_525 = arith.addi %mul3A_133, %add3A_524 : i32
            %get3A_526 = arith.index_cast %rem3A_88 : i32 to index
            %get3A_527 = arith.index_cast %add3A_525 : i32 to index
            %get3A_528 = arith.constant 32 : index
            %get3A_529 = tpu.vector_load %arg5[%get3A_526, %get3A_527, %get3A_528] {strides = array<i32>} : memref<4x80x128xf32, #tpu.memory_space<vmem>>, vector<1x1x16xf32>,
            %get3A_530 = vector.shape_cast %get3A_529 : vector<1x1x16xf32> to vector<16xf32>
            %add3A_531 = arith.addf %add3A_523, %get3A_530 : vector<16xf32>
            %swap3A_532 = arith.index_cast %squeeze3A : i32 to index
            %swap3A_533 = arith.constant 32 : index
            %swap3A_534 = tpu.vector_load %arg7[%swap3A_532, %swap3A_533] {strides = array<i32>} : memref<512x128xf32, #tpu.memory_space<vmem>>, vector<1x16xf32>,
            %swap3A_535 = vector.shape_cast %swap3A_534 : vector<1x16xf32> to vector<16xf32>
            %swap3A_536 = vector.shape_cast %add3A_531 : vector<16xf32> to vector<1x16xf32>
            tpu.vector_store %arg7[%swap3A_532, %swap3A_533], %swap3A_536 {add = true, strides = array<i32>} : memref<512x128xf32, #tpu.memory_space<vmem>>, vector<1x16xf32>,
            %get3A_537 = arith.index_cast %rem3A_88 : i32 to index
            %get3A_538 = arith.index_cast %mul3A_133 : i32 to index
            %get3A_539 = arith.constant 48 : index
            %get3A_540 = tpu.vector_load %arg5[%get3A_537, %get3A_538, %get3A_539] {strides = array<i32>} : memref<4x80x128xf32, #tpu.memory_space<vmem>>, vector<1x1x16xf32>,
            %get3A_541 = vector.shape_cast %get3A_540 : vector<1x1x16xf32> to vector<16xf32>
            %add3A_542 = arith.constant 1 : i32
            %add3A_543 = arith.addi %mul3A_133, %add3A_542 : i32
            %get3A_544 = arith.index_cast %rem3A_88 : i32 to index
            %get3A_545 = arith.index_cast %add3A_543 : i32 to index
            %get3A_546 = arith.constant 48 : index
            %get3A_547 = tpu.vector_load %arg5[%get3A_544, %get3A_545, %get3A_546] {strides = array<i32>} : memref<4x80x128xf32, #tpu.memory_space<vmem>>, vector<1x1x16xf32>,
            %get3A_548 = vector.shape_cast %get3A_547 : vector<1x1x16xf32> to vector<16xf32>
            %add3A_549 = arith.addf %get3A_541, %get3A_548 : vector<16xf32>
            %add3A_550 = arith.constant 2 : i32
            %add3A_551 = arith.addi %mul3A_133, %add3A_550 : i32
            %get3A_552 = arith.index_cast %rem3A_88 : i32 to index
            %get3A_553 = arith.index_cast %add3A_551 : i32 to index
            %get3A_554 = arith.constant 48 : index
            %get3A_555 = tpu.vector_load %arg5[%get3A_552, %get3A_553, %get3A_554] {strides = array<i32>} : memref<4x80x128xf32, #tpu.memory_space<vmem>>, vector<1x1x16xf32>,
            %get3A_556 = vector.shape_cast %get3A_555 : vector<1x1x16xf32> to vector<16xf32>
            %add3A_557 = arith.addf %add3A_549, %get3A_556 : vector<16xf32>
            %add3A_558 = arith.constant 3 : i32
            %add3A_559 = arith.addi %mul3A_133, %add3A_558 : i32
            %get3A_560 = arith.index_cast %rem3A_88 : i32 to index
            %get3A_561 = arith.index_cast %add3A_559 : i32 to index
            %get3A_562 = arith.constant 48 : index
            %get3A_563 = tpu.vector_load %arg5[%get3A_560, %get3A_561, %get3A_562] {strides = array<i32>} : memref<4x80x128xf32, #tpu.memory_space<vmem>>, vector<1x1x16xf32>,
            %get3A_564 = vector.shape_cast %get3A_563 : vector<1x1x16xf32> to vector<16xf32>
            %add3A_565 = arith.addf %add3A_557, %get3A_564 : vector<16xf32>
            %add3A_566 = arith.constant 4 : i32
            %add3A_567 = arith.addi %mul3A_133, %add3A_566 : i32
            %get3A_568 = arith.index_cast %rem3A_88 : i32 to index
            %get3A_569 = arith.index_cast %add3A_567 : i32 to index
            %get3A_570 = arith.constant 48 : index
            %get3A_571 = tpu.vector_load %arg5[%get3A_568, %get3A_569, %get3A_570] {strides = array<i32>} : memref<4x80x128xf32, #tpu.memory_space<vmem>>, vector<1x1x16xf32>,
            %get3A_572 = vector.shape_cast %get3A_571 : vector<1x1x16xf32> to vector<16xf32>
            %add3A_573 = arith.addf %add3A_565, %get3A_572 : vector<16xf32>
            %add3A_574 = arith.constant 5 : i32
            %add3A_575 = arith.addi %mul3A_133, %add3A_574 : i32
            %get3A_576 = arith.index_cast %rem3A_88 : i32 to index
            %get3A_577 = arith.index_cast %add3A_575 : i32 to index
            %get3A_578 = arith.constant 48 : index
            %get3A_579 = tpu.vector_load %arg5[%get3A_576, %get3A_577, %get3A_578] {strides = array<i32>} : memref<4x80x128xf32, #tpu.memory_space<vmem>>, vector<1x1x16xf32>,
            %get3A_580 = vector.shape_cast %get3A_579 : vector<1x1x16xf32> to vector<16xf32>
            %add3A_581 = arith.addf %add3A_573, %get3A_580 : vector<16xf32>
            %add3A_582 = arith.constant 6 : i32
            %add3A_583 = arith.addi %mul3A_133, %add3A_582 : i32
            %get3A_584 = arith.index_cast %rem3A_88 : i32 to index
            %get3A_585 = arith.index_cast %add3A_583 : i32 to index
            %get3A_586 = arith.constant 48 : index
            %get3A_587 = tpu.vector_load %arg5[%get3A_584, %get3A_585, %get3A_586] {strides = array<i32>} : memref<4x80x128xf32, #tpu.memory_space<vmem>>, vector<1x1x16xf32>,
            %get3A_588 = vector.shape_cast %get3A_587 : vector<1x1x16xf32> to vector<16xf32>
            %add3A_589 = arith.addf %add3A_581, %get3A_588 : vector<16xf32>
            %add3A_590 = arith.constant 7 : i32
            %add3A_591 = arith.addi %mul3A_133, %add3A_590 : i32
            %get3A_592 = arith.index_cast %rem3A_88 : i32 to index
            %get3A_593 = arith.index_cast %add3A_591 : i32 to index
            %get3A_594 = arith.constant 48 : index
            %get3A_595 = tpu.vector_load %arg5[%get3A_592, %get3A_593, %get3A_594] {strides = array<i32>} : memref<4x80x128xf32, #tpu.memory_space<vmem>>, vector<1x1x16xf32>,
            %get3A_596 = vector.shape_cast %get3A_595 : vector<1x1x16xf32> to vector<16xf32>
            %add3A_597 = arith.addf %add3A_589, %get3A_596 : vector<16xf32>
            %add3A_598 = arith.constant 8 : i32
            %add3A_599 = arith.addi %mul3A_133, %add3A_598 : i32
            %get3A_600 = arith.index_cast %rem3A_88 : i32 to index
            %get3A_601 = arith.index_cast %add3A_599 : i32 to index
            %get3A_602 = arith.constant 48 : index
            %get3A_603 = tpu.vector_load %arg5[%get3A_600, %get3A_601, %get3A_602] {strides = array<i32>} : memref<4x80x128xf32, #tpu.memory_space<vmem>>, vector<1x1x16xf32>,
            %get3A_604 = vector.shape_cast %get3A_603 : vector<1x1x16xf32> to vector<16xf32>
            %add3A_605 = arith.addf %add3A_597, %get3A_604 : vector<16xf32>
            %add3A_606 = arith.constant 9 : i32
            %add3A_607 = arith.addi %mul3A_133, %add3A_606 : i32
            %get3A_608 = arith.index_cast %rem3A_88 : i32 to index
            %get3A_609 = arith.index_cast %add3A_607 : i32 to index
            %get3A_610 = arith.constant 48 : index
            %get3A_611 = tpu.vector_load %arg5[%get3A_608, %get3A_609, %get3A_610] {strides = array<i32>} : memref<4x80x128xf32, #tpu.memory_space<vmem>>, vector<1x1x16xf32>,
            %get3A_612 = vector.shape_cast %get3A_611 : vector<1x1x16xf32> to vector<16xf32>
            %add3A_613 = arith.addf %add3A_605, %get3A_612 : vector<16xf32>
            %add3A_614 = arith.constant 10 : i32
            %add3A_615 = arith.addi %mul3A_133, %add3A_614 : i32
            %get3A_616 = arith.index_cast %rem3A_88 : i32 to index
            %get3A_617 = arith.index_cast %add3A_615 : i32 to index
            %get3A_618 = arith.constant 48 : index
            %get3A_619 = tpu.vector_load %arg5[%get3A_616, %get3A_617, %get3A_618] {strides = array<i32>} : memref<4x80x128xf32, #tpu.memory_space<vmem>>, vector<1x1x16xf32>,
            %get3A_620 = vector.shape_cast %get3A_619 : vector<1x1x16xf32> to vector<16xf32>
            %add3A_621 = arith.addf %add3A_613, %get3A_620 : vector<16xf32>
            %add3A_622 = arith.constant 11 : i32
            %add3A_623 = arith.addi %mul3A_133, %add3A_622 : i32
            %get3A_624 = arith.index_cast %rem3A_88 : i32 to index
            %get3A_625 = arith.index_cast %add3A_623 : i32 to index
            %get3A_626 = arith.constant 48 : index
            %get3A_627 = tpu.vector_load %arg5[%get3A_624, %get3A_625, %get3A_626] {strides = array<i32>} : memref<4x80x128xf32, #tpu.memory_space<vmem>>, vector<1x1x16xf32>,
            %get3A_628 = vector.shape_cast %get3A_627 : vector<1x1x16xf32> to vector<16xf32>
            %add3A_629 = arith.addf %add3A_621, %get3A_628 : vector<16xf32>
            %add3A_630 = arith.constant 12 : i32
            %add3A_631 = arith.addi %mul3A_133, %add3A_630 : i32
            %get3A_632 = arith.index_cast %rem3A_88 : i32 to index
            %get3A_633 = arith.index_cast %add3A_631 : i32 to index
            %get3A_634 = arith.constant 48 : index
            %get3A_635 = tpu.vector_load %arg5[%get3A_632, %get3A_633, %get3A_634] {strides = array<i32>} : memref<4x80x128xf32, #tpu.memory_space<vmem>>, vector<1x1x16xf32>,
            %get3A_636 = vector.shape_cast %get3A_635 : vector<1x1x16xf32> to vector<16xf32>
            %add3A_637 = arith.addf %add3A_629, %get3A_636 : vector<16xf32>
            %add3A_638 = arith.constant 13 : i32
            %add3A_639 = arith.addi %mul3A_133, %add3A_638 : i32
            %get3A_640 = arith.index_cast %rem3A_88 : i32 to index
            %get3A_641 = arith.index_cast %add3A_639 : i32 to index
            %get3A_642 = arith.constant 48 : index
            %get3A_643 = tpu.vector_load %arg5[%get3A_640, %get3A_641, %get3A_642] {strides = array<i32>} : memref<4x80x128xf32, #tpu.memory_space<vmem>>, vector<1x1x16xf32>,
            %get3A_644 = vector.shape_cast %get3A_643 : vector<1x1x16xf32> to vector<16xf32>
            %add3A_645 = arith.addf %add3A_637, %get3A_644 : vector<16xf32>
            %add3A_646 = arith.constant 14 : i32
            %add3A_647 = arith.addi %mul3A_133, %add3A_646 : i32
            %get3A_648 = arith.index_cast %rem3A_88 : i32 to index
            %get3A_649 = arith.index_cast %add3A_647 : i32 to index
            %get3A_650 = arith.constant 48 : index
            %get3A_651 = tpu.vector_load %arg5[%get3A_648, %get3A_649, %get3A_650] {strides = array<i32>} : memref<4x80x128xf32, #tpu.memory_space<vmem>>, vector<1x1x16xf32>,
            %get3A_652 = vector.shape_cast %get3A_651 : vector<1x1x16xf32> to vector<16xf32>
            %add3A_653 = arith.addf %add3A_645, %get3A_652 : vector<16xf32>
            %add3A_654 = arith.constant 15 : i32
            %add3A_655 = arith.addi %mul3A_133, %add3A_654 : i32
            %get3A_656 = arith.index_cast %rem3A_88 : i32 to index
            %get3A_657 = arith.index_cast %add3A_655 : i32 to index
            %get3A_658 = arith.constant 48 : index
            %get3A_659 = tpu.vector_load %arg5[%get3A_656, %get3A_657, %get3A_658] {strides = array<i32>} : memref<4x80x128xf32, #tpu.memory_space<vmem>>, vector<1x1x16xf32>,
            %get3A_660 = vector.shape_cast %get3A_659 : vector<1x1x16xf32> to vector<16xf32>
            %add3A_661 = arith.addf %add3A_653, %get3A_660 : vector<16xf32>
            %swap3A_662 = arith.index_cast %squeeze3A : i32 to index
            %swap3A_663 = arith.constant 48 : index
            %swap3A_664 = tpu.vector_load %arg7[%swap3A_662, %swap3A_663] {strides = array<i32>} : memref<512x128xf32, #tpu.memory_space<vmem>>, vector<1x16xf32>,
            %swap3A_665 = vector.shape_cast %swap3A_664 : vector<1x16xf32> to vector<16xf32>
            %swap3A_666 = vector.shape_cast %add3A_661 : vector<16xf32> to vector<1x16xf32>
            tpu.vector_store %arg7[%swap3A_662, %swap3A_663], %swap3A_666 {add = true, strides = array<i32>} : memref<512x128xf32, #tpu.memory_space<vmem>>, vector<1x16xf32>,
            %get3A_667 = arith.index_cast %rem3A_88 : i32 to index
            %get3A_668 = arith.index_cast %mul3A_133 : i32 to index
            %get3A_669 = arith.constant 64 : index
            %get3A_670 = tpu.vector_load %arg5[%get3A_667, %get3A_668, %get3A_669] {strides = array<i32>} : memref<4x80x128xf32, #tpu.memory_space<vmem>>, vector<1x1x16xf32>,
            %get3A_671 = vector.shape_cast %get3A_670 : vector<1x1x16xf32> to vector<16xf32>
            %add3A_672 = arith.constant 1 : i32
            %add3A_673 = arith.addi %mul3A_133, %add3A_672 : i32
            %get3A_674 = arith.index_cast %rem3A_88 : i32 to index
            %get3A_675 = arith.index_cast %add3A_673 : i32 to index
            %get3A_676 = arith.constant 64 : index
            %get3A_677 = tpu.vector_load %arg5[%get3A_674, %get3A_675, %get3A_676] {strides = array<i32>} : memref<4x80x128xf32, #tpu.memory_space<vmem>>, vector<1x1x16xf32>,
            %get3A_678 = vector.shape_cast %get3A_677 : vector<1x1x16xf32> to vector<16xf32>
            %add3A_679 = arith.addf %get3A_671, %get3A_678 : vector<16xf32>
            %add3A_680 = arith.constant 2 : i32
            %add3A_681 = arith.addi %mul3A_133, %add3A_680 : i32
            %get3A_682 = arith.index_cast %rem3A_88 : i32 to index
            %get3A_683 = arith.index_cast %add3A_681 : i32 to index
            %get3A_684 = arith.constant 64 : index
            %get3A_685 = tpu.vector_load %arg5[%get3A_682, %get3A_683, %get3A_684] {strides = array<i32>} : memref<4x80x128xf32, #tpu.memory_space<vmem>>, vector<1x1x16xf32>,
            %get3A_686 = vector.shape_cast %get3A_685 : vector<1x1x16xf32> to vector<16xf32>
            %add3A_687 = arith.addf %add3A_679, %get3A_686 : vector<16xf32>
            %add3A_688 = arith.constant 3 : i32
            %add3A_689 = arith.addi %mul3A_133, %add3A_688 : i32
            %get3A_690 = arith.index_cast %rem3A_88 : i32 to index
            %get3A_691 = arith.index_cast %add3A_689 : i32 to index
            %get3A_692 = arith.constant 64 : index
            %get3A_693 = tpu.vector_load %arg5[%get3A_690, %get3A_691, %get3A_692] {strides = array<i32>} : memref<4x80x128xf32, #tpu.memory_space<vmem>>, vector<1x1x16xf32>,
            %get3A_694 = vector.shape_cast %get3A_693 : vector<1x1x16xf32> to vector<16xf32>
            %add3A_695 = arith.addf %add3A_687, %get3A_694 : vector<16xf32>
            %add3A_696 = arith.constant 4 : i32
            %add3A_697 = arith.addi %mul3A_133, %add3A_696 : i32
            %get3A_698 = arith.index_cast %rem3A_88 : i32 to index
            %get3A_699 = arith.index_cast %add3A_697 : i32 to index
            %get3A_700 = arith.constant 64 : index
            %get3A_701 = tpu.vector_load %arg5[%get3A_698, %get3A_699, %get3A_700] {strides = array<i32>} : memref<4x80x128xf32, #tpu.memory_space<vmem>>, vector<1x1x16xf32>,
            %get3A_702 = vector.shape_cast %get3A_701 : vector<1x1x16xf32> to vector<16xf32>
            %add3A_703 = arith.addf %add3A_695, %get3A_702 : vector<16xf32>
            %add3A_704 = arith.constant 5 : i32
            %add3A_705 = arith.addi %mul3A_133, %add3A_704 : i32
            %get3A_706 = arith.index_cast %rem3A_88 : i32 to index
            %get3A_707 = arith.index_cast %add3A_705 : i32 to index
            %get3A_708 = arith.constant 64 : index
            %get3A_709 = tpu.vector_load %arg5[%get3A_706, %get3A_707, %get3A_708] {strides = array<i32>} : memref<4x80x128xf32, #tpu.memory_space<vmem>>, vector<1x1x16xf32>,
            %get3A_710 = vector.shape_cast %get3A_709 : vector<1x1x16xf32> to vector<16xf32>
            %add3A_711 = arith.addf %add3A_703, %get3A_710 : vector<16xf32>
            %add3A_712 = arith.constant 6 : i32
            %add3A_713 = arith.addi %mul3A_133, %add3A_712 : i32
            %get3A_714 = arith.index_cast %rem3A_88 : i32 to index
            %get3A_715 = arith.index_cast %add3A_713 : i32 to index
            %get3A_716 = arith.constant 64 : index
            %get3A_717 = tpu.vector_load %arg5[%get3A_714, %get3A_715, %get3A_716] {strides = array<i32>} : memref<4x80x128xf32, #tpu.memory_space<vmem>>, vector<1x1x16xf32>,
            %get3A_718 = vector.shape_cast %get3A_717 : vector<1x1x16xf32> to vector<16xf32>
            %add3A_719 = arith.addf %add3A_711, %get3A_718 : vector<16xf32>
            %add3A_720 = arith.constant 7 : i32
            %add3A_721 = arith.addi %mul3A_133, %add3A_720 : i32
            %get3A_722 = arith.index_cast %rem3A_88 : i32 to index
            %get3A_723 = arith.index_cast %add3A_721 : i32 to index
            %get3A_724 = arith.constant 64 : index
            %get3A_725 = tpu.vector_load %arg5[%get3A_722, %get3A_723, %get3A_724] {strides = array<i32>} : memref<4x80x128xf32, #tpu.memory_space<vmem>>, vector<1x1x16xf32>,
            %get3A_726 = vector.shape_cast %get3A_725 : vector<1x1x16xf32> to vector<16xf32>
            %add3A_727 = arith.addf %add3A_719, %get3A_726 : vector<16xf32>
            %add3A_728 = arith.constant 8 : i32
            %add3A_729 = arith.addi %mul3A_133, %add3A_728 : i32
            %get3A_730 = arith.index_cast %rem3A_88 : i32 to index
            %get3A_731 = arith.index_cast %add3A_729 : i32 to index
            %get3A_732 = arith.constant 64 : index
            %get3A_733 = tpu.vector_load %arg5[%get3A_730, %get3A_731, %get3A_732] {strides = array<i32>} : memref<4x80x128xf32, #tpu.memory_space<vmem>>, vector<1x1x16xf32>,
            %get3A_734 = vector.shape_cast %get3A_733 : vector<1x1x16xf32> to vector<16xf32>
            %add3A_735 = arith.addf %add3A_727, %get3A_734 : vector<16xf32>
            %add3A_736 = arith.constant 9 : i32
            %add3A_737 = arith.addi %mul3A_133, %add3A_736 : i32
            %get3A_738 = arith.index_cast %rem3A_88 : i32 to index
            %get3A_739 = arith.index_cast %add3A_737 : i32 to index
            %get3A_740 = arith.constant 64 : index
            %get3A_741 = tpu.vector_load %arg5[%get3A_738, %get3A_739, %get3A_740] {strides = array<i32>} : memref<4x80x128xf32, #tpu.memory_space<vmem>>, vector<1x1x16xf32>,
            %get3A_742 = vector.shape_cast %get3A_741 : vector<1x1x16xf32> to vector<16xf32>
            %add3A_743 = arith.addf %add3A_735, %get3A_742 : vector<16xf32>
            %add3A_744 = arith.constant 10 : i32
            %add3A_745 = arith.addi %mul3A_133, %add3A_744 : i32
            %get3A_746 = arith.index_cast %rem3A_88 : i32 to index
            %get3A_747 = arith.index_cast %add3A_745 : i32 to index
            %get3A_748 = arith.constant 64 : index
            %get3A_749 = tpu.vector_load %arg5[%get3A_746, %get3A_747, %get3A_748] {strides = array<i32>} : memref<4x80x128xf32, #tpu.memory_space<vmem>>, vector<1x1x16xf32>,
            %get3A_750 = vector.shape_cast %get3A_749 : vector<1x1x16xf32> to vector<16xf32>
            %add3A_751 = arith.addf %add3A_743, %get3A_750 : vector<16xf32>
            %add3A_752 = arith.constant 11 : i32
            %add3A_753 = arith.addi %mul3A_133, %add3A_752 : i32
            %get3A_754 = arith.index_cast %rem3A_88 : i32 to index
            %get3A_755 = arith.index_cast %add3A_753 : i32 to index
            %get3A_756 = arith.constant 64 : index
            %get3A_757 = tpu.vector_load %arg5[%get3A_754, %get3A_755, %get3A_756] {strides = array<i32>} : memref<4x80x128xf32, #tpu.memory_space<vmem>>, vector<1x1x16xf32>,
            %get3A_758 = vector.shape_cast %get3A_757 : vector<1x1x16xf32> to vector<16xf32>
            %add3A_759 = arith.addf %add3A_751, %get3A_758 : vector<16xf32>
            %add3A_760 = arith.constant 12 : i32
            %add3A_761 = arith.addi %mul3A_133, %add3A_760 : i32
            %get3A_762 = arith.index_cast %rem3A_88 : i32 to index
            %get3A_763 = arith.index_cast %add3A_761 : i32 to index
            %get3A_764 = arith.constant 64 : index
            %get3A_765 = tpu.vector_load %arg5[%get3A_762, %get3A_763, %get3A_764] {strides = array<i32>} : memref<4x80x128xf32, #tpu.memory_space<vmem>>, vector<1x1x16xf32>,
            %get3A_766 = vector.shape_cast %get3A_765 : vector<1x1x16xf32> to vector<16xf32>
            %add3A_767 = arith.addf %add3A_759, %get3A_766 : vector<16xf32>
            %add3A_768 = arith.constant 13 : i32
            %add3A_769 = arith.addi %mul3A_133, %add3A_768 : i32
            %get3A_770 = arith.index_cast %rem3A_88 : i32 to index
            %get3A_771 = arith.index_cast %add3A_769 : i32 to index
            %get3A_772 = arith.constant 64 : index
            %get3A_773 = tpu.vector_load %arg5[%get3A_770, %get3A_771, %get3A_772] {strides = array<i32>} : memref<4x80x128xf32, #tpu.memory_space<vmem>>, vector<1x1x16xf32>,
            %get3A_774 = vector.shape_cast %get3A_773 : vector<1x1x16xf32> to vector<16xf32>
            %add3A_775 = arith.addf %add3A_767, %get3A_774 : vector<16xf32>
            %add3A_776 = arith.constant 14 : i32
            %add3A_777 = arith.addi %mul3A_133, %add3A_776 : i32
            %get3A_778 = arith.index_cast %rem3A_88 : i32 to index
            %get3A_779 = arith.index_cast %add3A_777 : i32 to index
            %get3A_780 = arith.constant 64 : index
            %get3A_781 = tpu.vector_load %arg5[%get3A_778, %get3A_779, %get3A_780] {strides = array<i32>} : memref<4x80x128xf32, #tpu.memory_space<vmem>>, vector<1x1x16xf32>,
            %get3A_782 = vector.shape_cast %get3A_781 : vector<1x1x16xf32> to vector<16xf32>
            %add3A_783 = arith.addf %add3A_775, %get3A_782 : vector<16xf32>
            %add3A_784 = arith.constant 15 : i32
            %add3A_785 = arith.addi %mul3A_133, %add3A_784 : i32
            %get3A_786 = arith.index_cast %rem3A_88 : i32 to index
            %get3A_787 = arith.index_cast %add3A_785 : i32 to index
            %get3A_788 = arith.constant 64 : index
            %get3A_789 = tpu.vector_load %arg5[%get3A_786, %get3A_787, %get3A_788] {strides = array<i32>} : memref<4x80x128xf32, #tpu.memory_space<vmem>>, vector<1x1x16xf32>,
            %get3A_790 = vector.shape_cast %get3A_789 : vector<1x1x16xf32> to vector<16xf32>
            %add3A_791 = arith.addf %add3A_783, %get3A_790 : vector<16xf32>
            %swap3A_792 = arith.index_cast %squeeze3A : i32 to index
            %swap3A_793 = arith.constant 64 : index
            %swap3A_794 = tpu.vector_load %arg7[%swap3A_792, %swap3A_793] {strides = array<i32>} : memref<512x128xf32, #tpu.memory_space<vmem>>, vector<1x16xf32>,
            %swap3A_795 = vector.shape_cast %swap3A_794 : vector<1x16xf32> to vector<16xf32>
            %swap3A_796 = vector.shape_cast %add3A_791 : vector<16xf32> to vector<1x16xf32>
            tpu.vector_store %arg7[%swap3A_792, %swap3A_793], %swap3A_796 {add = true, strides = array<i32>} : memref<512x128xf32, #tpu.memory_space<vmem>>, vector<1x16xf32>,
            %get3A_797 = arith.index_cast %rem3A_88 : i32 to index
            %get3A_798 = arith.index_cast %mul3A_133 : i32 to index
            %get3A_799 = arith.constant 80 : index
            %get3A_800 = tpu.vector_load %arg5[%get3A_797, %get3A_798, %get3A_799] {strides = array<i32>} : memref<4x80x128xf32, #tpu.memory_space<vmem>>, vector<1x1x16xf32>,
            %get3A_801 = vector.shape_cast %get3A_800 : vector<1x1x16xf32> to vector<16xf32>
            %add3A_802 = arith.constant 1 : i32
            %add3A_803 = arith.addi %mul3A_133, %add3A_802 : i32
            %get3A_804 = arith.index_cast %rem3A_88 : i32 to index
            %get3A_805 = arith.index_cast %add3A_803 : i32 to index
            %get3A_806 = arith.constant 80 : index
            %get3A_807 = tpu.vector_load %arg5[%get3A_804, %get3A_805, %get3A_806] {strides = array<i32>} : memref<4x80x128xf32, #tpu.memory_space<vmem>>, vector<1x1x16xf32>,
            %get3A_808 = vector.shape_cast %get3A_807 : vector<1x1x16xf32> to vector<16xf32>
            %add3A_809 = arith.addf %get3A_801, %get3A_808 : vector<16xf32>
            %add3A_810 = arith.constant 2 : i32
            %add3A_811 = arith.addi %mul3A_133, %add3A_810 : i32
            %get3A_812 = arith.index_cast %rem3A_88 : i32 to index
            %get3A_813 = arith.index_cast %add3A_811 : i32 to index
            %get3A_814 = arith.constant 80 : index
            %get3A_815 = tpu.vector_load %arg5[%get3A_812, %get3A_813, %get3A_814] {strides = array<i32>} : memref<4x80x128xf32, #tpu.memory_space<vmem>>, vector<1x1x16xf32>,
            %get3A_816 = vector.shape_cast %get3A_815 : vector<1x1x16xf32> to vector<16xf32>
            %add3A_817 = arith.addf %add3A_809, %get3A_816 : vector<16xf32>
            %add3A_818 = arith.constant 3 : i32
            %add3A_819 = arith.addi %mul3A_133, %add3A_818 : i32
            %get3A_820 = arith.index_cast %rem3A_88 : i32 to index
            %get3A_821 = arith.index_cast %add3A_819 : i32 to index
            %get3A_822 = arith.constant 80 : index
            %get3A_823 = tpu.vector_load %arg5[%get3A_820, %get3A_821, %get3A_822] {strides = array<i32>} : memref<4x80x128xf32, #tpu.memory_space<vmem>>, vector<1x1x16xf32>,
            %get3A_824 = vector.shape_cast %get3A_823 : vector<1x1x16xf32> to vector<16xf32>
            %add3A_825 = arith.addf %add3A_817, %get3A_824 : vector<16xf32>
            %add3A_826 = arith.constant 4 : i32
            %add3A_827 = arith.addi %mul3A_133, %add3A_826 : i32
            %get3A_828 = arith.index_cast %rem3A_88 : i32 to index
            %get3A_829 = arith.index_cast %add3A_827 : i32 to index
            %get3A_830 = arith.constant 80 : index
            %get3A_831 = tpu.vector_load %arg5[%get3A_828, %get3A_829, %get3A_830] {strides = array<i32>} : memref<4x80x128xf32, #tpu.memory_space<vmem>>, vector<1x1x16xf32>,
            %get3A_832 = vector.shape_cast %get3A_831 : vector<1x1x16xf32> to vector<16xf32>
            %add3A_833 = arith.addf %add3A_825, %get3A_832 : vector<16xf32>
            %add3A_834 = arith.constant 5 : i32
            %add3A_835 = arith.addi %mul3A_133, %add3A_834 : i32
            %get3A_836 = arith.index_cast %rem3A_88 : i32 to index
            %get3A_837 = arith.index_cast %add3A_835 : i32 to index
            %get3A_838 = arith.constant 80 : index
            %get3A_839 = tpu.vector_load %arg5[%get3A_836, %get3A_837, %get3A_838] {strides = array<i32>} : memref<4x80x128xf32, #tpu.memory_space<vmem>>, vector<1x1x16xf32>,
            %get3A_840 = vector.shape_cast %get3A_839 : vector<1x1x16xf32> to vector<16xf32>
            %add3A_841 = arith.addf %add3A_833, %get3A_840 : vector<16xf32>
            %add3A_842 = arith.constant 6 : i32
            %add3A_843 = arith.addi %mul3A_133, %add3A_842 : i32
            %get3A_844 = arith.index_cast %rem3A_88 : i32 to index
            %get3A_845 = arith.index_cast %add3A_843 : i32 to index
            %get3A_846 = arith.constant 80 : index
            %get3A_847 = tpu.vector_load %arg5[%get3A_844, %get3A_845, %get3A_846] {strides = array<i32>} : memref<4x80x128xf32, #tpu.memory_space<vmem>>, vector<1x1x16xf32>,
            %get3A_848 = vector.shape_cast %get3A_847 : vector<1x1x16xf32> to vector<16xf32>
            %add3A_849 = arith.addf %add3A_841, %get3A_848 : vector<16xf32>
            %add3A_850 = arith.constant 7 : i32
            %add3A_851 = arith.addi %mul3A_133, %add3A_850 : i32
            %get3A_852 = arith.index_cast %rem3A_88 : i32 to index
            %get3A_853 = arith.index_cast %add3A_851 : i32 to index
            %get3A_854 = arith.constant 80 : index
            %get3A_855 = tpu.vector_load %arg5[%get3A_852, %get3A_853, %get3A_854] {strides = array<i32>} : memref<4x80x128xf32, #tpu.memory_space<vmem>>, vector<1x1x16xf32>,
            %get3A_856 = vector.shape_cast %get3A_855 : vector<1x1x16xf32> to vector<16xf32>
            %add3A_857 = arith.addf %add3A_849, %get3A_856 : vector<16xf32>
            %add3A_858 = arith.constant 8 : i32
            %add3A_859 = arith.addi %mul3A_133, %add3A_858 : i32
            %get3A_860 = arith.index_cast %rem3A_88 : i32 to index
            %get3A_861 = arith.index_cast %add3A_859 : i32 to index
            %get3A_862 = arith.constant 80 : index
            %get3A_863 = tpu.vector_load %arg5[%get3A_860, %get3A_861, %get3A_862] {strides = array<i32>} : memref<4x80x128xf32, #tpu.memory_space<vmem>>, vector<1x1x16xf32>,
            %get3A_864 = vector.shape_cast %get3A_863 : vector<1x1x16xf32> to vector<16xf32>
            %add3A_865 = arith.addf %add3A_857, %get3A_864 : vector<16xf32>
            %add3A_866 = arith.constant 9 : i32
            %add3A_867 = arith.addi %mul3A_133, %add3A_866 : i32
            %get3A_868 = arith.index_cast %rem3A_88 : i32 to index
            %get3A_869 = arith.index_cast %add3A_867 : i32 to index
            %get3A_870 = arith.constant 80 : index
            %get3A_871 = tpu.vector_load %arg5[%get3A_868, %get3A_869, %get3A_870] {strides = array<i32>} : memref<4x80x128xf32, #tpu.memory_space<vmem>>, vector<1x1x16xf32>,
            %get3A_872 = vector.shape_cast %get3A_871 : vector<1x1x16xf32> to vector<16xf32>
            %add3A_873 = arith.addf %add3A_865, %get3A_872 : vector<16xf32>
            %add3A_874 = arith.constant 10 : i32
            %add3A_875 = arith.addi %mul3A_133, %add3A_874 : i32
            %get3A_876 = arith.index_cast %rem3A_88 : i32 to index
            %get3A_877 = arith.index_cast %add3A_875 : i32 to index
            %get3A_878 = arith.constant 80 : index
            %get3A_879 = tpu.vector_load %arg5[%get3A_876, %get3A_877, %get3A_878] {strides = array<i32>} : memref<4x80x128xf32, #tpu.memory_space<vmem>>, vector<1x1x16xf32>,
            %get3A_880 = vector.shape_cast %get3A_879 : vector<1x1x16xf32> to vector<16xf32>
            %add3A_881 = arith.addf %add3A_873, %get3A_880 : vector<16xf32>
            %add3A_882 = arith.constant 11 : i32
            %add3A_883 = arith.addi %mul3A_133, %add3A_882 : i32
            %get3A_884 = arith.index_cast %rem3A_88 : i32 to index
            %get3A_885 = arith.index_cast %add3A_883 : i32 to index
            %get3A_886 = arith.constant 80 : index
            %get3A_887 = tpu.vector_load %arg5[%get3A_884, %get3A_885, %get3A_886] {strides = array<i32>} : memref<4x80x128xf32, #tpu.memory_space<vmem>>, vector<1x1x16xf32>,
            %get3A_888 = vector.shape_cast %get3A_887 : vector<1x1x16xf32> to vector<16xf32>
            %add3A_889 = arith.addf %add3A_881, %get3A_888 : vector<16xf32>
            %add3A_890 = arith.constant 12 : i32
            %add3A_891 = arith.addi %mul3A_133, %add3A_890 : i32
            %get3A_892 = arith.index_cast %rem3A_88 : i32 to index
            %get3A_893 = arith.index_cast %add3A_891 : i32 to index
            %get3A_894 = arith.constant 80 : index
            %get3A_895 = tpu.vector_load %arg5[%get3A_892, %get3A_893, %get3A_894] {strides = array<i32>} : memref<4x80x128xf32, #tpu.memory_space<vmem>>, vector<1x1x16xf32>,
            %get3A_896 = vector.shape_cast %get3A_895 : vector<1x1x16xf32> to vector<16xf32>
            %add3A_897 = arith.addf %add3A_889, %get3A_896 : vector<16xf32>
            %add3A_898 = arith.constant 13 : i32
            %add3A_899 = arith.addi %mul3A_133, %add3A_898 : i32
            %get3A_900 = arith.index_cast %rem3A_88 : i32 to index
            %get3A_901 = arith.index_cast %add3A_899 : i32 to index
            %get3A_902 = arith.constant 80 : index
            %get3A_903 = tpu.vector_load %arg5[%get3A_900, %get3A_901, %get3A_902] {strides = array<i32>} : memref<4x80x128xf32, #tpu.memory_space<vmem>>, vector<1x1x16xf32>,
            %get3A_904 = vector.shape_cast %get3A_903 : vector<1x1x16xf32> to vector<16xf32>
            %add3A_905 = arith.addf %add3A_897, %get3A_904 : vector<16xf32>
            %add3A_906 = arith.constant 14 : i32
            %add3A_907 = arith.addi %mul3A_133, %add3A_906 : i32
            %get3A_908 = arith.index_cast %rem3A_88 : i32 to index
            %get3A_909 = arith.index_cast %add3A_907 : i32 to index
            %get3A_910 = arith.constant 80 : index
            %get3A_911 = tpu.vector_load %arg5[%get3A_908, %get3A_909, %get3A_910] {strides = array<i32>} : memref<4x80x128xf32, #tpu.memory_space<vmem>>, vector<1x1x16xf32>,
            %get3A_912 = vector.shape_cast %get3A_911 : vector<1x1x16xf32> to vector<16xf32>
            %add3A_913 = arith.addf %add3A_905, %get3A_912 : vector<16xf32>
            %add3A_914 = arith.constant 15 : i32
            %add3A_915 = arith.addi %mul3A_133, %add3A_914 : i32
            %get3A_916 = arith.index_cast %rem3A_88 : i32 to index
            %get3A_917 = arith.index_cast %add3A_915 : i32 to index
            %get3A_918 = arith.constant 80 : index
            %get3A_919 = tpu.vector_load %arg5[%get3A_916, %get3A_917, %get3A_918] {strides = array<i32>} : memref<4x80x128xf32, #tpu.memory_space<vmem>>, vector<1x1x16xf32>,
            %get3A_920 = vector.shape_cast %get3A_919 : vector<1x1x16xf32> to vector<16xf32>
            %add3A_921 = arith.addf %add3A_913, %get3A_920 : vector<16xf32>
            %swap3A_922 = arith.index_cast %squeeze3A : i32 to index
            %swap3A_923 = arith.constant 80 : index
            %swap3A_924 = tpu.vector_load %arg7[%swap3A_922, %swap3A_923] {strides = array<i32>} : memref<512x128xf32, #tpu.memory_space<vmem>>, vector<1x16xf32>,
            %swap3A_925 = vector.shape_cast %swap3A_924 : vector<1x16xf32> to vector<16xf32>
            %swap3A_926 = vector.shape_cast %add3A_921 : vector<16xf32> to vector<1x16xf32>
            tpu.vector_store %arg7[%swap3A_922, %swap3A_923], %swap3A_926 {add = true, strides = array<i32>} : memref<512x128xf32, #tpu.memory_space<vmem>>, vector<1x16xf32>,
            %get3A_927 = arith.index_cast %rem3A_88 : i32 to index
            %get3A_928 = arith.index_cast %mul3A_133 : i32 to index
            %get3A_929 = arith.constant 96 : index
            %get3A_930 = tpu.vector_load %arg5[%get3A_927, %get3A_928, %get3A_929] {strides = array<i32>} : memref<4x80x128xf32, #tpu.memory_space<vmem>>, vector<1x1x16xf32>,
            %get3A_931 = vector.shape_cast %get3A_930 : vector<1x1x16xf32> to vector<16xf32>
            %add3A_932 = arith.constant 1 : i32
            %add3A_933 = arith.addi %mul3A_133, %add3A_932 : i32
            %get3A_934 = arith.index_cast %rem3A_88 : i32 to index
            %get3A_935 = arith.index_cast %add3A_933 : i32 to index
            %get3A_936 = arith.constant 96 : index
            %get3A_937 = tpu.vector_load %arg5[%get3A_934, %get3A_935, %get3A_936] {strides = array<i32>} : memref<4x80x128xf32, #tpu.memory_space<vmem>>, vector<1x1x16xf32>,
            %get3A_938 = vector.shape_cast %get3A_937 : vector<1x1x16xf32> to vector<16xf32>
            %add3A_939 = arith.addf %get3A_931, %get3A_938 : vector<16xf32>
            %add3A_940 = arith.constant 2 : i32
            %add3A_941 = arith.addi %mul3A_133, %add3A_940 : i32
            %get3A_942 = arith.index_cast %rem3A_88 : i32 to index
            %get3A_943 = arith.index_cast %add3A_941 : i32 to index
            %get3A_944 = arith.constant 96 : index
            %get3A_945 = tpu.vector_load %arg5[%get3A_942, %get3A_943, %get3A_944] {strides = array<i32>} : memref<4x80x128xf32, #tpu.memory_space<vmem>>, vector<1x1x16xf32>,
            %get3A_946 = vector.shape_cast %get3A_945 : vector<1x1x16xf32> to vector<16xf32>
            %add3A_947 = arith.addf %add3A_939, %get3A_946 : vector<16xf32>
            %add3A_948 = arith.constant 3 : i32
            %add3A_949 = arith.addi %mul3A_133, %add3A_948 : i32
            %get3A_950 = arith.index_cast %rem3A_88 : i32 to index
            %get3A_951 = arith.index_cast %add3A_949 : i32 to index
            %get3A_952 = arith.constant 96 : index
            %get3A_953 = tpu.vector_load %arg5[%get3A_950, %get3A_951, %get3A_952] {strides = array<i32>} : memref<4x80x128xf32, #tpu.memory_space<vmem>>, vector<1x1x16xf32>,
            %get3A_954 = vector.shape_cast %get3A_953 : vector<1x1x16xf32> to vector<16xf32>
            %add3A_955 = arith.addf %add3A_947, %get3A_954 : vector<16xf32>
            %add3A_956 = arith.constant 4 : i32
            %add3A_957 = arith.addi %mul3A_133, %add3A_956 : i32
            %get3A_958 = arith.index_cast %rem3A_88 : i32 to index
            %get3A_959 = arith.index_cast %add3A_957 : i32 to index
            %get3A_960 = arith.constant 96 : index
            %get3A_961 = tpu.vector_load %arg5[%get3A_958, %get3A_959, %get3A_960] {strides = array<i32>} : memref<4x80x128xf32, #tpu.memory_space<vmem>>, vector<1x1x16xf32>,
            %get3A_962 = vector.shape_cast %get3A_961 : vector<1x1x16xf32> to vector<16xf32>
            %add3A_963 = arith.addf %add3A_955, %get3A_962 : vector<16xf32>
            %add3A_964 = arith.constant 5 : i32
            %add3A_965 = arith.addi %mul3A_133, %add3A_964 : i32
            %get3A_966 = arith.index_cast %rem3A_88 : i32 to index
            %get3A_967 = arith.index_cast %add3A_965 : i32 to index
            %get3A_968 = arith.constant 96 : index
            %get3A_969 = tpu.vector_load %arg5[%get3A_966, %get3A_967, %get3A_968] {strides = array<i32>} : memref<4x80x128xf32, #tpu.memory_space<vmem>>, vector<1x1x16xf32>,
            %get3A_970 = vector.shape_cast %get3A_969 : vector<1x1x16xf32> to vector<16xf32>
            %add3A_971 = arith.addf %add3A_963, %get3A_970 : vector<16xf32>
            %add3A_972 = arith.constant 6 : i32
            %add3A_973 = arith.addi %mul3A_133, %add3A_972 : i32
            %get3A_974 = arith.index_cast %rem3A_88 : i32 to index
            %get3A_975 = arith.index_cast %add3A_973 : i32 to index
            %get3A_976 = arith.constant 96 : index
            %get3A_977 = tpu.vector_load %arg5[%get3A_974, %get3A_975, %get3A_976] {strides = array<i32>} : memref<4x80x128xf32, #tpu.memory_space<vmem>>, vector<1x1x16xf32>,
            %get3A_978 = vector.shape_cast %get3A_977 : vector<1x1x16xf32> to vector<16xf32>
            %add3A_979 = arith.addf %add3A_971, %get3A_978 : vector<16xf32>
            %add3A_980 = arith.constant 7 : i32
            %add3A_981 = arith.addi %mul3A_133, %add3A_980 : i32
            %get3A_982 = arith.index_cast %rem3A_88 : i32 to index
            %get3A_983 = arith.index_cast %add3A_981 : i32 to index
            %get3A_984 = arith.constant 96 : index
            %get3A_985 = tpu.vector_load %arg5[%get3A_982, %get3A_983, %get3A_984] {strides = array<i32>} : memref<4x80x128xf32, #tpu.memory_space<vmem>>, vector<1x1x16xf32>,
            %get3A_986 = vector.shape_cast %get3A_985 : vector<1x1x16xf32> to vector<16xf32>
            %add3A_987 = arith.addf %add3A_979, %get3A_986 : vector<16xf32>
            %add3A_988 = arith.constant 8 : i32
            %add3A_989 = arith.addi %mul3A_133, %add3A_988 : i32
            %get3A_990 = arith.index_cast %rem3A_88 : i32 to index
            %get3A_991 = arith.index_cast %add3A_989 : i32 to index
            %get3A_992 = arith.constant 96 : index
            %get3A_993 = tpu.vector_load %arg5[%get3A_990, %get3A_991, %get3A_992] {strides = array<i32>} : memref<4x80x128xf32, #tpu.memory_space<vmem>>, vector<1x1x16xf32>,
            %get3A_994 = vector.shape_cast %get3A_993 : vector<1x1x16xf32> to vector<16xf32>
            %add3A_995 = arith.addf %add3A_987, %get3A_994 : vector<16xf32>
            %add3A_996 = arith.constant 9 : i32
            %add3A_997 = arith.addi %mul3A_133, %add3A_996 : i32
            %get3A_998 = arith.index_cast %rem3A_88 : i32 to index
            %get3A_999 = arith.index_cast %add3A_997 : i32 to index
            %get3A_1000 = arith.constant 96 : index
            %get3A_1001 = tpu.vector_load %arg5[%get3A_998, %get3A_999, %get3A_1000] {strides = array<i32>} : memref<4x80x128xf32, #tpu.memory_space<vmem>>, vector<1x1x16xf32>,
            %get3A_1002 = vector.shape_cast %get3A_1001 : vector<1x1x16xf32> to vector<16xf32>
            %add3A_1003 = arith.addf %add3A_995, %get3A_1002 : vector<16xf32>
            %add3A_1004 = arith.constant 10 : i32
            %add3A_1005 = arith.addi %mul3A_133, %add3A_1004 : i32
            %get3A_1006 = arith.index_cast %rem3A_88 : i32 to index
            %get3A_1007 = arith.index_cast %add3A_1005 : i32 to index
            %get3A_1008 = arith.constant 96 : index
            %get3A_1009 = tpu.vector_load %arg5[%get3A_1006, %get3A_1007, %get3A_1008] {strides = array<i32>} : memref<4x80x128xf32, #tpu.memory_space<vmem>>, vector<1x1x16xf32>,
            %get3A_1010 = vector.shape_cast %get3A_1009 : vector<1x1x16xf32> to vector<16xf32>
            %add3A_1011 = arith.addf %add3A_1003, %get3A_1010 : vector<16xf32>
            %add3A_1012 = arith.constant 11 : i32
            %add3A_1013 = arith.addi %mul3A_133, %add3A_1012 : i32
            %get3A_1014 = arith.index_cast %rem3A_88 : i32 to index
            %get3A_1015 = arith.index_cast %add3A_1013 : i32 to index
            %get3A_1016 = arith.constant 96 : index
            %get3A_1017 = tpu.vector_load %arg5[%get3A_1014, %get3A_1015, %get3A_1016] {strides = array<i32>} : memref<4x80x128xf32, #tpu.memory_space<vmem>>, vector<1x1x16xf32>,
            %get3A_1018 = vector.shape_cast %get3A_1017 : vector<1x1x16xf32> to vector<16xf32>
            %add3A_1019 = arith.addf %add3A_1011, %get3A_1018 : vector<16xf32>
            %add3A_1020 = arith.constant 12 : i32
            %add3A_1021 = arith.addi %mul3A_133, %add3A_1020 : i32
            %get3A_1022 = arith.index_cast %rem3A_88 : i32 to index
            %get3A_1023 = arith.index_cast %add3A_1021 : i32 to index
            %get3A_1024 = arith.constant 96 : index
            %get3A_1025 = tpu.vector_load %arg5[%get3A_1022, %get3A_1023, %get3A_1024] {strides = array<i32>} : memref<4x80x128xf32, #tpu.memory_space<vmem>>, vector<1x1x16xf32>,
            %get3A_1026 = vector.shape_cast %get3A_1025 : vector<1x1x16xf32> to vector<16xf32>
            %add3A_1027 = arith.addf %add3A_1019, %get3A_1026 : vector<16xf32>
            %add3A_1028 = arith.constant 13 : i32
            %add3A_1029 = arith.addi %mul3A_133, %add3A_1028 : i32
            %get3A_1030 = arith.index_cast %rem3A_88 : i32 to index
            %get3A_1031 = arith.index_cast %add3A_1029 : i32 to index
            %get3A_1032 = arith.constant 96 : index
            %get3A_1033 = tpu.vector_load %arg5[%get3A_1030, %get3A_1031, %get3A_1032] {strides = array<i32>} : memref<4x80x128xf32, #tpu.memory_space<vmem>>, vector<1x1x16xf32>,
            %get3A_1034 = vector.shape_cast %get3A_1033 : vector<1x1x16xf32> to vector<16xf32>
            %add3A_1035 = arith.addf %add3A_1027, %get3A_1034 : vector<16xf32>
            %add3A_1036 = arith.constant 14 : i32
            %add3A_1037 = arith.addi %mul3A_133, %add3A_1036 : i32
            %get3A_1038 = arith.index_cast %rem3A_88 : i32 to index
            %get3A_1039 = arith.index_cast %add3A_1037 : i32 to index
            %get3A_1040 = arith.constant 96 : index
            %get3A_1041 = tpu.vector_load %arg5[%get3A_1038, %get3A_1039, %get3A_1040] {strides = array<i32>} : memref<4x80x128xf32, #tpu.memory_space<vmem>>, vector<1x1x16xf32>,
            %get3A_1042 = vector.shape_cast %get3A_1041 : vector<1x1x16xf32> to vector<16xf32>
            %add3A_1043 = arith.addf %add3A_1035, %get3A_1042 : vector<16xf32>
            %add3A_1044 = arith.constant 15 : i32
            %add3A_1045 = arith.addi %mul3A_133, %add3A_1044 : i32
            %get3A_1046 = arith.index_cast %rem3A_88 : i32 to index
            %get3A_1047 = arith.index_cast %add3A_1045 : i32 to index
            %get3A_1048 = arith.constant 96 : index
            %get3A_1049 = tpu.vector_load %arg5[%get3A_1046, %get3A_1047, %get3A_1048] {strides = array<i32>} : memref<4x80x128xf32, #tpu.memory_space<vmem>>, vector<1x1x16xf32>,
            %get3A_1050 = vector.shape_cast %get3A_1049 : vector<1x1x16xf32> to vector<16xf32>
            %add3A_1051 = arith.addf %add3A_1043, %get3A_1050 : vector<16xf32>
            %swap3A_1052 = arith.index_cast %squeeze3A : i32 to index
            %swap3A_1053 = arith.constant 96 : index
            %swap3A_1054 = tpu.vector_load %arg7[%swap3A_1052, %swap3A_1053] {strides = array<i32>} : memref<512x128xf32, #tpu.memory_space<vmem>>, vector<1x16xf32>,
            %swap3A_1055 = vector.shape_cast %swap3A_1054 : vector<1x16xf32> to vector<16xf32>
            %swap3A_1056 = vector.shape_cast %add3A_1051 : vector<16xf32> to vector<1x16xf32>
            tpu.vector_store %arg7[%swap3A_1052, %swap3A_1053], %swap3A_1056 {add = true, strides = array<i32>} : memref<512x128xf32, #tpu.memory_space<vmem>>, vector<1x16xf32>,
            %get3A_1057 = arith.index_cast %rem3A_88 : i32 to index
            %get3A_1058 = arith.index_cast %mul3A_133 : i32 to index
            %get3A_1059 = arith.constant 112 : index
            %get3A_1060 = tpu.vector_load %arg5[%get3A_1057, %get3A_1058, %get3A_1059] {strides = array<i32>} : memref<4x80x128xf32, #tpu.memory_space<vmem>>, vector<1x1x16xf32>,
            %get3A_1061 = vector.shape_cast %get3A_1060 : vector<1x1x16xf32> to vector<16xf32>
            %add3A_1062 = arith.constant 1 : i32
            %add3A_1063 = arith.addi %mul3A_133, %add3A_1062 : i32
            %get3A_1064 = arith.index_cast %rem3A_88 : i32 to index
            %get3A_1065 = arith.index_cast %add3A_1063 : i32 to index
            %get3A_1066 = arith.constant 112 : index
            %get3A_1067 = tpu.vector_load %arg5[%get3A_1064, %get3A_1065, %get3A_1066] {strides = array<i32>} : memref<4x80x128xf32, #tpu.memory_space<vmem>>, vector<1x1x16xf32>,
            %get3A_1068 = vector.shape_cast %get3A_1067 : vector<1x1x16xf32> to vector<16xf32>
            %add3A_1069 = arith.addf %get3A_1061, %get3A_1068 : vector<16xf32>
            %add3A_1070 = arith.constant 2 : i32
            %add3A_1071 = arith.addi %mul3A_133, %add3A_1070 : i32
            %get3A_1072 = arith.index_cast %rem3A_88 : i32 to index
            %get3A_1073 = arith.index_cast %add3A_1071 : i32 to index
            %get3A_1074 = arith.constant 112 : index
            %get3A_1075 = tpu.vector_load %arg5[%get3A_1072, %get3A_1073, %get3A_1074] {strides = array<i32>} : memref<4x80x128xf32, #tpu.memory_space<vmem>>, vector<1x1x16xf32>,
            %get3A_1076 = vector.shape_cast %get3A_1075 : vector<1x1x16xf32> to vector<16xf32>
            %add3A_1077 = arith.addf %add3A_1069, %get3A_1076 : vector<16xf32>
            %add3A_1078 = arith.constant 3 : i32
            %add3A_1079 = arith.addi %mul3A_133, %add3A_1078 : i32
            %get3A_1080 = arith.index_cast %rem3A_88 : i32 to index
            %get3A_1081 = arith.index_cast %add3A_1079 : i32 to index
            %get3A_1082 = arith.constant 112 : index
            %get3A_1083 = tpu.vector_load %arg5[%get3A_1080, %get3A_1081, %get3A_1082] {strides = array<i32>} : memref<4x80x128xf32, #tpu.memory_space<vmem>>, vector<1x1x16xf32>,
            %get3A_1084 = vector.shape_cast %get3A_1083 : vector<1x1x16xf32> to vector<16xf32>
            %add3A_1085 = arith.addf %add3A_1077, %get3A_1084 : vector<16xf32>
            %add3A_1086 = arith.constant 4 : i32
            %add3A_1087 = arith.addi %mul3A_133, %add3A_1086 : i32
            %get3A_1088 = arith.index_cast %rem3A_88 : i32 to index
            %get3A_1089 = arith.index_cast %add3A_1087 : i32 to index
            %get3A_1090 = arith.constant 112 : index
            %get3A_1091 = tpu.vector_load %arg5[%get3A_1088, %get3A_1089, %get3A_1090] {strides = array<i32>} : memref<4x80x128xf32, #tpu.memory_space<vmem>>, vector<1x1x16xf32>,
            %get3A_1092 = vector.shape_cast %get3A_1091 : vector<1x1x16xf32> to vector<16xf32>
            %add3A_1093 = arith.addf %add3A_1085, %get3A_1092 : vector<16xf32>
            %add3A_1094 = arith.constant 5 : i32
            %add3A_1095 = arith.addi %mul3A_133, %add3A_1094 : i32
            %get3A_1096 = arith.index_cast %rem3A_88 : i32 to index
            %get3A_1097 = arith.index_cast %add3A_1095 : i32 to index
            %get3A_1098 = arith.constant 112 : index
            %get3A_1099 = tpu.vector_load %arg5[%get3A_1096, %get3A_1097, %get3A_1098] {strides = array<i32>} : memref<4x80x128xf32, #tpu.memory_space<vmem>>, vector<1x1x16xf32>,
            %get3A_1100 = vector.shape_cast %get3A_1099 : vector<1x1x16xf32> to vector<16xf32>
            %add3A_1101 = arith.addf %add3A_1093, %get3A_1100 : vector<16xf32>
            %add3A_1102 = arith.constant 6 : i32
            %add3A_1103 = arith.addi %mul3A_133, %add3A_1102 : i32
            %get3A_1104 = arith.index_cast %rem3A_88 : i32 to index
            %get3A_1105 = arith.index_cast %add3A_1103 : i32 to index
            %get3A_1106 = arith.constant 112 : index
            %get3A_1107 = tpu.vector_load %arg5[%get3A_1104, %get3A_1105, %get3A_1106] {strides = array<i32>} : memref<4x80x128xf32, #tpu.memory_space<vmem>>, vector<1x1x16xf32>,
            %get3A_1108 = vector.shape_cast %get3A_1107 : vector<1x1x16xf32> to vector<16xf32>
            %add3A_1109 = arith.addf %add3A_1101, %get3A_1108 : vector<16xf32>
            %add3A_1110 = arith.constant 7 : i32
            %add3A_1111 = arith.addi %mul3A_133, %add3A_1110 : i32
            %get3A_1112 = arith.index_cast %rem3A_88 : i32 to index
            %get3A_1113 = arith.index_cast %add3A_1111 : i32 to index
            %get3A_1114 = arith.constant 112 : index
            %get3A_1115 = tpu.vector_load %arg5[%get3A_1112, %get3A_1113, %get3A_1114] {strides = array<i32>} : memref<4x80x128xf32, #tpu.memory_space<vmem>>, vector<1x1x16xf32>,
            %get3A_1116 = vector.shape_cast %get3A_1115 : vector<1x1x16xf32> to vector<16xf32>
            %add3A_1117 = arith.addf %add3A_1109, %get3A_1116 : vector<16xf32>
            %add3A_1118 = arith.constant 8 : i32
            %add3A_1119 = arith.addi %mul3A_133, %add3A_1118 : i32
            %get3A_1120 = arith.index_cast %rem3A_88 : i32 to index
            %get3A_1121 = arith.index_cast %add3A_1119 : i32 to index
            %get3A_1122 = arith.constant 112 : index
            %get3A_1123 = tpu.vector_load %arg5[%get3A_1120, %get3A_1121, %get3A_1122] {strides = array<i32>} : memref<4x80x128xf32, #tpu.memory_space<vmem>>, vector<1x1x16xf32>,
            %get3A_1124 = vector.shape_cast %get3A_1123 : vector<1x1x16xf32> to vector<16xf32>
            %add3A_1125 = arith.addf %add3A_1117, %get3A_1124 : vector<16xf32>
            %add3A_1126 = arith.constant 9 : i32
            %add3A_1127 = arith.addi %mul3A_133, %add3A_1126 : i32
            %get3A_1128 = arith.index_cast %rem3A_88 : i32 to index
            %get3A_1129 = arith.index_cast %add3A_1127 : i32 to index
            %get3A_1130 = arith.constant 112 : index
            %get3A_1131 = tpu.vector_load %arg5[%get3A_1128, %get3A_1129, %get3A_1130] {strides = array<i32>} : memref<4x80x128xf32, #tpu.memory_space<vmem>>, vector<1x1x16xf32>,
            %get3A_1132 = vector.shape_cast %get3A_1131 : vector<1x1x16xf32> to vector<16xf32>
            %add3A_1133 = arith.addf %add3A_1125, %get3A_1132 : vector<16xf32>
            %add3A_1134 = arith.constant 10 : i32
            %add3A_1135 = arith.addi %mul3A_133, %add3A_1134 : i32
            %get3A_1136 = arith.index_cast %rem3A_88 : i32 to index
            %get3A_1137 = arith.index_cast %add3A_1135 : i32 to index
            %get3A_1138 = arith.constant 112 : index
            %get3A_1139 = tpu.vector_load %arg5[%get3A_1136, %get3A_1137, %get3A_1138] {strides = array<i32>} : memref<4x80x128xf32, #tpu.memory_space<vmem>>, vector<1x1x16xf32>,
            %get3A_1140 = vector.shape_cast %get3A_1139 : vector<1x1x16xf32> to vector<16xf32>
            %add3A_1141 = arith.addf %add3A_1133, %get3A_1140 : vector<16xf32>
            %add3A_1142 = arith.constant 11 : i32
            %add3A_1143 = arith.addi %mul3A_133, %add3A_1142 : i32
            %get3A_1144 = arith.index_cast %rem3A_88 : i32 to index
            %get3A_1145 = arith.index_cast %add3A_1143 : i32 to index
            %get3A_1146 = arith.constant 112 : index
            %get3A_1147 = tpu.vector_load %arg5[%get3A_1144, %get3A_1145, %get3A_1146] {strides = array<i32>} : memref<4x80x128xf32, #tpu.memory_space<vmem>>, vector<1x1x16xf32>,
            %get3A_1148 = vector.shape_cast %get3A_1147 : vector<1x1x16xf32> to vector<16xf32>
            %add3A_1149 = arith.addf %add3A_1141, %get3A_1148 : vector<16xf32>
            %add3A_1150 = arith.constant 12 : i32
            %add3A_1151 = arith.addi %mul3A_133, %add3A_1150 : i32
            %get3A_1152 = arith.index_cast %rem3A_88 : i32 to index
            %get3A_1153 = arith.index_cast %add3A_1151 : i32 to index
            %get3A_1154 = arith.constant 112 : index
            %get3A_1155 = tpu.vector_load %arg5[%get3A_1152, %get3A_1153, %get3A_1154] {strides = array<i32>} : memref<4x80x128xf32, #tpu.memory_space<vmem>>, vector<1x1x16xf32>,
            %get3A_1156 = vector.shape_cast %get3A_1155 : vector<1x1x16xf32> to vector<16xf32>
            %add3A_1157 = arith.addf %add3A_1149, %get3A_1156 : vector<16xf32>
            %add3A_1158 = arith.constant 13 : i32
            %add3A_1159 = arith.addi %mul3A_133, %add3A_1158 : i32
            %get3A_1160 = arith.index_cast %rem3A_88 : i32 to index
            %get3A_1161 = arith.index_cast %add3A_1159 : i32 to index
            %get3A_1162 = arith.constant 112 : index
            %get3A_1163 = tpu.vector_load %arg5[%get3A_1160, %get3A_1161, %get3A_1162] {strides = array<i32>} : memref<4x80x128xf32, #tpu.memory_space<vmem>>, vector<1x1x16xf32>,
            %get3A_1164 = vector.shape_cast %get3A_1163 : vector<1x1x16xf32> to vector<16xf32>
            %add3A_1165 = arith.addf %add3A_1157, %get3A_1164 : vector<16xf32>
            %add3A_1166 = arith.constant 14 : i32
            %add3A_1167 = arith.addi %mul3A_133, %add3A_1166 : i32
            %get3A_1168 = arith.index_cast %rem3A_88 : i32 to index
            %get3A_1169 = arith.index_cast %add3A_1167 : i32 to index
            %get3A_1170 = arith.constant 112 : index
            %get3A_1171 = tpu.vector_load %arg5[%get3A_1168, %get3A_1169, %get3A_1170] {strides = array<i32>} : memref<4x80x128xf32, #tpu.memory_space<vmem>>, vector<1x1x16xf32>,
            %get3A_1172 = vector.shape_cast %get3A_1171 : vector<1x1x16xf32> to vector<16xf32>
            %add3A_1173 = arith.addf %add3A_1165, %get3A_1172 : vector<16xf32>
            %add3A_1174 = arith.constant 15 : i32
            %add3A_1175 = arith.addi %mul3A_133, %add3A_1174 : i32
            %get3A_1176 = arith.index_cast %rem3A_88 : i32 to index
            %get3A_1177 = arith.index_cast %add3A_1175 : i32 to index
            %get3A_1178 = arith.constant 112 : index
            %get3A_1179 = tpu.vector_load %arg5[%get3A_1176, %get3A_1177, %get3A_1178] {strides = array<i32>} : memref<4x80x128xf32, #tpu.memory_space<vmem>>, vector<1x1x16xf32>,
            %get3A_1180 = vector.shape_cast %get3A_1179 : vector<1x1x16xf32> to vector<16xf32>
            %add3A_1181 = arith.addf %add3A_1173, %get3A_1180 : vector<16xf32>
            %swap3A_1182 = arith.index_cast %squeeze3A : i32 to index
            %swap3A_1183 = arith.constant 112 : index
            %swap3A_1184 = tpu.vector_load %arg7[%swap3A_1182, %swap3A_1183] {strides = array<i32>} : memref<512x128xf32, #tpu.memory_space<vmem>>, vector<1x16xf32>,
            %swap3A_1185 = vector.shape_cast %swap3A_1184 : vector<1x16xf32> to vector<16xf32>
            %swap3A_1186 = vector.shape_cast %add3A_1181 : vector<16xf32> to vector<1x16xf32>
            tpu.vector_store %arg7[%swap3A_1182, %swap3A_1183], %swap3A_1186 {add = true, strides = array<i32>} : memref<512x128xf32, #tpu.memory_space<vmem>>, vector<1x16xf32>,
          } else {
          }
          %ne3A_143 = arith.cmpi ne, %squeeze3A, %squeeze3A_138 : i32
          %convert_element_type3A_144 = arith.extui %ne3A_143 : i1 to i32
          %cond3A_145 = arith.constant 0 : i32
          %cond3A_146 = arith.cmpi ne, %convert_element_type3A_144, %cond3A_145 : i32
          scf.if %cond3A_146 {
            %slice3A_148 = vector.extract_strided_slice %get3A_136 {offsets = [0], sizes = [1], strides = [1]} : vector<16xi32> to vector<1xi32>
            %squeeze3A_149 = vector.extract %slice3A_148[0] : i32 from vector<1xi32>
            %add3A_150 = arith.constant 0 : i32
            %add3A_151 = arith.addi %mul3A_133, %add3A_150 : i32
            %get3A_152 = arith.index_cast %rem3A_88 : i32 to index
            %get3A_153 = arith.index_cast %add3A_151 : i32 to index
            %get3A_154 = arith.constant 0 : index
            %get3A_155 = tpu.vector_load %arg5[%get3A_152, %get3A_153, %get3A_154] {strides = array<i32>} : memref<4x80x128xf32, #tpu.memory_space<vmem>>, vector<1x1x16xf32>,
            %get3A_156 = vector.shape_cast %get3A_155 : vector<1x1x16xf32> to vector<16xf32>
            %swap3A = arith.index_cast %squeeze3A_149 : i32 to index
            %swap3A_157 = arith.constant 0 : index
            %swap3A_158 = tpu.vector_load %arg7[%swap3A, %swap3A_157] {strides = array<i32>} : memref<512x128xf32, #tpu.memory_space<vmem>>, vector<1x16xf32>,
            %swap3A_159 = vector.shape_cast %swap3A_158 : vector<1x16xf32> to vector<16xf32>
            %swap3A_160 = vector.shape_cast %get3A_156 : vector<16xf32> to vector<1x16xf32>
            tpu.vector_store %arg7[%swap3A, %swap3A_157], %swap3A_160 {add = true, strides = array<i32>} : memref<512x128xf32, #tpu.memory_space<vmem>>, vector<1x16xf32>,
            %add3A_161 = arith.constant 0 : i32
            %add3A_162 = arith.addi %mul3A_133, %add3A_161 : i32
            %get3A_163 = arith.index_cast %rem3A_88 : i32 to index
            %get3A_164 = arith.index_cast %add3A_162 : i32 to index
            %get3A_165 = arith.constant 16 : index
            %get3A_166 = tpu.vector_load %arg5[%get3A_163, %get3A_164, %get3A_165] {strides = array<i32>} : memref<4x80x128xf32, #tpu.memory_space<vmem>>, vector<1x1x16xf32>,
            %get3A_167 = vector.shape_cast %get3A_166 : vector<1x1x16xf32> to vector<16xf32>
            %swap3A_168 = arith.index_cast %squeeze3A_149 : i32 to index
            %swap3A_169 = arith.constant 16 : index
            %swap3A_170 = tpu.vector_load %arg7[%swap3A_168, %swap3A_169] {strides = array<i32>} : memref<512x128xf32, #tpu.memory_space<vmem>>, vector<1x16xf32>,
            %swap3A_171 = vector.shape_cast %swap3A_170 : vector<1x16xf32> to vector<16xf32>
            %swap3A_172 = vector.shape_cast %get3A_167 : vector<16xf32> to vector<1x16xf32>
            tpu.vector_store %arg7[%swap3A_168, %swap3A_169], %swap3A_172 {add = true, strides = array<i32>} : memref<512x128xf32, #tpu.memory_space<vmem>>, vector<1x16xf32>,
            %add3A_173 = arith.constant 0 : i32
            %add3A_174 = arith.addi %mul3A_133, %add3A_173 : i32
            %get3A_175 = arith.index_cast %rem3A_88 : i32 to index
            %get3A_176 = arith.index_cast %add3A_174 : i32 to index
            %get3A_177 = arith.constant 32 : index
            %get3A_178 = tpu.vector_load %arg5[%get3A_175, %get3A_176, %get3A_177] {strides = array<i32>} : memref<4x80x128xf32, #tpu.memory_space<vmem>>, vector<1x1x16xf32>,
            %get3A_179 = vector.shape_cast %get3A_178 : vector<1x1x16xf32> to vector<16xf32>
            %swap3A_180 = arith.index_cast %squeeze3A_149 : i32 to index
            %swap3A_181 = arith.constant 32 : index
            %swap3A_182 = tpu.vector_load %arg7[%swap3A_180, %swap3A_181] {strides = array<i32>} : memref<512x128xf32, #tpu.memory_space<vmem>>, vector<1x16xf32>,
            %swap3A_183 = vector.shape_cast %swap3A_182 : vector<1x16xf32> to vector<16xf32>
            %swap3A_184 = vector.shape_cast %get3A_179 : vector<16xf32> to vector<1x16xf32>
            tpu.vector_store %arg7[%swap3A_180, %swap3A_181], %swap3A_184 {add = true, strides = array<i32>} : memref<512x128xf32, #tpu.memory_space<vmem>>, vector<1x16xf32>,
            %add3A_185 = arith.constant 0 : i32
            %add3A_186 = arith.addi %mul3A_133, %add3A_185 : i32
            %get3A_187 = arith.index_cast %rem3A_88 : i32 to index
            %get3A_188 = arith.index_cast %add3A_186 : i32 to index
            %get3A_189 = arith.constant 48 : index
            %get3A_190 = tpu.vector_load %arg5[%get3A_187, %get3A_188, %get3A_189] {strides = array<i32>} : memref<4x80x128xf32, #tpu.memory_space<vmem>>, vector<1x1x16xf32>,
            %get3A_191 = vector.shape_cast %get3A_190 : vector<1x1x16xf32> to vector<16xf32>
            %swap3A_192 = arith.index_cast %squeeze3A_149 : i32 to index
            %swap3A_193 = arith.constant 48 : index
            %swap3A_194 = tpu.vector_load %arg7[%swap3A_192, %swap3A_193] {strides = array<i32>} : memref<512x128xf32, #tpu.memory_space<vmem>>, vector<1x16xf32>,
            %swap3A_195 = vector.shape_cast %swap3A_194 : vector<1x16xf32> to vector<16xf32>
            %swap3A_196 = vector.shape_cast %get3A_191 : vector<16xf32> to vector<1x16xf32>
            tpu.vector_store %arg7[%swap3A_192, %swap3A_193], %swap3A_196 {add = true, strides = array<i32>} : memref<512x128xf32, #tpu.memory_space<vmem>>, vector<1x16xf32>,
            %add3A_197 = arith.constant 0 : i32
            %add3A_198 = arith.addi %mul3A_133, %add3A_197 : i32
            %get3A_199 = arith.index_cast %rem3A_88 : i32 to index
            %get3A_200 = arith.index_cast %add3A_198 : i32 to index
            %get3A_201 = arith.constant 64 : index
            %get3A_202 = tpu.vector_load %arg5[%get3A_199, %get3A_200, %get3A_201] {strides = array<i32>} : memref<4x80x128xf32, #tpu.memory_space<vmem>>, vector<1x1x16xf32>,
            %get3A_203 = vector.shape_cast %get3A_202 : vector<1x1x16xf32> to vector<16xf32>
            %swap3A_204 = arith.index_cast %squeeze3A_149 : i32 to index
            %swap3A_205 = arith.constant 64 : index
            %swap3A_206 = tpu.vector_load %arg7[%swap3A_204, %swap3A_205] {strides = array<i32>} : memref<512x128xf32, #tpu.memory_space<vmem>>, vector<1x16xf32>,
            %swap3A_207 = vector.shape_cast %swap3A_206 : vector<1x16xf32> to vector<16xf32>
            %swap3A_208 = vector.shape_cast %get3A_203 : vector<16xf32> to vector<1x16xf32>
            tpu.vector_store %arg7[%swap3A_204, %swap3A_205], %swap3A_208 {add = true, strides = array<i32>} : memref<512x128xf32, #tpu.memory_space<vmem>>, vector<1x16xf32>,
            %add3A_209 = arith.constant 0 : i32
            %add3A_210 = arith.addi %mul3A_133, %add3A_209 : i32
            %get3A_211 = arith.index_cast %rem3A_88 : i32 to index
            %get3A_212 = arith.index_cast %add3A_210 : i32 to index
            %get3A_213 = arith.constant 80 : index
            %get3A_214 = tpu.vector_load %arg5[%get3A_211, %get3A_212, %get3A_213] {strides = array<i32>} : memref<4x80x128xf32, #tpu.memory_space<vmem>>, vector<1x1x16xf32>,
            %get3A_215 = vector.shape_cast %get3A_214 : vector<1x1x16xf32> to vector<16xf32>
            %swap3A_216 = arith.index_cast %squeeze3A_149 : i32 to index
            %swap3A_217 = arith.constant 80 : index
            %swap3A_218 = tpu.vector_load %arg7[%swap3A_216, %swap3A_217] {strides = array<i32>} : memref<512x128xf32, #tpu.memory_space<vmem>>, vector<1x16xf32>,
            %swap3A_219 = vector.shape_cast %swap3A_218 : vector<1x16xf32> to vector<16xf32>
            %swap3A_220 = vector.shape_cast %get3A_215 : vector<16xf32> to vector<1x16xf32>
            tpu.vector_store %arg7[%swap3A_216, %swap3A_217], %swap3A_220 {add = true, strides = array<i32>} : memref<512x128xf32, #tpu.memory_space<vmem>>, vector<1x16xf32>,
            %add3A_221 = arith.constant 0 : i32
            %add3A_222 = arith.addi %mul3A_133, %add3A_221 : i32
            %get3A_223 = arith.index_cast %rem3A_88 : i32 to index
            %get3A_224 = arith.index_cast %add3A_222 : i32 to index
            %get3A_225 = arith.constant 96 : index
            %get3A_226 = tpu.vector_load %arg5[%get3A_223, %get3A_224, %get3A_225] {strides = array<i32>} : memref<4x80x128xf32, #tpu.memory_space<vmem>>, vector<1x1x16xf32>,
            %get3A_227 = vector.shape_cast %get3A_226 : vector<1x1x16xf32> to vector<16xf32>
            %swap3A_228 = arith.index_cast %squeeze3A_149 : i32 to index
            %swap3A_229 = arith.constant 96 : index
            %swap3A_230 = tpu.vector_load %arg7[%swap3A_228, %swap3A_229] {strides = array<i32>} : memref<512x128xf32, #tpu.memory_space<vmem>>, vector<1x16xf32>,
            %swap3A_231 = vector.shape_cast %swap3A_230 : vector<1x16xf32> to vector<16xf32>
            %swap3A_232 = vector.shape_cast %get3A_227 : vector<16xf32> to vector<1x16xf32>
            tpu.vector_store %arg7[%swap3A_228, %swap3A_229], %swap3A_232 {add = true, strides = array<i32>} : memref<512x128xf32, #tpu.memory_space<vmem>>, vector<1x16xf32>,
            %add3A_233 = arith.constant 0 : i32
            %add3A_234 = arith.addi %mul3A_133, %add3A_233 : i32
            %get3A_235 = arith.index_cast %rem3A_88 : i32 to index
            %get3A_236 = arith.index_cast %add3A_234 : i32 to index
            %get3A_237 = arith.constant 112 : index
            %get3A_238 = tpu.vector_load %arg5[%get3A_235, %get3A_236, %get3A_237] {strides = array<i32>} : memref<4x80x128xf32, #tpu.memory_space<vmem>>, vector<1x1x16xf32>,
            %get3A_239 = vector.shape_cast %get3A_238 : vector<1x1x16xf32> to vector<16xf32>
            %swap3A_240 = arith.index_cast %squeeze3A_149 : i32 to index
            %swap3A_241 = arith.constant 112 : index
            %swap3A_242 = tpu.vector_load %arg7[%swap3A_240, %swap3A_241] {strides = array<i32>} : memref<512x128xf32, #tpu.memory_space<vmem>>, vector<1x16xf32>,
            %swap3A_243 = vector.shape_cast %swap3A_242 : vector<1x16xf32> to vector<16xf32>
            %swap3A_244 = vector.shape_cast %get3A_239 : vector<16xf32> to vector<1x16xf32>
            tpu.vector_store %arg7[%swap3A_240, %swap3A_241], %swap3A_244 {add = true, strides = array<i32>} : memref<512x128xf32, #tpu.memory_space<vmem>>, vector<1x16xf32>,
            %slice3A_245 = vector.extract_strided_slice %get3A_136 {offsets = [1], sizes = [1], strides = [1]} : vector<16xi32> to vector<1xi32>
            %squeeze3A_246 = vector.extract %slice3A_245[0] : i32 from vector<1xi32>
            %add3A_247 = arith.constant 1 : i32
            %add3A_248 = arith.addi %mul3A_133, %add3A_247 : i32
            %get3A_249 = arith.index_cast %rem3A_88 : i32 to index
            %get3A_250 = arith.index_cast %add3A_248 : i32 to index
            %get3A_251 = arith.constant 0 : index
            %get3A_252 = tpu.vector_load %arg5[%get3A_249, %get3A_250, %get3A_251] {strides = array<i32>} : memref<4x80x128xf32, #tpu.memory_space<vmem>>, vector<1x1x16xf32>,
            %get3A_253 = vector.shape_cast %get3A_252 : vector<1x1x16xf32> to vector<16xf32>
            %swap3A_254 = arith.index_cast %squeeze3A_246 : i32 to index
            %swap3A_255 = arith.constant 0 : index
            %swap3A_256 = tpu.vector_load %arg7[%swap3A_254, %swap3A_255] {strides = array<i32>} : memref<512x128xf32, #tpu.memory_space<vmem>>, vector<1x16xf32>,
            %swap3A_257 = vector.shape_cast %swap3A_256 : vector<1x16xf32> to vector<16xf32>
            %swap3A_258 = vector.shape_cast %get3A_253 : vector<16xf32> to vector<1x16xf32>
            tpu.vector_store %arg7[%swap3A_254, %swap3A_255], %swap3A_258 {add = true, strides = array<i32>} : memref<512x128xf32, #tpu.memory_space<vmem>>, vector<1x16xf32>,
            %add3A_259 = arith.constant 1 : i32
            %add3A_260 = arith.addi %mul3A_133, %add3A_259 : i32
            %get3A_261 = arith.index_cast %rem3A_88 : i32 to index
            %get3A_262 = arith.index_cast %add3A_260 : i32 to index
            %get3A_263 = arith.constant 16 : index
            %get3A_264 = tpu.vector_load %arg5[%get3A_261, %get3A_262, %get3A_263] {strides = array<i32>} : memref<4x80x128xf32, #tpu.memory_space<vmem>>, vector<1x1x16xf32>,
            %get3A_265 = vector.shape_cast %get3A_264 : vector<1x1x16xf32> to vector<16xf32>
            %swap3A_266 = arith.index_cast %squeeze3A_246 : i32 to index
            %swap3A_267 = arith.constant 16 : index
            %swap3A_268 = tpu.vector_load %arg7[%swap3A_266, %swap3A_267] {strides = array<i32>} : memref<512x128xf32, #tpu.memory_space<vmem>>, vector<1x16xf32>,
            %swap3A_269 = vector.shape_cast %swap3A_268 : vector<1x16xf32> to vector<16xf32>
            %swap3A_270 = vector.shape_cast %get3A_265 : vector<16xf32> to vector<1x16xf32>
            tpu.vector_store %arg7[%swap3A_266, %swap3A_267], %swap3A_270 {add = true, strides = array<i32>} : memref<512x128xf32, #tpu.memory_space<vmem>>, vector<1x16xf32>,
            %add3A_271 = arith.constant 1 : i32
            %add3A_272 = arith.addi %mul3A_133, %add3A_271 : i32
            %get3A_273 = arith.index_cast %rem3A_88 : i32 to index
            %get3A_274 = arith.index_cast %add3A_272 : i32 to index
            %get3A_275 = arith.constant 32 : index
            %get3A_276 = tpu.vector_load %arg5[%get3A_273, %get3A_274, %get3A_275] {strides = array<i32>} : memref<4x80x128xf32, #tpu.memory_space<vmem>>, vector<1x1x16xf32>,
            %get3A_277 = vector.shape_cast %get3A_276 : vector<1x1x16xf32> to vector<16xf32>
            %swap3A_278 = arith.index_cast %squeeze3A_246 : i32 to index
            %swap3A_279 = arith.constant 32 : index
            %swap3A_280 = tpu.vector_load %arg7[%swap3A_278, %swap3A_279] {strides = array<i32>} : memref<512x128xf32, #tpu.memory_space<vmem>>, vector<1x16xf32>,
            %swap3A_281 = vector.shape_cast %swap3A_280 : vector<1x16xf32> to vector<16xf32>
            %swap3A_282 = vector.shape_cast %get3A_277 : vector<16xf32> to vector<1x16xf32>
            tpu.vector_store %arg7[%swap3A_278, %swap3A_279], %swap3A_282 {add = true, strides = array<i32>} : memref<512x128xf32, #tpu.memory_space<vmem>>, vector<1x16xf32>,
            %add3A_283 = arith.constant 1 : i32
            %add3A_284 = arith.addi %mul3A_133, %add3A_283 : i32
            %get3A_285 = arith.index_cast %rem3A_88 : i32 to index
            %get3A_286 = arith.index_cast %add3A_284 : i32 to index
            %get3A_287 = arith.constant 48 : index
            %get3A_288 = tpu.vector_load %arg5[%get3A_285, %get3A_286, %get3A_287] {strides = array<i32>} : memref<4x80x128xf32, #tpu.memory_space<vmem>>, vector<1x1x16xf32>,
            %get3A_289 = vector.shape_cast %get3A_288 : vector<1x1x16xf32> to vector<16xf32>
            %swap3A_290 = arith.index_cast %squeeze3A_246 : i32 to index
            %swap3A_291 = arith.constant 48 : index
            %swap3A_292 = tpu.vector_load %arg7[%swap3A_290, %swap3A_291] {strides = array<i32>} : memref<512x128xf32, #tpu.memory_space<vmem>>, vector<1x16xf32>,
            %swap3A_293 = vector.shape_cast %swap3A_292 : vector<1x16xf32> to vector<16xf32>
            %swap3A_294 = vector.shape_cast %get3A_289 : vector<16xf32> to vector<1x16xf32>
            tpu.vector_store %arg7[%swap3A_290, %swap3A_291], %swap3A_294 {add = true, strides = array<i32>} : memref<512x128xf32, #tpu.memory_space<vmem>>, vector<1x16xf32>,
            %add3A_295 = arith.constant 1 : i32
            %add3A_296 = arith.addi %mul3A_133, %add3A_295 : i32
            %get3A_297 = arith.index_cast %rem3A_88 : i32 to index
            %get3A_298 = arith.index_cast %add3A_296 : i32 to index
            %get3A_299 = arith.constant 64 : index
            %get3A_300 = tpu.vector_load %arg5[%get3A_297, %get3A_298, %get3A_299] {strides = array<i32>} : memref<4x80x128xf32, #tpu.memory_space<vmem>>, vector<1x1x16xf32>,
            %get3A_301 = vector.shape_cast %get3A_300 : vector<1x1x16xf32> to vector<16xf32>
            %swap3A_302 = arith.index_cast %squeeze3A_246 : i32 to index
            %swap3A_303 = arith.constant 64 : index
            %swap3A_304 = tpu.vector_load %arg7[%swap3A_302, %swap3A_303] {strides = array<i32>} : memref<512x128xf32, #tpu.memory_space<vmem>>, vector<1x16xf32>,
            %swap3A_305 = vector.shape_cast %swap3A_304 : vector<1x16xf32> to vector<16xf32>
            %swap3A_306 = vector.shape_cast %get3A_301 : vector<16xf32> to vector<1x16xf32>
            tpu.vector_store %arg7[%swap3A_302, %swap3A_303], %swap3A_306 {add = true, strides = array<i32>} : memref<512x128xf32, #tpu.memory_space<vmem>>, vector<1x16xf32>,
            %add3A_307 = arith.constant 1 : i32
            %add3A_308 = arith.addi %mul3A_133, %add3A_307 : i32
            %get3A_309 = arith.index_cast %rem3A_88 : i32 to index
            %get3A_310 = arith.index_cast %add3A_308 : i32 to index
            %get3A_311 = arith.constant 80 : index
            %get3A_312 = tpu.vector_load %arg5[%get3A_309, %get3A_310, %get3A_311] {strides = array<i32>} : memref<4x80x128xf32, #tpu.memory_space<vmem>>, vector<1x1x16xf32>,
            %get3A_313 = vector.shape_cast %get3A_312 : vector<1x1x16xf32> to vector<16xf32>
            %swap3A_314 = arith.index_cast %squeeze3A_246 : i32 to index
            %swap3A_315 = arith.constant 80 : index
            %swap3A_316 = tpu.vector_load %arg7[%swap3A_314, %swap3A_315] {strides = array<i32>} : memref<512x128xf32, #tpu.memory_space<vmem>>, vector<1x16xf32>,
            %swap3A_317 = vector.shape_cast %swap3A_316 : vector<1x16xf32> to vector<16xf32>
            %swap3A_318 = vector.shape_cast %get3A_313 : vector<16xf32> to vector<1x16xf32>
            tpu.vector_store %arg7[%swap3A_314, %swap3A_315], %swap3A_318 {add = true, strides = array<i32>} : memref<512x128xf32, #tpu.memory_space<vmem>>, vector<1x16xf32>,
            %add3A_319 = arith.constant 1 : i32
            %add3A_320 = arith.addi %mul3A_133, %add3A_319 : i32
            %get3A_321 = arith.index_cast %rem3A_88 : i32 to index
            %get3A_322 = arith.index_cast %add3A_320 : i32 to index
            %get3A_323 = arith.constant 96 : index
            %get3A_324 = tpu.vector_load %arg5[%get3A_321, %get3A_322, %get3A_323] {strides = array<i32>} : memref<4x80x128xf32, #tpu.memory_space<vmem>>, vector<1x1x16xf32>,
            %get3A_325 = vector.shape_cast %get3A_324 : vector<1x1x16xf32> to vector<16xf32>
            %swap3A_326 = arith.index_cast %squeeze3A_246 : i32 to index
            %swap3A_327 = arith.constant 96 : index
            %swap3A_328 = tpu.vector_load %arg7[%swap3A_326, %swap3A_327] {strides = array<i32>} : memref<512x128xf32, #tpu.memory_space<vmem>>, vector<1x16xf32>,
            %swap3A_329 = vector.shape_cast %swap3A_328 : vector<1x16xf32> to vector<16xf32>
            %swap3A_330 = vector.shape_cast %get3A_325 : vector<16xf32> to vector<1x16xf32>
            tpu.vector_store %arg7[%swap3A_326, %swap3A_327], %swap3A_330 {add = true, strides = array<i32>} : memref<512x128xf32, #tpu.memory_space<vmem>>, vector<1x16xf32>,
            %add3A_331 = arith.constant 1 : i32
            %add3A_332 = arith.addi %mul3A_133, %add3A_331 : i32
            %get3A_333 = arith.index_cast %rem3A_88 : i32 to index
            %get3A_334 = arith.index_cast %add3A_332 : i32 to index
            %get3A_335 = arith.constant 112 : index
            %get3A_336 = tpu.vector_load %arg5[%get3A_333, %get3A_334, %get3A_335] {strides = array<i32>} : memref<4x80x128xf32, #tpu.memory_space<vmem>>, vector<1x1x16xf32>,
            %get3A_337 = vector.shape_cast %get3A_336 : vector<1x1x16xf32> to vector<16xf32>
            %swap3A_338 = arith.index_cast %squeeze3A_246 : i32 to index
            %swap3A_339 = arith.constant 112 : index
            %swap3A_340 = tpu.vector_load %arg7[%swap3A_338, %swap3A_339] {strides = array<i32>} : memref<512x128xf32, #tpu.memory_space<vmem>>, vector<1x16xf32>,
            %swap3A_341 = vector.shape_cast %swap3A_340 : vector<1x16xf32> to vector<16xf32>
            %swap3A_342 = vector.shape_cast %get3A_337 : vector<16xf32> to vector<1x16xf32>
            tpu.vector_store %arg7[%swap3A_338, %swap3A_339], %swap3A_342 {add = true, strides = array<i32>} : memref<512x128xf32, #tpu.memory_space<vmem>>, vector<1x16xf32>,
            %slice3A_343 = vector.extract_strided_slice %get3A_136 {offsets = [2], sizes = [1], strides = [1]} : vector<16xi32> to vector<1xi32>
            %squeeze3A_344 = vector.extract %slice3A_343[0] : i32 from vector<1xi32>
            %add3A_345 = arith.constant 2 : i32
            %add3A_346 = arith.addi %mul3A_133, %add3A_345 : i32
            %get3A_347 = arith.index_cast %rem3A_88 : i32 to index
            %get3A_348 = arith.index_cast %add3A_346 : i32 to index
            %get3A_349 = arith.constant 0 : index
            %get3A_350 = tpu.vector_load %arg5[%get3A_347, %get3A_348, %get3A_349] {strides = array<i32>} : memref<4x80x128xf32, #tpu.memory_space<vmem>>, vector<1x1x16xf32>,
            %get3A_351 = vector.shape_cast %get3A_350 : vector<1x1x16xf32> to vector<16xf32>
            %swap3A_352 = arith.index_cast %squeeze3A_344 : i32 to index
            %swap3A_353 = arith.constant 0 : index
            %swap3A_354 = tpu.vector_load %arg7[%swap3A_352, %swap3A_353] {strides = array<i32>} : memref<512x128xf32, #tpu.memory_space<vmem>>, vector<1x16xf32>,
            %swap3A_355 = vector.shape_cast %swap3A_354 : vector<1x16xf32> to vector<16xf32>
            %swap3A_356 = vector.shape_cast %get3A_351 : vector<16xf32> to vector<1x16xf32>
            tpu.vector_store %arg7[%swap3A_352, %swap3A_353], %swap3A_356 {add = true, strides = array<i32>} : memref<512x128xf32, #tpu.memory_space<vmem>>, vector<1x16xf32>,
            %add3A_357 = arith.constant 2 : i32
            %add3A_358 = arith.addi %mul3A_133, %add3A_357 : i32
            %get3A_359 = arith.index_cast %rem3A_88 : i32 to index
            %get3A_360 = arith.index_cast %add3A_358 : i32 to index
            %get3A_361 = arith.constant 16 : index
            %get3A_362 = tpu.vector_load %arg5[%get3A_359, %get3A_360, %get3A_361] {strides = array<i32>} : memref<4x80x128xf32, #tpu.memory_space<vmem>>, vector<1x1x16xf32>,
            %get3A_363 = vector.shape_cast %get3A_362 : vector<1x1x16xf32> to vector<16xf32>
            %swap3A_364 = arith.index_cast %squeeze3A_344 : i32 to index
            %swap3A_365 = arith.constant 16 : index
            %swap3A_366 = tpu.vector_load %arg7[%swap3A_364, %swap3A_365] {strides = array<i32>} : memref<512x128xf32, #tpu.memory_space<vmem>>, vector<1x16xf32>,
            %swap3A_367 = vector.shape_cast %swap3A_366 : vector<1x16xf32> to vector<16xf32>
            %swap3A_368 = vector.shape_cast %get3A_363 : vector<16xf32> to vector<1x16xf32>
            tpu.vector_store %arg7[%swap3A_364, %swap3A_365], %swap3A_368 {add = true, strides = array<i32>} : memref<512x128xf32, #tpu.memory_space<vmem>>, vector<1x16xf32>,
            %add3A_369 = arith.constant 2 : i32
            %add3A_370 = arith.addi %mul3A_133, %add3A_369 : i32
            %get3A_371 = arith.index_cast %rem3A_88 : i32 to index
            %get3A_372 = arith.index_cast %add3A_370 : i32 to index
            %get3A_373 = arith.constant 32 : index
            %get3A_374 = tpu.vector_load %arg5[%get3A_371, %get3A_372, %get3A_373] {strides = array<i32>} : memref<4x80x128xf32, #tpu.memory_space<vmem>>, vector<1x1x16xf32>,
            %get3A_375 = vector.shape_cast %get3A_374 : vector<1x1x16xf32> to vector<16xf32>
            %swap3A_376 = arith.index_cast %squeeze3A_344 : i32 to index
            %swap3A_377 = arith.constant 32 : index
            %swap3A_378 = tpu.vector_load %arg7[%swap3A_376, %swap3A_377] {strides = array<i32>} : memref<512x128xf32, #tpu.memory_space<vmem>>, vector<1x16xf32>,
            %swap3A_379 = vector.shape_cast %swap3A_378 : vector<1x16xf32> to vector<16xf32>
            %swap3A_380 = vector.shape_cast %get3A_375 : vector<16xf32> to vector<1x16xf32>
            tpu.vector_store %arg7[%swap3A_376, %swap3A_377], %swap3A_380 {add = true, strides = array<i32>} : memref<512x128xf32, #tpu.memory_space<vmem>>, vector<1x16xf32>,
            %add3A_381 = arith.constant 2 : i32
            %add3A_382 = arith.addi %mul3A_133, %add3A_381 : i32
            %get3A_383 = arith.index_cast %rem3A_88 : i32 to index
            %get3A_384 = arith.index_cast %add3A_382 : i32 to index
            %get3A_385 = arith.constant 48 : index
            %get3A_386 = tpu.vector_load %arg5[%get3A_383, %get3A_384, %get3A_385] {strides = array<i32>} : memref<4x80x128xf32, #tpu.memory_space<vmem>>, vector<1x1x16xf32>,
            %get3A_387 = vector.shape_cast %get3A_386 : vector<1x1x16xf32> to vector<16xf32>
            %swap3A_388 = arith.index_cast %squeeze3A_344 : i32 to index
            %swap3A_389 = arith.constant 48 : index
            %swap3A_390 = tpu.vector_load %arg7[%swap3A_388, %swap3A_389] {strides = array<i32>} : memref<512x128xf32, #tpu.memory_space<vmem>>, vector<1x16xf32>,
            %swap3A_391 = vector.shape_cast %swap3A_390 : vector<1x16xf32> to vector<16xf32>
            %swap3A_392 = vector.shape_cast %get3A_387 : vector<16xf32> to vector<1x16xf32>
            tpu.vector_store %arg7[%swap3A_388, %swap3A_389], %swap3A_392 {add = true, strides = array<i32>} : memref<512x128xf32, #tpu.memory_space<vmem>>, vector<1x16xf32>,
            %add3A_393 = arith.constant 2 : i32
            %add3A_394 = arith.addi %mul3A_133, %add3A_393 : i32
            %get3A_395 = arith.index_cast %rem3A_88 : i32 to index
            %get3A_396 = arith.index_cast %add3A_394 : i32 to index
            %get3A_397 = arith.constant 64 : index
            %get3A_398 = tpu.vector_load %arg5[%get3A_395, %get3A_396, %get3A_397] {strides = array<i32>} : memref<4x80x128xf32, #tpu.memory_space<vmem>>, vector<1x1x16xf32>,
            %get3A_399 = vector.shape_cast %get3A_398 : vector<1x1x16xf32> to vector<16xf32>
            %swap3A_400 = arith.index_cast %squeeze3A_344 : i32 to index
            %swap3A_401 = arith.constant 64 : index
            %swap3A_402 = tpu.vector_load %arg7[%swap3A_400, %swap3A_401] {strides = array<i32>} : memref<512x128xf32, #tpu.memory_space<vmem>>, vector<1x16xf32>,
            %swap3A_403 = vector.shape_cast %swap3A_402 : vector<1x16xf32> to vector<16xf32>
            %swap3A_404 = vector.shape_cast %get3A_399 : vector<16xf32> to vector<1x16xf32>
            tpu.vector_store %arg7[%swap3A_400, %swap3A_401], %swap3A_404 {add = true, strides = array<i32>} : memref<512x128xf32, #tpu.memory_space<vmem>>, vector<1x16xf32>,
            %add3A_405 = arith.constant 2 : i32
            %add3A_406 = arith.addi %mul3A_133, %add3A_405 : i32
            %get3A_407 = arith.index_cast %rem3A_88 : i32 to index
            %get3A_408 = arith.index_cast %add3A_406 : i32 to index
            %get3A_409 = arith.constant 80 : index
            %get3A_410 = tpu.vector_load %arg5[%get3A_407, %get3A_408, %get3A_409] {strides = array<i32>} : memref<4x80x128xf32, #tpu.memory_space<vmem>>, vector<1x1x16xf32>,
            %get3A_411 = vector.shape_cast %get3A_410 : vector<1x1x16xf32> to vector<16xf32>
            %swap3A_412 = arith.index_cast %squeeze3A_344 : i32 to index
            %swap3A_413 = arith.constant 80 : index
            %swap3A_414 = tpu.vector_load %arg7[%swap3A_412, %swap3A_413] {strides = array<i32>} : memref<512x128xf32, #tpu.memory_space<vmem>>, vector<1x16xf32>,
            %swap3A_415 = vector.shape_cast %swap3A_414 : vector<1x16xf32> to vector<16xf32>
            %swap3A_416 = vector.shape_cast %get3A_411 : vector<16xf32> to vector<1x16xf32>
            tpu.vector_store %arg7[%swap3A_412, %swap3A_413], %swap3A_416 {add = true, strides = array<i32>} : memref<512x128xf32, #tpu.memory_space<vmem>>, vector<1x16xf32>,
            %add3A_417 = arith.constant 2 : i32
            %add3A_418 = arith.addi %mul3A_133, %add3A_417 : i32
            %get3A_419 = arith.index_cast %rem3A_88 : i32 to index
            %get3A_420 = arith.index_cast %add3A_418 : i32 to index
            %get3A_421 = arith.constant 96 : index
            %get3A_422 = tpu.vector_load %arg5[%get3A_419, %get3A_420, %get3A_421] {strides = array<i32>} : memref<4x80x128xf32, #tpu.memory_space<vmem>>, vector<1x1x16xf32>,
            %get3A_423 = vector.shape_cast %get3A_422 : vector<1x1x16xf32> to vector<16xf32>
            %swap3A_424 = arith.index_cast %squeeze3A_344 : i32 to index
            %swap3A_425 = arith.constant 96 : index
            %swap3A_426 = tpu.vector_load %arg7[%swap3A_424, %swap3A_425] {strides = array<i32>} : memref<512x128xf32, #tpu.memory_space<vmem>>, vector<1x16xf32>,
            %swap3A_427 = vector.shape_cast %swap3A_426 : vector<1x16xf32> to vector<16xf32>
            %swap3A_428 = vector.shape_cast %get3A_423 : vector<16xf32> to vector<1x16xf32>
            tpu.vector_store %arg7[%swap3A_424, %swap3A_425], %swap3A_428 {add = true, strides = array<i32>} : memref<512x128xf32, #tpu.memory_space<vmem>>, vector<1x16xf32>,
            %add3A_429 = arith.constant 2 : i32
            %add3A_430 = arith.addi %mul3A_133, %add3A_429 : i32
            %get3A_431 = arith.index_cast %rem3A_88 : i32 to index
            %get3A_432 = arith.index_cast %add3A_430 : i32 to index
            %get3A_433 = arith.constant 112 : index
            %get3A_434 = tpu.vector_load %arg5[%get3A_431, %get3A_432, %get3A_433] {strides = array<i32>} : memref<4x80x128xf32, #tpu.memory_space<vmem>>, vector<1x1x16xf32>,
            %get3A_435 = vector.shape_cast %get3A_434 : vector<1x1x16xf32> to vector<16xf32>
            %swap3A_436 = arith.index_cast %squeeze3A_344 : i32 to index
            %swap3A_437 = arith.constant 112 : index
            %swap3A_438 = tpu.vector_load %arg7[%swap3A_436, %swap3A_437] {strides = array<i32>} : memref<512x128xf32, #tpu.memory_space<vmem>>, vector<1x16xf32>,
            %swap3A_439 = vector.shape_cast %swap3A_438 : vector<1x16xf32> to vector<16xf32>
            %swap3A_440 = vector.shape_cast %get3A_435 : vector<16xf32> to vector<1x16xf32>
            tpu.vector_store %arg7[%swap3A_436, %swap3A_437], %swap3A_440 {add = true, strides = array<i32>} : memref<512x128xf32, #tpu.memory_space<vmem>>, vector<1x16xf32>,
            %slice3A_441 = vector.extract_strided_slice %get3A_136 {offsets = [3], sizes = [1], strides = [1]} : vector<16xi32> to vector<1xi32>
            %squeeze3A_442 = vector.extract %slice3A_441[0] : i32 from vector<1xi32>
            %add3A_443 = arith.constant 3 : i32
            %add3A_444 = arith.addi %mul3A_133, %add3A_443 : i32
            %get3A_445 = arith.index_cast %rem3A_88 : i32 to index
            %get3A_446 = arith.index_cast %add3A_444 : i32 to index
            %get3A_447 = arith.constant 0 : index
            %get3A_448 = tpu.vector_load %arg5[%get3A_445, %get3A_446, %get3A_447] {strides = array<i32>} : memref<4x80x128xf32, #tpu.memory_space<vmem>>, vector<1x1x16xf32>,
            %get3A_449 = vector.shape_cast %get3A_448 : vector<1x1x16xf32> to vector<16xf32>
            %swap3A_450 = arith.index_cast %squeeze3A_442 : i32 to index
            %swap3A_451 = arith.constant 0 : index
            %swap3A_452 = tpu.vector_load %arg7[%swap3A_450, %swap3A_451] {strides = array<i32>} : memref<512x128xf32, #tpu.memory_space<vmem>>, vector<1x16xf32>,
            %swap3A_453 = vector.shape_cast %swap3A_452 : vector<1x16xf32> to vector<16xf32>
            %swap3A_454 = vector.shape_cast %get3A_449 : vector<16xf32> to vector<1x16xf32>
            tpu.vector_store %arg7[%swap3A_450, %swap3A_451], %swap3A_454 {add = true, strides = array<i32>} : memref<512x128xf32, #tpu.memory_space<vmem>>, vector<1x16xf32>,
            %add3A_455 = arith.constant 3 : i32
            %add3A_456 = arith.addi %mul3A_133, %add3A_455 : i32
            %get3A_457 = arith.index_cast %rem3A_88 : i32 to index
            %get3A_458 = arith.index_cast %add3A_456 : i32 to index
            %get3A_459 = arith.constant 16 : index
            %get3A_460 = tpu.vector_load %arg5[%get3A_457, %get3A_458, %get3A_459] {strides = array<i32>} : memref<4x80x128xf32, #tpu.memory_space<vmem>>, vector<1x1x16xf32>,
            %get3A_461 = vector.shape_cast %get3A_460 : vector<1x1x16xf32> to vector<16xf32>
            %swap3A_462 = arith.index_cast %squeeze3A_442 : i32 to index
            %swap3A_463 = arith.constant 16 : index
            %swap3A_464 = tpu.vector_load %arg7[%swap3A_462, %swap3A_463] {strides = array<i32>} : memref<512x128xf32, #tpu.memory_space<vmem>>, vector<1x16xf32>,
            %swap3A_465 = vector.shape_cast %swap3A_464 : vector<1x16xf32> to vector<16xf32>
            %swap3A_466 = vector.shape_cast %get3A_461 : vector<16xf32> to vector<1x16xf32>
            tpu.vector_store %arg7[%swap3A_462, %swap3A_463], %swap3A_466 {add = true, strides = array<i32>} : memref<512x128xf32, #tpu.memory_space<vmem>>, vector<1x16xf32>,
            %add3A_467 = arith.constant 3 : i32
            %add3A_468 = arith.addi %mul3A_133, %add3A_467 : i32
            %get3A_469 = arith.index_cast %rem3A_88 : i32 to index
            %get3A_470 = arith.index_cast %add3A_468 : i32 to index
            %get3A_471 = arith.constant 32 : index
            %get3A_472 = tpu.vector_load %arg5[%get3A_469, %get3A_470, %get3A_471] {strides = array<i32>} : memref<4x80x128xf32, #tpu.memory_space<vmem>>, vector<1x1x16xf32>,
            %get3A_473 = vector.shape_cast %get3A_472 : vector<1x1x16xf32> to vector<16xf32>
            %swap3A_474 = arith.index_cast %squeeze3A_442 : i32 to index
            %swap3A_475 = arith.constant 32 : index
            %swap3A_476 = tpu.vector_load %arg7[%swap3A_474, %swap3A_475] {strides = array<i32>} : memref<512x128xf32, #tpu.memory_space<vmem>>, vector<1x16xf32>,
            %swap3A_477 = vector.shape_cast %swap3A_476 : vector<1x16xf32> to vector<16xf32>
            %swap3A_478 = vector.shape_cast %get3A_473 : vector<16xf32> to vector<1x16xf32>
            tpu.vector_store %arg7[%swap3A_474, %swap3A_475], %swap3A_478 {add = true, strides = array<i32>} : memref<512x128xf32, #tpu.memory_space<vmem>>, vector<1x16xf32>,
            %add3A_479 = arith.constant 3 : i32
            %add3A_480 = arith.addi %mul3A_133, %add3A_479 : i32
            %get3A_481 = arith.index_cast %rem3A_88 : i32 to index
            %get3A_482 = arith.index_cast %add3A_480 : i32 to index
            %get3A_483 = arith.constant 48 : index
            %get3A_484 = tpu.vector_load %arg5[%get3A_481, %get3A_482, %get3A_483] {strides = array<i32>} : memref<4x80x128xf32, #tpu.memory_space<vmem>>, vector<1x1x16xf32>,
            %get3A_485 = vector.shape_cast %get3A_484 : vector<1x1x16xf32> to vector<16xf32>
            %swap3A_486 = arith.index_cast %squeeze3A_442 : i32 to index
            %swap3A_487 = arith.constant 48 : index
            %swap3A_488 = tpu.vector_load %arg7[%swap3A_486, %swap3A_487] {strides = array<i32>} : memref<512x128xf32, #tpu.memory_space<vmem>>, vector<1x16xf32>,
            %swap3A_489 = vector.shape_cast %swap3A_488 : vector<1x16xf32> to vector<16xf32>
            %swap3A_490 = vector.shape_cast %get3A_485 : vector<16xf32> to vector<1x16xf32>
            tpu.vector_store %arg7[%swap3A_486, %swap3A_487], %swap3A_490 {add = true, strides = array<i32>} : memref<512x128xf32, #tpu.memory_space<vmem>>, vector<1x16xf32>,
            %add3A_491 = arith.constant 3 : i32
            %add3A_492 = arith.addi %mul3A_133, %add3A_491 : i32
            %get3A_493 = arith.index_cast %rem3A_88 : i32 to index
            %get3A_494 = arith.index_cast %add3A_492 : i32 to index
            %get3A_495 = arith.constant 64 : index
            %get3A_496 = tpu.vector_load %arg5[%get3A_493, %get3A_494, %get3A_495] {strides = array<i32>} : memref<4x80x128xf32, #tpu.memory_space<vmem>>, vector<1x1x16xf32>,
            %get3A_497 = vector.shape_cast %get3A_496 : vector<1x1x16xf32> to vector<16xf32>
            %swap3A_498 = arith.index_cast %squeeze3A_442 : i32 to index
            %swap3A_499 = arith.constant 64 : index
            %swap3A_500 = tpu.vector_load %arg7[%swap3A_498, %swap3A_499] {strides = array<i32>} : memref<512x128xf32, #tpu.memory_space<vmem>>, vector<1x16xf32>,
            %swap3A_501 = vector.shape_cast %swap3A_500 : vector<1x16xf32> to vector<16xf32>
            %swap3A_502 = vector.shape_cast %get3A_497 : vector<16xf32> to vector<1x16xf32>
            tpu.vector_store %arg7[%swap3A_498, %swap3A_499], %swap3A_502 {add = true, strides = array<i32>} : memref<512x128xf32, #tpu.memory_space<vmem>>, vector<1x16xf32>,
            %add3A_503 = arith.constant 3 : i32
            %add3A_504 = arith.addi %mul3A_133, %add3A_503 : i32
            %get3A_505 = arith.index_cast %rem3A_88 : i32 to index
            %get3A_506 = arith.index_cast %add3A_504 : i32 to index
            %get3A_507 = arith.constant 80 : index
            %get3A_508 = tpu.vector_load %arg5[%get3A_505, %get3A_506, %get3A_507] {strides = array<i32>} : memref<4x80x128xf32, #tpu.memory_space<vmem>>, vector<1x1x16xf32>,
            %get3A_509 = vector.shape_cast %get3A_508 : vector<1x1x16xf32> to vector<16xf32>
            %swap3A_510 = arith.index_cast %squeeze3A_442 : i32 to index
            %swap3A_511 = arith.constant 80 : index
            %swap3A_512 = tpu.vector_load %arg7[%swap3A_510, %swap3A_511] {strides = array<i32>} : memref<512x128xf32, #tpu.memory_space<vmem>>, vector<1x16xf32>,
            %swap3A_513 = vector.shape_cast %swap3A_512 : vector<1x16xf32> to vector<16xf32>
            %swap3A_514 = vector.shape_cast %get3A_509 : vector<16xf32> to vector<1x16xf32>
            tpu.vector_store %arg7[%swap3A_510, %swap3A_511], %swap3A_514 {add = true, strides = array<i32>} : memref<512x128xf32, #tpu.memory_space<vmem>>, vector<1x16xf32>,
            %add3A_515 = arith.constant 3 : i32
            %add3A_516 = arith.addi %mul3A_133, %add3A_515 : i32
            %get3A_517 = arith.index_cast %rem3A_88 : i32 to index
            %get3A_518 = arith.index_cast %add3A_516 : i32 to index
            %get3A_519 = arith.constant 96 : index
            %get3A_520 = tpu.vector_load %arg5[%get3A_517, %get3A_518, %get3A_519] {strides = array<i32>} : memref<4x80x128xf32, #tpu.memory_space<vmem>>, vector<1x1x16xf32>,
            %get3A_521 = vector.shape_cast %get3A_520 : vector<1x1x16xf32> to vector<16xf32>
            %swap3A_522 = arith.index_cast %squeeze3A_442 : i32 to index
            %swap3A_523 = arith.constant 96 : index
            %swap3A_524 = tpu.vector_load %arg7[%swap3A_522, %swap3A_523] {strides = array<i32>} : memref<512x128xf32, #tpu.memory_space<vmem>>, vector<1x16xf32>,
            %swap3A_525 = vector.shape_cast %swap3A_524 : vector<1x16xf32> to vector<16xf32>
            %swap3A_526 = vector.shape_cast %get3A_521 : vector<16xf32> to vector<1x16xf32>
            tpu.vector_store %arg7[%swap3A_522, %swap3A_523], %swap3A_526 {add = true, strides = array<i32>} : memref<512x128xf32, #tpu.memory_space<vmem>>, vector<1x16xf32>,
            %add3A_527 = arith.constant 3 : i32
            %add3A_528 = arith.addi %mul3A_133, %add3A_527 : i32
            %get3A_529 = arith.index_cast %rem3A_88 : i32 to index
            %get3A_530 = arith.index_cast %add3A_528 : i32 to index
            %get3A_531 = arith.constant 112 : index
            %get3A_532 = tpu.vector_load %arg5[%get3A_529, %get3A_530, %get3A_531] {strides = array<i32>} : memref<4x80x128xf32, #tpu.memory_space<vmem>>, vector<1x1x16xf32>,
            %get3A_533 = vector.shape_cast %get3A_532 : vector<1x1x16xf32> to vector<16xf32>
            %swap3A_534 = arith.index_cast %squeeze3A_442 : i32 to index
            %swap3A_535 = arith.constant 112 : index
            %swap3A_536 = tpu.vector_load %arg7[%swap3A_534, %swap3A_535] {strides = array<i32>} : memref<512x128xf32, #tpu.memory_space<vmem>>, vector<1x16xf32>,
            %swap3A_537 = vector.shape_cast %swap3A_536 : vector<1x16xf32> to vector<16xf32>
            %swap3A_538 = vector.shape_cast %get3A_533 : vector<16xf32> to vector<1x16xf32>
            tpu.vector_store %arg7[%swap3A_534, %swap3A_535], %swap3A_538 {add = true, strides = array<i32>} : memref<512x128xf32, #tpu.memory_space<vmem>>, vector<1x16xf32>,
            %slice3A_539 = vector.extract_strided_slice %get3A_136 {offsets = [4], sizes = [1], strides = [1]} : vector<16xi32> to vector<1xi32>
            %squeeze3A_540 = vector.extract %slice3A_539[0] : i32 from vector<1xi32>
            %add3A_541 = arith.constant 4 : i32
            %add3A_542 = arith.addi %mul3A_133, %add3A_541 : i32
            %get3A_543 = arith.index_cast %rem3A_88 : i32 to index
            %get3A_544 = arith.index_cast %add3A_542 : i32 to index
            %get3A_545 = arith.constant 0 : index
            %get3A_546 = tpu.vector_load %arg5[%get3A_543, %get3A_544, %get3A_545] {strides = array<i32>} : memref<4x80x128xf32, #tpu.memory_space<vmem>>, vector<1x1x16xf32>,
            %get3A_547 = vector.shape_cast %get3A_546 : vector<1x1x16xf32> to vector<16xf32>
            %swap3A_548 = arith.index_cast %squeeze3A_540 : i32 to index
            %swap3A_549 = arith.constant 0 : index
            %swap3A_550 = tpu.vector_load %arg7[%swap3A_548, %swap3A_549] {strides = array<i32>} : memref<512x128xf32, #tpu.memory_space<vmem>>, vector<1x16xf32>,
            %swap3A_551 = vector.shape_cast %swap3A_550 : vector<1x16xf32> to vector<16xf32>
            %swap3A_552 = vector.shape_cast %get3A_547 : vector<16xf32> to vector<1x16xf32>
            tpu.vector_store %arg7[%swap3A_548, %swap3A_549], %swap3A_552 {add = true, strides = array<i32>} : memref<512x128xf32, #tpu.memory_space<vmem>>, vector<1x16xf32>,
            %add3A_553 = arith.constant 4 : i32
            %add3A_554 = arith.addi %mul3A_133, %add3A_553 : i32
            %get3A_555 = arith.index_cast %rem3A_88 : i32 to index
            %get3A_556 = arith.index_cast %add3A_554 : i32 to index
            %get3A_557 = arith.constant 16 : index
            %get3A_558 = tpu.vector_load %arg5[%get3A_555, %get3A_556, %get3A_557] {strides = array<i32>} : memref<4x80x128xf32, #tpu.memory_space<vmem>>, vector<1x1x16xf32>,
            %get3A_559 = vector.shape_cast %get3A_558 : vector<1x1x16xf32> to vector<16xf32>
            %swap3A_560 = arith.index_cast %squeeze3A_540 : i32 to index
            %swap3A_561 = arith.constant 16 : index
            %swap3A_562 = tpu.vector_load %arg7[%swap3A_560, %swap3A_561] {strides = array<i32>} : memref<512x128xf32, #tpu.memory_space<vmem>>, vector<1x16xf32>,
            %swap3A_563 = vector.shape_cast %swap3A_562 : vector<1x16xf32> to vector<16xf32>
            %swap3A_564 = vector.shape_cast %get3A_559 : vector<16xf32> to vector<1x16xf32>
            tpu.vector_store %arg7[%swap3A_560, %swap3A_561], %swap3A_564 {add = true, strides = array<i32>} : memref<512x128xf32, #tpu.memory_space<vmem>>, vector<1x16xf32>,
            %add3A_565 = arith.constant 4 : i32
            %add3A_566 = arith.addi %mul3A_133, %add3A_565 : i32
            %get3A_567 = arith.index_cast %rem3A_88 : i32 to index
            %get3A_568 = arith.index_cast %add3A_566 : i32 to index
            %get3A_569 = arith.constant 32 : index
            %get3A_570 = tpu.vector_load %arg5[%get3A_567, %get3A_568, %get3A_569] {strides = array<i32>} : memref<4x80x128xf32, #tpu.memory_space<vmem>>, vector<1x1x16xf32>,
            %get3A_571 = vector.shape_cast %get3A_570 : vector<1x1x16xf32> to vector<16xf32>
            %swap3A_572 = arith.index_cast %squeeze3A_540 : i32 to index
            %swap3A_573 = arith.constant 32 : index
            %swap3A_574 = tpu.vector_load %arg7[%swap3A_572, %swap3A_573] {strides = array<i32>} : memref<512x128xf32, #tpu.memory_space<vmem>>, vector<1x16xf32>,
            %swap3A_575 = vector.shape_cast %swap3A_574 : vector<1x16xf32> to vector<16xf32>
            %swap3A_576 = vector.shape_cast %get3A_571 : vector<16xf32> to vector<1x16xf32>
            tpu.vector_store %arg7[%swap3A_572, %swap3A_573], %swap3A_576 {add = true, strides = array<i32>} : memref<512x128xf32, #tpu.memory_space<vmem>>, vector<1x16xf32>,
            %add3A_577 = arith.constant 4 : i32
            %add3A_578 = arith.addi %mul3A_133, %add3A_577 : i32
            %get3A_579 = arith.index_cast %rem3A_88 : i32 to index
            %get3A_580 = arith.index_cast %add3A_578 : i32 to index
            %get3A_581 = arith.constant 48 : index
            %get3A_582 = tpu.vector_load %arg5[%get3A_579, %get3A_580, %get3A_581] {strides = array<i32>} : memref<4x80x128xf32, #tpu.memory_space<vmem>>, vector<1x1x16xf32>,
            %get3A_583 = vector.shape_cast %get3A_582 : vector<1x1x16xf32> to vector<16xf32>
            %swap3A_584 = arith.index_cast %squeeze3A_540 : i32 to index
            %swap3A_585 = arith.constant 48 : index
            %swap3A_586 = tpu.vector_load %arg7[%swap3A_584, %swap3A_585] {strides = array<i32>} : memref<512x128xf32, #tpu.memory_space<vmem>>, vector<1x16xf32>,
            %swap3A_587 = vector.shape_cast %swap3A_586 : vector<1x16xf32> to vector<16xf32>
            %swap3A_588 = vector.shape_cast %get3A_583 : vector<16xf32> to vector<1x16xf32>
            tpu.vector_store %arg7[%swap3A_584, %swap3A_585], %swap3A_588 {add = true, strides = array<i32>} : memref<512x128xf32, #tpu.memory_space<vmem>>, vector<1x16xf32>,
            %add3A_589 = arith.constant 4 : i32
            %add3A_590 = arith.addi %mul3A_133, %add3A_589 : i32
            %get3A_591 = arith.index_cast %rem3A_88 : i32 to index
            %get3A_592 = arith.index_cast %add3A_590 : i32 to index
            %get3A_593 = arith.constant 64 : index
            %get3A_594 = tpu.vector_load %arg5[%get3A_591, %get3A_592, %get3A_593] {strides = array<i32>} : memref<4x80x128xf32, #tpu.memory_space<vmem>>, vector<1x1x16xf32>,
            %get3A_595 = vector.shape_cast %get3A_594 : vector<1x1x16xf32> to vector<16xf32>
            %swap3A_596 = arith.index_cast %squeeze3A_540 : i32 to index
            %swap3A_597 = arith.constant 64 : index
            %swap3A_598 = tpu.vector_load %arg7[%swap3A_596, %swap3A_597] {strides = array<i32>} : memref<512x128xf32, #tpu.memory_space<vmem>>, vector<1x16xf32>,
            %swap3A_599 = vector.shape_cast %swap3A_598 : vector<1x16xf32> to vector<16xf32>
            %swap3A_600 = vector.shape_cast %get3A_595 : vector<16xf32> to vector<1x16xf32>
            tpu.vector_store %arg7[%swap3A_596, %swap3A_597], %swap3A_600 {add = true, strides = array<i32>} : memref<512x128xf32, #tpu.memory_space<vmem>>, vector<1x16xf32>,
            %add3A_601 = arith.constant 4 : i32
            %add3A_602 = arith.addi %mul3A_133, %add3A_601 : i32
            %get3A_603 = arith.index_cast %rem3A_88 : i32 to index
            %get3A_604 = arith.index_cast %add3A_602 : i32 to index
            %get3A_605 = arith.constant 80 : index
            %get3A_606 = tpu.vector_load %arg5[%get3A_603, %get3A_604, %get3A_605] {strides = array<i32>} : memref<4x80x128xf32, #tpu.memory_space<vmem>>, vector<1x1x16xf32>,
            %get3A_607 = vector.shape_cast %get3A_606 : vector<1x1x16xf32> to vector<16xf32>
            %swap3A_608 = arith.index_cast %squeeze3A_540 : i32 to index
            %swap3A_609 = arith.constant 80 : index
            %swap3A_610 = tpu.vector_load %arg7[%swap3A_608, %swap3A_609] {strides = array<i32>} : memref<512x128xf32, #tpu.memory_space<vmem>>, vector<1x16xf32>,
            %swap3A_611 = vector.shape_cast %swap3A_610 : vector<1x16xf32> to vector<16xf32>
            %swap3A_612 = vector.shape_cast %get3A_607 : vector<16xf32> to vector<1x16xf32>
            tpu.vector_store %arg7[%swap3A_608, %swap3A_609], %swap3A_612 {add = true, strides = array<i32>} : memref<512x128xf32, #tpu.memory_space<vmem>>, vector<1x16xf32>,
            %add3A_613 = arith.constant 4 : i32
            %add3A_614 = arith.addi %mul3A_133, %add3A_613 : i32
            %get3A_615 = arith.index_cast %rem3A_88 : i32 to index
            %get3A_616 = arith.index_cast %add3A_614 : i32 to index
            %get3A_617 = arith.constant 96 : index
            %get3A_618 = tpu.vector_load %arg5[%get3A_615, %get3A_616, %get3A_617] {strides = array<i32>} : memref<4x80x128xf32, #tpu.memory_space<vmem>>, vector<1x1x16xf32>,
            %get3A_619 = vector.shape_cast %get3A_618 : vector<1x1x16xf32> to vector<16xf32>
            %swap3A_620 = arith.index_cast %squeeze3A_540 : i32 to index
            %swap3A_621 = arith.constant 96 : index
            %swap3A_622 = tpu.vector_load %arg7[%swap3A_620, %swap3A_621] {strides = array<i32>} : memref<512x128xf32, #tpu.memory_space<vmem>>, vector<1x16xf32>,
            %swap3A_623 = vector.shape_cast %swap3A_622 : vector<1x16xf32> to vector<16xf32>
            %swap3A_624 = vector.shape_cast %get3A_619 : vector<16xf32> to vector<1x16xf32>
            tpu.vector_store %arg7[%swap3A_620, %swap3A_621], %swap3A_624 {add = true, strides = array<i32>} : memref<512x128xf32, #tpu.memory_space<vmem>>, vector<1x16xf32>,
            %add3A_625 = arith.constant 4 : i32
            %add3A_626 = arith.addi %mul3A_133, %add3A_625 : i32
            %get3A_627 = arith.index_cast %rem3A_88 : i32 to index
            %get3A_628 = arith.index_cast %add3A_626 : i32 to index
            %get3A_629 = arith.constant 112 : index
            %get3A_630 = tpu.vector_load %arg5[%get3A_627, %get3A_628, %get3A_629] {strides = array<i32>} : memref<4x80x128xf32, #tpu.memory_space<vmem>>, vector<1x1x16xf32>,
            %get3A_631 = vector.shape_cast %get3A_630 : vector<1x1x16xf32> to vector<16xf32>
            %swap3A_632 = arith.index_cast %squeeze3A_540 : i32 to index
            %swap3A_633 = arith.constant 112 : index
            %swap3A_634 = tpu.vector_load %arg7[%swap3A_632, %swap3A_633] {strides = array<i32>} : memref<512x128xf32, #tpu.memory_space<vmem>>, vector<1x16xf32>,
            %swap3A_635 = vector.shape_cast %swap3A_634 : vector<1x16xf32> to vector<16xf32>
            %swap3A_636 = vector.shape_cast %get3A_631 : vector<16xf32> to vector<1x16xf32>
            tpu.vector_store %arg7[%swap3A_632, %swap3A_633], %swap3A_636 {add = true, strides = array<i32>} : memref<512x128xf32, #tpu.memory_space<vmem>>, vector<1x16xf32>,
            %slice3A_637 = vector.extract_strided_slice %get3A_136 {offsets = [5], sizes = [1], strides = [1]} : vector<16xi32> to vector<1xi32>
            %squeeze3A_638 = vector.extract %slice3A_637[0] : i32 from vector<1xi32>
            %add3A_639 = arith.constant 5 : i32
            %add3A_640 = arith.addi %mul3A_133, %add3A_639 : i32
            %get3A_641 = arith.index_cast %rem3A_88 : i32 to index
            %get3A_642 = arith.index_cast %add3A_640 : i32 to index
            %get3A_643 = arith.constant 0 : index
            %get3A_644 = tpu.vector_load %arg5[%get3A_641, %get3A_642, %get3A_643] {strides = array<i32>} : memref<4x80x128xf32, #tpu.memory_space<vmem>>, vector<1x1x16xf32>,
            %get3A_645 = vector.shape_cast %get3A_644 : vector<1x1x16xf32> to vector<16xf32>
            %swap3A_646 = arith.index_cast %squeeze3A_638 : i32 to index
            %swap3A_647 = arith.constant 0 : index
            %swap3A_648 = tpu.vector_load %arg7[%swap3A_646, %swap3A_647] {strides = array<i32>} : memref<512x128xf32, #tpu.memory_space<vmem>>, vector<1x16xf32>,
            %swap3A_649 = vector.shape_cast %swap3A_648 : vector<1x16xf32> to vector<16xf32>
            %swap3A_650 = vector.shape_cast %get3A_645 : vector<16xf32> to vector<1x16xf32>
            tpu.vector_store %arg7[%swap3A_646, %swap3A_647], %swap3A_650 {add = true, strides = array<i32>} : memref<512x128xf32, #tpu.memory_space<vmem>>, vector<1x16xf32>,
            %add3A_651 = arith.constant 5 : i32
            %add3A_652 = arith.addi %mul3A_133, %add3A_651 : i32
            %get3A_653 = arith.index_cast %rem3A_88 : i32 to index
            %get3A_654 = arith.index_cast %add3A_652 : i32 to index
            %get3A_655 = arith.constant 16 : index
            %get3A_656 = tpu.vector_load %arg5[%get3A_653, %get3A_654, %get3A_655] {strides = array<i32>} : memref<4x80x128xf32, #tpu.memory_space<vmem>>, vector<1x1x16xf32>,
            %get3A_657 = vector.shape_cast %get3A_656 : vector<1x1x16xf32> to vector<16xf32>
            %swap3A_658 = arith.index_cast %squeeze3A_638 : i32 to index
            %swap3A_659 = arith.constant 16 : index
            %swap3A_660 = tpu.vector_load %arg7[%swap3A_658, %swap3A_659] {strides = array<i32>} : memref<512x128xf32, #tpu.memory_space<vmem>>, vector<1x16xf32>,
            %swap3A_661 = vector.shape_cast %swap3A_660 : vector<1x16xf32> to vector<16xf32>
            %swap3A_662 = vector.shape_cast %get3A_657 : vector<16xf32> to vector<1x16xf32>
            tpu.vector_store %arg7[%swap3A_658, %swap3A_659], %swap3A_662 {add = true, strides = array<i32>} : memref<512x128xf32, #tpu.memory_space<vmem>>, vector<1x16xf32>,
            %add3A_663 = arith.constant 5 : i32
            %add3A_664 = arith.addi %mul3A_133, %add3A_663 : i32
            %get3A_665 = arith.index_cast %rem3A_88 : i32 to index
            %get3A_666 = arith.index_cast %add3A_664 : i32 to index
            %get3A_667 = arith.constant 32 : index
            %get3A_668 = tpu.vector_load %arg5[%get3A_665, %get3A_666, %get3A_667] {strides = array<i32>} : memref<4x80x128xf32, #tpu.memory_space<vmem>>, vector<1x1x16xf32>,
            %get3A_669 = vector.shape_cast %get3A_668 : vector<1x1x16xf32> to vector<16xf32>
            %swap3A_670 = arith.index_cast %squeeze3A_638 : i32 to index
            %swap3A_671 = arith.constant 32 : index
            %swap3A_672 = tpu.vector_load %arg7[%swap3A_670, %swap3A_671] {strides = array<i32>} : memref<512x128xf32, #tpu.memory_space<vmem>>, vector<1x16xf32>,
            %swap3A_673 = vector.shape_cast %swap3A_672 : vector<1x16xf32> to vector<16xf32>
            %swap3A_674 = vector.shape_cast %get3A_669 : vector<16xf32> to vector<1x16xf32>
            tpu.vector_store %arg7[%swap3A_670, %swap3A_671], %swap3A_674 {add = true, strides = array<i32>} : memref<512x128xf32, #tpu.memory_space<vmem>>, vector<1x16xf32>,
            %add3A_675 = arith.constant 5 : i32
            %add3A_676 = arith.addi %mul3A_133, %add3A_675 : i32
            %get3A_677 = arith.index_cast %rem3A_88 : i32 to index
            %get3A_678 = arith.index_cast %add3A_676 : i32 to index
            %get3A_679 = arith.constant 48 : index
            %get3A_680 = tpu.vector_load %arg5[%get3A_677, %get3A_678, %get3A_679] {strides = array<i32>} : memref<4x80x128xf32, #tpu.memory_space<vmem>>, vector<1x1x16xf32>,
            %get3A_681 = vector.shape_cast %get3A_680 : vector<1x1x16xf32> to vector<16xf32>
            %swap3A_682 = arith.index_cast %squeeze3A_638 : i32 to index
            %swap3A_683 = arith.constant 48 : index
            %swap3A_684 = tpu.vector_load %arg7[%swap3A_682, %swap3A_683] {strides = array<i32>} : memref<512x128xf32, #tpu.memory_space<vmem>>, vector<1x16xf32>,
            %swap3A_685 = vector.shape_cast %swap3A_684 : vector<1x16xf32> to vector<16xf32>
            %swap3A_686 = vector.shape_cast %get3A_681 : vector<16xf32> to vector<1x16xf32>
            tpu.vector_store %arg7[%swap3A_682, %swap3A_683], %swap3A_686 {add = true, strides = array<i32>} : memref<512x128xf32, #tpu.memory_space<vmem>>, vector<1x16xf32>,
            %add3A_687 = arith.constant 5 : i32
            %add3A_688 = arith.addi %mul3A_133, %add3A_687 : i32
            %get3A_689 = arith.index_cast %rem3A_88 : i32 to index
            %get3A_690 = arith.index_cast %add3A_688 : i32 to index
            %get3A_691 = arith.constant 64 : index
            %get3A_692 = tpu.vector_load %arg5[%get3A_689, %get3A_690, %get3A_691] {strides = array<i32>} : memref<4x80x128xf32, #tpu.memory_space<vmem>>, vector<1x1x16xf32>,
            %get3A_693 = vector.shape_cast %get3A_692 : vector<1x1x16xf32> to vector<16xf32>
            %swap3A_694 = arith.index_cast %squeeze3A_638 : i32 to index
            %swap3A_695 = arith.constant 64 : index
            %swap3A_696 = tpu.vector_load %arg7[%swap3A_694, %swap3A_695] {strides = array<i32>} : memref<512x128xf32, #tpu.memory_space<vmem>>, vector<1x16xf32>,
            %swap3A_697 = vector.shape_cast %swap3A_696 : vector<1x16xf32> to vector<16xf32>
            %swap3A_698 = vector.shape_cast %get3A_693 : vector<16xf32> to vector<1x16xf32>
            tpu.vector_store %arg7[%swap3A_694, %swap3A_695], %swap3A_698 {add = true, strides = array<i32>} : memref<512x128xf32, #tpu.memory_space<vmem>>, vector<1x16xf32>,
            %add3A_699 = arith.constant 5 : i32
            %add3A_700 = arith.addi %mul3A_133, %add3A_699 : i32
            %get3A_701 = arith.index_cast %rem3A_88 : i32 to index
            %get3A_702 = arith.index_cast %add3A_700 : i32 to index
            %get3A_703 = arith.constant 80 : index
            %get3A_704 = tpu.vector_load %arg5[%get3A_701, %get3A_702, %get3A_703] {strides = array<i32>} : memref<4x80x128xf32, #tpu.memory_space<vmem>>, vector<1x1x16xf32>,
            %get3A_705 = vector.shape_cast %get3A_704 : vector<1x1x16xf32> to vector<16xf32>
            %swap3A_706 = arith.index_cast %squeeze3A_638 : i32 to index
            %swap3A_707 = arith.constant 80 : index
            %swap3A_708 = tpu.vector_load %arg7[%swap3A_706, %swap3A_707] {strides = array<i32>} : memref<512x128xf32, #tpu.memory_space<vmem>>, vector<1x16xf32>,
            %swap3A_709 = vector.shape_cast %swap3A_708 : vector<1x16xf32> to vector<16xf32>
            %swap3A_710 = vector.shape_cast %get3A_705 : vector<16xf32> to vector<1x16xf32>
            tpu.vector_store %arg7[%swap3A_706, %swap3A_707], %swap3A_710 {add = true, strides = array<i32>} : memref<512x128xf32, #tpu.memory_space<vmem>>, vector<1x16xf32>,
            %add3A_711 = arith.constant 5 : i32
            %add3A_712 = arith.addi %mul3A_133, %add3A_711 : i32
            %get3A_713 = arith.index_cast %rem3A_88 : i32 to index
            %get3A_714 = arith.index_cast %add3A_712 : i32 to index
            %get3A_715 = arith.constant 96 : index
            %get3A_716 = tpu.vector_load %arg5[%get3A_713, %get3A_714, %get3A_715] {strides = array<i32>} : memref<4x80x128xf32, #tpu.memory_space<vmem>>, vector<1x1x16xf32>,
            %get3A_717 = vector.shape_cast %get3A_716 : vector<1x1x16xf32> to vector<16xf32>
            %swap3A_718 = arith.index_cast %squeeze3A_638 : i32 to index
            %swap3A_719 = arith.constant 96 : index
            %swap3A_720 = tpu.vector_load %arg7[%swap3A_718, %swap3A_719] {strides = array<i32>} : memref<512x128xf32, #tpu.memory_space<vmem>>, vector<1x16xf32>,
            %swap3A_721 = vector.shape_cast %swap3A_720 : vector<1x16xf32> to vector<16xf32>
            %swap3A_722 = vector.shape_cast %get3A_717 : vector<16xf32> to vector<1x16xf32>
            tpu.vector_store %arg7[%swap3A_718, %swap3A_719], %swap3A_722 {add = true, strides = array<i32>} : memref<512x128xf32, #tpu.memory_space<vmem>>, vector<1x16xf32>,
            %add3A_723 = arith.constant 5 : i32
            %add3A_724 = arith.addi %mul3A_133, %add3A_723 : i32
            %get3A_725 = arith.index_cast %rem3A_88 : i32 to index
            %get3A_726 = arith.index_cast %add3A_724 : i32 to index
            %get3A_727 = arith.constant 112 : index
            %get3A_728 = tpu.vector_load %arg5[%get3A_725, %get3A_726, %get3A_727] {strides = array<i32>} : memref<4x80x128xf32, #tpu.memory_space<vmem>>, vector<1x1x16xf32>,
            %get3A_729 = vector.shape_cast %get3A_728 : vector<1x1x16xf32> to vector<16xf32>
            %swap3A_730 = arith.index_cast %squeeze3A_638 : i32 to index
            %swap3A_731 = arith.constant 112 : index
            %swap3A_732 = tpu.vector_load %arg7[%swap3A_730, %swap3A_731] {strides = array<i32>} : memref<512x128xf32, #tpu.memory_space<vmem>>, vector<1x16xf32>,
            %swap3A_733 = vector.shape_cast %swap3A_732 : vector<1x16xf32> to vector<16xf32>
            %swap3A_734 = vector.shape_cast %get3A_729 : vector<16xf32> to vector<1x16xf32>
            tpu.vector_store %arg7[%swap3A_730, %swap3A_731], %swap3A_734 {add = true, strides = array<i32>} : memref<512x128xf32, #tpu.memory_space<vmem>>, vector<1x16xf32>,
            %slice3A_735 = vector.extract_strided_slice %get3A_136 {offsets = [6], sizes = [1], strides = [1]} : vector<16xi32> to vector<1xi32>
            %squeeze3A_736 = vector.extract %slice3A_735[0] : i32 from vector<1xi32>
            %add3A_737 = arith.constant 6 : i32
            %add3A_738 = arith.addi %mul3A_133, %add3A_737 : i32
            %get3A_739 = arith.index_cast %rem3A_88 : i32 to index
            %get3A_740 = arith.index_cast %add3A_738 : i32 to index
            %get3A_741 = arith.constant 0 : index
            %get3A_742 = tpu.vector_load %arg5[%get3A_739, %get3A_740, %get3A_741] {strides = array<i32>} : memref<4x80x128xf32, #tpu.memory_space<vmem>>, vector<1x1x16xf32>,
            %get3A_743 = vector.shape_cast %get3A_742 : vector<1x1x16xf32> to vector<16xf32>
            %swap3A_744 = arith.index_cast %squeeze3A_736 : i32 to index
            %swap3A_745 = arith.constant 0 : index
            %swap3A_746 = tpu.vector_load %arg7[%swap3A_744, %swap3A_745] {strides = array<i32>} : memref<512x128xf32, #tpu.memory_space<vmem>>, vector<1x16xf32>,
            %swap3A_747 = vector.shape_cast %swap3A_746 : vector<1x16xf32> to vector<16xf32>
            %swap3A_748 = vector.shape_cast %get3A_743 : vector<16xf32> to vector<1x16xf32>
            tpu.vector_store %arg7[%swap3A_744, %swap3A_745], %swap3A_748 {add = true, strides = array<i32>} : memref<512x128xf32, #tpu.memory_space<vmem>>, vector<1x16xf32>,
            %add3A_749 = arith.constant 6 : i32
            %add3A_750 = arith.addi %mul3A_133, %add3A_749 : i32
            %get3A_751 = arith.index_cast %rem3A_88 : i32 to index
            %get3A_752 = arith.index_cast %add3A_750 : i32 to index
            %get3A_753 = arith.constant 16 : index
            %get3A_754 = tpu.vector_load %arg5[%get3A_751, %get3A_752, %get3A_753] {strides = array<i32>} : memref<4x80x128xf32, #tpu.memory_space<vmem>>, vector<1x1x16xf32>,
            %get3A_755 = vector.shape_cast %get3A_754 : vector<1x1x16xf32> to vector<16xf32>
            %swap3A_756 = arith.index_cast %squeeze3A_736 : i32 to index
            %swap3A_757 = arith.constant 16 : index
            %swap3A_758 = tpu.vector_load %arg7[%swap3A_756, %swap3A_757] {strides = array<i32>} : memref<512x128xf32, #tpu.memory_space<vmem>>, vector<1x16xf32>,
            %swap3A_759 = vector.shape_cast %swap3A_758 : vector<1x16xf32> to vector<16xf32>
            %swap3A_760 = vector.shape_cast %get3A_755 : vector<16xf32> to vector<1x16xf32>
            tpu.vector_store %arg7[%swap3A_756, %swap3A_757], %swap3A_760 {add = true, strides = array<i32>} : memref<512x128xf32, #tpu.memory_space<vmem>>, vector<1x16xf32>,
            %add3A_761 = arith.constant 6 : i32
            %add3A_762 = arith.addi %mul3A_133, %add3A_761 : i32
            %get3A_763 = arith.index_cast %rem3A_88 : i32 to index
            %get3A_764 = arith.index_cast %add3A_762 : i32 to index
            %get3A_765 = arith.constant 32 : index
            %get3A_766 = tpu.vector_load %arg5[%get3A_763, %get3A_764, %get3A_765] {strides = array<i32>} : memref<4x80x128xf32, #tpu.memory_space<vmem>>, vector<1x1x16xf32>,
            %get3A_767 = vector.shape_cast %get3A_766 : vector<1x1x16xf32> to vector<16xf32>
            %swap3A_768 = arith.index_cast %squeeze3A_736 : i32 to index
            %swap3A_769 = arith.constant 32 : index
            %swap3A_770 = tpu.vector_load %arg7[%swap3A_768, %swap3A_769] {strides = array<i32>} : memref<512x128xf32, #tpu.memory_space<vmem>>, vector<1x16xf32>,
            %swap3A_771 = vector.shape_cast %swap3A_770 : vector<1x16xf32> to vector<16xf32>
            %swap3A_772 = vector.shape_cast %get3A_767 : vector<16xf32> to vector<1x16xf32>
            tpu.vector_store %arg7[%swap3A_768, %swap3A_769], %swap3A_772 {add = true, strides = array<i32>} : memref<512x128xf32, #tpu.memory_space<vmem>>, vector<1x16xf32>,
            %add3A_773 = arith.constant 6 : i32
            %add3A_774 = arith.addi %mul3A_133, %add3A_773 : i32
            %get3A_775 = arith.index_cast %rem3A_88 : i32 to index
            %get3A_776 = arith.index_cast %add3A_774 : i32 to index
            %get3A_777 = arith.constant 48 : index
            %get3A_778 = tpu.vector_load %arg5[%get3A_775, %get3A_776, %get3A_777] {strides = array<i32>} : memref<4x80x128xf32, #tpu.memory_space<vmem>>, vector<1x1x16xf32>,
            %get3A_779 = vector.shape_cast %get3A_778 : vector<1x1x16xf32> to vector<16xf32>
            %swap3A_780 = arith.index_cast %squeeze3A_736 : i32 to index
            %swap3A_781 = arith.constant 48 : index
            %swap3A_782 = tpu.vector_load %arg7[%swap3A_780, %swap3A_781] {strides = array<i32>} : memref<512x128xf32, #tpu.memory_space<vmem>>, vector<1x16xf32>,
            %swap3A_783 = vector.shape_cast %swap3A_782 : vector<1x16xf32> to vector<16xf32>
            %swap3A_784 = vector.shape_cast %get3A_779 : vector<16xf32> to vector<1x16xf32>
            tpu.vector_store %arg7[%swap3A_780, %swap3A_781], %swap3A_784 {add = true, strides = array<i32>} : memref<512x128xf32, #tpu.memory_space<vmem>>, vector<1x16xf32>,
            %add3A_785 = arith.constant 6 : i32
            %add3A_786 = arith.addi %mul3A_133, %add3A_785 : i32
            %get3A_787 = arith.index_cast %rem3A_88 : i32 to index
            %get3A_788 = arith.index_cast %add3A_786 : i32 to index
            %get3A_789 = arith.constant 64 : index
            %get3A_790 = tpu.vector_load %arg5[%get3A_787, %get3A_788, %get3A_789] {strides = array<i32>} : memref<4x80x128xf32, #tpu.memory_space<vmem>>, vector<1x1x16xf32>,
            %get3A_791 = vector.shape_cast %get3A_790 : vector<1x1x16xf32> to vector<16xf32>
            %swap3A_792 = arith.index_cast %squeeze3A_736 : i32 to index
            %swap3A_793 = arith.constant 64 : index
            %swap3A_794 = tpu.vector_load %arg7[%swap3A_792, %swap3A_793] {strides = array<i32>} : memref<512x128xf32, #tpu.memory_space<vmem>>, vector<1x16xf32>,
            %swap3A_795 = vector.shape_cast %swap3A_794 : vector<1x16xf32> to vector<16xf32>
            %swap3A_796 = vector.shape_cast %get3A_791 : vector<16xf32> to vector<1x16xf32>
            tpu.vector_store %arg7[%swap3A_792, %swap3A_793], %swap3A_796 {add = true, strides = array<i32>} : memref<512x128xf32, #tpu.memory_space<vmem>>, vector<1x16xf32>,
            %add3A_797 = arith.constant 6 : i32
            %add3A_798 = arith.addi %mul3A_133, %add3A_797 : i32
            %get3A_799 = arith.index_cast %rem3A_88 : i32 to index
            %get3A_800 = arith.index_cast %add3A_798 : i32 to index
            %get3A_801 = arith.constant 80 : index
            %get3A_802 = tpu.vector_load %arg5[%get3A_799, %get3A_800, %get3A_801] {strides = array<i32>} : memref<4x80x128xf32, #tpu.memory_space<vmem>>, vector<1x1x16xf32>,
            %get3A_803 = vector.shape_cast %get3A_802 : vector<1x1x16xf32> to vector<16xf32>
            %swap3A_804 = arith.index_cast %squeeze3A_736 : i32 to index
            %swap3A_805 = arith.constant 80 : index
            %swap3A_806 = tpu.vector_load %arg7[%swap3A_804, %swap3A_805] {strides = array<i32>} : memref<512x128xf32, #tpu.memory_space<vmem>>, vector<1x16xf32>,
            %swap3A_807 = vector.shape_cast %swap3A_806 : vector<1x16xf32> to vector<16xf32>
            %swap3A_808 = vector.shape_cast %get3A_803 : vector<16xf32> to vector<1x16xf32>
            tpu.vector_store %arg7[%swap3A_804, %swap3A_805], %swap3A_808 {add = true, strides = array<i32>} : memref<512x128xf32, #tpu.memory_space<vmem>>, vector<1x16xf32>,
            %add3A_809 = arith.constant 6 : i32
            %add3A_810 = arith.addi %mul3A_133, %add3A_809 : i32
            %get3A_811 = arith.index_cast %rem3A_88 : i32 to index
            %get3A_812 = arith.index_cast %add3A_810 : i32 to index
            %get3A_813 = arith.constant 96 : index
            %get3A_814 = tpu.vector_load %arg5[%get3A_811, %get3A_812, %get3A_813] {strides = array<i32>} : memref<4x80x128xf32, #tpu.memory_space<vmem>>, vector<1x1x16xf32>,
            %get3A_815 = vector.shape_cast %get3A_814 : vector<1x1x16xf32> to vector<16xf32>
            %swap3A_816 = arith.index_cast %squeeze3A_736 : i32 to index
            %swap3A_817 = arith.constant 96 : index
            %swap3A_818 = tpu.vector_load %arg7[%swap3A_816, %swap3A_817] {strides = array<i32>} : memref<512x128xf32, #tpu.memory_space<vmem>>, vector<1x16xf32>,
            %swap3A_819 = vector.shape_cast %swap3A_818 : vector<1x16xf32> to vector<16xf32>
            %swap3A_820 = vector.shape_cast %get3A_815 : vector<16xf32> to vector<1x16xf32>
            tpu.vector_store %arg7[%swap3A_816, %swap3A_817], %swap3A_820 {add = true, strides = array<i32>} : memref<512x128xf32, #tpu.memory_space<vmem>>, vector<1x16xf32>,
            %add3A_821 = arith.constant 6 : i32
            %add3A_822 = arith.addi %mul3A_133, %add3A_821 : i32
            %get3A_823 = arith.index_cast %rem3A_88 : i32 to index
            %get3A_824 = arith.index_cast %add3A_822 : i32 to index
            %get3A_825 = arith.constant 112 : index
            %get3A_826 = tpu.vector_load %arg5[%get3A_823, %get3A_824, %get3A_825] {strides = array<i32>} : memref<4x80x128xf32, #tpu.memory_space<vmem>>, vector<1x1x16xf32>,
            %get3A_827 = vector.shape_cast %get3A_826 : vector<1x1x16xf32> to vector<16xf32>
            %swap3A_828 = arith.index_cast %squeeze3A_736 : i32 to index
            %swap3A_829 = arith.constant 112 : index
            %swap3A_830 = tpu.vector_load %arg7[%swap3A_828, %swap3A_829] {strides = array<i32>} : memref<512x128xf32, #tpu.memory_space<vmem>>, vector<1x16xf32>,
            %swap3A_831 = vector.shape_cast %swap3A_830 : vector<1x16xf32> to vector<16xf32>
            %swap3A_832 = vector.shape_cast %get3A_827 : vector<16xf32> to vector<1x16xf32>
            tpu.vector_store %arg7[%swap3A_828, %swap3A_829], %swap3A_832 {add = true, strides = array<i32>} : memref<512x128xf32, #tpu.memory_space<vmem>>, vector<1x16xf32>,
            %slice3A_833 = vector.extract_strided_slice %get3A_136 {offsets = [7], sizes = [1], strides = [1]} : vector<16xi32> to vector<1xi32>
            %squeeze3A_834 = vector.extract %slice3A_833[0] : i32 from vector<1xi32>
            %add3A_835 = arith.constant 7 : i32
            %add3A_836 = arith.addi %mul3A_133, %add3A_835 : i32
            %get3A_837 = arith.index_cast %rem3A_88 : i32 to index
            %get3A_838 = arith.index_cast %add3A_836 : i32 to index
            %get3A_839 = arith.constant 0 : index
            %get3A_840 = tpu.vector_load %arg5[%get3A_837, %get3A_838, %get3A_839] {strides = array<i32>} : memref<4x80x128xf32, #tpu.memory_space<vmem>>, vector<1x1x16xf32>,
            %get3A_841 = vector.shape_cast %get3A_840 : vector<1x1x16xf32> to vector<16xf32>
            %swap3A_842 = arith.index_cast %squeeze3A_834 : i32 to index
            %swap3A_843 = arith.constant 0 : index
            %swap3A_844 = tpu.vector_load %arg7[%swap3A_842, %swap3A_843] {strides = array<i32>} : memref<512x128xf32, #tpu.memory_space<vmem>>, vector<1x16xf32>,
            %swap3A_845 = vector.shape_cast %swap3A_844 : vector<1x16xf32> to vector<16xf32>
            %swap3A_846 = vector.shape_cast %get3A_841 : vector<16xf32> to vector<1x16xf32>
            tpu.vector_store %arg7[%swap3A_842, %swap3A_843], %swap3A_846 {add = true, strides = array<i32>} : memref<512x128xf32, #tpu.memory_space<vmem>>, vector<1x16xf32>,
            %add3A_847 = arith.constant 7 : i32
            %add3A_848 = arith.addi %mul3A_133, %add3A_847 : i32
            %get3A_849 = arith.index_cast %rem3A_88 : i32 to index
            %get3A_850 = arith.index_cast %add3A_848 : i32 to index
            %get3A_851 = arith.constant 16 : index
            %get3A_852 = tpu.vector_load %arg5[%get3A_849, %get3A_850, %get3A_851] {strides = array<i32>} : memref<4x80x128xf32, #tpu.memory_space<vmem>>, vector<1x1x16xf32>,
            %get3A_853 = vector.shape_cast %get3A_852 : vector<1x1x16xf32> to vector<16xf32>
            %swap3A_854 = arith.index_cast %squeeze3A_834 : i32 to index
            %swap3A_855 = arith.constant 16 : index
            %swap3A_856 = tpu.vector_load %arg7[%swap3A_854, %swap3A_855] {strides = array<i32>} : memref<512x128xf32, #tpu.memory_space<vmem>>, vector<1x16xf32>,
            %swap3A_857 = vector.shape_cast %swap3A_856 : vector<1x16xf32> to vector<16xf32>
            %swap3A_858 = vector.shape_cast %get3A_853 : vector<16xf32> to vector<1x16xf32>
            tpu.vector_store %arg7[%swap3A_854, %swap3A_855], %swap3A_858 {add = true, strides = array<i32>} : memref<512x128xf32, #tpu.memory_space<vmem>>, vector<1x16xf32>,
            %add3A_859 = arith.constant 7 : i32
            %add3A_860 = arith.addi %mul3A_133, %add3A_859 : i32
            %get3A_861 = arith.index_cast %rem3A_88 : i32 to index
            %get3A_862 = arith.index_cast %add3A_860 : i32 to index
            %get3A_863 = arith.constant 32 : index
            %get3A_864 = tpu.vector_load %arg5[%get3A_861, %get3A_862, %get3A_863] {strides = array<i32>} : memref<4x80x128xf32, #tpu.memory_space<vmem>>, vector<1x1x16xf32>,
            %get3A_865 = vector.shape_cast %get3A_864 : vector<1x1x16xf32> to vector<16xf32>
            %swap3A_866 = arith.index_cast %squeeze3A_834 : i32 to index
            %swap3A_867 = arith.constant 32 : index
            %swap3A_868 = tpu.vector_load %arg7[%swap3A_866, %swap3A_867] {strides = array<i32>} : memref<512x128xf32, #tpu.memory_space<vmem>>, vector<1x16xf32>,
            %swap3A_869 = vector.shape_cast %swap3A_868 : vector<1x16xf32> to vector<16xf32>
            %swap3A_870 = vector.shape_cast %get3A_865 : vector<16xf32> to vector<1x16xf32>
            tpu.vector_store %arg7[%swap3A_866, %swap3A_867], %swap3A_870 {add = true, strides = array<i32>} : memref<512x128xf32, #tpu.memory_space<vmem>>, vector<1x16xf32>,
            %add3A_871 = arith.constant 7 : i32
            %add3A_872 = arith.addi %mul3A_133, %add3A_871 : i32
            %get3A_873 = arith.index_cast %rem3A_88 : i32 to index
            %get3A_874 = arith.index_cast %add3A_872 : i32 to index
            %get3A_875 = arith.constant 48 : index
            %get3A_876 = tpu.vector_load %arg5[%get3A_873, %get3A_874, %get3A_875] {strides = array<i32>} : memref<4x80x128xf32, #tpu.memory_space<vmem>>, vector<1x1x16xf32>,
            %get3A_877 = vector.shape_cast %get3A_876 : vector<1x1x16xf32> to vector<16xf32>
            %swap3A_878 = arith.index_cast %squeeze3A_834 : i32 to index
            %swap3A_879 = arith.constant 48 : index
            %swap3A_880 = tpu.vector_load %arg7[%swap3A_878, %swap3A_879] {strides = array<i32>} : memref<512x128xf32, #tpu.memory_space<vmem>>, vector<1x16xf32>,
            %swap3A_881 = vector.shape_cast %swap3A_880 : vector<1x16xf32> to vector<16xf32>
            %swap3A_882 = vector.shape_cast %get3A_877 : vector<16xf32> to vector<1x16xf32>
            tpu.vector_store %arg7[%swap3A_878, %swap3A_879], %swap3A_882 {add = true, strides = array<i32>} : memref<512x128xf32, #tpu.memory_space<vmem>>, vector<1x16xf32>,
            %add3A_883 = arith.constant 7 : i32
            %add3A_884 = arith.addi %mul3A_133, %add3A_883 : i32
            %get3A_885 = arith.index_cast %rem3A_88 : i32 to index
            %get3A_886 = arith.index_cast %add3A_884 : i32 to index
            %get3A_887 = arith.constant 64 : index
            %get3A_888 = tpu.vector_load %arg5[%get3A_885, %get3A_886, %get3A_887] {strides = array<i32>} : memref<4x80x128xf32, #tpu.memory_space<vmem>>, vector<1x1x16xf32>,
            %get3A_889 = vector.shape_cast %get3A_888 : vector<1x1x16xf32> to vector<16xf32>
            %swap3A_890 = arith.index_cast %squeeze3A_834 : i32 to index
            %swap3A_891 = arith.constant 64 : index
            %swap3A_892 = tpu.vector_load %arg7[%swap3A_890, %swap3A_891] {strides = array<i32>} : memref<512x128xf32, #tpu.memory_space<vmem>>, vector<1x16xf32>,
            %swap3A_893 = vector.shape_cast %swap3A_892 : vector<1x16xf32> to vector<16xf32>
            %swap3A_894 = vector.shape_cast %get3A_889 : vector<16xf32> to vector<1x16xf32>
            tpu.vector_store %arg7[%swap3A_890, %swap3A_891], %swap3A_894 {add = true, strides = array<i32>} : memref<512x128xf32, #tpu.memory_space<vmem>>, vector<1x16xf32>,
            %add3A_895 = arith.constant 7 : i32
            %add3A_896 = arith.addi %mul3A_133, %add3A_895 : i32
            %get3A_897 = arith.index_cast %rem3A_88 : i32 to index
            %get3A_898 = arith.index_cast %add3A_896 : i32 to index
            %get3A_899 = arith.constant 80 : index
            %get3A_900 = tpu.vector_load %arg5[%get3A_897, %get3A_898, %get3A_899] {strides = array<i32>} : memref<4x80x128xf32, #tpu.memory_space<vmem>>, vector<1x1x16xf32>,
            %get3A_901 = vector.shape_cast %get3A_900 : vector<1x1x16xf32> to vector<16xf32>
            %swap3A_902 = arith.index_cast %squeeze3A_834 : i32 to index
            %swap3A_903 = arith.constant 80 : index
            %swap3A_904 = tpu.vector_load %arg7[%swap3A_902, %swap3A_903] {strides = array<i32>} : memref<512x128xf32, #tpu.memory_space<vmem>>, vector<1x16xf32>,
            %swap3A_905 = vector.shape_cast %swap3A_904 : vector<1x16xf32> to vector<16xf32>
            %swap3A_906 = vector.shape_cast %get3A_901 : vector<16xf32> to vector<1x16xf32>
            tpu.vector_store %arg7[%swap3A_902, %swap3A_903], %swap3A_906 {add = true, strides = array<i32>} : memref<512x128xf32, #tpu.memory_space<vmem>>, vector<1x16xf32>,
            %add3A_907 = arith.constant 7 : i32
            %add3A_908 = arith.addi %mul3A_133, %add3A_907 : i32
            %get3A_909 = arith.index_cast %rem3A_88 : i32 to index
            %get3A_910 = arith.index_cast %add3A_908 : i32 to index
            %get3A_911 = arith.constant 96 : index
            %get3A_912 = tpu.vector_load %arg5[%get3A_909, %get3A_910, %get3A_911] {strides = array<i32>} : memref<4x80x128xf32, #tpu.memory_space<vmem>>, vector<1x1x16xf32>,
            %get3A_913 = vector.shape_cast %get3A_912 : vector<1x1x16xf32> to vector<16xf32>
            %swap3A_914 = arith.index_cast %squeeze3A_834 : i32 to index
            %swap3A_915 = arith.constant 96 : index
            %swap3A_916 = tpu.vector_load %arg7[%swap3A_914, %swap3A_915] {strides = array<i32>} : memref<512x128xf32, #tpu.memory_space<vmem>>, vector<1x16xf32>,
            %swap3A_917 = vector.shape_cast %swap3A_916 : vector<1x16xf32> to vector<16xf32>
            %swap3A_918 = vector.shape_cast %get3A_913 : vector<16xf32> to vector<1x16xf32>
            tpu.vector_store %arg7[%swap3A_914, %swap3A_915], %swap3A_918 {add = true, strides = array<i32>} : memref<512x128xf32, #tpu.memory_space<vmem>>, vector<1x16xf32>,
            %add3A_919 = arith.constant 7 : i32
            %add3A_920 = arith.addi %mul3A_133, %add3A_919 : i32
            %get3A_921 = arith.index_cast %rem3A_88 : i32 to index
            %get3A_922 = arith.index_cast %add3A_920 : i32 to index
            %get3A_923 = arith.constant 112 : index
            %get3A_924 = tpu.vector_load %arg5[%get3A_921, %get3A_922, %get3A_923] {strides = array<i32>} : memref<4x80x128xf32, #tpu.memory_space<vmem>>, vector<1x1x16xf32>,
            %get3A_925 = vector.shape_cast %get3A_924 : vector<1x1x16xf32> to vector<16xf32>
            %swap3A_926 = arith.index_cast %squeeze3A_834 : i32 to index
            %swap3A_927 = arith.constant 112 : index
            %swap3A_928 = tpu.vector_load %arg7[%swap3A_926, %swap3A_927] {strides = array<i32>} : memref<512x128xf32, #tpu.memory_space<vmem>>, vector<1x16xf32>,
            %swap3A_929 = vector.shape_cast %swap3A_928 : vector<1x16xf32> to vector<16xf32>
            %swap3A_930 = vector.shape_cast %get3A_925 : vector<16xf32> to vector<1x16xf32>
            tpu.vector_store %arg7[%swap3A_926, %swap3A_927], %swap3A_930 {add = true, strides = array<i32>} : memref<512x128xf32, #tpu.memory_space<vmem>>, vector<1x16xf32>,
            %slice3A_931 = vector.extract_strided_slice %get3A_136 {offsets = [8], sizes = [1], strides = [1]} : vector<16xi32> to vector<1xi32>
            %squeeze3A_932 = vector.extract %slice3A_931[0] : i32 from vector<1xi32>
            %add3A_933 = arith.constant 8 : i32
            %add3A_934 = arith.addi %mul3A_133, %add3A_933 : i32
            %get3A_935 = arith.index_cast %rem3A_88 : i32 to index
            %get3A_936 = arith.index_cast %add3A_934 : i32 to index
            %get3A_937 = arith.constant 0 : index
            %get3A_938 = tpu.vector_load %arg5[%get3A_935, %get3A_936, %get3A_937] {strides = array<i32>} : memref<4x80x128xf32, #tpu.memory_space<vmem>>, vector<1x1x16xf32>,
            %get3A_939 = vector.shape_cast %get3A_938 : vector<1x1x16xf32> to vector<16xf32>
            %swap3A_940 = arith.index_cast %squeeze3A_932 : i32 to index
            %swap3A_941 = arith.constant 0 : index
            %swap3A_942 = tpu.vector_load %arg7[%swap3A_940, %swap3A_941] {strides = array<i32>} : memref<512x128xf32, #tpu.memory_space<vmem>>, vector<1x16xf32>,
            %swap3A_943 = vector.shape_cast %swap3A_942 : vector<1x16xf32> to vector<16xf32>
            %swap3A_944 = vector.shape_cast %get3A_939 : vector<16xf32> to vector<1x16xf32>
            tpu.vector_store %arg7[%swap3A_940, %swap3A_941], %swap3A_944 {add = true, strides = array<i32>} : memref<512x128xf32, #tpu.memory_space<vmem>>, vector<1x16xf32>,
            %add3A_945 = arith.constant 8 : i32
            %add3A_946 = arith.addi %mul3A_133, %add3A_945 : i32
            %get3A_947 = arith.index_cast %rem3A_88 : i32 to index
            %get3A_948 = arith.index_cast %add3A_946 : i32 to index
            %get3A_949 = arith.constant 16 : index
            %get3A_950 = tpu.vector_load %arg5[%get3A_947, %get3A_948, %get3A_949] {strides = array<i32>} : memref<4x80x128xf32, #tpu.memory_space<vmem>>, vector<1x1x16xf32>,
            %get3A_951 = vector.shape_cast %get3A_950 : vector<1x1x16xf32> to vector<16xf32>
            %swap3A_952 = arith.index_cast %squeeze3A_932 : i32 to index
            %swap3A_953 = arith.constant 16 : index
            %swap3A_954 = tpu.vector_load %arg7[%swap3A_952, %swap3A_953] {strides = array<i32>} : memref<512x128xf32, #tpu.memory_space<vmem>>, vector<1x16xf32>,
            %swap3A_955 = vector.shape_cast %swap3A_954 : vector<1x16xf32> to vector<16xf32>
            %swap3A_956 = vector.shape_cast %get3A_951 : vector<16xf32> to vector<1x16xf32>
            tpu.vector_store %arg7[%swap3A_952, %swap3A_953], %swap3A_956 {add = true, strides = array<i32>} : memref<512x128xf32, #tpu.memory_space<vmem>>, vector<1x16xf32>,
            %add3A_957 = arith.constant 8 : i32
            %add3A_958 = arith.addi %mul3A_133, %add3A_957 : i32
            %get3A_959 = arith.index_cast %rem3A_88 : i32 to index
            %get3A_960 = arith.index_cast %add3A_958 : i32 to index
            %get3A_961 = arith.constant 32 : index
            %get3A_962 = tpu.vector_load %arg5[%get3A_959, %get3A_960, %get3A_961] {strides = array<i32>} : memref<4x80x128xf32, #tpu.memory_space<vmem>>, vector<1x1x16xf32>,
            %get3A_963 = vector.shape_cast %get3A_962 : vector<1x1x16xf32> to vector<16xf32>
            %swap3A_964 = arith.index_cast %squeeze3A_932 : i32 to index
            %swap3A_965 = arith.constant 32 : index
            %swap3A_966 = tpu.vector_load %arg7[%swap3A_964, %swap3A_965] {strides = array<i32>} : memref<512x128xf32, #tpu.memory_space<vmem>>, vector<1x16xf32>,
            %swap3A_967 = vector.shape_cast %swap3A_966 : vector<1x16xf32> to vector<16xf32>
            %swap3A_968 = vector.shape_cast %get3A_963 : vector<16xf32> to vector<1x16xf32>
            tpu.vector_store %arg7[%swap3A_964, %swap3A_965], %swap3A_968 {add = true, strides = array<i32>} : memref<512x128xf32, #tpu.memory_space<vmem>>, vector<1x16xf32>,
            %add3A_969 = arith.constant 8 : i32
            %add3A_970 = arith.addi %mul3A_133, %add3A_969 : i32
            %get3A_971 = arith.index_cast %rem3A_88 : i32 to index
            %get3A_972 = arith.index_cast %add3A_970 : i32 to index
            %get3A_973 = arith.constant 48 : index
            %get3A_974 = tpu.vector_load %arg5[%get3A_971, %get3A_972, %get3A_973] {strides = array<i32>} : memref<4x80x128xf32, #tpu.memory_space<vmem>>, vector<1x1x16xf32>,
            %get3A_975 = vector.shape_cast %get3A_974 : vector<1x1x16xf32> to vector<16xf32>
            %swap3A_976 = arith.index_cast %squeeze3A_932 : i32 to index
            %swap3A_977 = arith.constant 48 : index
            %swap3A_978 = tpu.vector_load %arg7[%swap3A_976, %swap3A_977] {strides = array<i32>} : memref<512x128xf32, #tpu.memory_space<vmem>>, vector<1x16xf32>,
            %swap3A_979 = vector.shape_cast %swap3A_978 : vector<1x16xf32> to vector<16xf32>
            %swap3A_980 = vector.shape_cast %get3A_975 : vector<16xf32> to vector<1x16xf32>
            tpu.vector_store %arg7[%swap3A_976, %swap3A_977], %swap3A_980 {add = true, strides = array<i32>} : memref<512x128xf32, #tpu.memory_space<vmem>>, vector<1x16xf32>,
            %add3A_981 = arith.constant 8 : i32
            %add3A_982 = arith.addi %mul3A_133, %add3A_981 : i32
            %get3A_983 = arith.index_cast %rem3A_88 : i32 to index
            %get3A_984 = arith.index_cast %add3A_982 : i32 to index
            %get3A_985 = arith.constant 64 : index
            %get3A_986 = tpu.vector_load %arg5[%get3A_983, %get3A_984, %get3A_985] {strides = array<i32>} : memref<4x80x128xf32, #tpu.memory_space<vmem>>, vector<1x1x16xf32>,
            %get3A_987 = vector.shape_cast %get3A_986 : vector<1x1x16xf32> to vector<16xf32>
            %swap3A_988 = arith.index_cast %squeeze3A_932 : i32 to index
            %swap3A_989 = arith.constant 64 : index
            %swap3A_990 = tpu.vector_load %arg7[%swap3A_988, %swap3A_989] {strides = array<i32>} : memref<512x128xf32, #tpu.memory_space<vmem>>, vector<1x16xf32>,
            %swap3A_991 = vector.shape_cast %swap3A_990 : vector<1x16xf32> to vector<16xf32>
            %swap3A_992 = vector.shape_cast %get3A_987 : vector<16xf32> to vector<1x16xf32>
            tpu.vector_store %arg7[%swap3A_988, %swap3A_989], %swap3A_992 {add = true, strides = array<i32>} : memref<512x128xf32, #tpu.memory_space<vmem>>, vector<1x16xf32>,
            %add3A_993 = arith.constant 8 : i32
            %add3A_994 = arith.addi %mul3A_133, %add3A_993 : i32
            %get3A_995 = arith.index_cast %rem3A_88 : i32 to index
            %get3A_996 = arith.index_cast %add3A_994 : i32 to index
            %get3A_997 = arith.constant 80 : index
            %get3A_998 = tpu.vector_load %arg5[%get3A_995, %get3A_996, %get3A_997] {strides = array<i32>} : memref<4x80x128xf32, #tpu.memory_space<vmem>>, vector<1x1x16xf32>,
            %get3A_999 = vector.shape_cast %get3A_998 : vector<1x1x16xf32> to vector<16xf32>
            %swap3A_1000 = arith.index_cast %squeeze3A_932 : i32 to index
            %swap3A_1001 = arith.constant 80 : index
            %swap3A_1002 = tpu.vector_load %arg7[%swap3A_1000, %swap3A_1001] {strides = array<i32>} : memref<512x128xf32, #tpu.memory_space<vmem>>, vector<1x16xf32>,
            %swap3A_1003 = vector.shape_cast %swap3A_1002 : vector<1x16xf32> to vector<16xf32>
            %swap3A_1004 = vector.shape_cast %get3A_999 : vector<16xf32> to vector<1x16xf32>
            tpu.vector_store %arg7[%swap3A_1000, %swap3A_1001], %swap3A_1004 {add = true, strides = array<i32>} : memref<512x128xf32, #tpu.memory_space<vmem>>, vector<1x16xf32>,
            %add3A_1005 = arith.constant 8 : i32
            %add3A_1006 = arith.addi %mul3A_133, %add3A_1005 : i32
            %get3A_1007 = arith.index_cast %rem3A_88 : i32 to index
            %get3A_1008 = arith.index_cast %add3A_1006 : i32 to index
            %get3A_1009 = arith.constant 96 : index
            %get3A_1010 = tpu.vector_load %arg5[%get3A_1007, %get3A_1008, %get3A_1009] {strides = array<i32>} : memref<4x80x128xf32, #tpu.memory_space<vmem>>, vector<1x1x16xf32>,
            %get3A_1011 = vector.shape_cast %get3A_1010 : vector<1x1x16xf32> to vector<16xf32>
            %swap3A_1012 = arith.index_cast %squeeze3A_932 : i32 to index
            %swap3A_1013 = arith.constant 96 : index
            %swap3A_1014 = tpu.vector_load %arg7[%swap3A_1012, %swap3A_1013] {strides = array<i32>} : memref<512x128xf32, #tpu.memory_space<vmem>>, vector<1x16xf32>,
            %swap3A_1015 = vector.shape_cast %swap3A_1014 : vector<1x16xf32> to vector<16xf32>
            %swap3A_1016 = vector.shape_cast %get3A_1011 : vector<16xf32> to vector<1x16xf32>
            tpu.vector_store %arg7[%swap3A_1012, %swap3A_1013], %swap3A_1016 {add = true, strides = array<i32>} : memref<512x128xf32, #tpu.memory_space<vmem>>, vector<1x16xf32>,
            %add3A_1017 = arith.constant 8 : i32
            %add3A_1018 = arith.addi %mul3A_133, %add3A_1017 : i32
            %get3A_1019 = arith.index_cast %rem3A_88 : i32 to index
            %get3A_1020 = arith.index_cast %add3A_1018 : i32 to index
            %get3A_1021 = arith.constant 112 : index
            %get3A_1022 = tpu.vector_load %arg5[%get3A_1019, %get3A_1020, %get3A_1021] {strides = array<i32>} : memref<4x80x128xf32, #tpu.memory_space<vmem>>, vector<1x1x16xf32>,
            %get3A_1023 = vector.shape_cast %get3A_1022 : vector<1x1x16xf32> to vector<16xf32>
            %swap3A_1024 = arith.index_cast %squeeze3A_932 : i32 to index
            %swap3A_1025 = arith.constant 112 : index
            %swap3A_1026 = tpu.vector_load %arg7[%swap3A_1024, %swap3A_1025] {strides = array<i32>} : memref<512x128xf32, #tpu.memory_space<vmem>>, vector<1x16xf32>,
            %swap3A_1027 = vector.shape_cast %swap3A_1026 : vector<1x16xf32> to vector<16xf32>
            %swap3A_1028 = vector.shape_cast %get3A_1023 : vector<16xf32> to vector<1x16xf32>
            tpu.vector_store %arg7[%swap3A_1024, %swap3A_1025], %swap3A_1028 {add = true, strides = array<i32>} : memref<512x128xf32, #tpu.memory_space<vmem>>, vector<1x16xf32>,
            %slice3A_1029 = vector.extract_strided_slice %get3A_136 {offsets = [9], sizes = [1], strides = [1]} : vector<16xi32> to vector<1xi32>
            %squeeze3A_1030 = vector.extract %slice3A_1029[0] : i32 from vector<1xi32>
            %add3A_1031 = arith.constant 9 : i32
            %add3A_1032 = arith.addi %mul3A_133, %add3A_1031 : i32
            %get3A_1033 = arith.index_cast %rem3A_88 : i32 to index
            %get3A_1034 = arith.index_cast %add3A_1032 : i32 to index
            %get3A_1035 = arith.constant 0 : index
            %get3A_1036 = tpu.vector_load %arg5[%get3A_1033, %get3A_1034, %get3A_1035] {strides = array<i32>} : memref<4x80x128xf32, #tpu.memory_space<vmem>>, vector<1x1x16xf32>,
            %get3A_1037 = vector.shape_cast %get3A_1036 : vector<1x1x16xf32> to vector<16xf32>
            %swap3A_1038 = arith.index_cast %squeeze3A_1030 : i32 to index
            %swap3A_1039 = arith.constant 0 : index
            %swap3A_1040 = tpu.vector_load %arg7[%swap3A_1038, %swap3A_1039] {strides = array<i32>} : memref<512x128xf32, #tpu.memory_space<vmem>>, vector<1x16xf32>,
            %swap3A_1041 = vector.shape_cast %swap3A_1040 : vector<1x16xf32> to vector<16xf32>
            %swap3A_1042 = vector.shape_cast %get3A_1037 : vector<16xf32> to vector<1x16xf32>
            tpu.vector_store %arg7[%swap3A_1038, %swap3A_1039], %swap3A_1042 {add = true, strides = array<i32>} : memref<512x128xf32, #tpu.memory_space<vmem>>, vector<1x16xf32>,
            %add3A_1043 = arith.constant 9 : i32
            %add3A_1044 = arith.addi %mul3A_133, %add3A_1043 : i32
            %get3A_1045 = arith.index_cast %rem3A_88 : i32 to index
            %get3A_1046 = arith.index_cast %add3A_1044 : i32 to index
            %get3A_1047 = arith.constant 16 : index
            %get3A_1048 = tpu.vector_load %arg5[%get3A_1045, %get3A_1046, %get3A_1047] {strides = array<i32>} : memref<4x80x128xf32, #tpu.memory_space<vmem>>, vector<1x1x16xf32>,
            %get3A_1049 = vector.shape_cast %get3A_1048 : vector<1x1x16xf32> to vector<16xf32>
            %swap3A_1050 = arith.index_cast %squeeze3A_1030 : i32 to index
            %swap3A_1051 = arith.constant 16 : index
            %swap3A_1052 = tpu.vector_load %arg7[%swap3A_1050, %swap3A_1051] {strides = array<i32>} : memref<512x128xf32, #tpu.memory_space<vmem>>, vector<1x16xf32>,
            %swap3A_1053 = vector.shape_cast %swap3A_1052 : vector<1x16xf32> to vector<16xf32>
            %swap3A_1054 = vector.shape_cast %get3A_1049 : vector<16xf32> to vector<1x16xf32>
            tpu.vector_store %arg7[%swap3A_1050, %swap3A_1051], %swap3A_1054 {add = true, strides = array<i32>} : memref<512x128xf32, #tpu.memory_space<vmem>>, vector<1x16xf32>,
            %add3A_1055 = arith.constant 9 : i32
            %add3A_1056 = arith.addi %mul3A_133, %add3A_1055 : i32
            %get3A_1057 = arith.index_cast %rem3A_88 : i32 to index
            %get3A_1058 = arith.index_cast %add3A_1056 : i32 to index
            %get3A_1059 = arith.constant 32 : index
            %get3A_1060 = tpu.vector_load %arg5[%get3A_1057, %get3A_1058, %get3A_1059] {strides = array<i32>} : memref<4x80x128xf32, #tpu.memory_space<vmem>>, vector<1x1x16xf32>,
            %get3A_1061 = vector.shape_cast %get3A_1060 : vector<1x1x16xf32> to vector<16xf32>
            %swap3A_1062 = arith.index_cast %squeeze3A_1030 : i32 to index
            %swap3A_1063 = arith.constant 32 : index
            %swap3A_1064 = tpu.vector_load %arg7[%swap3A_1062, %swap3A_1063] {strides = array<i32>} : memref<512x128xf32, #tpu.memory_space<vmem>>, vector<1x16xf32>,
            %swap3A_1065 = vector.shape_cast %swap3A_1064 : vector<1x16xf32> to vector<16xf32>
            %swap3A_1066 = vector.shape_cast %get3A_1061 : vector<16xf32> to vector<1x16xf32>
            tpu.vector_store %arg7[%swap3A_1062, %swap3A_1063], %swap3A_1066 {add = true, strides = array<i32>} : memref<512x128xf32, #tpu.memory_space<vmem>>, vector<1x16xf32>,
            %add3A_1067 = arith.constant 9 : i32
            %add3A_1068 = arith.addi %mul3A_133, %add3A_1067 : i32
            %get3A_1069 = arith.index_cast %rem3A_88 : i32 to index
            %get3A_1070 = arith.index_cast %add3A_1068 : i32 to index
            %get3A_1071 = arith.constant 48 : index
            %get3A_1072 = tpu.vector_load %arg5[%get3A_1069, %get3A_1070, %get3A_1071] {strides = array<i32>} : memref<4x80x128xf32, #tpu.memory_space<vmem>>, vector<1x1x16xf32>,
            %get3A_1073 = vector.shape_cast %get3A_1072 : vector<1x1x16xf32> to vector<16xf32>
            %swap3A_1074 = arith.index_cast %squeeze3A_1030 : i32 to index
            %swap3A_1075 = arith.constant 48 : index
            %swap3A_1076 = tpu.vector_load %arg7[%swap3A_1074, %swap3A_1075] {strides = array<i32>} : memref<512x128xf32, #tpu.memory_space<vmem>>, vector<1x16xf32>,
            %swap3A_1077 = vector.shape_cast %swap3A_1076 : vector<1x16xf32> to vector<16xf32>
            %swap3A_1078 = vector.shape_cast %get3A_1073 : vector<16xf32> to vector<1x16xf32>
            tpu.vector_store %arg7[%swap3A_1074, %swap3A_1075], %swap3A_1078 {add = true, strides = array<i32>} : memref<512x128xf32, #tpu.memory_space<vmem>>, vector<1x16xf32>,
            %add3A_1079 = arith.constant 9 : i32
            %add3A_1080 = arith.addi %mul3A_133, %add3A_1079 : i32
            %get3A_1081 = arith.index_cast %rem3A_88 : i32 to index
            %get3A_1082 = arith.index_cast %add3A_1080 : i32 to index
            %get3A_1083 = arith.constant 64 : index
            %get3A_1084 = tpu.vector_load %arg5[%get3A_1081, %get3A_1082, %get3A_1083] {strides = array<i32>} : memref<4x80x128xf32, #tpu.memory_space<vmem>>, vector<1x1x16xf32>,
            %get3A_1085 = vector.shape_cast %get3A_1084 : vector<1x1x16xf32> to vector<16xf32>
            %swap3A_1086 = arith.index_cast %squeeze3A_1030 : i32 to index
            %swap3A_1087 = arith.constant 64 : index
            %swap3A_1088 = tpu.vector_load %arg7[%swap3A_1086, %swap3A_1087] {strides = array<i32>} : memref<512x128xf32, #tpu.memory_space<vmem>>, vector<1x16xf32>,
            %swap3A_1089 = vector.shape_cast %swap3A_1088 : vector<1x16xf32> to vector<16xf32>
            %swap3A_1090 = vector.shape_cast %get3A_1085 : vector<16xf32> to vector<1x16xf32>
            tpu.vector_store %arg7[%swap3A_1086, %swap3A_1087], %swap3A_1090 {add = true, strides = array<i32>} : memref<512x128xf32, #tpu.memory_space<vmem>>, vector<1x16xf32>,
            %add3A_1091 = arith.constant 9 : i32
            %add3A_1092 = arith.addi %mul3A_133, %add3A_1091 : i32
            %get3A_1093 = arith.index_cast %rem3A_88 : i32 to index
            %get3A_1094 = arith.index_cast %add3A_1092 : i32 to index
            %get3A_1095 = arith.constant 80 : index
            %get3A_1096 = tpu.vector_load %arg5[%get3A_1093, %get3A_1094, %get3A_1095] {strides = array<i32>} : memref<4x80x128xf32, #tpu.memory_space<vmem>>, vector<1x1x16xf32>,
            %get3A_1097 = vector.shape_cast %get3A_1096 : vector<1x1x16xf32> to vector<16xf32>
            %swap3A_1098 = arith.index_cast %squeeze3A_1030 : i32 to index
            %swap3A_1099 = arith.constant 80 : index
            %swap3A_1100 = tpu.vector_load %arg7[%swap3A_1098, %swap3A_1099] {strides = array<i32>} : memref<512x128xf32, #tpu.memory_space<vmem>>, vector<1x16xf32>,
            %swap3A_1101 = vector.shape_cast %swap3A_1100 : vector<1x16xf32> to vector<16xf32>
            %swap3A_1102 = vector.shape_cast %get3A_1097 : vector<16xf32> to vector<1x16xf32>
            tpu.vector_store %arg7[%swap3A_1098, %swap3A_1099], %swap3A_1102 {add = true, strides = array<i32>} : memref<512x128xf32, #tpu.memory_space<vmem>>, vector<1x16xf32>,
            %add3A_1103 = arith.constant 9 : i32
            %add3A_1104 = arith.addi %mul3A_133, %add3A_1103 : i32
            %get3A_1105 = arith.index_cast %rem3A_88 : i32 to index
            %get3A_1106 = arith.index_cast %add3A_1104 : i32 to index
            %get3A_1107 = arith.constant 96 : index
            %get3A_1108 = tpu.vector_load %arg5[%get3A_1105, %get3A_1106, %get3A_1107] {strides = array<i32>} : memref<4x80x128xf32, #tpu.memory_space<vmem>>, vector<1x1x16xf32>,
            %get3A_1109 = vector.shape_cast %get3A_1108 : vector<1x1x16xf32> to vector<16xf32>
            %swap3A_1110 = arith.index_cast %squeeze3A_1030 : i32 to index
            %swap3A_1111 = arith.constant 96 : index
            %swap3A_1112 = tpu.vector_load %arg7[%swap3A_1110, %swap3A_1111] {strides = array<i32>} : memref<512x128xf32, #tpu.memory_space<vmem>>, vector<1x16xf32>,
            %swap3A_1113 = vector.shape_cast %swap3A_1112 : vector<1x16xf32> to vector<16xf32>
            %swap3A_1114 = vector.shape_cast %get3A_1109 : vector<16xf32> to vector<1x16xf32>
            tpu.vector_store %arg7[%swap3A_1110, %swap3A_1111], %swap3A_1114 {add = true, strides = array<i32>} : memref<512x128xf32, #tpu.memory_space<vmem>>, vector<1x16xf32>,
            %add3A_1115 = arith.constant 9 : i32
            %add3A_1116 = arith.addi %mul3A_133, %add3A_1115 : i32
            %get3A_1117 = arith.index_cast %rem3A_88 : i32 to index
            %get3A_1118 = arith.index_cast %add3A_1116 : i32 to index
            %get3A_1119 = arith.constant 112 : index
            %get3A_1120 = tpu.vector_load %arg5[%get3A_1117, %get3A_1118, %get3A_1119] {strides = array<i32>} : memref<4x80x128xf32, #tpu.memory_space<vmem>>, vector<1x1x16xf32>,
            %get3A_1121 = vector.shape_cast %get3A_1120 : vector<1x1x16xf32> to vector<16xf32>
            %swap3A_1122 = arith.index_cast %squeeze3A_1030 : i32 to index
            %swap3A_1123 = arith.constant 112 : index
            %swap3A_1124 = tpu.vector_load %arg7[%swap3A_1122, %swap3A_1123] {strides = array<i32>} : memref<512x128xf32, #tpu.memory_space<vmem>>, vector<1x16xf32>,
            %swap3A_1125 = vector.shape_cast %swap3A_1124 : vector<1x16xf32> to vector<16xf32>
            %swap3A_1126 = vector.shape_cast %get3A_1121 : vector<16xf32> to vector<1x16xf32>
            tpu.vector_store %arg7[%swap3A_1122, %swap3A_1123], %swap3A_1126 {add = true, strides = array<i32>} : memref<512x128xf32, #tpu.memory_space<vmem>>, vector<1x16xf32>,
            %slice3A_1127 = vector.extract_strided_slice %get3A_136 {offsets = [10], sizes = [1], strides = [1]} : vector<16xi32> to vector<1xi32>
            %squeeze3A_1128 = vector.extract %slice3A_1127[0] : i32 from vector<1xi32>
            %add3A_1129 = arith.constant 10 : i32
            %add3A_1130 = arith.addi %mul3A_133, %add3A_1129 : i32
            %get3A_1131 = arith.index_cast %rem3A_88 : i32 to index
            %get3A_1132 = arith.index_cast %add3A_1130 : i32 to index
            %get3A_1133 = arith.constant 0 : index
            %get3A_1134 = tpu.vector_load %arg5[%get3A_1131, %get3A_1132, %get3A_1133] {strides = array<i32>} : memref<4x80x128xf32, #tpu.memory_space<vmem>>, vector<1x1x16xf32>,
            %get3A_1135 = vector.shape_cast %get3A_1134 : vector<1x1x16xf32> to vector<16xf32>
            %swap3A_1136 = arith.index_cast %squeeze3A_1128 : i32 to index
            %swap3A_1137 = arith.constant 0 : index
            %swap3A_1138 = tpu.vector_load %arg7[%swap3A_1136, %swap3A_1137] {strides = array<i32>} : memref<512x128xf32, #tpu.memory_space<vmem>>, vector<1x16xf32>,
            %swap3A_1139 = vector.shape_cast %swap3A_1138 : vector<1x16xf32> to vector<16xf32>
            %swap3A_1140 = vector.shape_cast %get3A_1135 : vector<16xf32> to vector<1x16xf32>
            tpu.vector_store %arg7[%swap3A_1136, %swap3A_1137], %swap3A_1140 {add = true, strides = array<i32>} : memref<512x128xf32, #tpu.memory_space<vmem>>, vector<1x16xf32>,
            %add3A_1141 = arith.constant 10 : i32
            %add3A_1142 = arith.addi %mul3A_133, %add3A_1141 : i32
            %get3A_1143 = arith.index_cast %rem3A_88 : i32 to index
            %get3A_1144 = arith.index_cast %add3A_1142 : i32 to index
            %get3A_1145 = arith.constant 16 : index
            %get3A_1146 = tpu.vector_load %arg5[%get3A_1143, %get3A_1144, %get3A_1145] {strides = array<i32>} : memref<4x80x128xf32, #tpu.memory_space<vmem>>, vector<1x1x16xf32>,
            %get3A_1147 = vector.shape_cast %get3A_1146 : vector<1x1x16xf32> to vector<16xf32>
            %swap3A_1148 = arith.index_cast %squeeze3A_1128 : i32 to index
            %swap3A_1149 = arith.constant 16 : index
            %swap3A_1150 = tpu.vector_load %arg7[%swap3A_1148, %swap3A_1149] {strides = array<i32>} : memref<512x128xf32, #tpu.memory_space<vmem>>, vector<1x16xf32>,
            %swap3A_1151 = vector.shape_cast %swap3A_1150 : vector<1x16xf32> to vector<16xf32>
            %swap3A_1152 = vector.shape_cast %get3A_1147 : vector<16xf32> to vector<1x16xf32>
            tpu.vector_store %arg7[%swap3A_1148, %swap3A_1149], %swap3A_1152 {add = true, strides = array<i32>} : memref<512x128xf32, #tpu.memory_space<vmem>>, vector<1x16xf32>,
            %add3A_1153 = arith.constant 10 : i32
            %add3A_1154 = arith.addi %mul3A_133, %add3A_1153 : i32
            %get3A_1155 = arith.index_cast %rem3A_88 : i32 to index
            %get3A_1156 = arith.index_cast %add3A_1154 : i32 to index
            %get3A_1157 = arith.constant 32 : index
            %get3A_1158 = tpu.vector_load %arg5[%get3A_1155, %get3A_1156, %get3A_1157] {strides = array<i32>} : memref<4x80x128xf32, #tpu.memory_space<vmem>>, vector<1x1x16xf32>,
            %get3A_1159 = vector.shape_cast %get3A_1158 : vector<1x1x16xf32> to vector<16xf32>
            %swap3A_1160 = arith.index_cast %squeeze3A_1128 : i32 to index
            %swap3A_1161 = arith.constant 32 : index
            %swap3A_1162 = tpu.vector_load %arg7[%swap3A_1160, %swap3A_1161] {strides = array<i32>} : memref<512x128xf32, #tpu.memory_space<vmem>>, vector<1x16xf32>,
            %swap3A_1163 = vector.shape_cast %swap3A_1162 : vector<1x16xf32> to vector<16xf32>
            %swap3A_1164 = vector.shape_cast %get3A_1159 : vector<16xf32> to vector<1x16xf32>
            tpu.vector_store %arg7[%swap3A_1160, %swap3A_1161], %swap3A_1164 {add = true, strides = array<i32>} : memref<512x128xf32, #tpu.memory_space<vmem>>, vector<1x16xf32>,
            %add3A_1165 = arith.constant 10 : i32
            %add3A_1166 = arith.addi %mul3A_133, %add3A_1165 : i32
            %get3A_1167 = arith.index_cast %rem3A_88 : i32 to index
            %get3A_1168 = arith.index_cast %add3A_1166 : i32 to index
            %get3A_1169 = arith.constant 48 : index
            %get3A_1170 = tpu.vector_load %arg5[%get3A_1167, %get3A_1168, %get3A_1169] {strides = array<i32>} : memref<4x80x128xf32, #tpu.memory_space<vmem>>, vector<1x1x16xf32>,
            %get3A_1171 = vector.shape_cast %get3A_1170 : vector<1x1x16xf32> to vector<16xf32>
            %swap3A_1172 = arith.index_cast %squeeze3A_1128 : i32 to index
            %swap3A_1173 = arith.constant 48 : index
            %swap3A_1174 = tpu.vector_load %arg7[%swap3A_1172, %swap3A_1173] {strides = array<i32>} : memref<512x128xf32, #tpu.memory_space<vmem>>, vector<1x16xf32>,
            %swap3A_1175 = vector.shape_cast %swap3A_1174 : vector<1x16xf32> to vector<16xf32>
            %swap3A_1176 = vector.shape_cast %get3A_1171 : vector<16xf32> to vector<1x16xf32>
            tpu.vector_store %arg7[%swap3A_1172, %swap3A_1173], %swap3A_1176 {add = true, strides = array<i32>} : memref<512x128xf32, #tpu.memory_space<vmem>>, vector<1x16xf32>,
            %add3A_1177 = arith.constant 10 : i32
            %add3A_1178 = arith.addi %mul3A_133, %add3A_1177 : i32
            %get3A_1179 = arith.index_cast %rem3A_88 : i32 to index
            %get3A_1180 = arith.index_cast %add3A_1178 : i32 to index
            %get3A_1181 = arith.constant 64 : index
            %get3A_1182 = tpu.vector_load %arg5[%get3A_1179, %get3A_1180, %get3A_1181] {strides = array<i32>} : memref<4x80x128xf32, #tpu.memory_space<vmem>>, vector<1x1x16xf32>,
            %get3A_1183 = vector.shape_cast %get3A_1182 : vector<1x1x16xf32> to vector<16xf32>
            %swap3A_1184 = arith.index_cast %squeeze3A_1128 : i32 to index
            %swap3A_1185 = arith.constant 64 : index
            %swap3A_1186 = tpu.vector_load %arg7[%swap3A_1184, %swap3A_1185] {strides = array<i32>} : memref<512x128xf32, #tpu.memory_space<vmem>>, vector<1x16xf32>,
            %swap3A_1187 = vector.shape_cast %swap3A_1186 : vector<1x16xf32> to vector<16xf32>
            %swap3A_1188 = vector.shape_cast %get3A_1183 : vector<16xf32> to vector<1x16xf32>
            tpu.vector_store %arg7[%swap3A_1184, %swap3A_1185], %swap3A_1188 {add = true, strides = array<i32>} : memref<512x128xf32, #tpu.memory_space<vmem>>, vector<1x16xf32>,
            %add3A_1189 = arith.constant 10 : i32
            %add3A_1190 = arith.addi %mul3A_133, %add3A_1189 : i32
            %get3A_1191 = arith.index_cast %rem3A_88 : i32 to index
            %get3A_1192 = arith.index_cast %add3A_1190 : i32 to index
            %get3A_1193 = arith.constant 80 : index
            %get3A_1194 = tpu.vector_load %arg5[%get3A_1191, %get3A_1192, %get3A_1193] {strides = array<i32>} : memref<4x80x128xf32, #tpu.memory_space<vmem>>, vector<1x1x16xf32>,
            %get3A_1195 = vector.shape_cast %get3A_1194 : vector<1x1x16xf32> to vector<16xf32>
            %swap3A_1196 = arith.index_cast %squeeze3A_1128 : i32 to index
            %swap3A_1197 = arith.constant 80 : index
            %swap3A_1198 = tpu.vector_load %arg7[%swap3A_1196, %swap3A_1197] {strides = array<i32>} : memref<512x128xf32, #tpu.memory_space<vmem>>, vector<1x16xf32>,
            %swap3A_1199 = vector.shape_cast %swap3A_1198 : vector<1x16xf32> to vector<16xf32>
            %swap3A_1200 = vector.shape_cast %get3A_1195 : vector<16xf32> to vector<1x16xf32>
            tpu.vector_store %arg7[%swap3A_1196, %swap3A_1197], %swap3A_1200 {add = true, strides = array<i32>} : memref<512x128xf32, #tpu.memory_space<vmem>>, vector<1x16xf32>,
            %add3A_1201 = arith.constant 10 : i32
            %add3A_1202 = arith.addi %mul3A_133, %add3A_1201 : i32
            %get3A_1203 = arith.index_cast %rem3A_88 : i32 to index
            %get3A_1204 = arith.index_cast %add3A_1202 : i32 to index
            %get3A_1205 = arith.constant 96 : index
            %get3A_1206 = tpu.vector_load %arg5[%get3A_1203, %get3A_1204, %get3A_1205] {strides = array<i32>} : memref<4x80x128xf32, #tpu.memory_space<vmem>>, vector<1x1x16xf32>,
            %get3A_1207 = vector.shape_cast %get3A_1206 : vector<1x1x16xf32> to vector<16xf32>
            %swap3A_1208 = arith.index_cast %squeeze3A_1128 : i32 to index
            %swap3A_1209 = arith.constant 96 : index
            %swap3A_1210 = tpu.vector_load %arg7[%swap3A_1208, %swap3A_1209] {strides = array<i32>} : memref<512x128xf32, #tpu.memory_space<vmem>>, vector<1x16xf32>,
            %swap3A_1211 = vector.shape_cast %swap3A_1210 : vector<1x16xf32> to vector<16xf32>
            %swap3A_1212 = vector.shape_cast %get3A_1207 : vector<16xf32> to vector<1x16xf32>
            tpu.vector_store %arg7[%swap3A_1208, %swap3A_1209], %swap3A_1212 {add = true, strides = array<i32>} : memref<512x128xf32, #tpu.memory_space<vmem>>, vector<1x16xf32>,
            %add3A_1213 = arith.constant 10 : i32
            %add3A_1214 = arith.addi %mul3A_133, %add3A_1213 : i32
            %get3A_1215 = arith.index_cast %rem3A_88 : i32 to index
            %get3A_1216 = arith.index_cast %add3A_1214 : i32 to index
            %get3A_1217 = arith.constant 112 : index
            %get3A_1218 = tpu.vector_load %arg5[%get3A_1215, %get3A_1216, %get3A_1217] {strides = array<i32>} : memref<4x80x128xf32, #tpu.memory_space<vmem>>, vector<1x1x16xf32>,
            %get3A_1219 = vector.shape_cast %get3A_1218 : vector<1x1x16xf32> to vector<16xf32>
            %swap3A_1220 = arith.index_cast %squeeze3A_1128 : i32 to index
            %swap3A_1221 = arith.constant 112 : index
            %swap3A_1222 = tpu.vector_load %arg7[%swap3A_1220, %swap3A_1221] {strides = array<i32>} : memref<512x128xf32, #tpu.memory_space<vmem>>, vector<1x16xf32>,
            %swap3A_1223 = vector.shape_cast %swap3A_1222 : vector<1x16xf32> to vector<16xf32>
            %swap3A_1224 = vector.shape_cast %get3A_1219 : vector<16xf32> to vector<1x16xf32>
            tpu.vector_store %arg7[%swap3A_1220, %swap3A_1221], %swap3A_1224 {add = true, strides = array<i32>} : memref<512x128xf32, #tpu.memory_space<vmem>>, vector<1x16xf32>,
            %slice3A_1225 = vector.extract_strided_slice %get3A_136 {offsets = [11], sizes = [1], strides = [1]} : vector<16xi32> to vector<1xi32>
            %squeeze3A_1226 = vector.extract %slice3A_1225[0] : i32 from vector<1xi32>
            %add3A_1227 = arith.constant 11 : i32
            %add3A_1228 = arith.addi %mul3A_133, %add3A_1227 : i32
            %get3A_1229 = arith.index_cast %rem3A_88 : i32 to index
            %get3A_1230 = arith.index_cast %add3A_1228 : i32 to index
            %get3A_1231 = arith.constant 0 : index
            %get3A_1232 = tpu.vector_load %arg5[%get3A_1229, %get3A_1230, %get3A_1231] {strides = array<i32>} : memref<4x80x128xf32, #tpu.memory_space<vmem>>, vector<1x1x16xf32>,
            %get3A_1233 = vector.shape_cast %get3A_1232 : vector<1x1x16xf32> to vector<16xf32>
            %swap3A_1234 = arith.index_cast %squeeze3A_1226 : i32 to index
            %swap3A_1235 = arith.constant 0 : index
            %swap3A_1236 = tpu.vector_load %arg7[%swap3A_1234, %swap3A_1235] {strides = array<i32>} : memref<512x128xf32, #tpu.memory_space<vmem>>, vector<1x16xf32>,
            %swap3A_1237 = vector.shape_cast %swap3A_1236 : vector<1x16xf32> to vector<16xf32>
            %swap3A_1238 = vector.shape_cast %get3A_1233 : vector<16xf32> to vector<1x16xf32>
            tpu.vector_store %arg7[%swap3A_1234, %swap3A_1235], %swap3A_1238 {add = true, strides = array<i32>} : memref<512x128xf32, #tpu.memory_space<vmem>>, vector<1x16xf32>,
            %add3A_1239 = arith.constant 11 : i32
            %add3A_1240 = arith.addi %mul3A_133, %add3A_1239 : i32
            %get3A_1241 = arith.index_cast %rem3A_88 : i32 to index
            %get3A_1242 = arith.index_cast %add3A_1240 : i32 to index
            %get3A_1243 = arith.constant 16 : index
            %get3A_1244 = tpu.vector_load %arg5[%get3A_1241, %get3A_1242, %get3A_1243] {strides = array<i32>} : memref<4x80x128xf32, #tpu.memory_space<vmem>>, vector<1x1x16xf32>,
            %get3A_1245 = vector.shape_cast %get3A_1244 : vector<1x1x16xf32> to vector<16xf32>
            %swap3A_1246 = arith.index_cast %squeeze3A_1226 : i32 to index
            %swap3A_1247 = arith.constant 16 : index
            %swap3A_1248 = tpu.vector_load %arg7[%swap3A_1246, %swap3A_1247] {strides = array<i32>} : memref<512x128xf32, #tpu.memory_space<vmem>>, vector<1x16xf32>,
            %swap3A_1249 = vector.shape_cast %swap3A_1248 : vector<1x16xf32> to vector<16xf32>
            %swap3A_1250 = vector.shape_cast %get3A_1245 : vector<16xf32> to vector<1x16xf32>
            tpu.vector_store %arg7[%swap3A_1246, %swap3A_1247], %swap3A_1250 {add = true, strides = array<i32>} : memref<512x128xf32, #tpu.memory_space<vmem>>, vector<1x16xf32>,
            %add3A_1251 = arith.constant 11 : i32
            %add3A_1252 = arith.addi %mul3A_133, %add3A_1251 : i32
            %get3A_1253 = arith.index_cast %rem3A_88 : i32 to index
            %get3A_1254 = arith.index_cast %add3A_1252 : i32 to index
            %get3A_1255 = arith.constant 32 : index
            %get3A_1256 = tpu.vector_load %arg5[%get3A_1253, %get3A_1254, %get3A_1255] {strides = array<i32>} : memref<4x80x128xf32, #tpu.memory_space<vmem>>, vector<1x1x16xf32>,
            %get3A_1257 = vector.shape_cast %get3A_1256 : vector<1x1x16xf32> to vector<16xf32>
            %swap3A_1258 = arith.index_cast %squeeze3A_1226 : i32 to index
            %swap3A_1259 = arith.constant 32 : index
            %swap3A_1260 = tpu.vector_load %arg7[%swap3A_1258, %swap3A_1259] {strides = array<i32>} : memref<512x128xf32, #tpu.memory_space<vmem>>, vector<1x16xf32>,
            %swap3A_1261 = vector.shape_cast %swap3A_1260 : vector<1x16xf32> to vector<16xf32>
            %swap3A_1262 = vector.shape_cast %get3A_1257 : vector<16xf32> to vector<1x16xf32>
            tpu.vector_store %arg7[%swap3A_1258, %swap3A_1259], %swap3A_1262 {add = true, strides = array<i32>} : memref<512x128xf32, #tpu.memory_space<vmem>>, vector<1x16xf32>,
            %add3A_1263 = arith.constant 11 : i32
            %add3A_1264 = arith.addi %mul3A_133, %add3A_1263 : i32
            %get3A_1265 = arith.index_cast %rem3A_88 : i32 to index
            %get3A_1266 = arith.index_cast %add3A_1264 : i32 to index
            %get3A_1267 = arith.constant 48 : index
            %get3A_1268 = tpu.vector_load %arg5[%get3A_1265, %get3A_1266, %get3A_1267] {strides = array<i32>} : memref<4x80x128xf32, #tpu.memory_space<vmem>>, vector<1x1x16xf32>,
            %get3A_1269 = vector.shape_cast %get3A_1268 : vector<1x1x16xf32> to vector<16xf32>
            %swap3A_1270 = arith.index_cast %squeeze3A_1226 : i32 to index
            %swap3A_1271 = arith.constant 48 : index
            %swap3A_1272 = tpu.vector_load %arg7[%swap3A_1270, %swap3A_1271] {strides = array<i32>} : memref<512x128xf32, #tpu.memory_space<vmem>>, vector<1x16xf32>,
            %swap3A_1273 = vector.shape_cast %swap3A_1272 : vector<1x16xf32> to vector<16xf32>
            %swap3A_1274 = vector.shape_cast %get3A_1269 : vector<16xf32> to vector<1x16xf32>
            tpu.vector_store %arg7[%swap3A_1270, %swap3A_1271], %swap3A_1274 {add = true, strides = array<i32>} : memref<512x128xf32, #tpu.memory_space<vmem>>, vector<1x16xf32>,
            %add3A_1275 = arith.constant 11 : i32
            %add3A_1276 = arith.addi %mul3A_133, %add3A_1275 : i32
            %get3A_1277 = arith.index_cast %rem3A_88 : i32 to index
            %get3A_1278 = arith.index_cast %add3A_1276 : i32 to index
            %get3A_1279 = arith.constant 64 : index
            %get3A_1280 = tpu.vector_load %arg5[%get3A_1277, %get3A_1278, %get3A_1279] {strides = array<i32>} : memref<4x80x128xf32, #tpu.memory_space<vmem>>, vector<1x1x16xf32>,
            %get3A_1281 = vector.shape_cast %get3A_1280 : vector<1x1x16xf32> to vector<16xf32>
            %swap3A_1282 = arith.index_cast %squeeze3A_1226 : i32 to index
            %swap3A_1283 = arith.constant 64 : index
            %swap3A_1284 = tpu.vector_load %arg7[%swap3A_1282, %swap3A_1283] {strides = array<i32>} : memref<512x128xf32, #tpu.memory_space<vmem>>, vector<1x16xf32>,
            %swap3A_1285 = vector.shape_cast %swap3A_1284 : vector<1x16xf32> to vector<16xf32>
            %swap3A_1286 = vector.shape_cast %get3A_1281 : vector<16xf32> to vector<1x16xf32>
            tpu.vector_store %arg7[%swap3A_1282, %swap3A_1283], %swap3A_1286 {add = true, strides = array<i32>} : memref<512x128xf32, #tpu.memory_space<vmem>>, vector<1x16xf32>,
            %add3A_1287 = arith.constant 11 : i32
            %add3A_1288 = arith.addi %mul3A_133, %add3A_1287 : i32
            %get3A_1289 = arith.index_cast %rem3A_88 : i32 to index
            %get3A_1290 = arith.index_cast %add3A_1288 : i32 to index
            %get3A_1291 = arith.constant 80 : index
            %get3A_1292 = tpu.vector_load %arg5[%get3A_1289, %get3A_1290, %get3A_1291] {strides = array<i32>} : memref<4x80x128xf32, #tpu.memory_space<vmem>>, vector<1x1x16xf32>,
            %get3A_1293 = vector.shape_cast %get3A_1292 : vector<1x1x16xf32> to vector<16xf32>
            %swap3A_1294 = arith.index_cast %squeeze3A_1226 : i32 to index
            %swap3A_1295 = arith.constant 80 : index
            %swap3A_1296 = tpu.vector_load %arg7[%swap3A_1294, %swap3A_1295] {strides = array<i32>} : memref<512x128xf32, #tpu.memory_space<vmem>>, vector<1x16xf32>,
            %swap3A_1297 = vector.shape_cast %swap3A_1296 : vector<1x16xf32> to vector<16xf32>
            %swap3A_1298 = vector.shape_cast %get3A_1293 : vector<16xf32> to vector<1x16xf32>
            tpu.vector_store %arg7[%swap3A_1294, %swap3A_1295], %swap3A_1298 {add = true, strides = array<i32>} : memref<512x128xf32, #tpu.memory_space<vmem>>, vector<1x16xf32>,
            %add3A_1299 = arith.constant 11 : i32
            %add3A_1300 = arith.addi %mul3A_133, %add3A_1299 : i32
            %get3A_1301 = arith.index_cast %rem3A_88 : i32 to index
            %get3A_1302 = arith.index_cast %add3A_1300 : i32 to index
            %get3A_1303 = arith.constant 96 : index
            %get3A_1304 = tpu.vector_load %arg5[%get3A_1301, %get3A_1302, %get3A_1303] {strides = array<i32>} : memref<4x80x128xf32, #tpu.memory_space<vmem>>, vector<1x1x16xf32>,
            %get3A_1305 = vector.shape_cast %get3A_1304 : vector<1x1x16xf32> to vector<16xf32>
            %swap3A_1306 = arith.index_cast %squeeze3A_1226 : i32 to index
            %swap3A_1307 = arith.constant 96 : index
            %swap3A_1308 = tpu.vector_load %arg7[%swap3A_1306, %swap3A_1307] {strides = array<i32>} : memref<512x128xf32, #tpu.memory_space<vmem>>, vector<1x16xf32>,
            %swap3A_1309 = vector.shape_cast %swap3A_1308 : vector<1x16xf32> to vector<16xf32>
            %swap3A_1310 = vector.shape_cast %get3A_1305 : vector<16xf32> to vector<1x16xf32>
            tpu.vector_store %arg7[%swap3A_1306, %swap3A_1307], %swap3A_1310 {add = true, strides = array<i32>} : memref<512x128xf32, #tpu.memory_space<vmem>>, vector<1x16xf32>,
            %add3A_1311 = arith.constant 11 : i32
            %add3A_1312 = arith.addi %mul3A_133, %add3A_1311 : i32
            %get3A_1313 = arith.index_cast %rem3A_88 : i32 to index
            %get3A_1314 = arith.index_cast %add3A_1312 : i32 to index
            %get3A_1315 = arith.constant 112 : index
            %get3A_1316 = tpu.vector_load %arg5[%get3A_1313, %get3A_1314, %get3A_1315] {strides = array<i32>} : memref<4x80x128xf32, #tpu.memory_space<vmem>>, vector<1x1x16xf32>,
            %get3A_1317 = vector.shape_cast %get3A_1316 : vector<1x1x16xf32> to vector<16xf32>
            %swap3A_1318 = arith.index_cast %squeeze3A_1226 : i32 to index
            %swap3A_1319 = arith.constant 112 : index
            %swap3A_1320 = tpu.vector_load %arg7[%swap3A_1318, %swap3A_1319] {strides = array<i32>} : memref<512x128xf32, #tpu.memory_space<vmem>>, vector<1x16xf32>,
            %swap3A_1321 = vector.shape_cast %swap3A_1320 : vector<1x16xf32> to vector<16xf32>
            %swap3A_1322 = vector.shape_cast %get3A_1317 : vector<16xf32> to vector<1x16xf32>
            tpu.vector_store %arg7[%swap3A_1318, %swap3A_1319], %swap3A_1322 {add = true, strides = array<i32>} : memref<512x128xf32, #tpu.memory_space<vmem>>, vector<1x16xf32>,
            %slice3A_1323 = vector.extract_strided_slice %get3A_136 {offsets = [12], sizes = [1], strides = [1]} : vector<16xi32> to vector<1xi32>
            %squeeze3A_1324 = vector.extract %slice3A_1323[0] : i32 from vector<1xi32>
            %add3A_1325 = arith.constant 12 : i32
            %add3A_1326 = arith.addi %mul3A_133, %add3A_1325 : i32
            %get3A_1327 = arith.index_cast %rem3A_88 : i32 to index
            %get3A_1328 = arith.index_cast %add3A_1326 : i32 to index
            %get3A_1329 = arith.constant 0 : index
            %get3A_1330 = tpu.vector_load %arg5[%get3A_1327, %get3A_1328, %get3A_1329] {strides = array<i32>} : memref<4x80x128xf32, #tpu.memory_space<vmem>>, vector<1x1x16xf32>,
            %get3A_1331 = vector.shape_cast %get3A_1330 : vector<1x1x16xf32> to vector<16xf32>
            %swap3A_1332 = arith.index_cast %squeeze3A_1324 : i32 to index
            %swap3A_1333 = arith.constant 0 : index
            %swap3A_1334 = tpu.vector_load %arg7[%swap3A_1332, %swap3A_1333] {strides = array<i32>} : memref<512x128xf32, #tpu.memory_space<vmem>>, vector<1x16xf32>,
            %swap3A_1335 = vector.shape_cast %swap3A_1334 : vector<1x16xf32> to vector<16xf32>
            %swap3A_1336 = vector.shape_cast %get3A_1331 : vector<16xf32> to vector<1x16xf32>
            tpu.vector_store %arg7[%swap3A_1332, %swap3A_1333], %swap3A_1336 {add = true, strides = array<i32>} : memref<512x128xf32, #tpu.memory_space<vmem>>, vector<1x16xf32>,
            %add3A_1337 = arith.constant 12 : i32
            %add3A_1338 = arith.addi %mul3A_133, %add3A_1337 : i32
            %get3A_1339 = arith.index_cast %rem3A_88 : i32 to index
            %get3A_1340 = arith.index_cast %add3A_1338 : i32 to index
            %get3A_1341 = arith.constant 16 : index
            %get3A_1342 = tpu.vector_load %arg5[%get3A_1339, %get3A_1340, %get3A_1341] {strides = array<i32>} : memref<4x80x128xf32, #tpu.memory_space<vmem>>, vector<1x1x16xf32>,
            %get3A_1343 = vector.shape_cast %get3A_1342 : vector<1x1x16xf32> to vector<16xf32>
            %swap3A_1344 = arith.index_cast %squeeze3A_1324 : i32 to index
            %swap3A_1345 = arith.constant 16 : index
            %swap3A_1346 = tpu.vector_load %arg7[%swap3A_1344, %swap3A_1345] {strides = array<i32>} : memref<512x128xf32, #tpu.memory_space<vmem>>, vector<1x16xf32>,
            %swap3A_1347 = vector.shape_cast %swap3A_1346 : vector<1x16xf32> to vector<16xf32>
            %swap3A_1348 = vector.shape_cast %get3A_1343 : vector<16xf32> to vector<1x16xf32>
            tpu.vector_store %arg7[%swap3A_1344, %swap3A_1345], %swap3A_1348 {add = true, strides = array<i32>} : memref<512x128xf32, #tpu.memory_space<vmem>>, vector<1x16xf32>,
            %add3A_1349 = arith.constant 12 : i32
            %add3A_1350 = arith.addi %mul3A_133, %add3A_1349 : i32
            %get3A_1351 = arith.index_cast %rem3A_88 : i32 to index
            %get3A_1352 = arith.index_cast %add3A_1350 : i32 to index
            %get3A_1353 = arith.constant 32 : index
            %get3A_1354 = tpu.vector_load %arg5[%get3A_1351, %get3A_1352, %get3A_1353] {strides = array<i32>} : memref<4x80x128xf32, #tpu.memory_space<vmem>>, vector<1x1x16xf32>,
            %get3A_1355 = vector.shape_cast %get3A_1354 : vector<1x1x16xf32> to vector<16xf32>
            %swap3A_1356 = arith.index_cast %squeeze3A_1324 : i32 to index
            %swap3A_1357 = arith.constant 32 : index
            %swap3A_1358 = tpu.vector_load %arg7[%swap3A_1356, %swap3A_1357] {strides = array<i32>} : memref<512x128xf32, #tpu.memory_space<vmem>>, vector<1x16xf32>,
            %swap3A_1359 = vector.shape_cast %swap3A_1358 : vector<1x16xf32> to vector<16xf32>
            %swap3A_1360 = vector.shape_cast %get3A_1355 : vector<16xf32> to vector<1x16xf32>
            tpu.vector_store %arg7[%swap3A_1356, %swap3A_1357], %swap3A_1360 {add = true, strides = array<i32>} : memref<512x128xf32, #tpu.memory_space<vmem>>, vector<1x16xf32>,
            %add3A_1361 = arith.constant 12 : i32
            %add3A_1362 = arith.addi %mul3A_133, %add3A_1361 : i32
            %get3A_1363 = arith.index_cast %rem3A_88 : i32 to index
            %get3A_1364 = arith.index_cast %add3A_1362 : i32 to index
            %get3A_1365 = arith.constant 48 : index
            %get3A_1366 = tpu.vector_load %arg5[%get3A_1363, %get3A_1364, %get3A_1365] {strides = array<i32>} : memref<4x80x128xf32, #tpu.memory_space<vmem>>, vector<1x1x16xf32>,
            %get3A_1367 = vector.shape_cast %get3A_1366 : vector<1x1x16xf32> to vector<16xf32>
            %swap3A_1368 = arith.index_cast %squeeze3A_1324 : i32 to index
            %swap3A_1369 = arith.constant 48 : index
            %swap3A_1370 = tpu.vector_load %arg7[%swap3A_1368, %swap3A_1369] {strides = array<i32>} : memref<512x128xf32, #tpu.memory_space<vmem>>, vector<1x16xf32>,
            %swap3A_1371 = vector.shape_cast %swap3A_1370 : vector<1x16xf32> to vector<16xf32>
            %swap3A_1372 = vector.shape_cast %get3A_1367 : vector<16xf32> to vector<1x16xf32>
            tpu.vector_store %arg7[%swap3A_1368, %swap3A_1369], %swap3A_1372 {add = true, strides = array<i32>} : memref<512x128xf32, #tpu.memory_space<vmem>>, vector<1x16xf32>,
            %add3A_1373 = arith.constant 12 : i32
            %add3A_1374 = arith.addi %mul3A_133, %add3A_1373 : i32
            %get3A_1375 = arith.index_cast %rem3A_88 : i32 to index
            %get3A_1376 = arith.index_cast %add3A_1374 : i32 to index
            %get3A_1377 = arith.constant 64 : index
            %get3A_1378 = tpu.vector_load %arg5[%get3A_1375, %get3A_1376, %get3A_1377] {strides = array<i32>} : memref<4x80x128xf32, #tpu.memory_space<vmem>>, vector<1x1x16xf32>,
            %get3A_1379 = vector.shape_cast %get3A_1378 : vector<1x1x16xf32> to vector<16xf32>
            %swap3A_1380 = arith.index_cast %squeeze3A_1324 : i32 to index
            %swap3A_1381 = arith.constant 64 : index
            %swap3A_1382 = tpu.vector_load %arg7[%swap3A_1380, %swap3A_1381] {strides = array<i32>} : memref<512x128xf32, #tpu.memory_space<vmem>>, vector<1x16xf32>,
            %swap3A_1383 = vector.shape_cast %swap3A_1382 : vector<1x16xf32> to vector<16xf32>
            %swap3A_1384 = vector.shape_cast %get3A_1379 : vector<16xf32> to vector<1x16xf32>
            tpu.vector_store %arg7[%swap3A_1380, %swap3A_1381], %swap3A_1384 {add = true, strides = array<i32>} : memref<512x128xf32, #tpu.memory_space<vmem>>, vector<1x16xf32>,
            %add3A_1385 = arith.constant 12 : i32
            %add3A_1386 = arith.addi %mul3A_133, %add3A_1385 : i32
            %get3A_1387 = arith.index_cast %rem3A_88 : i32 to index
            %get3A_1388 = arith.index_cast %add3A_1386 : i32 to index
            %get3A_1389 = arith.constant 80 : index
            %get3A_1390 = tpu.vector_load %arg5[%get3A_1387, %get3A_1388, %get3A_1389] {strides = array<i32>} : memref<4x80x128xf32, #tpu.memory_space<vmem>>, vector<1x1x16xf32>,
            %get3A_1391 = vector.shape_cast %get3A_1390 : vector<1x1x16xf32> to vector<16xf32>
            %swap3A_1392 = arith.index_cast %squeeze3A_1324 : i32 to index
            %swap3A_1393 = arith.constant 80 : index
            %swap3A_1394 = tpu.vector_load %arg7[%swap3A_1392, %swap3A_1393] {strides = array<i32>} : memref<512x128xf32, #tpu.memory_space<vmem>>, vector<1x16xf32>,
            %swap3A_1395 = vector.shape_cast %swap3A_1394 : vector<1x16xf32> to vector<16xf32>
            %swap3A_1396 = vector.shape_cast %get3A_1391 : vector<16xf32> to vector<1x16xf32>
            tpu.vector_store %arg7[%swap3A_1392, %swap3A_1393], %swap3A_1396 {add = true, strides = array<i32>} : memref<512x128xf32, #tpu.memory_space<vmem>>, vector<1x16xf32>,
            %add3A_1397 = arith.constant 12 : i32
            %add3A_1398 = arith.addi %mul3A_133, %add3A_1397 : i32
            %get3A_1399 = arith.index_cast %rem3A_88 : i32 to index
            %get3A_1400 = arith.index_cast %add3A_1398 : i32 to index
            %get3A_1401 = arith.constant 96 : index
            %get3A_1402 = tpu.vector_load %arg5[%get3A_1399, %get3A_1400, %get3A_1401] {strides = array<i32>} : memref<4x80x128xf32, #tpu.memory_space<vmem>>, vector<1x1x16xf32>,
            %get3A_1403 = vector.shape_cast %get3A_1402 : vector<1x1x16xf32> to vector<16xf32>
            %swap3A_1404 = arith.index_cast %squeeze3A_1324 : i32 to index
            %swap3A_1405 = arith.constant 96 : index
            %swap3A_1406 = tpu.vector_load %arg7[%swap3A_1404, %swap3A_1405] {strides = array<i32>} : memref<512x128xf32, #tpu.memory_space<vmem>>, vector<1x16xf32>,
            %swap3A_1407 = vector.shape_cast %swap3A_1406 : vector<1x16xf32> to vector<16xf32>
            %swap3A_1408 = vector.shape_cast %get3A_1403 : vector<16xf32> to vector<1x16xf32>
            tpu.vector_store %arg7[%swap3A_1404, %swap3A_1405], %swap3A_1408 {add = true, strides = array<i32>} : memref<512x128xf32, #tpu.memory_space<vmem>>, vector<1x16xf32>,
            %add3A_1409 = arith.constant 12 : i32
            %add3A_1410 = arith.addi %mul3A_133, %add3A_1409 : i32
            %get3A_1411 = arith.index_cast %rem3A_88 : i32 to index
            %get3A_1412 = arith.index_cast %add3A_1410 : i32 to index
            %get3A_1413 = arith.constant 112 : index
            %get3A_1414 = tpu.vector_load %arg5[%get3A_1411, %get3A_1412, %get3A_1413] {strides = array<i32>} : memref<4x80x128xf32, #tpu.memory_space<vmem>>, vector<1x1x16xf32>,
            %get3A_1415 = vector.shape_cast %get3A_1414 : vector<1x1x16xf32> to vector<16xf32>
            %swap3A_1416 = arith.index_cast %squeeze3A_1324 : i32 to index
            %swap3A_1417 = arith.constant 112 : index
            %swap3A_1418 = tpu.vector_load %arg7[%swap3A_1416, %swap3A_1417] {strides = array<i32>} : memref<512x128xf32, #tpu.memory_space<vmem>>, vector<1x16xf32>,
            %swap3A_1419 = vector.shape_cast %swap3A_1418 : vector<1x16xf32> to vector<16xf32>
            %swap3A_1420 = vector.shape_cast %get3A_1415 : vector<16xf32> to vector<1x16xf32>
            tpu.vector_store %arg7[%swap3A_1416, %swap3A_1417], %swap3A_1420 {add = true, strides = array<i32>} : memref<512x128xf32, #tpu.memory_space<vmem>>, vector<1x16xf32>,
            %slice3A_1421 = vector.extract_strided_slice %get3A_136 {offsets = [13], sizes = [1], strides = [1]} : vector<16xi32> to vector<1xi32>
            %squeeze3A_1422 = vector.extract %slice3A_1421[0] : i32 from vector<1xi32>
            %add3A_1423 = arith.constant 13 : i32
            %add3A_1424 = arith.addi %mul3A_133, %add3A_1423 : i32
            %get3A_1425 = arith.index_cast %rem3A_88 : i32 to index
            %get3A_1426 = arith.index_cast %add3A_1424 : i32 to index
            %get3A_1427 = arith.constant 0 : index
            %get3A_1428 = tpu.vector_load %arg5[%get3A_1425, %get3A_1426, %get3A_1427] {strides = array<i32>} : memref<4x80x128xf32, #tpu.memory_space<vmem>>, vector<1x1x16xf32>,
            %get3A_1429 = vector.shape_cast %get3A_1428 : vector<1x1x16xf32> to vector<16xf32>
            %swap3A_1430 = arith.index_cast %squeeze3A_1422 : i32 to index
            %swap3A_1431 = arith.constant 0 : index
            %swap3A_1432 = tpu.vector_load %arg7[%swap3A_1430, %swap3A_1431] {strides = array<i32>} : memref<512x128xf32, #tpu.memory_space<vmem>>, vector<1x16xf32>,
            %swap3A_1433 = vector.shape_cast %swap3A_1432 : vector<1x16xf32> to vector<16xf32>
            %swap3A_1434 = vector.shape_cast %get3A_1429 : vector<16xf32> to vector<1x16xf32>
            tpu.vector_store %arg7[%swap3A_1430, %swap3A_1431], %swap3A_1434 {add = true, strides = array<i32>} : memref<512x128xf32, #tpu.memory_space<vmem>>, vector<1x16xf32>,
            %add3A_1435 = arith.constant 13 : i32
            %add3A_1436 = arith.addi %mul3A_133, %add3A_1435 : i32
            %get3A_1437 = arith.index_cast %rem3A_88 : i32 to index
            %get3A_1438 = arith.index_cast %add3A_1436 : i32 to index
            %get3A_1439 = arith.constant 16 : index
            %get3A_1440 = tpu.vector_load %arg5[%get3A_1437, %get3A_1438, %get3A_1439] {strides = array<i32>} : memref<4x80x128xf32, #tpu.memory_space<vmem>>, vector<1x1x16xf32>,
            %get3A_1441 = vector.shape_cast %get3A_1440 : vector<1x1x16xf32> to vector<16xf32>
            %swap3A_1442 = arith.index_cast %squeeze3A_1422 : i32 to index
            %swap3A_1443 = arith.constant 16 : index
            %swap3A_1444 = tpu.vector_load %arg7[%swap3A_1442, %swap3A_1443] {strides = array<i32>} : memref<512x128xf32, #tpu.memory_space<vmem>>, vector<1x16xf32>,
            %swap3A_1445 = vector.shape_cast %swap3A_1444 : vector<1x16xf32> to vector<16xf32>
            %swap3A_1446 = vector.shape_cast %get3A_1441 : vector<16xf32> to vector<1x16xf32>
            tpu.vector_store %arg7[%swap3A_1442, %swap3A_1443], %swap3A_1446 {add = true, strides = array<i32>} : memref<512x128xf32, #tpu.memory_space<vmem>>, vector<1x16xf32>,
            %add3A_1447 = arith.constant 13 : i32
            %add3A_1448 = arith.addi %mul3A_133, %add3A_1447 : i32
            %get3A_1449 = arith.index_cast %rem3A_88 : i32 to index
            %get3A_1450 = arith.index_cast %add3A_1448 : i32 to index
            %get3A_1451 = arith.constant 32 : index
            %get3A_1452 = tpu.vector_load %arg5[%get3A_1449, %get3A_1450, %get3A_1451] {strides = array<i32>} : memref<4x80x128xf32, #tpu.memory_space<vmem>>, vector<1x1x16xf32>,
            %get3A_1453 = vector.shape_cast %get3A_1452 : vector<1x1x16xf32> to vector<16xf32>
            %swap3A_1454 = arith.index_cast %squeeze3A_1422 : i32 to index
            %swap3A_1455 = arith.constant 32 : index
            %swap3A_1456 = tpu.vector_load %arg7[%swap3A_1454, %swap3A_1455] {strides = array<i32>} : memref<512x128xf32, #tpu.memory_space<vmem>>, vector<1x16xf32>,
            %swap3A_1457 = vector.shape_cast %swap3A_1456 : vector<1x16xf32> to vector<16xf32>
            %swap3A_1458 = vector.shape_cast %get3A_1453 : vector<16xf32> to vector<1x16xf32>
            tpu.vector_store %arg7[%swap3A_1454, %swap3A_1455], %swap3A_1458 {add = true, strides = array<i32>} : memref<512x128xf32, #tpu.memory_space<vmem>>, vector<1x16xf32>,
            %add3A_1459 = arith.constant 13 : i32
            %add3A_1460 = arith.addi %mul3A_133, %add3A_1459 : i32
            %get3A_1461 = arith.index_cast %rem3A_88 : i32 to index
            %get3A_1462 = arith.index_cast %add3A_1460 : i32 to index
            %get3A_1463 = arith.constant 48 : index
            %get3A_1464 = tpu.vector_load %arg5[%get3A_1461, %get3A_1462, %get3A_1463] {strides = array<i32>} : memref<4x80x128xf32, #tpu.memory_space<vmem>>, vector<1x1x16xf32>,
            %get3A_1465 = vector.shape_cast %get3A_1464 : vector<1x1x16xf32> to vector<16xf32>
            %swap3A_1466 = arith.index_cast %squeeze3A_1422 : i32 to index
            %swap3A_1467 = arith.constant 48 : index
            %swap3A_1468 = tpu.vector_load %arg7[%swap3A_1466, %swap3A_1467] {strides = array<i32>} : memref<512x128xf32, #tpu.memory_space<vmem>>, vector<1x16xf32>,
            %swap3A_1469 = vector.shape_cast %swap3A_1468 : vector<1x16xf32> to vector<16xf32>
            %swap3A_1470 = vector.shape_cast %get3A_1465 : vector<16xf32> to vector<1x16xf32>
            tpu.vector_store %arg7[%swap3A_1466, %swap3A_1467], %swap3A_1470 {add = true, strides = array<i32>} : memref<512x128xf32, #tpu.memory_space<vmem>>, vector<1x16xf32>,
            %add3A_1471 = arith.constant 13 : i32
            %add3A_1472 = arith.addi %mul3A_133, %add3A_1471 : i32
            %get3A_1473 = arith.index_cast %rem3A_88 : i32 to index
            %get3A_1474 = arith.index_cast %add3A_1472 : i32 to index
            %get3A_1475 = arith.constant 64 : index
            %get3A_1476 = tpu.vector_load %arg5[%get3A_1473, %get3A_1474, %get3A_1475] {strides = array<i32>} : memref<4x80x128xf32, #tpu.memory_space<vmem>>, vector<1x1x16xf32>,
            %get3A_1477 = vector.shape_cast %get3A_1476 : vector<1x1x16xf32> to vector<16xf32>
            %swap3A_1478 = arith.index_cast %squeeze3A_1422 : i32 to index
            %swap3A_1479 = arith.constant 64 : index
            %swap3A_1480 = tpu.vector_load %arg7[%swap3A_1478, %swap3A_1479] {strides = array<i32>} : memref<512x128xf32, #tpu.memory_space<vmem>>, vector<1x16xf32>,
            %swap3A_1481 = vector.shape_cast %swap3A_1480 : vector<1x16xf32> to vector<16xf32>
            %swap3A_1482 = vector.shape_cast %get3A_1477 : vector<16xf32> to vector<1x16xf32>
            tpu.vector_store %arg7[%swap3A_1478, %swap3A_1479], %swap3A_1482 {add = true, strides = array<i32>} : memref<512x128xf32, #tpu.memory_space<vmem>>, vector<1x16xf32>,
            %add3A_1483 = arith.constant 13 : i32
            %add3A_1484 = arith.addi %mul3A_133, %add3A_1483 : i32
            %get3A_1485 = arith.index_cast %rem3A_88 : i32 to index
            %get3A_1486 = arith.index_cast %add3A_1484 : i32 to index
            %get3A_1487 = arith.constant 80 : index
            %get3A_1488 = tpu.vector_load %arg5[%get3A_1485, %get3A_1486, %get3A_1487] {strides = array<i32>} : memref<4x80x128xf32, #tpu.memory_space<vmem>>, vector<1x1x16xf32>,
            %get3A_1489 = vector.shape_cast %get3A_1488 : vector<1x1x16xf32> to vector<16xf32>
            %swap3A_1490 = arith.index_cast %squeeze3A_1422 : i32 to index
            %swap3A_1491 = arith.constant 80 : index
            %swap3A_1492 = tpu.vector_load %arg7[%swap3A_1490, %swap3A_1491] {strides = array<i32>} : memref<512x128xf32, #tpu.memory_space<vmem>>, vector<1x16xf32>,
            %swap3A_1493 = vector.shape_cast %swap3A_1492 : vector<1x16xf32> to vector<16xf32>
            %swap3A_1494 = vector.shape_cast %get3A_1489 : vector<16xf32> to vector<1x16xf32>
            tpu.vector_store %arg7[%swap3A_1490, %swap3A_1491], %swap3A_1494 {add = true, strides = array<i32>} : memref<512x128xf32, #tpu.memory_space<vmem>>, vector<1x16xf32>,
            %add3A_1495 = arith.constant 13 : i32
            %add3A_1496 = arith.addi %mul3A_133, %add3A_1495 : i32
            %get3A_1497 = arith.index_cast %rem3A_88 : i32 to index
            %get3A_1498 = arith.index_cast %add3A_1496 : i32 to index
            %get3A_1499 = arith.constant 96 : index
            %get3A_1500 = tpu.vector_load %arg5[%get3A_1497, %get3A_1498, %get3A_1499] {strides = array<i32>} : memref<4x80x128xf32, #tpu.memory_space<vmem>>, vector<1x1x16xf32>,
            %get3A_1501 = vector.shape_cast %get3A_1500 : vector<1x1x16xf32> to vector<16xf32>
            %swap3A_1502 = arith.index_cast %squeeze3A_1422 : i32 to index
            %swap3A_1503 = arith.constant 96 : index
            %swap3A_1504 = tpu.vector_load %arg7[%swap3A_1502, %swap3A_1503] {strides = array<i32>} : memref<512x128xf32, #tpu.memory_space<vmem>>, vector<1x16xf32>,
            %swap3A_1505 = vector.shape_cast %swap3A_1504 : vector<1x16xf32> to vector<16xf32>
            %swap3A_1506 = vector.shape_cast %get3A_1501 : vector<16xf32> to vector<1x16xf32>
            tpu.vector_store %arg7[%swap3A_1502, %swap3A_1503], %swap3A_1506 {add = true, strides = array<i32>} : memref<512x128xf32, #tpu.memory_space<vmem>>, vector<1x16xf32>,
            %add3A_1507 = arith.constant 13 : i32
            %add3A_1508 = arith.addi %mul3A_133, %add3A_1507 : i32
            %get3A_1509 = arith.index_cast %rem3A_88 : i32 to index
            %get3A_1510 = arith.index_cast %add3A_1508 : i32 to index
            %get3A_1511 = arith.constant 112 : index
            %get3A_1512 = tpu.vector_load %arg5[%get3A_1509, %get3A_1510, %get3A_1511] {strides = array<i32>} : memref<4x80x128xf32, #tpu.memory_space<vmem>>, vector<1x1x16xf32>,
            %get3A_1513 = vector.shape_cast %get3A_1512 : vector<1x1x16xf32> to vector<16xf32>
            %swap3A_1514 = arith.index_cast %squeeze3A_1422 : i32 to index
            %swap3A_1515 = arith.constant 112 : index
            %swap3A_1516 = tpu.vector_load %arg7[%swap3A_1514, %swap3A_1515] {strides = array<i32>} : memref<512x128xf32, #tpu.memory_space<vmem>>, vector<1x16xf32>,
            %swap3A_1517 = vector.shape_cast %swap3A_1516 : vector<1x16xf32> to vector<16xf32>
            %swap3A_1518 = vector.shape_cast %get3A_1513 : vector<16xf32> to vector<1x16xf32>
            tpu.vector_store %arg7[%swap3A_1514, %swap3A_1515], %swap3A_1518 {add = true, strides = array<i32>} : memref<512x128xf32, #tpu.memory_space<vmem>>, vector<1x16xf32>,
            %slice3A_1519 = vector.extract_strided_slice %get3A_136 {offsets = [14], sizes = [1], strides = [1]} : vector<16xi32> to vector<1xi32>
            %squeeze3A_1520 = vector.extract %slice3A_1519[0] : i32 from vector<1xi32>
            %add3A_1521 = arith.constant 14 : i32
            %add3A_1522 = arith.addi %mul3A_133, %add3A_1521 : i32
            %get3A_1523 = arith.index_cast %rem3A_88 : i32 to index
            %get3A_1524 = arith.index_cast %add3A_1522 : i32 to index
            %get3A_1525 = arith.constant 0 : index
            %get3A_1526 = tpu.vector_load %arg5[%get3A_1523, %get3A_1524, %get3A_1525] {strides = array<i32>} : memref<4x80x128xf32, #tpu.memory_space<vmem>>, vector<1x1x16xf32>,
            %get3A_1527 = vector.shape_cast %get3A_1526 : vector<1x1x16xf32> to vector<16xf32>
            %swap3A_1528 = arith.index_cast %squeeze3A_1520 : i32 to index
            %swap3A_1529 = arith.constant 0 : index
            %swap3A_1530 = tpu.vector_load %arg7[%swap3A_1528, %swap3A_1529] {strides = array<i32>} : memref<512x128xf32, #tpu.memory_space<vmem>>, vector<1x16xf32>,
            %swap3A_1531 = vector.shape_cast %swap3A_1530 : vector<1x16xf32> to vector<16xf32>
            %swap3A_1532 = vector.shape_cast %get3A_1527 : vector<16xf32> to vector<1x16xf32>
            tpu.vector_store %arg7[%swap3A_1528, %swap3A_1529], %swap3A_1532 {add = true, strides = array<i32>} : memref<512x128xf32, #tpu.memory_space<vmem>>, vector<1x16xf32>,
            %add3A_1533 = arith.constant 14 : i32
            %add3A_1534 = arith.addi %mul3A_133, %add3A_1533 : i32
            %get3A_1535 = arith.index_cast %rem3A_88 : i32 to index
            %get3A_1536 = arith.index_cast %add3A_1534 : i32 to index
            %get3A_1537 = arith.constant 16 : index
            %get3A_1538 = tpu.vector_load %arg5[%get3A_1535, %get3A_1536, %get3A_1537] {strides = array<i32>} : memref<4x80x128xf32, #tpu.memory_space<vmem>>, vector<1x1x16xf32>,
            %get3A_1539 = vector.shape_cast %get3A_1538 : vector<1x1x16xf32> to vector<16xf32>
            %swap3A_1540 = arith.index_cast %squeeze3A_1520 : i32 to index
            %swap3A_1541 = arith.constant 16 : index
            %swap3A_1542 = tpu.vector_load %arg7[%swap3A_1540, %swap3A_1541] {strides = array<i32>} : memref<512x128xf32, #tpu.memory_space<vmem>>, vector<1x16xf32>,
            %swap3A_1543 = vector.shape_cast %swap3A_1542 : vector<1x16xf32> to vector<16xf32>
            %swap3A_1544 = vector.shape_cast %get3A_1539 : vector<16xf32> to vector<1x16xf32>
            tpu.vector_store %arg7[%swap3A_1540, %swap3A_1541], %swap3A_1544 {add = true, strides = array<i32>} : memref<512x128xf32, #tpu.memory_space<vmem>>, vector<1x16xf32>,
            %add3A_1545 = arith.constant 14 : i32
            %add3A_1546 = arith.addi %mul3A_133, %add3A_1545 : i32
            %get3A_1547 = arith.index_cast %rem3A_88 : i32 to index
            %get3A_1548 = arith.index_cast %add3A_1546 : i32 to index
            %get3A_1549 = arith.constant 32 : index
            %get3A_1550 = tpu.vector_load %arg5[%get3A_1547, %get3A_1548, %get3A_1549] {strides = array<i32>} : memref<4x80x128xf32, #tpu.memory_space<vmem>>, vector<1x1x16xf32>,
            %get3A_1551 = vector.shape_cast %get3A_1550 : vector<1x1x16xf32> to vector<16xf32>
            %swap3A_1552 = arith.index_cast %squeeze3A_1520 : i32 to index
            %swap3A_1553 = arith.constant 32 : index
            %swap3A_1554 = tpu.vector_load %arg7[%swap3A_1552, %swap3A_1553] {strides = array<i32>} : memref<512x128xf32, #tpu.memory_space<vmem>>, vector<1x16xf32>,
            %swap3A_1555 = vector.shape_cast %swap3A_1554 : vector<1x16xf32> to vector<16xf32>
            %swap3A_1556 = vector.shape_cast %get3A_1551 : vector<16xf32> to vector<1x16xf32>
            tpu.vector_store %arg7[%swap3A_1552, %swap3A_1553], %swap3A_1556 {add = true, strides = array<i32>} : memref<512x128xf32, #tpu.memory_space<vmem>>, vector<1x16xf32>,
            %add3A_1557 = arith.constant 14 : i32
            %add3A_1558 = arith.addi %mul3A_133, %add3A_1557 : i32
            %get3A_1559 = arith.index_cast %rem3A_88 : i32 to index
            %get3A_1560 = arith.index_cast %add3A_1558 : i32 to index
            %get3A_1561 = arith.constant 48 : index
            %get3A_1562 = tpu.vector_load %arg5[%get3A_1559, %get3A_1560, %get3A_1561] {strides = array<i32>} : memref<4x80x128xf32, #tpu.memory_space<vmem>>, vector<1x1x16xf32>,
            %get3A_1563 = vector.shape_cast %get3A_1562 : vector<1x1x16xf32> to vector<16xf32>
            %swap3A_1564 = arith.index_cast %squeeze3A_1520 : i32 to index
            %swap3A_1565 = arith.constant 48 : index
            %swap3A_1566 = tpu.vector_load %arg7[%swap3A_1564, %swap3A_1565] {strides = array<i32>} : memref<512x128xf32, #tpu.memory_space<vmem>>, vector<1x16xf32>,
            %swap3A_1567 = vector.shape_cast %swap3A_1566 : vector<1x16xf32> to vector<16xf32>
            %swap3A_1568 = vector.shape_cast %get3A_1563 : vector<16xf32> to vector<1x16xf32>
            tpu.vector_store %arg7[%swap3A_1564, %swap3A_1565], %swap3A_1568 {add = true, strides = array<i32>} : memref<512x128xf32, #tpu.memory_space<vmem>>, vector<1x16xf32>,
            %add3A_1569 = arith.constant 14 : i32
            %add3A_1570 = arith.addi %mul3A_133, %add3A_1569 : i32
            %get3A_1571 = arith.index_cast %rem3A_88 : i32 to index
            %get3A_1572 = arith.index_cast %add3A_1570 : i32 to index
            %get3A_1573 = arith.constant 64 : index
            %get3A_1574 = tpu.vector_load %arg5[%get3A_1571, %get3A_1572, %get3A_1573] {strides = array<i32>} : memref<4x80x128xf32, #tpu.memory_space<vmem>>, vector<1x1x16xf32>,
            %get3A_1575 = vector.shape_cast %get3A_1574 : vector<1x1x16xf32> to vector<16xf32>
            %swap3A_1576 = arith.index_cast %squeeze3A_1520 : i32 to index
            %swap3A_1577 = arith.constant 64 : index
            %swap3A_1578 = tpu.vector_load %arg7[%swap3A_1576, %swap3A_1577] {strides = array<i32>} : memref<512x128xf32, #tpu.memory_space<vmem>>, vector<1x16xf32>,
            %swap3A_1579 = vector.shape_cast %swap3A_1578 : vector<1x16xf32> to vector<16xf32>
            %swap3A_1580 = vector.shape_cast %get3A_1575 : vector<16xf32> to vector<1x16xf32>
            tpu.vector_store %arg7[%swap3A_1576, %swap3A_1577], %swap3A_1580 {add = true, strides = array<i32>} : memref<512x128xf32, #tpu.memory_space<vmem>>, vector<1x16xf32>,
            %add3A_1581 = arith.constant 14 : i32
            %add3A_1582 = arith.addi %mul3A_133, %add3A_1581 : i32
            %get3A_1583 = arith.index_cast %rem3A_88 : i32 to index
            %get3A_1584 = arith.index_cast %add3A_1582 : i32 to index
            %get3A_1585 = arith.constant 80 : index
            %get3A_1586 = tpu.vector_load %arg5[%get3A_1583, %get3A_1584, %get3A_1585] {strides = array<i32>} : memref<4x80x128xf32, #tpu.memory_space<vmem>>, vector<1x1x16xf32>,
            %get3A_1587 = vector.shape_cast %get3A_1586 : vector<1x1x16xf32> to vector<16xf32>
            %swap3A_1588 = arith.index_cast %squeeze3A_1520 : i32 to index
            %swap3A_1589 = arith.constant 80 : index
            %swap3A_1590 = tpu.vector_load %arg7[%swap3A_1588, %swap3A_1589] {strides = array<i32>} : memref<512x128xf32, #tpu.memory_space<vmem>>, vector<1x16xf32>,
            %swap3A_1591 = vector.shape_cast %swap3A_1590 : vector<1x16xf32> to vector<16xf32>
            %swap3A_1592 = vector.shape_cast %get3A_1587 : vector<16xf32> to vector<1x16xf32>
            tpu.vector_store %arg7[%swap3A_1588, %swap3A_1589], %swap3A_1592 {add = true, strides = array<i32>} : memref<512x128xf32, #tpu.memory_space<vmem>>, vector<1x16xf32>,
            %add3A_1593 = arith.constant 14 : i32
            %add3A_1594 = arith.addi %mul3A_133, %add3A_1593 : i32
            %get3A_1595 = arith.index_cast %rem3A_88 : i32 to index
            %get3A_1596 = arith.index_cast %add3A_1594 : i32 to index
            %get3A_1597 = arith.constant 96 : index
            %get3A_1598 = tpu.vector_load %arg5[%get3A_1595, %get3A_1596, %get3A_1597] {strides = array<i32>} : memref<4x80x128xf32, #tpu.memory_space<vmem>>, vector<1x1x16xf32>,
            %get3A_1599 = vector.shape_cast %get3A_1598 : vector<1x1x16xf32> to vector<16xf32>
            %swap3A_1600 = arith.index_cast %squeeze3A_1520 : i32 to index
            %swap3A_1601 = arith.constant 96 : index
            %swap3A_1602 = tpu.vector_load %arg7[%swap3A_1600, %swap3A_1601] {strides = array<i32>} : memref<512x128xf32, #tpu.memory_space<vmem>>, vector<1x16xf32>,
            %swap3A_1603 = vector.shape_cast %swap3A_1602 : vector<1x16xf32> to vector<16xf32>
            %swap3A_1604 = vector.shape_cast %get3A_1599 : vector<16xf32> to vector<1x16xf32>
            tpu.vector_store %arg7[%swap3A_1600, %swap3A_1601], %swap3A_1604 {add = true, strides = array<i32>} : memref<512x128xf32, #tpu.memory_space<vmem>>, vector<1x16xf32>,
            %add3A_1605 = arith.constant 14 : i32
            %add3A_1606 = arith.addi %mul3A_133, %add3A_1605 : i32
            %get3A_1607 = arith.index_cast %rem3A_88 : i32 to index
            %get3A_1608 = arith.index_cast %add3A_1606 : i32 to index
            %get3A_1609 = arith.constant 112 : index
            %get3A_1610 = tpu.vector_load %arg5[%get3A_1607, %get3A_1608, %get3A_1609] {strides = array<i32>} : memref<4x80x128xf32, #tpu.memory_space<vmem>>, vector<1x1x16xf32>,
            %get3A_1611 = vector.shape_cast %get3A_1610 : vector<1x1x16xf32> to vector<16xf32>
            %swap3A_1612 = arith.index_cast %squeeze3A_1520 : i32 to index
            %swap3A_1613 = arith.constant 112 : index
            %swap3A_1614 = tpu.vector_load %arg7[%swap3A_1612, %swap3A_1613] {strides = array<i32>} : memref<512x128xf32, #tpu.memory_space<vmem>>, vector<1x16xf32>,
            %swap3A_1615 = vector.shape_cast %swap3A_1614 : vector<1x16xf32> to vector<16xf32>
            %swap3A_1616 = vector.shape_cast %get3A_1611 : vector<16xf32> to vector<1x16xf32>
            tpu.vector_store %arg7[%swap3A_1612, %swap3A_1613], %swap3A_1616 {add = true, strides = array<i32>} : memref<512x128xf32, #tpu.memory_space<vmem>>, vector<1x16xf32>,
            %slice3A_1617 = vector.extract_strided_slice %get3A_136 {offsets = [15], sizes = [1], strides = [1]} : vector<16xi32> to vector<1xi32>
            %squeeze3A_1618 = vector.extract %slice3A_1617[0] : i32 from vector<1xi32>
            %add3A_1619 = arith.constant 15 : i32
            %add3A_1620 = arith.addi %mul3A_133, %add3A_1619 : i32
            %get3A_1621 = arith.index_cast %rem3A_88 : i32 to index
            %get3A_1622 = arith.index_cast %add3A_1620 : i32 to index
            %get3A_1623 = arith.constant 0 : index
            %get3A_1624 = tpu.vector_load %arg5[%get3A_1621, %get3A_1622, %get3A_1623] {strides = array<i32>} : memref<4x80x128xf32, #tpu.memory_space<vmem>>, vector<1x1x16xf32>,
            %get3A_1625 = vector.shape_cast %get3A_1624 : vector<1x1x16xf32> to vector<16xf32>
            %swap3A_1626 = arith.index_cast %squeeze3A_1618 : i32 to index
            %swap3A_1627 = arith.constant 0 : index
            %swap3A_1628 = tpu.vector_load %arg7[%swap3A_1626, %swap3A_1627] {strides = array<i32>} : memref<512x128xf32, #tpu.memory_space<vmem>>, vector<1x16xf32>,
            %swap3A_1629 = vector.shape_cast %swap3A_1628 : vector<1x16xf32> to vector<16xf32>
            %swap3A_1630 = vector.shape_cast %get3A_1625 : vector<16xf32> to vector<1x16xf32>
            tpu.vector_store %arg7[%swap3A_1626, %swap3A_1627], %swap3A_1630 {add = true, strides = array<i32>} : memref<512x128xf32, #tpu.memory_space<vmem>>, vector<1x16xf32>,
            %add3A_1631 = arith.constant 15 : i32
            %add3A_1632 = arith.addi %mul3A_133, %add3A_1631 : i32
            %get3A_1633 = arith.index_cast %rem3A_88 : i32 to index
            %get3A_1634 = arith.index_cast %add3A_1632 : i32 to index
            %get3A_1635 = arith.constant 16 : index
            %get3A_1636 = tpu.vector_load %arg5[%get3A_1633, %get3A_1634, %get3A_1635] {strides = array<i32>} : memref<4x80x128xf32, #tpu.memory_space<vmem>>, vector<1x1x16xf32>,
            %get3A_1637 = vector.shape_cast %get3A_1636 : vector<1x1x16xf32> to vector<16xf32>
            %swap3A_1638 = arith.index_cast %squeeze3A_1618 : i32 to index
            %swap3A_1639 = arith.constant 16 : index
            %swap3A_1640 = tpu.vector_load %arg7[%swap3A_1638, %swap3A_1639] {strides = array<i32>} : memref<512x128xf32, #tpu.memory_space<vmem>>, vector<1x16xf32>,
            %swap3A_1641 = vector.shape_cast %swap3A_1640 : vector<1x16xf32> to vector<16xf32>
            %swap3A_1642 = vector.shape_cast %get3A_1637 : vector<16xf32> to vector<1x16xf32>
            tpu.vector_store %arg7[%swap3A_1638, %swap3A_1639], %swap3A_1642 {add = true, strides = array<i32>} : memref<512x128xf32, #tpu.memory_space<vmem>>, vector<1x16xf32>,
            %add3A_1643 = arith.constant 15 : i32
            %add3A_1644 = arith.addi %mul3A_133, %add3A_1643 : i32
            %get3A_1645 = arith.index_cast %rem3A_88 : i32 to index
            %get3A_1646 = arith.index_cast %add3A_1644 : i32 to index
            %get3A_1647 = arith.constant 32 : index
            %get3A_1648 = tpu.vector_load %arg5[%get3A_1645, %get3A_1646, %get3A_1647] {strides = array<i32>} : memref<4x80x128xf32, #tpu.memory_space<vmem>>, vector<1x1x16xf32>,
            %get3A_1649 = vector.shape_cast %get3A_1648 : vector<1x1x16xf32> to vector<16xf32>
            %swap3A_1650 = arith.index_cast %squeeze3A_1618 : i32 to index
            %swap3A_1651 = arith.constant 32 : index
            %swap3A_1652 = tpu.vector_load %arg7[%swap3A_1650, %swap3A_1651] {strides = array<i32>} : memref<512x128xf32, #tpu.memory_space<vmem>>, vector<1x16xf32>,
            %swap3A_1653 = vector.shape_cast %swap3A_1652 : vector<1x16xf32> to vector<16xf32>
            %swap3A_1654 = vector.shape_cast %get3A_1649 : vector<16xf32> to vector<1x16xf32>
            tpu.vector_store %arg7[%swap3A_1650, %swap3A_1651], %swap3A_1654 {add = true, strides = array<i32>} : memref<512x128xf32, #tpu.memory_space<vmem>>, vector<1x16xf32>,
            %add3A_1655 = arith.constant 15 : i32
            %add3A_1656 = arith.addi %mul3A_133, %add3A_1655 : i32
            %get3A_1657 = arith.index_cast %rem3A_88 : i32 to index
            %get3A_1658 = arith.index_cast %add3A_1656 : i32 to index
            %get3A_1659 = arith.constant 48 : index
            %get3A_1660 = tpu.vector_load %arg5[%get3A_1657, %get3A_1658, %get3A_1659] {strides = array<i32>} : memref<4x80x128xf32, #tpu.memory_space<vmem>>, vector<1x1x16xf32>,
            %get3A_1661 = vector.shape_cast %get3A_1660 : vector<1x1x16xf32> to vector<16xf32>
            %swap3A_1662 = arith.index_cast %squeeze3A_1618 : i32 to index
            %swap3A_1663 = arith.constant 48 : index
            %swap3A_1664 = tpu.vector_load %arg7[%swap3A_1662, %swap3A_1663] {strides = array<i32>} : memref<512x128xf32, #tpu.memory_space<vmem>>, vector<1x16xf32>,
            %swap3A_1665 = vector.shape_cast %swap3A_1664 : vector<1x16xf32> to vector<16xf32>
            %swap3A_1666 = vector.shape_cast %get3A_1661 : vector<16xf32> to vector<1x16xf32>
            tpu.vector_store %arg7[%swap3A_1662, %swap3A_1663], %swap3A_1666 {add = true, strides = array<i32>} : memref<512x128xf32, #tpu.memory_space<vmem>>, vector<1x16xf32>,
            %add3A_1667 = arith.constant 15 : i32
            %add3A_1668 = arith.addi %mul3A_133, %add3A_1667 : i32
            %get3A_1669 = arith.index_cast %rem3A_88 : i32 to index
            %get3A_1670 = arith.index_cast %add3A_1668 : i32 to index
            %get3A_1671 = arith.constant 64 : index
            %get3A_1672 = tpu.vector_load %arg5[%get3A_1669, %get3A_1670, %get3A_1671] {strides = array<i32>} : memref<4x80x128xf32, #tpu.memory_space<vmem>>, vector<1x1x16xf32>,
            %get3A_1673 = vector.shape_cast %get3A_1672 : vector<1x1x16xf32> to vector<16xf32>
            %swap3A_1674 = arith.index_cast %squeeze3A_1618 : i32 to index
            %swap3A_1675 = arith.constant 64 : index
            %swap3A_1676 = tpu.vector_load %arg7[%swap3A_1674, %swap3A_1675] {strides = array<i32>} : memref<512x128xf32, #tpu.memory_space<vmem>>, vector<1x16xf32>,
            %swap3A_1677 = vector.shape_cast %swap3A_1676 : vector<1x16xf32> to vector<16xf32>
            %swap3A_1678 = vector.shape_cast %get3A_1673 : vector<16xf32> to vector<1x16xf32>
            tpu.vector_store %arg7[%swap3A_1674, %swap3A_1675], %swap3A_1678 {add = true, strides = array<i32>} : memref<512x128xf32, #tpu.memory_space<vmem>>, vector<1x16xf32>,
            %add3A_1679 = arith.constant 15 : i32
            %add3A_1680 = arith.addi %mul3A_133, %add3A_1679 : i32
            %get3A_1681 = arith.index_cast %rem3A_88 : i32 to index
            %get3A_1682 = arith.index_cast %add3A_1680 : i32 to index
            %get3A_1683 = arith.constant 80 : index
            %get3A_1684 = tpu.vector_load %arg5[%get3A_1681, %get3A_1682, %get3A_1683] {strides = array<i32>} : memref<4x80x128xf32, #tpu.memory_space<vmem>>, vector<1x1x16xf32>,
            %get3A_1685 = vector.shape_cast %get3A_1684 : vector<1x1x16xf32> to vector<16xf32>
            %swap3A_1686 = arith.index_cast %squeeze3A_1618 : i32 to index
            %swap3A_1687 = arith.constant 80 : index
            %swap3A_1688 = tpu.vector_load %arg7[%swap3A_1686, %swap3A_1687] {strides = array<i32>} : memref<512x128xf32, #tpu.memory_space<vmem>>, vector<1x16xf32>,
            %swap3A_1689 = vector.shape_cast %swap3A_1688 : vector<1x16xf32> to vector<16xf32>
            %swap3A_1690 = vector.shape_cast %get3A_1685 : vector<16xf32> to vector<1x16xf32>
            tpu.vector_store %arg7[%swap3A_1686, %swap3A_1687], %swap3A_1690 {add = true, strides = array<i32>} : memref<512x128xf32, #tpu.memory_space<vmem>>, vector<1x16xf32>,
            %add3A_1691 = arith.constant 15 : i32
            %add3A_1692 = arith.addi %mul3A_133, %add3A_1691 : i32
            %get3A_1693 = arith.index_cast %rem3A_88 : i32 to index
            %get3A_1694 = arith.index_cast %add3A_1692 : i32 to index
            %get3A_1695 = arith.constant 96 : index
            %get3A_1696 = tpu.vector_load %arg5[%get3A_1693, %get3A_1694, %get3A_1695] {strides = array<i32>} : memref<4x80x128xf32, #tpu.memory_space<vmem>>, vector<1x1x16xf32>,
            %get3A_1697 = vector.shape_cast %get3A_1696 : vector<1x1x16xf32> to vector<16xf32>
            %swap3A_1698 = arith.index_cast %squeeze3A_1618 : i32 to index
            %swap3A_1699 = arith.constant 96 : index
            %swap3A_1700 = tpu.vector_load %arg7[%swap3A_1698, %swap3A_1699] {strides = array<i32>} : memref<512x128xf32, #tpu.memory_space<vmem>>, vector<1x16xf32>,
            %swap3A_1701 = vector.shape_cast %swap3A_1700 : vector<1x16xf32> to vector<16xf32>
            %swap3A_1702 = vector.shape_cast %get3A_1697 : vector<16xf32> to vector<1x16xf32>
            tpu.vector_store %arg7[%swap3A_1698, %swap3A_1699], %swap3A_1702 {add = true, strides = array<i32>} : memref<512x128xf32, #tpu.memory_space<vmem>>, vector<1x16xf32>,
            %add3A_1703 = arith.constant 15 : i32
            %add3A_1704 = arith.addi %mul3A_133, %add3A_1703 : i32
            %get3A_1705 = arith.index_cast %rem3A_88 : i32 to index
            %get3A_1706 = arith.index_cast %add3A_1704 : i32 to index
            %get3A_1707 = arith.constant 112 : index
            %get3A_1708 = tpu.vector_load %arg5[%get3A_1705, %get3A_1706, %get3A_1707] {strides = array<i32>} : memref<4x80x128xf32, #tpu.memory_space<vmem>>, vector<1x1x16xf32>,
            %get3A_1709 = vector.shape_cast %get3A_1708 : vector<1x1x16xf32> to vector<16xf32>
            %swap3A_1710 = arith.index_cast %squeeze3A_1618 : i32 to index
            %swap3A_1711 = arith.constant 112 : index
            %swap3A_1712 = tpu.vector_load %arg7[%swap3A_1710, %swap3A_1711] {strides = array<i32>} : memref<512x128xf32, #tpu.memory_space<vmem>>, vector<1x16xf32>,
            %swap3A_1713 = vector.shape_cast %swap3A_1712 : vector<1x16xf32> to vector<16xf32>
            %swap3A_1714 = vector.shape_cast %get3A_1709 : vector<16xf32> to vector<1x16xf32>
            tpu.vector_store %arg7[%swap3A_1710, %swap3A_1711], %swap3A_1714 {add = true, strides = array<i32>} : memref<512x128xf32, #tpu.memory_space<vmem>>, vector<1x16xf32>,
          } else {
          }
          %scan3A_147 = arith.constant 0 : i32
          scf.yield %scan3A_147 : i32
        }
        %scan3A_129 = arith.constant 5 : i32
      } else {
      }
      %add3A_97 = arith.constant 4 : i32
      %add3A_98 = arith.addi %scan3A_85, %add3A_97 : i32
      %rem3A_99 = arith.constant 4 : i32
      %rem3A_100 = arith.remsi %add3A_98, %rem3A_99 : i32
      %mul3A_101 = arith.constant 8 : i32
      %mul3A_102 = arith.muli %mul3A_101, %add3A_98 : i32
      %add3A_103 = arith.addi %select_n3A_9, %mul3A_102 : i32
      %lt3A_104 = arith.constant 625 : i32
      %lt3A_105 = arith.cmpi slt, %add3A_103, %lt3A_104 : i32
      %convert_element_type3A_106 = arith.extui %lt3A_105 : i1 to i32
      %cond3A_107 = arith.constant 0 : i32
      %cond3A_108 = arith.cmpi ne, %convert_element_type3A_106, %cond3A_107 : i32
      scf.if %cond3A_108 {
        %mul3A_110 = arith.constant 80 : i32
        %mul3A_111 = arith.muli %add3A_103, %mul3A_110 : i32
        %dma_start3A = arith.constant 0 : i32
        %dma_start3A_112 = arith.constant 0 : i32
        %dma_start3A_113 = tpu.memref_slice %arg5[%rem3A_100, %dma_start3A, %dma_start3A_112] : memref<4x80x128xf32, #tpu.memory_space<vmem>> -> memref<1x80x128xf32, #tpu.memory_space<vmem>>
        %dma_start3A_114 = tpu.memref_squeeze %dma_start3A_113 : memref<1x80x128xf32, #tpu.memory_space<vmem>> -> memref<80x128xf32, #tpu.memory_space<vmem>>
        %dma_start3A_115 = tpu.memref_slice %arg2[%mul3A_111, %mul3A_32] : memref<50000x512xf32, #tpu.memory_space<hbm>> -> memref<80x128xf32, #tpu.memory_space<hbm>>
        %dma_start3A_116 = tpu.memref_slice %arg8[%rem3A_100] : memref<4x!tpu.dma_semaphore, #tpu.memory_space<semaphore_mem>> -> memref<1x!tpu.dma_semaphore, #tpu.memory_space<semaphore_mem>>
        %dma_start3A_117 = tpu.memref_squeeze %dma_start3A_116 : memref<1x!tpu.dma_semaphore, #tpu.memory_space<semaphore_mem>> -> memref<!tpu.dma_semaphore, #tpu.memory_space<semaphore_mem>>
        %dma_start3A_118 = arith.constant 0 : i32
        %dma_start3A_119 = arith.constant 0 : i32
        %dma_start3A_120 = tpu.memref_slice %arg5[%rem3A_100, %dma_start3A_118, %dma_start3A_119] : memref<4x80x128xf32, #tpu.memory_space<vmem>> -> memref<1x80x128xf32, #tpu.memory_space<vmem>>
        %dma_start3A_121 = tpu.memref_squeeze %dma_start3A_120 : memref<1x80x128xf32, #tpu.memory_space<vmem>> -> memref<80x128xf32, #tpu.memory_space<vmem>>
        %dma_start3A_122 = tpu.memref_slice %arg2[%mul3A_111, %mul3A_32] : memref<50000x512xf32, #tpu.memory_space<hbm>> -> memref<80x128xf32, #tpu.memory_space<hbm>>
        tpu.enqueue_dma source(%dma_start3A_122 : memref<80x128xf32, #tpu.memory_space<hbm>>) target(%dma_start3A_121 : memref<80x128xf32, #tpu.memory_space<vmem>>) target_semaphore(%dma_start3A_117 : memref<!tpu.dma_semaphore, #tpu.memory_space<semaphore_mem>>)
      } else {
      }
      %scan3A_109 = arith.constant 0 : i32
      scf.yield %scan3A_109 : i32
    }
    %scan3A_84 = arith.constant 80 : i32
    "tpu.region"() ({
      %run_scoped3A = tpu.sem_alloc : memref<!tpu.dma_semaphore, #tpu.memory_space<semaphore_mem>>
      %dma_start3A = arith.constant 0 : i32
      %dma_start3A_85 = tpu.memref_slice %arg4[%select_n3A_9, %dma_start3A, %mul3A_32] : memref<8x512x512xf32, #tpu.memory_space<hbm>> -> memref<1x512x128xf32, #tpu.memory_space<hbm>>
      %dma_start3A_86 = tpu.memref_squeeze %dma_start3A_85 : memref<1x512x128xf32, #tpu.memory_space<hbm>> -> memref<512x128xf32, #tpu.memory_space<hbm>>
      %dma_start3A_87 = arith.constant 0 : i32
      %dma_start3A_88 = tpu.memref_slice %arg4[%select_n3A_9, %dma_start3A_87, %mul3A_32] : memref<8x512x512xf32, #tpu.memory_space<hbm>> -> memref<1x512x128xf32, #tpu.memory_space<hbm>>
      %dma_start3A_89 = tpu.memref_squeeze %dma_start3A_88 : memref<1x512x128xf32, #tpu.memory_space<hbm>> -> memref<512x128xf32, #tpu.memory_space<hbm>>
      tpu.enqueue_dma source(%arg7 : memref<512x128xf32, #tpu.memory_space<vmem>>) target(%dma_start3A_89 : memref<512x128xf32, #tpu.memory_space<hbm>>) target_semaphore(%run_scoped3A : memref<!tpu.dma_semaphore, #tpu.memory_space<semaphore_mem>>)
      %dma_wait3A = arith.constant 0 : i32
      %dma_wait3A_90 = tpu.memref_slice %arg4[%select_n3A_9, %dma_wait3A, %mul3A_32] : memref<8x512x512xf32, #tpu.memory_space<hbm>> -> memref<1x512x128xf32, #tpu.memory_space<hbm>>
      %dma_wait3A_91 = tpu.memref_squeeze %dma_wait3A_90 : memref<1x512x128xf32, #tpu.memory_space<hbm>> -> memref<512x128xf32, #tpu.memory_space<hbm>>
      %dma_wait3A_92 = arith.constant 0 : i32
      %dma_wait3A_93 = tpu.memref_slice %arg4[%select_n3A_9, %dma_wait3A_92, %mul3A_32] : memref<8x512x512xf32, #tpu.memory_space<hbm>> -> memref<1x512x128xf32, #tpu.memory_space<hbm>>
      %dma_wait3A_94 = tpu.memref_squeeze %dma_wait3A_93 : memref<1x512x128xf32, #tpu.memory_space<hbm>> -> memref<512x128xf32, #tpu.memory_space<hbm>>
      tpu.wait_dma2 semaphore(%run_scoped3A : memref<!tpu.dma_semaphore, #tpu.memory_space<semaphore_mem>>) src(%arg7 : memref<512x128xf32, #tpu.memory_space<vmem>>) dst(%dma_wait3A_94 : memref<512x128xf32, #tpu.memory_space<hbm>>)
      tpu.yield
    }) : () -> ()
    return
  }
}

module attributes {stable_mosaic.version = 14 : i64} {
  func.func @body(%arg0: memref<8x512x512xf32, #tpu.memory_space<vmem>>, %arg1: memref<512x16xf32, #tpu.memory_space<vmem>>, %arg2: memref<512x16xf32, #tpu.memory_space<vmem>>, %arg3: memref<1x512xf32, #tpu.memory_space<vmem>>, %arg4: memref<512x16xf32, #tpu.memory_space<vmem>>, %arg5: memref<1x512xf32, #tpu.memory_space<vmem>>, %arg6: memref<512x512xf32, #tpu.memory_space<vmem>>, %arg7: memref<1x512xf32, #tpu.memory_space<vmem>>, %arg8: memref<256x512xf32, #tpu.memory_space<vmem>>, %arg9: memref<1x256xf32, #tpu.memory_space<vmem>>, %arg10: memref<1x256xf32, #tpu.memory_space<vmem>>, %arg11: memref<1x1xf32, #tpu.memory_space<vmem>>, %arg12: memref<512x512xf32, #tpu.memory_space<vmem>>, %arg13: memref<1x512xf32, #tpu.memory_space<vmem>>, %arg14: memref<256x512xf32, #tpu.memory_space<vmem>>, %arg15: memref<1x256xf32, #tpu.memory_space<vmem>>, %arg16: memref<1x256xf32, #tpu.memory_space<vmem>>, %arg17: memref<1x1xf32, #tpu.memory_space<vmem>>, %arg18: memref<2x512xf32, #tpu.memory_space<vmem>>) attributes {dimension_semantics = [], scalar_prefetch = 0 : i64, scratch_operands = 0 : i64, tpu.core_type = #tpu.core_type<tc>} {
    %get3A = arith.constant 0 : index
    %get3A_0 = arith.constant 0 : index
    %get3A_1 = arith.constant 0 : index
    %get3A_2 = vector.load %arg0[%get3A, %get3A_0, %get3A_1] : memref<8x512x512xf32, #tpu.memory_space<vmem>>, vector<1x512x512xf32>
    %get3A_3 = vector.shape_cast %get3A_2 : vector<1x512x512xf32> to vector<512x512xf32>
    %get3A_4 = arith.constant 1 : index
    %get3A_5 = arith.constant 0 : index
    %get3A_6 = arith.constant 0 : index
    %get3A_7 = vector.load %arg0[%get3A_4, %get3A_5, %get3A_6] : memref<8x512x512xf32, #tpu.memory_space<vmem>>, vector<1x512x512xf32>
    %get3A_8 = vector.shape_cast %get3A_7 : vector<1x512x512xf32> to vector<512x512xf32>
    %add3A = arith.addf %get3A_3, %get3A_8 : vector<512x512xf32>
    %get3A_9 = arith.constant 2 : index
    %get3A_10 = arith.constant 0 : index
    %get3A_11 = arith.constant 0 : index
    %get3A_12 = vector.load %arg0[%get3A_9, %get3A_10, %get3A_11] : memref<8x512x512xf32, #tpu.memory_space<vmem>>, vector<1x512x512xf32>
    %get3A_13 = vector.shape_cast %get3A_12 : vector<1x512x512xf32> to vector<512x512xf32>
    %add3A_14 = arith.addf %add3A, %get3A_13 : vector<512x512xf32>
    %get3A_15 = arith.constant 3 : index
    %get3A_16 = arith.constant 0 : index
    %get3A_17 = arith.constant 0 : index
    %get3A_18 = vector.load %arg0[%get3A_15, %get3A_16, %get3A_17] : memref<8x512x512xf32, #tpu.memory_space<vmem>>, vector<1x512x512xf32>
    %get3A_19 = vector.shape_cast %get3A_18 : vector<1x512x512xf32> to vector<512x512xf32>
    %add3A_20 = arith.addf %add3A_14, %get3A_19 : vector<512x512xf32>
    %get3A_21 = arith.constant 4 : index
    %get3A_22 = arith.constant 0 : index
    %get3A_23 = arith.constant 0 : index
    %get3A_24 = vector.load %arg0[%get3A_21, %get3A_22, %get3A_23] : memref<8x512x512xf32, #tpu.memory_space<vmem>>, vector<1x512x512xf32>
    %get3A_25 = vector.shape_cast %get3A_24 : vector<1x512x512xf32> to vector<512x512xf32>
    %add3A_26 = arith.addf %add3A_20, %get3A_25 : vector<512x512xf32>
    %get3A_27 = arith.constant 5 : index
    %get3A_28 = arith.constant 0 : index
    %get3A_29 = arith.constant 0 : index
    %get3A_30 = vector.load %arg0[%get3A_27, %get3A_28, %get3A_29] : memref<8x512x512xf32, #tpu.memory_space<vmem>>, vector<1x512x512xf32>
    %get3A_31 = vector.shape_cast %get3A_30 : vector<1x512x512xf32> to vector<512x512xf32>
    %add3A_32 = arith.addf %add3A_26, %get3A_31 : vector<512x512xf32>
    %get3A_33 = arith.constant 6 : index
    %get3A_34 = arith.constant 0 : index
    %get3A_35 = arith.constant 0 : index
    %get3A_36 = vector.load %arg0[%get3A_33, %get3A_34, %get3A_35] : memref<8x512x512xf32, #tpu.memory_space<vmem>>, vector<1x512x512xf32>
    %get3A_37 = vector.shape_cast %get3A_36 : vector<1x512x512xf32> to vector<512x512xf32>
    %add3A_38 = arith.addf %add3A_32, %get3A_37 : vector<512x512xf32>
    %get3A_39 = arith.constant 7 : index
    %get3A_40 = arith.constant 0 : index
    %get3A_41 = arith.constant 0 : index
    %get3A_42 = vector.load %arg0[%get3A_39, %get3A_40, %get3A_41] : memref<8x512x512xf32, #tpu.memory_space<vmem>>, vector<1x512x512xf32>
    %get3A_43 = vector.shape_cast %get3A_42 : vector<1x512x512xf32> to vector<512x512xf32>
    %add3A_44 = arith.addf %add3A_38, %get3A_43 : vector<512x512xf32>
    %get3A_45 = arith.constant 0 : index
    %get3A_46 = arith.constant 0 : index
    %get3A_47 = vector.load %arg1[%get3A_45, %get3A_46] : memref<512x16xf32, #tpu.memory_space<vmem>>, vector<512x16xf32>
    %get3A_48 = arith.constant 0 : index
    %get3A_49 = arith.constant 0 : index
    %get3A_50 = vector.load %arg2[%get3A_48, %get3A_49] : memref<512x16xf32, #tpu.memory_space<vmem>>, vector<512x16xf32>
    %dot_general3A = arith.constant dense<0.000000e+00> : vector<512x512xf32>
    %dot_general3A_51 = tpu.matmul %get3A_47, %get3A_50, %dot_general3A {dimension_numbers = #tpu.dot_dimension_numbers<[1], [1], [0], [0], [0, 0, 1, 0], [], []>, precision = #tpu.contract_precision<fp32>, transpose_lhs_hint = false} : vector<512x16xf32>, vector<512x16xf32>, vector<512x512xf32> -> vector<512x512xf32>
    %get3A_52 = arith.constant 0 : index
    %get3A_53 = arith.constant 0 : index
    %get3A_54 = vector.load %arg3[%get3A_52, %get3A_53] : memref<1x512xf32, #tpu.memory_space<vmem>>, vector<1x512xf32>
    %add3A_55 = vector.broadcast %get3A_54 : vector<1x512xf32> to vector<512x512xf32>
    %add3A_56 = arith.addf %dot_general3A_51, %add3A_55 : vector<512x512xf32>
    %get3A_57 = arith.constant 0 : index
    %get3A_58 = arith.constant 0 : index
    %get3A_59 = vector.load %arg4[%get3A_57, %get3A_58] : memref<512x16xf32, #tpu.memory_space<vmem>>, vector<512x16xf32>
    %dot_general3A_60 = arith.constant dense<0.000000e+00> : vector<512x512xf32>
    %dot_general3A_61 = tpu.matmul %get3A_47, %get3A_59, %dot_general3A_60 {dimension_numbers = #tpu.dot_dimension_numbers<[1], [1], [0], [0], [0, 0, 1, 0], [], []>, precision = #tpu.contract_precision<fp32>, transpose_lhs_hint = false} : vector<512x16xf32>, vector<512x16xf32>, vector<512x512xf32> -> vector<512x512xf32>
    %get3A_62 = arith.constant 0 : index
    %get3A_63 = arith.constant 0 : index
    %get3A_64 = vector.load %arg5[%get3A_62, %get3A_63] : memref<1x512xf32, #tpu.memory_space<vmem>>, vector<1x512xf32>
    %add3A_65 = vector.broadcast %get3A_64 : vector<1x512xf32> to vector<512x512xf32>
    %add3A_66 = arith.addf %dot_general3A_61, %add3A_65 : vector<512x512xf32>
    %mul3A = arith.mulf %add3A_56, %add3A_44 : vector<512x512xf32>
    %add3A_67 = arith.addf %mul3A, %add3A_66 : vector<512x512xf32>
    %get3A_68 = arith.constant 0 : index
    %get3A_69 = arith.constant 0 : index
    %get3A_70 = vector.load %arg6[%get3A_68, %get3A_69] : memref<512x512xf32, #tpu.memory_space<vmem>>, vector<512x512xf32>
    %dot_general3A_71 = arith.constant dense<0.000000e+00> : vector<512x512xf32>
    %dot_general3A_72 = tpu.matmul %add3A_67, %get3A_70, %dot_general3A_71 {dimension_numbers = #tpu.dot_dimension_numbers<[1], [1], [0], [0], [0, 0, 1, 0], [], []>, precision = #tpu.contract_precision<fp32>, transpose_lhs_hint = false} : vector<512x512xf32>, vector<512x512xf32>, vector<512x512xf32> -> vector<512x512xf32>
    %get3A_73 = arith.constant 0 : index
    %get3A_74 = arith.constant 0 : index
    %get3A_75 = vector.load %arg7[%get3A_73, %get3A_74] : memref<1x512xf32, #tpu.memory_space<vmem>>, vector<1x512xf32>
    %add3A_76 = vector.broadcast %get3A_75 : vector<1x512xf32> to vector<512x512xf32>
    %add3A_77 = arith.addf %dot_general3A_72, %add3A_76 : vector<512x512xf32>
    %logistic3A = arith.negf %add3A_77 : vector<512x512xf32>
    %logistic3A_78 = math.exp %logistic3A : vector<512x512xf32>
    %logistic3A_79 = arith.constant 1.000000e+00 : f32
    %logistic3A_80 = vector.broadcast %logistic3A_79 : f32 to vector<512x512xf32>
    %logistic3A_81 = arith.addf %logistic3A_80, %logistic3A_78 : vector<512x512xf32>
    %logistic3A_82 = arith.divf %logistic3A_80, %logistic3A_81 : vector<512x512xf32>
    %mul3A_83 = arith.mulf %add3A_77, %logistic3A_82 : vector<512x512xf32>
    %get3A_84 = arith.constant 0 : index
    %get3A_85 = arith.constant 0 : index
    %get3A_86 = vector.load %arg8[%get3A_84, %get3A_85] : memref<256x512xf32, #tpu.memory_space<vmem>>, vector<256x512xf32>
    %dot_general3A_87 = arith.constant dense<0.000000e+00> : vector<512x256xf32>
    %dot_general3A_88 = tpu.matmul %mul3A_83, %get3A_86, %dot_general3A_87 {dimension_numbers = #tpu.dot_dimension_numbers<[1], [1], [0], [0], [0, 0, 1, 0], [], []>, precision = #tpu.contract_precision<fp32>, transpose_lhs_hint = false} : vector<512x512xf32>, vector<256x512xf32>, vector<512x256xf32> -> vector<512x256xf32>
    %get3A_89 = arith.constant 0 : index
    %get3A_90 = arith.constant 0 : index
    %get3A_91 = vector.load %arg9[%get3A_89, %get3A_90] : memref<1x256xf32, #tpu.memory_space<vmem>>, vector<1x256xf32>
    %add3A_92 = vector.broadcast %get3A_91 : vector<1x256xf32> to vector<512x256xf32>
    %add3A_93 = arith.addf %dot_general3A_88, %add3A_92 : vector<512x256xf32>
    %logistic3A_94 = arith.negf %add3A_93 : vector<512x256xf32>
    %logistic3A_95 = math.exp %logistic3A_94 : vector<512x256xf32>
    %logistic3A_96 = arith.constant 1.000000e+00 : f32
    %logistic3A_97 = vector.broadcast %logistic3A_96 : f32 to vector<512x256xf32>
    %logistic3A_98 = arith.addf %logistic3A_97, %logistic3A_95 : vector<512x256xf32>
    %logistic3A_99 = arith.divf %logistic3A_97, %logistic3A_98 : vector<512x256xf32>
    %mul3A_100 = arith.mulf %add3A_93, %logistic3A_99 : vector<512x256xf32>
    %get3A_101 = arith.constant 0 : index
    %get3A_102 = arith.constant 0 : index
    %get3A_103 = vector.load %arg10[%get3A_101, %get3A_102] : memref<1x256xf32, #tpu.memory_space<vmem>>, vector<1x256xf32>
    %mul3A_104 = vector.broadcast %get3A_103 : vector<1x256xf32> to vector<512x256xf32>
    %mul3A_105 = arith.mulf %mul3A_100, %mul3A_104 : vector<512x256xf32>
    %reduce_sum3A = arith.constant dense<0.000000e+00> : vector<512xf32>
    %reduce_sum3A_106 = vector.multi_reduction <add>, %mul3A_105, %reduce_sum3A [1] : vector<512x256xf32> to vector<512xf32>
    %get3A_107 = arith.constant 0 : index
    %get3A_108 = arith.constant 0 : index
    %get3A_109 = vector.load %arg11[%get3A_107, %get3A_108] : memref<1x1xf32, #tpu.memory_space<vmem>>, vector<1x1xf32>
    %get3A_110 = vector.extract %get3A_109[0, 0] : f32 from vector<1x1xf32>
    %add3A_111 = vector.broadcast %get3A_110 : f32 to vector<512xf32>
    %add3A_112 = arith.addf %reduce_sum3A_106, %add3A_111 : vector<512xf32>
    %swap3A = arith.constant 0 : index
    %swap3A_113 = arith.constant 0 : index
    %swap3A_114 = vector.load %arg18[%swap3A, %swap3A_113] : memref<2x512xf32, #tpu.memory_space<vmem>>, vector<1x512xf32>
    %swap3A_115 = vector.shape_cast %swap3A_114 : vector<1x512xf32> to vector<512xf32>
    %swap3A_116 = vector.shape_cast %add3A_112 : vector<512xf32> to vector<1x512xf32>
    tpu.vector_store %arg18[%swap3A, %swap3A_113], %swap3A_116 {strides = array<i32>} : memref<2x512xf32, #tpu.memory_space<vmem>>, vector<1x512xf32>,
    %get3A_117 = arith.constant 0 : index
    %get3A_118 = arith.constant 0 : index
    %get3A_119 = vector.load %arg12[%get3A_117, %get3A_118] : memref<512x512xf32, #tpu.memory_space<vmem>>, vector<512x512xf32>
    %dot_general3A_120 = arith.constant dense<0.000000e+00> : vector<512x512xf32>
    %dot_general3A_121 = tpu.matmul %add3A_67, %get3A_119, %dot_general3A_120 {dimension_numbers = #tpu.dot_dimension_numbers<[1], [1], [0], [0], [0, 0, 1, 0], [], []>, precision = #tpu.contract_precision<fp32>, transpose_lhs_hint = false} : vector<512x512xf32>, vector<512x512xf32>, vector<512x512xf32> -> vector<512x512xf32>
    %get3A_122 = arith.constant 0 : index
    %get3A_123 = arith.constant 0 : index
    %get3A_124 = vector.load %arg13[%get3A_122, %get3A_123] : memref<1x512xf32, #tpu.memory_space<vmem>>, vector<1x512xf32>
    %add3A_125 = vector.broadcast %get3A_124 : vector<1x512xf32> to vector<512x512xf32>
    %add3A_126 = arith.addf %dot_general3A_121, %add3A_125 : vector<512x512xf32>
    %logistic3A_127 = arith.negf %add3A_126 : vector<512x512xf32>
    %logistic3A_128 = math.exp %logistic3A_127 : vector<512x512xf32>
    %logistic3A_129 = arith.constant 1.000000e+00 : f32
    %logistic3A_130 = vector.broadcast %logistic3A_129 : f32 to vector<512x512xf32>
    %logistic3A_131 = arith.addf %logistic3A_130, %logistic3A_128 : vector<512x512xf32>
    %logistic3A_132 = arith.divf %logistic3A_130, %logistic3A_131 : vector<512x512xf32>
    %mul3A_133 = arith.mulf %add3A_126, %logistic3A_132 : vector<512x512xf32>
    %get3A_134 = arith.constant 0 : index
    %get3A_135 = arith.constant 0 : index
    %get3A_136 = vector.load %arg14[%get3A_134, %get3A_135] : memref<256x512xf32, #tpu.memory_space<vmem>>, vector<256x512xf32>
    %dot_general3A_137 = arith.constant dense<0.000000e+00> : vector<512x256xf32>
    %dot_general3A_138 = tpu.matmul %mul3A_133, %get3A_136, %dot_general3A_137 {dimension_numbers = #tpu.dot_dimension_numbers<[1], [1], [0], [0], [0, 0, 1, 0], [], []>, precision = #tpu.contract_precision<fp32>, transpose_lhs_hint = false} : vector<512x512xf32>, vector<256x512xf32>, vector<512x256xf32> -> vector<512x256xf32>
    %get3A_139 = arith.constant 0 : index
    %get3A_140 = arith.constant 0 : index
    %get3A_141 = vector.load %arg15[%get3A_139, %get3A_140] : memref<1x256xf32, #tpu.memory_space<vmem>>, vector<1x256xf32>
    %add3A_142 = vector.broadcast %get3A_141 : vector<1x256xf32> to vector<512x256xf32>
    %add3A_143 = arith.addf %dot_general3A_138, %add3A_142 : vector<512x256xf32>
    %logistic3A_144 = arith.negf %add3A_143 : vector<512x256xf32>
    %logistic3A_145 = math.exp %logistic3A_144 : vector<512x256xf32>
    %logistic3A_146 = arith.constant 1.000000e+00 : f32
    %logistic3A_147 = vector.broadcast %logistic3A_146 : f32 to vector<512x256xf32>
    %logistic3A_148 = arith.addf %logistic3A_147, %logistic3A_145 : vector<512x256xf32>
    %logistic3A_149 = arith.divf %logistic3A_147, %logistic3A_148 : vector<512x256xf32>
    %mul3A_150 = arith.mulf %add3A_143, %logistic3A_149 : vector<512x256xf32>
    %get3A_151 = arith.constant 0 : index
    %get3A_152 = arith.constant 0 : index
    %get3A_153 = vector.load %arg16[%get3A_151, %get3A_152] : memref<1x256xf32, #tpu.memory_space<vmem>>, vector<1x256xf32>
    %mul3A_154 = vector.broadcast %get3A_153 : vector<1x256xf32> to vector<512x256xf32>
    %mul3A_155 = arith.mulf %mul3A_150, %mul3A_154 : vector<512x256xf32>
    %reduce_sum3A_156 = arith.constant dense<0.000000e+00> : vector<512xf32>
    %reduce_sum3A_157 = vector.multi_reduction <add>, %mul3A_155, %reduce_sum3A_156 [1] : vector<512x256xf32> to vector<512xf32>
    %get3A_158 = arith.constant 0 : index
    %get3A_159 = arith.constant 0 : index
    %get3A_160 = vector.load %arg17[%get3A_158, %get3A_159] : memref<1x1xf32, #tpu.memory_space<vmem>>, vector<1x1xf32>
    %get3A_161 = vector.extract %get3A_160[0, 0] : f32 from vector<1x1xf32>
    %add3A_162 = vector.broadcast %get3A_161 : f32 to vector<512xf32>
    %add3A_163 = arith.addf %reduce_sum3A_157, %add3A_162 : vector<512xf32>
    %swap3A_164 = arith.constant 1 : index
    %swap3A_165 = arith.constant 0 : index
    %swap3A_166 = vector.load %arg18[%swap3A_164, %swap3A_165] : memref<2x512xf32, #tpu.memory_space<vmem>>, vector<1x512xf32>
    %swap3A_167 = vector.shape_cast %swap3A_166 : vector<1x512xf32> to vector<512xf32>
    %swap3A_168 = vector.shape_cast %add3A_163 : vector<512xf32> to vector<1x512xf32>
    tpu.vector_store %arg18[%swap3A_164, %swap3A_165], %swap3A_168 {strides = array<i32>} : memref<2x512xf32, #tpu.memory_space<vmem>>, vector<1x512xf32>,
    return
  }
}

</mosaic_0001>

<sc_bundles>
// kernel: kernel.4.cloned.1.call-start
scs
__scs_entry_jumppad:
0x0: {  	(pc) =	sbr.rel $0x88, $3  }
0x1: {  	(tag) =	ssettag $0x0;
	lr =	simm.s32 $0x1  }
0x2: {  	[smem:$0x3F8E] =	sst lr;
	_ =	strace $0xD0000000  }
0x3: {  	_ = 	snop  }
0x4: {  	_ = 	snop  }
0x5: {  	_ = 	snop  }
0x6: {  	_ = 	snop  }
0x7: {  	_ = 	snop  }
__scs_overlays_trampoline_lowered:
0x8: {  	[smem:$0x3F9D] =	sst s0  }
0x9: {  	[smem:$0x3F9E] =	sst s1  }
0xa: {  	[smem:$0x3F9F] =	sst s2  }
0xb: {  	[smem:$0x3FA0] =	sst s3  }
0xc: {  	[smem:$0x3FA1] =	sst s4  }
0xd: {  	[smem:$0x3FA2] =	sst s5  }
0xe: {  	[smem:$0x3FA3] =	sst s6  }
0xf: {  	[smem:$0x3FA4] =	sst s7  }
0x10: {  	[smem:$0x3FA5] =	sst s8  }
0x11: {  	[smem:$0x3FA6] =	sst s9;
	s0 =	simm.s32 @!p0 $0x0  }
0x12: {  	s1 =	sld [smem:$0x3F8C];
	s0 =	simm.s32 @p0 $0x1  }
0x13: {  	[smem:$0x3FA7] =	sst s0;
	s0 =	simm.s32 @!p1 $0x0  }
0x14: {  	s2 =	sld [smem:$0x3F8B];
	s0 =	simm.s32 @p1 $0x1  }
0x15: {  	[smem:$0x3FA8] =	sst s0;
	s0 =	simm.s32 @!p2 $0x0  }
0x16: {  	s3 =	sld [smem:$0x3FDB];
	s0 =	simm.s32 @p2 $0x1  }
0x17: {  	s4 =	simm.s32 $0x1BF5;
	[smem:$0x3FAA] =	sst s0  }
0x18: {  	s0 =	sld [smem:$0x3F8D];
	_ =	swait.ge [sflag:s4], $0x0  }
0x19: {  	s7 =	sld [smem:$0x3F8E]  }
0x1a: {  	s8 =	sadd.s32 $0xFFFFE003, lr  }
0x1b: {  	s9 =	sadd.s32 $0xFFFFFEF7, lr;
	s5 =	simm.s32 $0xFFFFFFFF;
	p2 =	slt.u32 s8, $0xFFFFF086  }
0x1c: {  	p1 =	slt.u32 s9, $0xF7A;
	s5 =	simm.s32 @!p2 $0x0  }
0x1d: {  	s5 =	simm.s32 @p1 $0x1;
	p0 =	seq.s32 s7, s2  }
0x1e: {  	s7 =	smul.u32 @!p0 $0xF7A, s2;
	p2 =	seq.s32 @!p0 s5, $0x0  }
0x1f: {  	s9 =	smul.u32 $0xF7A, s1;
	s8 =	simm.s32 @!p0 $0x1BF5;
	p2 =	por !p2, p0  }
0x20: {  	[sflag:s8] =	ssyncset.s32 @!p0 $0xFFFFF086;
	s6 =	sadd.s32 @!p0 s3, s7;
	s7 =	simm.s32 @!p0 $0x108  }
0x21: {  	s3 =	sadd.s32 s3, s9;
	s6 =	sadd.s32 @!p0 $0x88, s6;
	s7 =	simm.s32 @p2 $0x1082  }
0x22: {  	[simem:s7], [sflag:s8] =	dma.local @!p0 [hbm:s6], $0xF7A  }
0x23: {  	s9 =	sor.u32 $0xD0000000, s2;
	s6 =	simm.s32 $0x108;
	_ =	swait.ge @!p0 [sflag:s8], $0x0  }
0x24: {  	s3 =	sadd.s32 $0x88, s3;
	s6 =	simm.s32 @!p1 $0x1082;
	[sflag:s4] =	ssyncset.s32 $0xFFFFF086  }
0x25: {  	[simem:s6], [sflag:s4] =	dma.local [hbm:s3], $0xF7A  }
0x26: {  	[smem:$0x3F8E] =	sst s1;
	(tag) =	ssettag s2;
	_ =	strace s9  }
0x27: {  	s1 =	sld [smem:$0x3F9E]  }
0x28: {  	s2 =	sld [smem:$0x3F9F]  }
0x29: {  	s4 =	sld [smem:$0x3FA1]  }
0x2a: {  	p0 =	seq.s32 s5, $0x0;
	s5 =	sld [smem:$0x3FA2]  }
0x2b: {  	s6 =	sld [smem:$0x3FA3]  }
0x2c: {  	s7 =	sld [smem:$0x3FA4]  }
0x2d: {  	s3 =	simm.s32 $0x108;
	s8 =	sld [smem:$0x3FA5]  }
0x2e: {  	s3 =	simm.s32 @!p0 $0x1082;
	s9 =	sld [smem:$0x3FA6]  }
0x2f: {  	lr =	sadd.s32 s0, s3;
	s0 =	sld [smem:$0x3F9D]  }
0x30: {  	s3 =	sld [smem:$0x3FA0]  }
0x31: {  	[smem:$0x3FA9] =	sst s10  }
0x32: {  	s10 =	sld [smem:$0x3FA7];
	_ =	sdelay $0x3  }
0x33: {  	p0 =	seq.s32 s10, $0x1;
	s10 =	sld [smem:$0x3FA9];
	_ =	sdelay $0x3  }
0x34: {  	[smem:$0x3FA9] =	sst s10  }
0x35: {  	s10 =	sld [smem:$0x3FA8];
	_ =	sdelay $0x3  }
0x36: {  	p1 =	seq.s32 s10, $0x1;
	s10 =	sld [smem:$0x3FA9];
	_ =	sdelay $0x3  }
0x37: {  	[smem:$0x3FA9] =	sst s10  }
0x38: {  	s10 =	sld [smem:$0x3FAA]  }
0x39: {  	_ = 	snop;
	(pc) =	sbr.ind lr, $3  }
0x3a: {  	_ = 	snop  }
0x3b: {  	_ = 	snop  }
0x3c: {  	p2 =	seq.s32 s10, $0x1;
	s10 =	sld [smem:$0x3FA9]  }
0x3d: {  	_ =	shalt  }
0x3e: {  	_ =	shalt  }
0x3f: {  	_ =	shalt  }
0x40: {  	_ =	shalt  }
0x41: {  	_ =	shalt  }
0x42: {  	_ =	shalt  }
0x43: {  	_ =	shalt  }
0x44: {  	_ =	shalt  }
0x45: {  	_ =	shalt  }
0x46: {  	_ =	shalt  }
0x47: {  	_ =	shalt  }
0x48: {  	_ =	shalt  }
0x49: {  	_ =	shalt  }
0x4a: {  	_ =	shalt  }
0x4b: {  	_ =	shalt  }
0x4c: {  	_ =	shalt  }
0x4d: {  	_ =	shalt  }
0x4e: {  	_ =	shalt  }
0x4f: {  	_ =	shalt  }
0x50: {  	_ =	shalt  }
0x51: {  	_ =	shalt  }
0x52: {  	_ =	shalt  }
0x53: {  	_ =	shalt  }
0x54: {  	_ =	shalt  }
0x55: {  	_ =	shalt  }
0x56: {  	_ =	shalt  }
0x57: {  	_ =	shalt  }
0x58: {  	_ =	shalt  }
0x59: {  	_ =	shalt  }
0x5a: {  	_ =	shalt  }
0x5b: {  	_ =	shalt  }
0x5c: {  	_ =	shalt  }
0x5d: {  	_ =	shalt  }
0x5e: {  	_ =	shalt  }
0x5f: {  	_ =	shalt  }
0x60: {  	_ =	shalt  }
0x61: {  	_ =	shalt  }
0x62: {  	_ =	shalt  }
0x63: {  	_ =	shalt  }
0x64: {  	_ =	shalt  }
0x65: {  	_ =	shalt  }
0x66: {  	_ =	shalt  }
0x67: {  	_ =	shalt  }
0x68: {  	_ =	shalt  }
0x69: {  	_ =	shalt  }
0x6a: {  	_ =	shalt  }
0x6b: {  	_ =	shalt  }
0x6c: {  	_ =	shalt  }
0x6d: {  	_ =	shalt  }
0x6e: {  	_ =	shalt  }
0x6f: {  	_ =	shalt  }
0x70: {  	_ =	shalt  }
0x71: {  	_ =	shalt  }
0x72: {  	_ =	shalt  }
0x73: {  	_ =	shalt  }
0x74: {  	_ =	shalt  }
0x75: {  	_ =	shalt  }
0x76: {  	_ =	shalt  }
0x77: {  	_ =	shalt  }
0x78: {  	_ =	shalt  }
0x79: {  	_ =	shalt  }
0x7a: {  	_ =	shalt  }
0x7b: {  	_ =	shalt  }
0x7c: {  	_ =	shalt  }
0x7d: {  	_ =	shalt  }
0x7e: {  	_ =	shalt  }
0x7f: {  	_ =	shalt  }
0x80: {  	_ =	shalt  }
0x81: {  	_ =	shalt  }
0x82: {  	_ =	shalt  }
0x83: {  	_ =	shalt  }
0x84: {  	_ =	shalt  }
0x85: {  	_ =	shalt  }
0x86: {  	_ =	shalt  }
0x87: {  	_ =	shalt  }
.Lfunc_end0:
.L_simem_size_0:
called_computation_lowered:
.L_overlay_start_0:
0x88: {  	s2 =	sld [smem:$0x3FD9]  }
0x89: {  	s3 =	sld [smem:$0x3FFE];
	_ =	sdelay $0x1  }
0x8a: {  	s1 =	srdreg.scid  }
0x8b: {  	s0 =	sand.u32 $0x1, s1  }
0x8c: {  	s17 =	sshll.u32 s0, $0xA;
	s2 =	sadd.s32 s3, s2  }
0x8d: {  	s2 =	sadd.s32 s2, s17  }
0x8e: {  	[smem:$0x3FB5] =	sst s2  }
0x8f: {  	_ = 	snop  }
0x90: {  	s2 =	sld [smem:$0x3FC9];
	(tm) =	ssettm $0x1  }
0x91: {  	s18 =	sld [smem:$0x3FFB];
	_ =	sdelay $0x3  }
0x92: {  	_ =	strace s18  }
0x93: {  	s3 =	sld [smem:$0x3FFC];
	_ =	sdelay $0x3  }
0x94: {  	_ =	strace s3  }
0x95: {  	s3 =	sld [smem:$0x3FFD];
	_ =	sdelay $0x3  }
0x96: {  	_ =	strace s3  }
0x97: {  	_ =	strace $0x8FFFFFFF  }
0x98: {  	s19 =	sld [smem:$0x3FDB];
	_ =	sdelay $0x1  }
0x99: {  	s4 =	simm.s32 $_scs_section_size  }
0x9a: {  	s5 =	simm.s32 $_size__tile_overlayer_lowered;
	s6 =	simm.s32 $_tile_overlayer_lowered  }
0x9b: {  	s22 =	simm.s32 $0x1BFF;
	s21 =	sshll.u32 s6, $0x1;
	s3 =	sadd.s32 s4, s19  }
0x9c: {  	s7 =	simm.s32 $0x0;
	s20 =	sshll.u32 s5, $0x1;
	s5 =	sadd.s32 s21, s3  }
0x9d: {  	[timem:s7], [sflag:s22] =	dma.local [hbm:s5], s20  }
0x9e: {  	_ =	swait.ge [sflag:s22], s20  }
0x9f: {  	s4 =	ssub.s32 $0x0, s20;
	[sflag:s22] =	ssyncset.done $0x0  }
0xa0: {  	[sflag:s22] =	ssyncadd.s32 s4;
	_ =	sdelay $0x1  }
0xa1: {  	s23 =	simm.s32 $0x1B8B  }
0xa2: {  	_ =	swait.ge [sflag:s23], $0x1  }
0xa3: {  	[sflag:s23] =	ssyncset.done $0x0  }
0xa4: {  	s25 =	simm.s32 $0x1B8E;
	s24 =	sld [smem:$0x3FFE];
	[sflag:s23] =	ssyncadd.s32 $0xFFFFFFFF  }
0xa5: {  	s26 =	simm.s32 $execute0_lowered;
	[smem:$0x3FD2] =	sst s25  }
0xa6: {  	s5 =	sshll.u32 s26, $0x1;
	_ =	strace $0x80000046;
	[dreg:$0x1] =	wrdreg $0xFFFFFFFF  }
0xa7: {  	s28 =	simm.s32 $_size_execute0_lowered;
	s3 =	sadd.s32 s3, s5;
	[dreg:$0x0] =	wrdreg $0x0  }
0xa8: {  	s5 =	sshll.u32 s28, $0x1;
	[dreg:$0x2] =	wrdreg s3  }
0xa9: {  	[dreg:$0x3] =	wrdreg s5  }
0xaa: {  	[dreg:$0x4] =	wrdreg $0xC0  }
0xab: {  	_ =	task [dreg:s7], $0x5FFFF  }
0xac: {  	[dreg:$0x1] =	wrdreg $0xFFFFFFFF  }
0xad: {  	[dreg:$0x0] =	wrdreg $0x60  }
0xae: {  	[dreg:$0x2] =	wrdreg s2  }
0xaf: {  	[dreg:$0x3] =	wrdreg s24  }
0xb0: {  	[dreg:$0x4] =	wrdreg $0x9  }
0xb1: {  	_ =	task.clear_ibuf [dreg:s7], $0x5FFFF;
	_ =	strace $0x90000046  }
0xb2: {  	s29 =	simm.s32 $0x9;
	_ =	strace $0x80000048  }
0xb3: {  	_ =	swait.ge [sflag:s29], $0x1  }
0xb4: {  	[sflag:s29] =	ssyncadd.s32 $0xFFFFFFFF  }
0xb5: {  	_ =	strace $0x90000048  }
0xb6: {  	_ =	sfence  }
0xb7: {  	s30 =	sld [smem:$0x0];
	_ =	sdelay $0x2  }
0xb8: {  	s31 =	sshll.u32 s1, $0xD;
	s1 =	sshrl.u32 s1, $0x2  }
0xb9: {  	s3 =	sand.u32 $0x4000, s31;
	s1 =	sadd.s32 s1, s30  }
0xba: {  	s0 =	sor.u32 s3, s0;
	s1 =	sshll.u32 s1, $0x11  }
0xbb: {  	s0 =	sor.u32 s1, s0  }
0xbc: {  	s0 =	sadd.s32 $0x8F2B, s0  }
0xbd: {  	[sflag:s0] =	ssyncadd.remote.s32 $0x1  }
0xbe: {  	_ =	sfence.sel $0xFFFF  }
0xbf: {  	[dreg:$0x0] =	wrdreg $0xFFFFFFFF;
	(pc) =	sbr.abs _section_cstart, $3  }
0xc0: {  	[dreg:$0x1] =	wrdreg $0xFFFFFFFF  }
0xc1: {  	_ =	task.clear_ibuf [dreg:s7], $0x2FFFF;
	_ =	strace $0x9FFFFFFF  }
0xc2: {  	(tm) =	ssettm $0x7FFFFFFF  }
0xc3: {  	_ =	shalt  }
tec
execute0_lowered:
.L_overlay_start_1:
0x0: {  	(tag) =	ssettag $0x1  }
0x1: {  	s0 =	stileid.u32;
	s2 =	rddreg [dreg:$0x0]  }
0x2: {  	s1 =	srdreg.scid;
	s6 =	rddreg [dreg:$0x1];
	s15 =	simm.s32 $0x1000  }
0x3: {  	s16 =	simm.s32 $0x2800;
	s17 =	simm.s32 $0x5000;
	s18 =	simm.s32 $0x7800  }
0x4: {  	s19 =	simm.s32 $0xA000;
	s20 =	simm.s32 $0x5;
	s3 =	sshll.u32 s0, $0x1  }
0x5: {  	s21 =	simm.s32 $0xC800;
	s5 =	sand.u32 $0x1, s1;
	s26 =	sand.u32 $0x6, s3  }
0x6: {  	s22 =	simm.s32 $0x0;
	s3 =	simm.s32 $0x0;
	s11 =	sor.u32 s5, s26  }
0x7: {  	s7 =	sshrl.u32 s0, $0x2;
	[smem:$0x7FF] =	sst s3;
	s4 =	smul.u32 $0x500, s11  }
0x8: {  	s5 =	ssub.s32 $0x2, s5;
	s8 =	smul.u32 $0xA000, s11;
	_ =	strace $0x80000047  }
0x9: {  	s28 =	sshrl.u32 s5, $0x1;
	s14 =	sshll.u32 s11, $0xF;
	s10 =	ssub.s32 $0x271, s11  }
0xa: {  	s11 =	sor.u32 $0x20, s11;
	s13 =	ssub.s32 s5, s28;
	s9 =	sadd.s32 s4, s6  }
0xb: {  	s4 =	sshll.u32 s7, $0xA;
	s7 =	sshll.u32 s7, $0x7;
	s13 =	smax.u32 s13, $0x1  }
0xc: {  	s8 =	sor.u32 s4, s8;
	s12 =	sadd.s32 s7, s6;
	s9 =	sadd.s32 $0x2600, s9  }
.Ltmp0:
0xd: {  	s29 =	sshrl.u32 s8, $0x3;
	s30 =	sadd.s32 $0x50000, s8;
	(pc) =	sbr.rel .LBB2_1-.Ltmp0, $4  }
0xe: {  	s31 =	sadd.s32 $0xA0000, s8;
	s8 =	sadd.s32 $0xF0000, s8;
	s12 =	sadd.s32 s14, s12  }
0xf: {  	s14 =	simm.s32 $0x400;
	s5 =	sadd.s32 s2, s29;
	s6 =	sshrl.u32 s30, $0x3  }
0x10: {  	s7 =	sshrl.u32 s31, $0x3;
	s8 =	sshrl.u32 s8, $0x3;
	s12 =	sadd.s32 $0x4E00, s12  }
0x11: {  	v0 =	vimm.f32 $0.0e+00;
	s6 =	sadd.s32 s2, s6;
	s7 =	sadd.s32 s2, s7;
	s8 =	sadd.s32 s2, s8  }
.LBB2_11:
0x12: {  	s22 =	sadd.s32 $0x1, s22  }
0x13: {  	p0 =	sne.s32 s22, s13  }
.Ltmp1:
0x14: {  	_ = 	snop;
	(pc) =	sbr.rel @!p0 .LBB2_12-.Ltmp1, $4  }
0x15: {  	[hbm4b:s12+s14] =	stream.strided.scatter [tilespmem:s21], [sflag:$0x5], $0x10000, s15, s14, $0x38;
	[tilespmem:$0x1C800] =	vst v63  }
0x16: {  	_ =	swait.ge [sflag:s20], $0x10000  }
0x17: {  	[sflag:s20] =	ssyncset.done $0x0  }
0x18: {  	[sflag:s20] =	ssyncadd.s32 $0xFFFF0000  }
.LBB2_1:
0x19: {  	[tilespmem:s3], [sflag:$0x1] =	stream.strided.gather [hbm4b:s5+s14], $0x2800, s15, s14, $0x38;
	[tilespmem:$0x1C800] =	vst v63  }
0x1a: {  	_ = 	snop  }
0x1b: {  	[tilespmem:s16], [sflag:$0x2] =	stream.strided.gather [hbm4b:s6+s14], $0x2800, s15, s14, $0x38;
	[tilespmem:$0x1C800] =	vst v63  }
0x1c: {  	_ = 	snop  }
0x1d: {  	[tilespmem:s17], [sflag:$0x3] =	stream.strided.gather [hbm4b:s7+s14], $0x2800, s15, s14, $0x38;
	[tilespmem:$0x1C800] =	vst v63  }
0x1e: {  	_ = 	snop  }
0x1f: {  	[tilespmem:s18], [sflag:$0x4] =	stream.strided.gather [hbm4b:s8+s14], $0x2800, s15, s14, $0x38;
	[tilespmem:$0x1C800] =	vst v63  }
0x20: {  	_ = 	snop  }
0x21: {  	[tilespmem:s19], [sflag:$0x5] =	stream.linear.gather [hbm4b:s9+s3], $0x2800, $0x38;
	[tilespmem:$0x1C800] =	vst v63  }
0x22: {  	_ =	swait.ge [sflag:s20], $0x2800  }
0x23: {  	[sflag:s20] =	ssyncset.done $0x0  }
0x24: {  	s23 =	simm.s32 $0x0;
	s24 =	simm.s32 $0x200;
	[sflag:s20] =	ssyncadd.s32 $0xFFFFD800  }
.LBB2_2:
0x25: {  	p0 =	sne.s32 s24, $0x3FE00;
	[tilespmem:s23+$0xC870] =	vst v0  }
0x26: {  	[tilespmem:s23+$0xC800] =	vst v0  }
0x27: {  	[tilespmem:s23+$0xC810] =	vst v0  }
.Ltmp2:
0x28: {  	[tilespmem:s23+$0xC820] =	vst v0;
	(pc) =	sbr.rel @p0 .LBB2_2-.Ltmp2, $4  }
0x29: {  	[tilespmem:s23+$0xC830] =	vst v0  }
0x2a: {  	[tilespmem:s23+$0xC840] =	vst v0  }
0x2b: {  	[tilespmem:s23+$0xC850] =	vst v0  }
0x2c: {  	[tilespmem:s23+$0xC860] =	vst v0;
	s23 =	sshra.s32 s24, $0x2;
	s24 =	sadd.s32 $0x200, s24  }
0x2d: {  	[tilespmem:s23+$0xC870] =	vst v0  }
0x2e: {  	[tilespmem:s23+$0xC800] =	vst v0  }
0x2f: {  	[tilespmem:s23+$0xC810] =	vst v0  }
.Ltmp3:
0x30: {  	[tilespmem:s23+$0xC820] =	vst v0;
	(pc) =	sbr.rel .LBB2_4-.Ltmp3, $4  }
0x31: {  	[tilespmem:s23+$0xC830] =	vst v0  }
0x32: {  	[tilespmem:s23+$0xC840] =	vst v0  }
0x33: {  	[tilespmem:s23+$0xC850] =	vst v0  }
0x34: {  	[tilespmem:s23+$0xC860] =	vst v0;
	s23 =	simm.s32 $0x0  }
.LBB2_10:
0x35: {  	s1 =	sadd.s32 s11, s25  }
0x36: {  	p0 =	sgt.u32 s1, $0x270  }
0x37: {  	s1 =	smul.u32 @!p0 $0xA000, s1;
	_ =	sdelay $0x1  }
0x38: {  	s23 =	sadd.s32 $0x1, s23;
	s25 =	smul.u32 @!p0 $0xA000, s24;
	s1 =	sor.u32 @!p0 s4, s1  }
0x39: {  	s24 =	sadd.s32 @!p0 $0x1, s24;
	s26 =	simm.s32 @!p0 $0x400;
	s1 =	sshrl.u32 @!p0 s1, $0x3  }
0x3a: {  	s28 =	simm.s32 @!p0 $0x1000;
	s25 =	sshrl.u32 @!p0 s25, $0x2;
	s1 =	sadd.s32 @!p0 s2, s1  }
0x3b: {  	[tilespmem:s25], [sflag:s24] =	stream.strided.gather @!p0 [hbm4b:s1+s26], $0x2800, s28, s26, $0x38;
	[tilespmem:$0x1C800] =	vst v63  }
0x3c: {  	p0 =	sne.s32 s23, $0x50  }
.Ltmp4:
0x3d: {  	_ = 	snop;
	(pc) =	sbr.rel @!p0 .LBB2_11-.Ltmp4, $1  }
0x3e: {  	_ =	sdelay $0x3  }
.LBB2_4:
0x3f: {  	s25 =	sshll.u32 s23, $0x3  }
0x40: {  	p0 =	sge.u32 s25, s10  }
.Ltmp5:
0x41: {  	_ = 	snop;
	(pc) =	sbr.rel @p0 .LBB2_10-.Ltmp5, $2  }
0x42: {  	_ =	sdelay $0x2  }
0x43: {  	s24 =	sand.u32 $0x3, s23  }
.Ltmp6:
0x44: {  	(pc) =	sbr.rel .LBB2_6-.Ltmp6, $4  }
0x45: {  	s28 =	sadd.s32 $0x1, s24;
	s26 =	sshll.u32 s23, $0x7;
	s29 =	smul.u32 $0xA000, s24  }
0x46: {  	_ =	swait.ge [sflag:s28], $0x2800;
	s26 =	sand.u32 $0x3FFFFF80, s26  }
0x47: {  	[sflag:s28] =	ssyncset.done $0x0;
	s30 =	sadd.s32 $0xA000, s26;
	s26 =	sshrl.u32 s29, $0x2  }
0x48: {  	[sflag:s28] =	ssyncadd.s32 $0xFFFFD800;
	s28 =	simm.s32 $0x0;
	v1 =	vmov s30;
	v2 =	vmov s26  }
.LBB2_8:
0x49: {  	s1 =	sshll.u32 s31, $0x9  }
0x4a: {  	s1 =	sshra.s32 s1, $0x2  }
0x4b: {  	[tilespmem:s1+$0xC800] =	vst.add.f32.msk $0xffff, v4  }
0x4c: {  	v4 =	vld [tilespmem:s29+$0x10];
	_ =	sdelay $0x4  }
0x4d: {  	[tilespmem:s1+$0xC810] =	vst.add.f32.msk $0xffff, v4  }
0x4e: {  	v4 =	vld [tilespmem:s29+$0x20];
	_ =	sdelay $0x4  }
0x4f: {  	[tilespmem:s1+$0xC820] =	vst.add.f32.msk $0xffff, v4  }
0x50: {  	v4 =	vld [tilespmem:s29+$0x30];
	_ =	sdelay $0x4  }
0x51: {  	[tilespmem:s1+$0xC830] =	vst.add.f32.msk $0xffff, v4  }
0x52: {  	v4 =	vld [tilespmem:s29+$0x40];
	_ =	sdelay $0x4  }
0x53: {  	[tilespmem:s1+$0xC840] =	vst.add.f32.msk $0xffff, v4  }
0x54: {  	v4 =	vld [tilespmem:s29+$0x50];
	_ =	sdelay $0x4  }
0x55: {  	v3 =	vshll.u32 v3, $0x9;
	[tilespmem:s1+$0xC850] =	vst.add.f32.msk $0xffff, v4  }
0x56: {  	v3 =	vshra.s32 v3, $0x2;
	v4 =	vld [tilespmem:s29+$0x60]  }
0x57: {  	(v2sf) =	vpush v3, $0x1;
	_ =	sdelay $0x3  }
0x58: {  	[tilespmem:s1+$0xC860] =	vst.add.f32.msk $0xffff, v4  }
0x59: {  	v4 =	vld [tilespmem:s29+$0x70];
	_ =	sdelay $0x4  }
0x5a: {  	[tilespmem:s1+$0xC870] =	vst.add.f32.msk $0xffff, v4  }
0x5b: {  	v4 =	vld [tilespmem:s29+$0x80];
	_ =	sdelay $0x3  }
0x5c: {  	s31 =	spop (v2sf)  }
0x5d: {  	[tilespmem:s31+$0xC800] =	vst.add.f32.msk $0xffff, v4  }
0x5e: {  	v4 =	vld [tilespmem:s29+$0x90];
	_ =	sdelay $0x4  }
0x5f: {  	[tilespmem:s31+$0xC810] =	vst.add.f32.msk $0xffff, v4  }
0x60: {  	v4 =	vld [tilespmem:s29+$0xA0];
	_ =	sdelay $0x4  }
0x61: {  	[tilespmem:s31+$0xC820] =	vst.add.f32.msk $0xffff, v4  }
0x62: {  	v4 =	vld [tilespmem:s29+$0xB0];
	_ =	sdelay $0x4  }
0x63: {  	[tilespmem:s31+$0xC830] =	vst.add.f32.msk $0xffff, v4  }
0x64: {  	v4 =	vld [tilespmem:s29+$0xC0];
	_ =	sdelay $0x4  }
0x65: {  	[tilespmem:s31+$0xC840] =	vst.add.f32.msk $0xffff, v4  }
0x66: {  	v4 =	vld [tilespmem:s29+$0xD0];
	_ =	sdelay $0x4  }
0x67: {  	[tilespmem:s31+$0xC850] =	vst.add.f32.msk $0xffff, v4  }
0x68: {  	v4 =	vld [tilespmem:s29+$0xE0]  }
0x69: {  	(v2sf) =	vpush v3, $0x2;
	_ =	sdelay $0x3  }
0x6a: {  	[tilespmem:s31+$0xC860] =	vst.add.f32.msk $0xffff, v4  }
0x6b: {  	v4 =	vld [tilespmem:s29+$0xF0];
	_ =	sdelay $0x4  }
0x6c: {  	[tilespmem:s31+$0xC870] =	vst.add.f32.msk $0xffff, v4  }
0x6d: {  	v4 =	vld [tilespmem:s29+$0x100];
	_ =	sdelay $0x3  }
0x6e: {  	s31 =	spop (v2sf)  }
0x6f: {  	[tilespmem:s31+$0xC800] =	vst.add.f32.msk $0xffff, v4  }
0x70: {  	v4 =	vld [tilespmem:s29+$0x110];
	_ =	sdelay $0x4  }
0x71: {  	[tilespmem:s31+$0xC810] =	vst.add.f32.msk $0xffff, v4  }
0x72: {  	v4 =	vld [tilespmem:s29+$0x120];
	_ =	sdelay $0x4  }
0x73: {  	[tilespmem:s31+$0xC820] =	vst.add.f32.msk $0xffff, v4  }
0x74: {  	v4 =	vld [tilespmem:s29+$0x130];
	_ =	sdelay $0x4  }
0x75: {  	[tilespmem:s31+$0xC830] =	vst.add.f32.msk $0xffff, v4  }
0x76: {  	v4 =	vld [tilespmem:s29+$0x140];
	_ =	sdelay $0x4  }
0x77: {  	[tilespmem:s31+$0xC840] =	vst.add.f32.msk $0xffff, v4  }
0x78: {  	v4 =	vld [tilespmem:s29+$0x150];
	_ =	sdelay $0x4  }
0x79: {  	[tilespmem:s31+$0xC850] =	vst.add.f32.msk $0xffff, v4  }
0x7a: {  	v4 =	vld [tilespmem:s29+$0x160]  }
0x7b: {  	(v2sf) =	vpush v3, $0x3;
	_ =	sdelay $0x3  }
0x7c: {  	[tilespmem:s31+$0xC860] =	vst.add.f32.msk $0xffff, v4  }
0x7d: {  	v4 =	vld [tilespmem:s29+$0x170];
	_ =	sdelay $0x4  }
0x7e: {  	[tilespmem:s31+$0xC870] =	vst.add.f32.msk $0xffff, v4  }
0x7f: {  	v4 =	vld [tilespmem:s29+$0x180];
	_ =	sdelay $0x3  }
0x80: {  	s31 =	spop (v2sf)  }
0x81: {  	[tilespmem:s31+$0xC800] =	vst.add.f32.msk $0xffff, v4  }
0x82: {  	v4 =	vld [tilespmem:s29+$0x190];
	_ =	sdelay $0x4  }
0x83: {  	[tilespmem:s31+$0xC810] =	vst.add.f32.msk $0xffff, v4  }
0x84: {  	v4 =	vld [tilespmem:s29+$0x1A0];
	_ =	sdelay $0x4  }
0x85: {  	[tilespmem:s31+$0xC820] =	vst.add.f32.msk $0xffff, v4  }
0x86: {  	v4 =	vld [tilespmem:s29+$0x1B0];
	_ =	sdelay $0x4  }
0x87: {  	[tilespmem:s31+$0xC830] =	vst.add.f32.msk $0xffff, v4  }
0x88: {  	v4 =	vld [tilespmem:s29+$0x1C0];
	_ =	sdelay $0x4  }
0x89: {  	[tilespmem:s31+$0xC840] =	vst.add.f32.msk $0xffff, v4  }
0x8a: {  	v4 =	vld [tilespmem:s29+$0x1D0];
	_ =	sdelay $0x4  }
0x8b: {  	[tilespmem:s31+$0xC850] =	vst.add.f32.msk $0xffff, v4  }
0x8c: {  	v4 =	vld [tilespmem:s29+$0x1E0]  }
0x8d: {  	(v2sf) =	vpush v3, $0x4;
	_ =	sdelay $0x3  }
0x8e: {  	[tilespmem:s31+$0xC860] =	vst.add.f32.msk $0xffff, v4  }
0x8f: {  	v4 =	vld [tilespmem:s29+$0x1F0];
	_ =	sdelay $0x4  }
0x90: {  	[tilespmem:s31+$0xC870] =	vst.add.f32.msk $0xffff, v4  }
0x91: {  	v4 =	vld [tilespmem:s29+$0x200];
	_ =	sdelay $0x3  }
0x92: {  	s31 =	spop (v2sf)  }
0x93: {  	[tilespmem:s31+$0xC800] =	vst.add.f32.msk $0xffff, v4  }
0x94: {  	v4 =	vld [tilespmem:s29+$0x210];
	_ =	sdelay $0x4  }
0x95: {  	[tilespmem:s31+$0xC810] =	vst.add.f32.msk $0xffff, v4  }
0x96: {  	v4 =	vld [tilespmem:s29+$0x220];
	_ =	sdelay $0x4  }
0x97: {  	[tilespmem:s31+$0xC820] =	vst.add.f32.msk $0xffff, v4  }
0x98: {  	v4 =	vld [tilespmem:s29+$0x230];
	_ =	sdelay $0x4  }
0x99: {  	[tilespmem:s31+$0xC830] =	vst.add.f32.msk $0xffff, v4  }
0x9a: {  	v4 =	vld [tilespmem:s29+$0x240];
	_ =	sdelay $0x4  }
0x9b: {  	[tilespmem:s31+$0xC840] =	vst.add.f32.msk $0xffff, v4  }
0x9c: {  	v4 =	vld [tilespmem:s29+$0x250];
	_ =	sdelay $0x4  }
0x9d: {  	[tilespmem:s31+$0xC850] =	vst.add.f32.msk $0xffff, v4  }
0x9e: {  	v4 =	vld [tilespmem:s29+$0x260]  }
0x9f: {  	(v2sf) =	vpush v3, $0x5;
	_ =	sdelay $0x3  }
0xa0: {  	[tilespmem:s31+$0xC860] =	vst.add.f32.msk $0xffff, v4  }
0xa1: {  	v4 =	vld [tilespmem:s29+$0x270];
	_ =	sdelay $0x4  }
0xa2: {  	[tilespmem:s31+$0xC870] =	vst.add.f32.msk $0xffff, v4  }
0xa3: {  	v4 =	vld [tilespmem:s29+$0x280];
	_ =	sdelay $0x3  }
0xa4: {  	s31 =	spop (v2sf)  }
0xa5: {  	[tilespmem:s31+$0xC800] =	vst.add.f32.msk $0xffff, v4  }
0xa6: {  	v4 =	vld [tilespmem:s29+$0x290];
	_ =	sdelay $0x4  }
0xa7: {  	[tilespmem:s31+$0xC810] =	vst.add.f32.msk $0xffff, v4  }
0xa8: {  	v4 =	vld [tilespmem:s29+$0x2A0];
	_ =	sdelay $0x4  }
0xa9: {  	[tilespmem:s31+$0xC820] =	vst.add.f32.msk $0xffff, v4  }
0xaa: {  	v4 =	vld [tilespmem:s29+$0x2B0];
	_ =	sdelay $0x4  }
0xab: {  	[tilespmem:s31+$0xC830] =	vst.add.f32.msk $0xffff, v4  }
0xac: {  	v4 =	vld [tilespmem:s29+$0x2C0];
	_ =	sdelay $0x4  }
0xad: {  	[tilespmem:s31+$0xC840] =	vst.add.f32.msk $0xffff, v4  }
0xae: {  	v4 =	vld [tilespmem:s29+$0x2D0];
	_ =	sdelay $0x4  }
0xaf: {  	[tilespmem:s31+$0xC850] =	vst.add.f32.msk $0xffff, v4  }
0xb0: {  	v4 =	vld [tilespmem:s29+$0x2E0]  }
0xb1: {  	(v2sf) =	vpush v3, $0x6;
	_ =	sdelay $0x3  }
0xb2: {  	[tilespmem:s31+$0xC860] =	vst.add.f32.msk $0xffff, v4  }
0xb3: {  	v4 =	vld [tilespmem:s29+$0x2F0];
	_ =	sdelay $0x4  }
0xb4: {  	[tilespmem:s31+$0xC870] =	vst.add.f32.msk $0xffff, v4  }
0xb5: {  	v4 =	vld [tilespmem:s29+$0x300];
	_ =	sdelay $0x3  }
0xb6: {  	s31 =	spop (v2sf)  }
0xb7: {  	[tilespmem:s31+$0xC800] =	vst.add.f32.msk $0xffff, v4  }
0xb8: {  	v4 =	vld [tilespmem:s29+$0x310];
	_ =	sdelay $0x4  }
0xb9: {  	[tilespmem:s31+$0xC810] =	vst.add.f32.msk $0xffff, v4  }
0xba: {  	v4 =	vld [tilespmem:s29+$0x320];
	_ =	sdelay $0x4  }
0xbb: {  	[tilespmem:s31+$0xC820] =	vst.add.f32.msk $0xffff, v4  }
0xbc: {  	v4 =	vld [tilespmem:s29+$0x330];
	_ =	sdelay $0x4  }
0xbd: {  	[tilespmem:s31+$0xC830] =	vst.add.f32.msk $0xffff, v4  }
0xbe: {  	v4 =	vld [tilespmem:s29+$0x340];
	_ =	sdelay $0x4  }
0xbf: {  	[tilespmem:s31+$0xC840] =	vst.add.f32.msk $0xffff, v4  }
0xc0: {  	v4 =	vld [tilespmem:s29+$0x350];
	_ =	sdelay $0x4  }
0xc1: {  	[tilespmem:s31+$0xC850] =	vst.add.f32.msk $0xffff, v4  }
0xc2: {  	v4 =	vld [tilespmem:s29+$0x360]  }
0xc3: {  	(v2sf) =	vpush v3, $0x7;
	_ =	sdelay $0x3  }
0xc4: {  	[tilespmem:s31+$0xC860] =	vst.add.f32.msk $0xffff, v4  }
0xc5: {  	v4 =	vld [tilespmem:s29+$0x370];
	_ =	sdelay $0x4  }
0xc6: {  	[tilespmem:s31+$0xC870] =	vst.add.f32.msk $0xffff, v4  }
0xc7: {  	v4 =	vld [tilespmem:s29+$0x380];
	_ =	sdelay $0x3  }
0xc8: {  	s31 =	spop (v2sf)  }
0xc9: {  	[tilespmem:s31+$0xC800] =	vst.add.f32.msk $0xffff, v4  }
0xca: {  	v4 =	vld [tilespmem:s29+$0x390];
	_ =	sdelay $0x4  }
0xcb: {  	[tilespmem:s31+$0xC810] =	vst.add.f32.msk $0xffff, v4  }
0xcc: {  	v4 =	vld [tilespmem:s29+$0x3A0];
	_ =	sdelay $0x4  }
0xcd: {  	[tilespmem:s31+$0xC820] =	vst.add.f32.msk $0xffff, v4  }
0xce: {  	v4 =	vld [tilespmem:s29+$0x3B0];
	_ =	sdelay $0x4  }
0xcf: {  	[tilespmem:s31+$0xC830] =	vst.add.f32.msk $0xffff, v4  }
0xd0: {  	v4 =	vld [tilespmem:s29+$0x3C0];
	_ =	sdelay $0x4  }
0xd1: {  	[tilespmem:s31+$0xC840] =	vst.add.f32.msk $0xffff, v4  }
0xd2: {  	v4 =	vld [tilespmem:s29+$0x3D0];
	_ =	sdelay $0x4  }
0xd3: {  	[tilespmem:s31+$0xC850] =	vst.add.f32.msk $0xffff, v4  }
0xd4: {  	v4 =	vld [tilespmem:s29+$0x3E0]  }
0xd5: {  	(v2sf) =	vpush v3, $0x8;
	_ =	sdelay $0x3  }
0xd6: {  	[tilespmem:s31+$0xC860] =	vst.add.f32.msk $0xffff, v4  }
0xd7: {  	v4 =	vld [tilespmem:s29+$0x3F0];
	_ =	sdelay $0x4  }
0xd8: {  	[tilespmem:s31+$0xC870] =	vst.add.f32.msk $0xffff, v4  }
0xd9: {  	v4 =	vld [tilespmem:s29+$0x400];
	_ =	sdelay $0x3  }
0xda: {  	s31 =	spop (v2sf)  }
0xdb: {  	[tilespmem:s31+$0xC800] =	vst.add.f32.msk $0xffff, v4  }
0xdc: {  	v4 =	vld [tilespmem:s29+$0x410];
	_ =	sdelay $0x4  }
0xdd: {  	[tilespmem:s31+$0xC810] =	vst.add.f32.msk $0xffff, v4  }
0xde: {  	v4 =	vld [tilespmem:s29+$0x420];
	_ =	sdelay $0x4  }
0xdf: {  	[tilespmem:s31+$0xC820] =	vst.add.f32.msk $0xffff, v4  }
0xe0: {  	v4 =	vld [tilespmem:s29+$0x430];
	_ =	sdelay $0x4  }
0xe1: {  	[tilespmem:s31+$0xC830] =	vst.add.f32.msk $0xffff, v4  }
0xe2: {  	v4 =	vld [tilespmem:s29+$0x440];
	_ =	sdelay $0x4  }
0xe3: {  	[tilespmem:s31+$0xC840] =	vst.add.f32.msk $0xffff, v4  }
0xe4: {  	v4 =	vld [tilespmem:s29+$0x450];
	_ =	sdelay $0x4  }
0xe5: {  	[tilespmem:s31+$0xC850] =	vst.add.f32.msk $0xffff, v4  }
0xe6: {  	v4 =	vld [tilespmem:s29+$0x460]  }
0xe7: {  	(v2sf) =	vpush v3, $0x9;
	_ =	sdelay $0x3  }
0xe8: {  	[tilespmem:s31+$0xC860] =	vst.add.f32.msk $0xffff, v4  }
0xe9: {  	v4 =	vld [tilespmem:s29+$0x470];
	_ =	sdelay $0x4  }
0xea: {  	[tilespmem:s31+$0xC870] =	vst.add.f32.msk $0xffff, v4  }
0xeb: {  	v4 =	vld [tilespmem:s29+$0x480];
	_ =	sdelay $0x3  }
0xec: {  	s31 =	spop (v2sf)  }
0xed: {  	[tilespmem:s31+$0xC800] =	vst.add.f32.msk $0xffff, v4  }
0xee: {  	v4 =	vld [tilespmem:s29+$0x490];
	_ =	sdelay $0x4  }
0xef: {  	[tilespmem:s31+$0xC810] =	vst.add.f32.msk $0xffff, v4  }
0xf0: {  	v4 =	vld [tilespmem:s29+$0x4A0];
	_ =	sdelay $0x4  }
0xf1: {  	[tilespmem:s31+$0xC820] =	vst.add.f32.msk $0xffff, v4  }
0xf2: {  	v4 =	vld [tilespmem:s29+$0x4B0];
	_ =	sdelay $0x4  }
0xf3: {  	[tilespmem:s31+$0xC830] =	vst.add.f32.msk $0xffff, v4  }
0xf4: {  	v4 =	vld [tilespmem:s29+$0x4C0];
	_ =	sdelay $0x4  }
0xf5: {  	[tilespmem:s31+$0xC840] =	vst.add.f32.msk $0xffff, v4  }
0xf6: {  	v4 =	vld [tilespmem:s29+$0x4D0];
	_ =	sdelay $0x4  }
0xf7: {  	[tilespmem:s31+$0xC850] =	vst.add.f32.msk $0xffff, v4  }
0xf8: {  	v4 =	vld [tilespmem:s29+$0x4E0]  }
0xf9: {  	(v2sf) =	vpush v3, $0xA;
	_ =	sdelay $0x3  }
0xfa: {  	[tilespmem:s31+$0xC860] =	vst.add.f32.msk $0xffff, v4  }
0xfb: {  	v4 =	vld [tilespmem:s29+$0x4F0];
	_ =	sdelay $0x4  }
0xfc: {  	[tilespmem:s31+$0xC870] =	vst.add.f32.msk $0xffff, v4  }
0xfd: {  	v4 =	vld [tilespmem:s29+$0x500];
	_ =	sdelay $0x3  }
0xfe: {  	s31 =	spop (v2sf)  }
0xff: {  	[tilespmem:s31+$0xC800] =	vst.add.f32.msk $0xffff, v4  }
0x100: {  	v4 =	vld [tilespmem:s29+$0x510];
	_ =	sdelay $0x4  }
0x101: {  	[tilespmem:s31+$0xC810] =	vst.add.f32.msk $0xffff, v4  }
0x102: {  	v4 =	vld [tilespmem:s29+$0x520];
	_ =	sdelay $0x4  }
0x103: {  	[tilespmem:s31+$0xC820] =	vst.add.f32.msk $0xffff, v4  }
0x104: {  	v4 =	vld [tilespmem:s29+$0x530];
	_ =	sdelay $0x4  }
0x105: {  	[tilespmem:s31+$0xC830] =	vst.add.f32.msk $0xffff, v4  }
0x106: {  	v4 =	vld [tilespmem:s29+$0x540];
	_ =	sdelay $0x4  }
0x107: {  	[tilespmem:s31+$0xC840] =	vst.add.f32.msk $0xffff, v4  }
0x108: {  	v4 =	vld [tilespmem:s29+$0x550];
	_ =	sdelay $0x4  }
0x109: {  	[tilespmem:s31+$0xC850] =	vst.add.f32.msk $0xffff, v4  }
0x10a: {  	v4 =	vld [tilespmem:s29+$0x560]  }
0x10b: {  	(v2sf) =	vpush v3, $0xB;
	_ =	sdelay $0x3  }
0x10c: {  	[tilespmem:s31+$0xC860] =	vst.add.f32.msk $0xffff, v4  }
0x10d: {  	v4 =	vld [tilespmem:s29+$0x570];
	_ =	sdelay $0x4  }
0x10e: {  	[tilespmem:s31+$0xC870] =	vst.add.f32.msk $0xffff, v4  }
0x10f: {  	v4 =	vld [tilespmem:s29+$0x580];
	_ =	sdelay $0x3  }
0x110: {  	s31 =	spop (v2sf)  }
0x111: {  	[tilespmem:s31+$0xC800] =	vst.add.f32.msk $0xffff, v4  }
0x112: {  	v4 =	vld [tilespmem:s29+$0x590];
	_ =	sdelay $0x4  }
0x113: {  	[tilespmem:s31+$0xC810] =	vst.add.f32.msk $0xffff, v4  }
0x114: {  	v4 =	vld [tilespmem:s29+$0x5A0];
	_ =	sdelay $0x4  }
0x115: {  	[tilespmem:s31+$0xC820] =	vst.add.f32.msk $0xffff, v4  }
0x116: {  	v4 =	vld [tilespmem:s29+$0x5B0];
	_ =	sdelay $0x4  }
0x117: {  	[tilespmem:s31+$0xC830] =	vst.add.f32.msk $0xffff, v4  }
0x118: {  	v4 =	vld [tilespmem:s29+$0x5C0];
	_ =	sdelay $0x4  }
0x119: {  	[tilespmem:s31+$0xC840] =	vst.add.f32.msk $0xffff, v4  }
0x11a: {  	v4 =	vld [tilespmem:s29+$0x5D0];
	_ =	sdelay $0x4  }
0x11b: {  	[tilespmem:s31+$0xC850] =	vst.add.f32.msk $0xffff, v4  }
0x11c: {  	v4 =	vld [tilespmem:s29+$0x5E0]  }
0x11d: {  	(v2sf) =	vpush v3, $0xC;
	_ =	sdelay $0x3  }
0x11e: {  	[tilespmem:s31+$0xC860] =	vst.add.f32.msk $0xffff, v4  }
0x11f: {  	v4 =	vld [tilespmem:s29+$0x5F0];
	_ =	sdelay $0x4  }
0x120: {  	[tilespmem:s31+$0xC870] =	vst.add.f32.msk $0xffff, v4  }
0x121: {  	v4 =	vld [tilespmem:s29+$0x600];
	_ =	sdelay $0x3  }
0x122: {  	s31 =	spop (v2sf)  }
0x123: {  	[tilespmem:s31+$0xC800] =	vst.add.f32.msk $0xffff, v4  }
0x124: {  	v4 =	vld [tilespmem:s29+$0x610];
	_ =	sdelay $0x4  }
0x125: {  	[tilespmem:s31+$0xC810] =	vst.add.f32.msk $0xffff, v4  }
0x126: {  	v4 =	vld [tilespmem:s29+$0x620];
	_ =	sdelay $0x4  }
0x127: {  	[tilespmem:s31+$0xC820] =	vst.add.f32.msk $0xffff, v4  }
0x128: {  	v4 =	vld [tilespmem:s29+$0x630];
	_ =	sdelay $0x4  }
0x129: {  	[tilespmem:s31+$0xC830] =	vst.add.f32.msk $0xffff, v4  }
0x12a: {  	v4 =	vld [tilespmem:s29+$0x640];
	_ =	sdelay $0x4  }
0x12b: {  	[tilespmem:s31+$0xC840] =	vst.add.f32.msk $0xffff, v4  }
0x12c: {  	v4 =	vld [tilespmem:s29+$0x650];
	_ =	sdelay $0x4  }
0x12d: {  	[tilespmem:s31+$0xC850] =	vst.add.f32.msk $0xffff, v4  }
0x12e: {  	v4 =	vld [tilespmem:s29+$0x660]  }
0x12f: {  	(v2sf) =	vpush v3, $0xD;
	_ =	sdelay $0x3  }
0x130: {  	[tilespmem:s31+$0xC860] =	vst.add.f32.msk $0xffff, v4  }
0x131: {  	v4 =	vld [tilespmem:s29+$0x670];
	_ =	sdelay $0x4  }
0x132: {  	[tilespmem:s31+$0xC870] =	vst.add.f32.msk $0xffff, v4  }
0x133: {  	v4 =	vld [tilespmem:s29+$0x680];
	_ =	sdelay $0x3  }
0x134: {  	s31 =	spop (v2sf)  }
0x135: {  	[tilespmem:s31+$0xC800] =	vst.add.f32.msk $0xffff, v4  }
0x136: {  	v4 =	vld [tilespmem:s29+$0x690];
	_ =	sdelay $0x4  }
0x137: {  	[tilespmem:s31+$0xC810] =	vst.add.f32.msk $0xffff, v4  }
0x138: {  	v4 =	vld [tilespmem:s29+$0x6A0];
	_ =	sdelay $0x4  }
0x139: {  	[tilespmem:s31+$0xC820] =	vst.add.f32.msk $0xffff, v4  }
0x13a: {  	v4 =	vld [tilespmem:s29+$0x6B0];
	_ =	sdelay $0x4  }
0x13b: {  	[tilespmem:s31+$0xC830] =	vst.add.f32.msk $0xffff, v4  }
0x13c: {  	v4 =	vld [tilespmem:s29+$0x6C0];
	_ =	sdelay $0x4  }
0x13d: {  	[tilespmem:s31+$0xC840] =	vst.add.f32.msk $0xffff, v4  }
0x13e: {  	v4 =	vld [tilespmem:s29+$0x6D0];
	_ =	sdelay $0x4  }
0x13f: {  	[tilespmem:s31+$0xC850] =	vst.add.f32.msk $0xffff, v4  }
0x140: {  	v4 =	vld [tilespmem:s29+$0x6E0]  }
0x141: {  	(v2sf) =	vpush v3, $0xE;
	_ =	sdelay $0x3  }
0x142: {  	[tilespmem:s31+$0xC860] =	vst.add.f32.msk $0xffff, v4  }
0x143: {  	v3 =	vld [tilespmem:s29+$0x6F0];
	_ =	sdelay $0x4  }
0x144: {  	[tilespmem:s31+$0xC870] =	vst.add.f32.msk $0xffff, v3  }
0x145: {  	v3 =	vld [tilespmem:s29+$0x700];
	_ =	sdelay $0x3  }
0x146: {  	s31 =	spop (v2sf)  }
0x147: {  	[tilespmem:s31+$0xC800] =	vst.add.f32.msk $0xffff, v3  }
0x148: {  	v3 =	vld [tilespmem:s29+$0x710];
	_ =	sdelay $0x4  }
0x149: {  	[tilespmem:s31+$0xC810] =	vst.add.f32.msk $0xffff, v3  }
0x14a: {  	v3 =	vld [tilespmem:s29+$0x720];
	_ =	sdelay $0x4  }
0x14b: {  	[tilespmem:s31+$0xC820] =	vst.add.f32.msk $0xffff, v3  }
0x14c: {  	v3 =	vld [tilespmem:s29+$0x730];
	_ =	sdelay $0x4  }
0x14d: {  	[tilespmem:s31+$0xC830] =	vst.add.f32.msk $0xffff, v3  }
0x14e: {  	v3 =	vld [tilespmem:s29+$0x740];
	_ =	sdelay $0x4  }
0x14f: {  	[tilespmem:s31+$0xC840] =	vst.add.f32.msk $0xffff, v3  }
0x150: {  	v3 =	vld [tilespmem:s29+$0x750];
	_ =	sdelay $0x4  }
0x151: {  	[tilespmem:s31+$0xC850] =	vst.add.f32.msk $0xffff, v3  }
0x152: {  	v3 =	vld [tilespmem:s29+$0x760];
	_ =	sdelay $0x4  }
0x153: {  	[tilespmem:s31+$0xC860] =	vst.add.f32.msk $0xffff, v3  }
0x154: {  	v3 =	vld [tilespmem:s29+$0x770];
	_ =	sdelay $0x4  }
0x155: {  	[tilespmem:s31+$0xC870] =	vst.add.f32.msk $0xffff, v3  }
0x156: {  	v3 =	vld [tilespmem:s29+$0x780];
	_ =	sdelay $0x2  }
0x157: {  	s30 =	sshll.u32 s30, $0x9  }
0x158: {  	s31 =	sshra.s32 s30, $0x2  }
0x159: {  	[tilespmem:s31+$0xC800] =	vst.add.f32.msk $0xffff, v3  }
0x15a: {  	v3 =	vld [tilespmem:s29+$0x790];
	_ =	sdelay $0x4  }
0x15b: {  	[tilespmem:s31+$0xC810] =	vst.add.f32.msk $0xffff, v3  }
0x15c: {  	v3 =	vld [tilespmem:s29+$0x7A0];
	_ =	sdelay $0x4  }
0x15d: {  	[tilespmem:s31+$0xC820] =	vst.add.f32.msk $0xffff, v3  }
0x15e: {  	v3 =	vld [tilespmem:s29+$0x7B0];
	_ =	sdelay $0x4  }
0x15f: {  	[tilespmem:s31+$0xC830] =	vst.add.f32.msk $0xffff, v3  }
0x160: {  	v3 =	vld [tilespmem:s29+$0x7C0];
	_ =	sdelay $0x4  }
0x161: {  	[tilespmem:s31+$0xC840] =	vst.add.f32.msk $0xffff, v3  }
0x162: {  	v3 =	vld [tilespmem:s29+$0x7D0];
	_ =	sdelay $0x4  }
0x163: {  	[tilespmem:s31+$0xC850] =	vst.add.f32.msk $0xffff, v3  }
0x164: {  	v3 =	vld [tilespmem:s29+$0x7E0];
	_ =	sdelay $0x4  }
0x165: {  	[tilespmem:s31+$0xC860] =	vst.add.f32.msk $0xffff, v3  }
0x166: {  	v3 =	vld [tilespmem:s29+$0x7F0]  }
.LBB2_9:
0x167: {  	s28 =	sadd.s32 $0x1, s28  }
0x168: {  	p0 =	sne.s32 s28, $0x5  }
.Ltmp7:
0x169: {  	_ = 	snop;
	(pc) =	sbr.rel @!p0 .LBB2_10-.Ltmp7, $3  }
0x16a: {  	_ =	sdelay $0x1  }
0x16b: {  	s1 =	sshra.s32 s30, $0x2  }
0x16c: {  	[tilespmem:s1+$0xC870] =	vst.add.f32.msk $0xffff, v3  }
.LBB2_6:
0x16d: {  	_ =	sdelay $0x1  }
0x16e: {  	s29 =	sshll.u32 s28, $0x4  }
0x16f: {  	s29 =	sand.u32 $0x3FFFFFF0, s29  }
0x170: {  	v3 =	vld.idx.msk [tilespmem:v1+s29+$0x0 ss:$0x1], $0xffff;
	_ =	sdelay $0x4  }
0x171: {  	(v2sf) =	vpush v3, $0x0  }
0x172: {  	(v2sf) =	vpush v3, $0xF;
	_ =	sdelay $0xd  }
0x173: {  	s31 =	spop (v2sf)  }
0x174: {  	s30 =	spop (v2sf)  }
0x175: {  	p0 =	sne.s32 s31, s30  }
.Ltmp8:
0x176: {  	s29 =	sshll.u32 s28, $0xD;
	(pc) =	sbr.rel @p0 .LBB2_8-.Ltmp8, $3  }
0x177: {  	s1 =	sshra.s32 s29, $0x2  }
0x178: {  	v4 =	vld.idx.msk [tilespmem:v2+s1+$0x0 ss:$0x1], $0xffff;
	_ =	sdelay $0x1  }
0x179: {  	s29 =	sadd.s32 s1, s26  }
0x17a: {  	v3 =	vld [tilespmem:s29+$0x80];
	_ =	sdelay $0x1  }
0x17b: {  	v5 =	vld [tilespmem:s29+$0x100];
	_ =	sdelay $0x1  }
0x17c: {  	v6 =	vld [tilespmem:s29+$0x180]  }
0x17d: {  	v3 =	vadd.f32 v3, v4  }
0x17e: {  	v4 =	vld [tilespmem:s29+$0x200]  }
0x17f: {  	v3 =	vadd.f32 v5, v3  }
0x180: {  	v5 =	vld [tilespmem:s29+$0x280]  }
0x181: {  	v3 =	vadd.f32 v6, v3  }
0x182: {  	v25 =	vld [tilespmem:s29+$0x300]  }
0x183: {  	v3 =	vadd.f32 v4, v3  }
0x184: {  	v4 =	vld [tilespmem:s29+$0x380]  }
0x185: {  	v3 =	vadd.f32 v5, v3  }
0x186: {  	v5 =	vld [tilespmem:s29+$0x400]  }
0x187: {  	v3 =	vadd.f32 v25, v3  }
0x188: {  	v26 =	vld [tilespmem:s29+$0x480]  }
0x189: {  	v3 =	vadd.f32 v4, v3  }
0x18a: {  	v4 =	vld [tilespmem:s29+$0x500]  }
0x18b: {  	v3 =	vadd.f32 v5, v3  }
0x18c: {  	v5 =	vld [tilespmem:s29+$0x580]  }
0x18d: {  	v3 =	vadd.f32 v26, v3  }
0x18e: {  	v27 =	vld [tilespmem:s29+$0x600]  }
0x18f: {  	v3 =	vadd.f32 v4, v3  }
0x190: {  	v4 =	vld [tilespmem:s29+$0x680]  }
0x191: {  	v3 =	vadd.f32 v5, v3  }
0x192: {  	v5 =	vld [tilespmem:s29+$0x700]  }
0x193: {  	v3 =	vadd.f32 v27, v3  }
0x194: {  	v28 =	vld [tilespmem:s29+$0x780]  }
0x195: {  	v3 =	vadd.f32 v4, v3;
	_ =	sdelay $0x1  }
0x196: {  	v3 =	vadd.f32 v5, v3;
	_ =	sdelay $0x1  }
0x197: {  	s30 =	sshll.u32 s31, $0x9;
	v3 =	vadd.f32 v28, v3  }
0x198: {  	s31 =	sshra.s32 s30, $0x2  }
0x199: {  	[tilespmem:s31+$0xC800] =	vst.add.f32.msk $0xffff, v3  }
0x19a: {  	v3 =	vld [tilespmem:s29+$0x10]  }
0x19b: {  	v4 =	vld [tilespmem:s29+$0x90];
	_ =	sdelay $0x1  }
0x19c: {  	v5 =	vld [tilespmem:s29+$0x110];
	_ =	sdelay $0x1  }
0x19d: {  	v29 =	vld [tilespmem:s29+$0x190]  }
0x19e: {  	v3 =	vadd.f32 v4, v3  }
0x19f: {  	v4 =	vld [tilespmem:s29+$0x210]  }
0x1a0: {  	v3 =	vadd.f32 v5, v3  }
0x1a1: {  	v5 =	vld [tilespmem:s29+$0x290]  }
0x1a2: {  	v3 =	vadd.f32 v29, v3  }
0x1a3: {  	v30 =	vld [tilespmem:s29+$0x310]  }
0x1a4: {  	v3 =	vadd.f32 v4, v3  }
0x1a5: {  	v4 =	vld [tilespmem:s29+$0x390]  }
0x1a6: {  	v3 =	vadd.f32 v5, v3  }
0x1a7: {  	v5 =	vld [tilespmem:s29+$0x410]  }
0x1a8: {  	v3 =	vadd.f32 v30, v3  }
0x1a9: {  	v31 =	vld [tilespmem:s29+$0x490]  }
0x1aa: {  	v3 =	vadd.f32 v4, v3  }
0x1ab: {  	v4 =	vld [tilespmem:s29+$0x510]  }
0x1ac: {  	v3 =	vadd.f32 v5, v3  }
0x1ad: {  	v5 =	vld [tilespmem:s29+$0x590]  }
0x1ae: {  	v3 =	vadd.f32 v31, v3  }
0x1af: {  	v32 =	vld [tilespmem:s29+$0x610]  }
0x1b0: {  	v3 =	vadd.f32 v4, v3  }
0x1b1: {  	v4 =	vld [tilespmem:s29+$0x690]  }
0x1b2: {  	v3 =	vadd.f32 v5, v3  }
0x1b3: {  	v5 =	vld [tilespmem:s29+$0x710]  }
0x1b4: {  	v3 =	vadd.f32 v32, v3  }
0x1b5: {  	v33 =	vld [tilespmem:s29+$0x790]  }
0x1b6: {  	v3 =	vadd.f32 v4, v3;
	_ =	sdelay $0x1  }
0x1b7: {  	v3 =	vadd.f32 v5, v3;
	_ =	sdelay $0x1  }
0x1b8: {  	v3 =	vadd.f32 v33, v3;
	_ =	sdelay $0x1  }
0x1b9: {  	[tilespmem:s31+$0xC810] =	vst.add.f32.msk $0xffff, v3  }
0x1ba: {  	v3 =	vld [tilespmem:s29+$0x20]  }
0x1bb: {  	v4 =	vld [tilespmem:s29+$0xA0];
	_ =	sdelay $0x1  }
0x1bc: {  	v5 =	vld [tilespmem:s29+$0x120];
	_ =	sdelay $0x1  }
0x1bd: {  	v34 =	vld [tilespmem:s29+$0x1A0]  }
0x1be: {  	v3 =	vadd.f32 v4, v3  }
0x1bf: {  	v4 =	vld [tilespmem:s29+$0x220]  }
0x1c0: {  	v3 =	vadd.f32 v5, v3  }
0x1c1: {  	v5 =	vld [tilespmem:s29+$0x2A0]  }
0x1c2: {  	v3 =	vadd.f32 v34, v3  }
0x1c3: {  	v35 =	vld [tilespmem:s29+$0x320]  }
0x1c4: {  	v3 =	vadd.f32 v4, v3  }
0x1c5: {  	v4 =	vld [tilespmem:s29+$0x3A0]  }
0x1c6: {  	v3 =	vadd.f32 v5, v3  }
0x1c7: {  	v5 =	vld [tilespmem:s29+$0x420]  }
0x1c8: {  	v3 =	vadd.f32 v35, v3  }
0x1c9: {  	v36 =	vld [tilespmem:s29+$0x4A0]  }
0x1ca: {  	v3 =	vadd.f32 v4, v3  }
0x1cb: {  	v4 =	vld [tilespmem:s29+$0x520]  }
0x1cc: {  	v3 =	vadd.f32 v5, v3  }
0x1cd: {  	v5 =	vld [tilespmem:s29+$0x5A0]  }
0x1ce: {  	v3 =	vadd.f32 v36, v3  }
0x1cf: {  	v37 =	vld [tilespmem:s29+$0x620]  }
0x1d0: {  	v3 =	vadd.f32 v4, v3  }
0x1d1: {  	v4 =	vld [tilespmem:s29+$0x6A0]  }
0x1d2: {  	v3 =	vadd.f32 v5, v3  }
0x1d3: {  	v5 =	vld [tilespmem:s29+$0x720]  }
0x1d4: {  	v3 =	vadd.f32 v37, v3  }
0x1d5: {  	v38 =	vld [tilespmem:s29+$0x7A0]  }
0x1d6: {  	v3 =	vadd.f32 v4, v3;
	_ =	sdelay $0x1  }
0x1d7: {  	v3 =	vadd.f32 v5, v3;
	_ =	sdelay $0x1  }
0x1d8: {  	v3 =	vadd.f32 v38, v3;
	_ =	sdelay $0x1  }
0x1d9: {  	[tilespmem:s31+$0xC820] =	vst.add.f32.msk $0xffff, v3  }
0x1da: {  	v3 =	vld [tilespmem:s29+$0x30]  }
0x1db: {  	v4 =	vld [tilespmem:s29+$0xB0];
	_ =	sdelay $0x1  }
0x1dc: {  	v5 =	vld [tilespmem:s29+$0x130];
	_ =	sdelay $0x1  }
0x1dd: {  	v39 =	vld [tilespmem:s29+$0x1B0]  }
0x1de: {  	v3 =	vadd.f32 v4, v3  }
0x1df: {  	v4 =	vld [tilespmem:s29+$0x230]  }
0x1e0: {  	v3 =	vadd.f32 v5, v3  }
0x1e1: {  	v5 =	vld [tilespmem:s29+$0x2B0]  }
0x1e2: {  	v3 =	vadd.f32 v39, v3  }
0x1e3: {  	v40 =	vld [tilespmem:s29+$0x330]  }
0x1e4: {  	v3 =	vadd.f32 v4, v3  }
0x1e5: {  	v4 =	vld [tilespmem:s29+$0x3B0]  }
0x1e6: {  	v3 =	vadd.f32 v5, v3  }
0x1e7: {  	v5 =	vld [tilespmem:s29+$0x430]  }
0x1e8: {  	v3 =	vadd.f32 v40, v3  }
0x1e9: {  	v41 =	vld [tilespmem:s29+$0x4B0]  }
0x1ea: {  	v3 =	vadd.f32 v4, v3  }
0x1eb: {  	v4 =	vld [tilespmem:s29+$0x530]  }
0x1ec: {  	v3 =	vadd.f32 v5, v3  }
0x1ed: {  	v5 =	vld [tilespmem:s29+$0x5B0]  }
0x1ee: {  	v3 =	vadd.f32 v41, v3  }
0x1ef: {  	v42 =	vld [tilespmem:s29+$0x630]  }
0x1f0: {  	v3 =	vadd.f32 v4, v3  }
0x1f1: {  	v4 =	vld [tilespmem:s29+$0x6B0]  }
0x1f2: {  	v3 =	vadd.f32 v5, v3  }
0x1f3: {  	v5 =	vld [tilespmem:s29+$0x730]  }
0x1f4: {  	v3 =	vadd.f32 v42, v3  }
0x1f5: {  	v43 =	vld [tilespmem:s29+$0x7B0]  }
0x1f6: {  	v3 =	vadd.f32 v4, v3;
	_ =	sdelay $0x1  }
0x1f7: {  	v3 =	vadd.f32 v5, v3;
	_ =	sdelay $0x1  }
0x1f8: {  	v3 =	vadd.f32 v43, v3;
	_ =	sdelay $0x1  }
0x1f9: {  	[tilespmem:s31+$0xC830] =	vst.add.f32.msk $0xffff, v3  }
0x1fa: {  	v3 =	vld [tilespmem:s29+$0x40]  }
0x1fb: {  	v4 =	vld [tilespmem:s29+$0xC0];
	_ =	sdelay $0x1  }
0x1fc: {  	v5 =	vld [tilespmem:s29+$0x140];
	_ =	sdelay $0x1  }
0x1fd: {  	v44 =	vld [tilespmem:s29+$0x1C0]  }
0x1fe: {  	v3 =	vadd.f32 v4, v3  }
0x1ff: {  	v4 =	vld [tilespmem:s29+$0x240]  }
0x200: {  	v3 =	vadd.f32 v5, v3  }
0x201: {  	v5 =	vld [tilespmem:s29+$0x2C0]  }
0x202: {  	v3 =	vadd.f32 v44, v3  }
0x203: {  	v45 =	vld [tilespmem:s29+$0x340]  }
0x204: {  	v3 =	vadd.f32 v4, v3  }
0x205: {  	v4 =	vld [tilespmem:s29+$0x3C0]  }
0x206: {  	v3 =	vadd.f32 v5, v3  }
0x207: {  	v5 =	vld [tilespmem:s29+$0x440]  }
0x208: {  	v3 =	vadd.f32 v45, v3  }
0x209: {  	v46 =	vld [tilespmem:s29+$0x4C0]  }
0x20a: {  	v3 =	vadd.f32 v4, v3  }
0x20b: {  	v4 =	vld [tilespmem:s29+$0x540]  }
0x20c: {  	v3 =	vadd.f32 v5, v3  }
0x20d: {  	v5 =	vld [tilespmem:s29+$0x5C0]  }
0x20e: {  	v3 =	vadd.f32 v46, v3  }
0x20f: {  	v47 =	vld [tilespmem:s29+$0x640]  }
0x210: {  	v3 =	vadd.f32 v4, v3  }
0x211: {  	v4 =	vld [tilespmem:s29+$0x6C0]  }
0x212: {  	v3 =	vadd.f32 v5, v3  }
0x213: {  	v5 =	vld [tilespmem:s29+$0x740]  }
0x214: {  	v3 =	vadd.f32 v47, v3  }
0x215: {  	v48 =	vld [tilespmem:s29+$0x7C0]  }
0x216: {  	v3 =	vadd.f32 v4, v3;
	_ =	sdelay $0x1  }
0x217: {  	v3 =	vadd.f32 v5, v3;
	_ =	sdelay $0x1  }
0x218: {  	v3 =	vadd.f32 v48, v3;
	_ =	sdelay $0x1  }
0x219: {  	[tilespmem:s31+$0xC840] =	vst.add.f32.msk $0xffff, v3  }
0x21a: {  	v3 =	vld [tilespmem:s29+$0x50]  }
0x21b: {  	v4 =	vld [tilespmem:s29+$0xD0];
	_ =	sdelay $0x1  }
0x21c: {  	v5 =	vld [tilespmem:s29+$0x150];
	_ =	sdelay $0x1  }
0x21d: {  	v49 =	vld [tilespmem:s29+$0x1D0]  }
0x21e: {  	v3 =	vadd.f32 v4, v3  }
0x21f: {  	v4 =	vld [tilespmem:s29+$0x250]  }
0x220: {  	v3 =	vadd.f32 v5, v3  }
0x221: {  	v5 =	vld [tilespmem:s29+$0x2D0]  }
0x222: {  	v3 =	vadd.f32 v49, v3  }
0x223: {  	v50 =	vld [tilespmem:s29+$0x350]  }
0x224: {  	v3 =	vadd.f32 v4, v3  }
0x225: {  	v4 =	vld [tilespmem:s29+$0x3D0]  }
0x226: {  	v3 =	vadd.f32 v5, v3  }
0x227: {  	v5 =	vld [tilespmem:s29+$0x450]  }
0x228: {  	v3 =	vadd.f32 v50, v3  }
0x229: {  	v51 =	vld [tilespmem:s29+$0x4D0]  }
0x22a: {  	v3 =	vadd.f32 v4, v3  }
0x22b: {  	v4 =	vld [tilespmem:s29+$0x550]  }
0x22c: {  	v3 =	vadd.f32 v5, v3  }
0x22d: {  	v5 =	vld [tilespmem:s29+$0x5D0]  }
0x22e: {  	v3 =	vadd.f32 v51, v3  }
0x22f: {  	v52 =	vld [tilespmem:s29+$0x650]  }
0x230: {  	v3 =	vadd.f32 v4, v3  }
0x231: {  	v4 =	vld [tilespmem:s29+$0x6D0]  }
0x232: {  	v3 =	vadd.f32 v5, v3  }
0x233: {  	v5 =	vld [tilespmem:s29+$0x750]  }
0x234: {  	v3 =	vadd.f32 v52, v3  }
0x235: {  	v53 =	vld [tilespmem:s29+$0x7D0]  }
0x236: {  	v3 =	vadd.f32 v4, v3;
	_ =	sdelay $0x1  }
0x237: {  	v3 =	vadd.f32 v5, v3;
	_ =	sdelay $0x1  }
0x238: {  	v3 =	vadd.f32 v53, v3;
	_ =	sdelay $0x1  }
0x239: {  	[tilespmem:s31+$0xC850] =	vst.add.f32.msk $0xffff, v3  }
0x23a: {  	v3 =	vld [tilespmem:s29+$0x60]  }
0x23b: {  	v4 =	vld [tilespmem:s29+$0xE0];
	_ =	sdelay $0x1  }
0x23c: {  	v5 =	vld [tilespmem:s29+$0x160];
	_ =	sdelay $0x1  }
0x23d: {  	v54 =	vld [tilespmem:s29+$0x1E0]  }
0x23e: {  	v3 =	vadd.f32 v4, v3  }
0x23f: {  	v4 =	vld [tilespmem:s29+$0x260]  }
0x240: {  	v3 =	vadd.f32 v5, v3  }
0x241: {  	v5 =	vld [tilespmem:s29+$0x2E0]  }
0x242: {  	v3 =	vadd.f32 v54, v3  }
0x243: {  	v55 =	vld [tilespmem:s29+$0x360]  }
0x244: {  	v3 =	vadd.f32 v4, v3  }
0x245: {  	v4 =	vld [tilespmem:s29+$0x3E0]  }
0x246: {  	v3 =	vadd.f32 v5, v3  }
0x247: {  	v5 =	vld [tilespmem:s29+$0x460]  }
0x248: {  	v3 =	vadd.f32 v55, v3  }
0x249: {  	v56 =	vld [tilespmem:s29+$0x4E0]  }
0x24a: {  	v3 =	vadd.f32 v4, v3  }
0x24b: {  	v4 =	vld [tilespmem:s29+$0x560]  }
0x24c: {  	v3 =	vadd.f32 v5, v3  }
0x24d: {  	v5 =	vld [tilespmem:s29+$0x5E0]  }
0x24e: {  	v3 =	vadd.f32 v56, v3  }
0x24f: {  	v57 =	vld [tilespmem:s29+$0x660]  }
0x250: {  	v3 =	vadd.f32 v4, v3  }
0x251: {  	v4 =	vld [tilespmem:s29+$0x6E0]  }
0x252: {  	v3 =	vadd.f32 v5, v3  }
0x253: {  	v5 =	vld [tilespmem:s29+$0x760]  }
0x254: {  	v3 =	vadd.f32 v57, v3  }
0x255: {  	v58 =	vld [tilespmem:s29+$0x7E0]  }
0x256: {  	v3 =	vadd.f32 v4, v3;
	_ =	sdelay $0x1  }
0x257: {  	v3 =	vadd.f32 v5, v3;
	_ =	sdelay $0x1  }
0x258: {  	v3 =	vadd.f32 v58, v3;
	_ =	sdelay $0x1  }
0x259: {  	[tilespmem:s31+$0xC860] =	vst.add.f32.msk $0xffff, v3  }
0x25a: {  	v3 =	vld [tilespmem:s29+$0x70]  }
0x25b: {  	v4 =	vld [tilespmem:s29+$0xF0];
	_ =	sdelay $0x1  }
0x25c: {  	v5 =	vld [tilespmem:s29+$0x170];
	_ =	sdelay $0x1  }
0x25d: {  	v59 =	vld [tilespmem:s29+$0x1F0]  }
0x25e: {  	v3 =	vadd.f32 v4, v3  }
0x25f: {  	v4 =	vld [tilespmem:s29+$0x270]  }
0x260: {  	v3 =	vadd.f32 v5, v3  }
0x261: {  	v5 =	vld [tilespmem:s29+$0x2F0]  }
0x262: {  	v3 =	vadd.f32 v59, v3  }
0x263: {  	v60 =	vld [tilespmem:s29+$0x370]  }
0x264: {  	v3 =	vadd.f32 v4, v3  }
0x265: {  	v4 =	vld [tilespmem:s29+$0x3F0]  }
0x266: {  	v3 =	vadd.f32 v5, v3  }
0x267: {  	v5 =	vld [tilespmem:s29+$0x470]  }
0x268: {  	v3 =	vadd.f32 v60, v3  }
0x269: {  	v61 =	vld [tilespmem:s29+$0x4F0]  }
0x26a: {  	v3 =	vadd.f32 v4, v3  }
0x26b: {  	v4 =	vld [tilespmem:s29+$0x570]  }
0x26c: {  	v3 =	vadd.f32 v5, v3  }
0x26d: {  	v5 =	vld [tilespmem:s29+$0x5F0]  }
0x26e: {  	v3 =	vadd.f32 v61, v3  }
0x26f: {  	v62 =	vld [tilespmem:s29+$0x670]  }
0x270: {  	v3 =	vadd.f32 v4, v3  }
0x271: {  	v4 =	vld [tilespmem:s29+$0x6F0]  }
0x272: {  	v3 =	vadd.f32 v5, v3  }
0x273: {  	v5 =	vld [tilespmem:s29+$0x770]  }
0x274: {  	v3 =	vadd.f32 v62, v3  }
0x275: {  	v63 =	vld [tilespmem:s29+$0x7F0]  }
.Ltmp9:
0x276: {  	v3 =	vadd.f32 v4, v3;
	(pc) =	sbr.rel .LBB2_9-.Ltmp9, $3  }
0x277: {  	_ = 	snop  }
0x278: {  	v3 =	vadd.f32 v5, v3;
	_ =	sdelay $0x1  }
0x279: {  	v3 =	vadd.f32 v63, v3  }
.LBB2_12:
0x27a: {  	_ =	sfence.sel $0x180000  }
0x27b: {  	[bflag:$0x0] =	sbarrier.arrive $0xFFFF  }
0x27c: {  	_ =	strace $0x90000047  }
0x27d: {  	[bflag:$0x2] =	sbarrier.arrive $0xFFFF  }
0x27e: {  	p0 =	sne.s32 s0, $0x0;
	s0 =	rddreg [dreg:$0x2]  }
0x27f: {  	s0 =	sadd.s32 @!p0 $0x100000, s0  }
0x280: {  	[sflag:s0] =	ssyncadd.tile.s32 @!p0 $0x1;
	_ =	shalt  }
.Lfunc_end2:
_tile_overlayer_lowered:
.L_overlay_start_2:
0x281: {  	(tag) =	ssettag $0x2  }
0x282: {  	s0 =	rddreg [dreg:$0x0];
	s2 =	stileid.u32  }
0x283: {  	s1 =	rddreg [dreg:$0x1];
	p0 =	sne.s32 s2, $0x0  }
0x284: {  	s3 =	rddreg [dreg:$0x2];
	[bflag:$0x3] =	sbarrier.arrive $0xFFFF;
	s2 =	simm.s32 @!p0 $0x1C05  }
0x285: {  	[timem:s3], [sflag:s2] =	dma.local @!p0 [hbm:s0], s1  }
0x286: {  	s0 =	simm.s32 @!p0 $0x5  }
0x287: {  	_ =	swait.ge @!p0 [sflag:s0], s1  }
0x288: {  	s1 =	ssub.s32 @!p0 $0x0, s1;
	[sflag:s0] =	ssyncset.done @!p0 $0x0  }
0x289: {  	[sflag:s0] =	ssyncadd.s32 @!p0 s1  }
0x28a: {  	[bflag:$0x3] =	sbarrier.arrive $0xFFFF  }
0x28b: {  	_ =	shalt  }

</sc_bundles>
